<compile_context>
chip_gen: v7x
topology: tpu7x:2x2x1
jax: 0.10.2.dev20260603
libtpu: 0.0.44.dev20260713+nightly
codegen_flags: <defaults>
</compile_context>

<pallas_src>
import functools

import jax
import jax.numpy as jnp
from jax import lax
from jax.experimental import pallas as pl
from jax.experimental.pallas import tpu as pltpu
from jax.experimental.pallas import tpu_sc as plsc

N = 10000
E = 320000
D = 128
H = 4

NC = 2
NS = 16
L = 16
NW = NC * NS
EPW = E // NW
C = 64
NFULL = EPW // C
PAIRS = NFULL // 2
TAIL = EPW - NFULL * C
TBASE = NFULL * C
GPC = C // L
DB = D // L

_EPS = 1e-5


def _na(x):
    n = jnp.abs(x)
    return x * jax.nn.sigmoid(n) / (n + _EPS)


def _pre_body(f_ref, wq_ref, wk_ref, wv_ref, wd2_ref, qw_ref, kn_ref, vn_ref):
    x = f_ref[...]
    q = _na(jnp.dot(x, wq_ref[...], preferred_element_type=jnp.float32))
    qw_ref[...] = jnp.dot(q, wd2_ref[...], preferred_element_type=jnp.float32)
    kn_ref[...] = _na(jnp.dot(x, wk_ref[...], preferred_element_type=jnp.float32))
    vn_ref[...] = _na(jnp.dot(x, wv_ref[...], preferred_element_type=jnp.float32))


def _tc_pre(f, w_q, w_k, w_v, wd2):
    rb = 1000
    return pl.pallas_call(
        _pre_body,
        grid=(N // rb,),
        in_specs=[
            pl.BlockSpec((rb, D), lambda i: (i, 0)),
            pl.BlockSpec((D, D), lambda i: (0, 0)),
            pl.BlockSpec((D, D), lambda i: (0, 0)),
            pl.BlockSpec((D, D), lambda i: (0, 0)),
            pl.BlockSpec((D, H * D), lambda i: (0, 0)),
        ],
        out_specs=[
            pl.BlockSpec((rb, H * D), lambda i: (i, 0)),
            pl.BlockSpec((rb, D), lambda i: (i, 0)),
            pl.BlockSpec((rb, D), lambda i: (i, 0)),
        ],
        out_shape=[
            jax.ShapeDtypeStruct((N, H * D), jnp.float32),
            jax.ShapeDtypeStruct((N, D), jnp.float32),
            jax.ShapeDtypeStruct((N, D), jnp.float32),
        ],
    )(f, w_q, w_k, w_v, wd2)


def _pack_pairs(x):
    n, m = x.shape
    xb = x.astype(jnp.bfloat16).reshape(n, m // 32, 2, L)
    xb = jnp.transpose(xb, (0, 1, 3, 2))
    return lax.bitcast_convert_type(xb, jnp.float32).reshape(n, m // 2)


C1 = 96
NF1 = EPW // C1
PAIRS1 = NF1 // 2
T1 = EPW - NF1 * C1
TB1 = NF1 * C1
G1 = C1 // L
QWW = H * D // 2
HW = D // 2
PB = HW // L


def _unpack2(w):
    return plsc.unpack(plsc.bitcast(w, jnp.bfloat16),
                       format=plsc.PackFormat.INTERLEAVED)


def _pass1_body(qw_hbm, kn_hbm, dst_hbm, src_hbm, expv_hbm, zall_hbm,
                dst_v, src_v, qw_a, qw_b, kn_a, kn_b, ev_v, z_v, stage_v,
                sem_a, sem_b):
    cid = lax.axis_index("c")
    sid = lax.axis_index("s")
    wid = sid * NC + cid
    base0 = wid * EPW
    lane = lax.iota(jnp.int32, L)
    zero16 = jnp.zeros((L,), jnp.float32)

    cpd = pltpu.async_copy(dst_hbm.at[pl.ds(base0, EPW)], dst_v, sem_a)
    cps = pltpu.async_copy(src_hbm.at[pl.ds(base0, EPW)], src_v, sem_a)

    def _zi(i, _):
        z_v[pl.ds(i * L, L)] = zero16
        return 0
    lax.fori_loop(0, N // L, _zi, 0)
    cpd.wait()
    cps.wait()

    def fire(i, qwb, knb, sem):
        pltpu.async_copy(qw_hbm.at[dst_v.at[pl.ds(i * C1, C1)]], qwb, sem)
        pltpu.async_copy(kn_hbm.at[src_v.at[pl.ds(i * C1, C1)]], knb, sem)

    def waitg(qwb, knb, sem):
        pltpu.make_async_copy(qw_hbm.at[pl.ds(0, C1)], qwb, sem).wait()
        pltpu.make_async_copy(kn_hbm.at[pl.ds(0, C1)], knb, sem).wait()

    def group_compute(qwb, knb, rbase, ebase):
        def edge_body(l, _):
            r = rbase + l
            kb = [knb[r, pl.ds(b * L, L)] for b in range(DB)]
            for h in range(H):
                acc = None
                for jb in range(PB):
                    q0, q1 = _unpack2(qwb[r, pl.ds(h * HW + jb * L, L)])
                    t = q0 * kb[2 * jb] + q1 * kb[2 * jb + 1]
                    acc = t if acc is None else acc + t
                stage_v[pl.ds((h * L + l) * L, L)] = acc
            return 0

        lax.fori_loop(0, L, edge_body, 0)
        ev = zero16
        for h in range(H):
            row = (h * L + lane) * L
            d = plsc.load_gather(stage_v, [row])
            for p in range(1, L):
                d = d + plsc.load_gather(stage_v, [row + p])
            ev = ev + jnp.exp(d)
        ev = ev * 0.25
        dst16 = dst_v[pl.ds(ebase, L)]
        plsc.addupdate_scatter(z_v, [dst16], ev)
        x = jnp.maximum(ev, 1e-30)
        yi = jnp.full((L,), 0x5F3759DF, jnp.int32) - (plsc.bitcast(x, jnp.int32) >> 1)
        y = plsc.bitcast(yi, jnp.float32)
        for _ in range(3):
            y = y * (1.5 - 0.5 * x * y * y)
        ev_v[pl.ds(ebase, L)] = ev * y

    def compute(i, qwb, knb):
        def g_body(g, _):
            group_compute(qwb, knb, g * L, i * C1 + g * L)
            return 0
        lax.fori_loop(0, G1, g_body, 0)

    fire(0, qw_a, kn_a, sem_a)

    def pair_body(t, _):
        i = 2 * t
        fire(i + 1, qw_b, kn_b, sem_b)
        waitg(qw_a, kn_a, sem_a)
        compute(i, qw_a, kn_a)

        @pl.when(t < PAIRS1 - 1)
        def _():
            fire(i + 2, qw_a, kn_a, sem_a)

        waitg(qw_b, kn_b, sem_b)
        compute(i + 1, qw_b, kn_b)
        return 0

    lax.fori_loop(0, PAIRS1, pair_body, 0)

    tq = pltpu.async_copy(qw_hbm.at[dst_v.at[pl.ds(TB1, T1)]],
                          qw_a.at[pl.ds(0, T1)], sem_a)
    tk = pltpu.async_copy(kn_hbm.at[src_v.at[pl.ds(TB1, T1)]],
                          kn_a.at[pl.ds(0, T1)], sem_a)
    tq.wait()
    tk.wait()
    group_compute(qw_a, kn_a, 0, TB1)

    pltpu.sync_copy(ev_v, expv_hbm.at[pl.ds(base0, EPW)])
    pltpu.sync_copy(z_v, zall_hbm.at[pl.ds(wid * N, N)])


def _sc_pass1(qw, kn, dst, src):
    mesh = plsc.VectorSubcoreMesh(core_axis_name="c", subcore_axis_name="s",
                                  num_cores=NC, num_subcores=NS)
    return pl.kernel(
        _pass1_body,
        compiler_params=pltpu.CompilerParams(needs_layout_passes=False),
        out_type=[
            jax.ShapeDtypeStruct((E,), jnp.float32),
            jax.ShapeDtypeStruct((NW * N,), jnp.float32),
        ],
        mesh=mesh,
        scratch_types=[
            pltpu.VMEM((EPW,), jnp.int32),
            pltpu.VMEM((EPW,), jnp.int32),
            pltpu.VMEM((C1, QWW), jnp.float32),
            pltpu.VMEM((C1, QWW), jnp.float32),
            pltpu.VMEM((C1, D), jnp.float32),
            pltpu.VMEM((C1, D), jnp.float32),
            pltpu.VMEM((EPW,), jnp.float32),
            pltpu.VMEM((N,), jnp.float32),
            pltpu.VMEM((H * L * L,), jnp.float32),
            pltpu.SemaphoreType.DMA,
            pltpu.SemaphoreType.DMA,
        ],
    )(qw, kn, dst, src)


C2 = 80
NCH2 = EPW // C2
G2 = C2 // L


def _pass2_body(vn_hbm, dst_hbm, src_hbm, se_hbm, fout_hbm,
                dc_a, dc_b, sc_a, sc_b, se_a, se_b,
                vr_a, vr_b, sr_a, sr_b, ds_a, ds_b, fout_sh,
                sem_ia, sem_ib, sem_ga, sem_gb, sem_sa, sem_sb):
    cid = lax.axis_index("c")
    sid = lax.axis_index("s")
    wid = sid * NC + cid
    base0 = wid * EPW
    zero16 = jnp.zeros((L,), jnp.float32)

    def _zr(i, _):
        for b in range(DB):
            sr_a[i, pl.ds(b * L, L)] = zero16
        return 0
    lax.fori_loop(0, C2, _zr, 0)

    def _zs(t, _):
        j = sid + t * NS

        @pl.when(j < NCH2)
        def _():
            pltpu.sync_copy(sr_a, fout_sh.at[pl.ds(pl.multiple_of(j * C2, 8), C2)])
        return 0
    lax.fori_loop(0, (NCH2 + NS - 1) // NS, _zs, 0)
    plsc.subcore_barrier()

    def fire_idx(j, dc, scb, seb, sem):
        pltpu.async_copy(dst_hbm.at[pl.ds(base0 + j * C2, C2)], dc, sem)
        pltpu.async_copy(src_hbm.at[pl.ds(base0 + j * C2, C2)], scb, sem)
        pltpu.async_copy(se_hbm.at[pl.ds(base0 + j * C2, C2)], seb, sem)

    def wait_idx(dc, scb, seb, sem):
        pltpu.make_async_copy(dst_hbm.at[pl.ds(0, C2)], dc, sem).wait()
        pltpu.make_async_copy(src_hbm.at[pl.ds(0, C2)], scb, sem).wait()
        pltpu.make_async_copy(se_hbm.at[pl.ds(0, C2)], seb, sem).wait()

    def fire_g(scb, vrb, sem):
        pltpu.async_copy(vn_hbm.at[scb], vrb, sem)

    def wait_g(vrb, sem):
        pltpu.make_async_copy(vn_hbm.at[pl.ds(0, C2)], vrb, sem).wait()

    def fire_s(srb, dsb, sem):
        pltpu.async_copy(srb, fout_sh.at[dsb], sem, add=True)

    def wait_s(srb, sem):
        pltpu.make_async_copy(vn_hbm.at[pl.ds(0, C2)], srb, sem).wait()

    def compute(dc, seb, vrb, srb, dsb):
        def g_body(g, _):
            off = g * L
            dsb[pl.ds(off, L)] = dc[pl.ds(off, L)]
            return 0
        lax.fori_loop(0, G2, g_body, 0)

        def row_body(r, _):
            wspl = plsc.load_gather(seb, [jnp.full((L,), r, jnp.int32)])
            for b in range(DB):
                srb[r, pl.ds(b * L, L)] = vrb[r, pl.ds(b * L, L)] * wspl
            return 0
        lax.fori_loop(0, C2, row_body, 0)

    bufs = ((dc_a, sc_a, se_a, vr_a, sr_a, ds_a, sem_ia, sem_ga, sem_sa),
            (dc_b, sc_b, se_b, vr_b, sr_b, ds_b, sem_ib, sem_gb, sem_sb))

    def phase(j, t, par):
        dc, scb, seb, vrb, srb, dsb, sem_i, sem_g, sem_s = bufs[par]
        dcq, scq, seq, vrq, srq, dsq, sem_iq, sem_gq, sem_sq = bufs[1 - par]
        @pl.when(j + 1 < NCH2)
        def _():
            wait_idx(dcq, scq, seq, sem_iq)
            fire_g(scq, vrq, sem_gq)
        wait_g(vrb, sem_g)

        @pl.when(j >= 2)
        def _():
            wait_s(srb, sem_s)

        compute(dc, seb, vrb, srb, dsb)
        fire_s(srb, dsb, sem_s)

        @pl.when(j + 2 < NCH2)
        def _():
            fire_idx(j + 2, dc, scb, seb, sem_i)

    fire_idx(0, dc_a, sc_a, se_a, sem_ia)
    fire_idx(1, dc_b, sc_b, se_b, sem_ib)
    wait_idx(dc_a, sc_a, se_a, sem_ia)
    fire_g(sc_a, vr_a, sem_ga)

    def pair_body(t, _):
        j = 2 * t
        phase(j, t, 0)
        phase(j + 1, t, 1)
        return 0
    lax.fori_loop(0, NCH2 // 2, pair_body, 0)
    phase(NCH2 - 1, NCH2 // 2, 0)

    wait_s(sr_a, sem_sa)
    wait_s(sr_b, sem_sb)
    plsc.subcore_barrier()

    def _wb(t, _):
        j = sid + t * NS

        @pl.when(j < NCH2)
        def _():
            row0 = pl.multiple_of(j * C2, 8)
            pltpu.sync_copy(fout_sh.at[pl.ds(row0, C2)],
                            fout_hbm.at[cid, pl.ds(row0, C2)])
        return 0
    lax.fori_loop(0, (NCH2 + NS - 1) // NS, _wb, 0)


def _sc_pass2(vn, dst, src, se):
    mesh = plsc.VectorSubcoreMesh(core_axis_name="c", subcore_axis_name="s",
                                  num_cores=NC, num_subcores=NS)
    return pl.kernel(
        _pass2_body,
        compiler_params=pltpu.CompilerParams(needs_layout_passes=False),
        out_type=jax.ShapeDtypeStruct((NC, N, D), jnp.float32),
        mesh=mesh,
        scratch_types=[
            pltpu.VMEM((C2,), jnp.int32),
            pltpu.VMEM((C2,), jnp.int32),
            pltpu.VMEM((C2,), jnp.int32),
            pltpu.VMEM((C2,), jnp.int32),
            pltpu.VMEM((C2,), jnp.float32),
            pltpu.VMEM((C2,), jnp.float32),
            pltpu.VMEM((C2, D), jnp.float32),
            pltpu.VMEM((C2, D), jnp.float32),
            pltpu.VMEM((C2, D), jnp.float32),
            pltpu.VMEM((C2, D), jnp.float32),
            pltpu.VMEM((C2,), jnp.int32),
            pltpu.VMEM((C2,), jnp.int32),
            pltpu.VMEM_SHARED((N, D), jnp.float32),
            pltpu.SemaphoreType.DMA,
            pltpu.SemaphoreType.DMA,
            pltpu.SemaphoreType.DMA,
            pltpu.SemaphoreType.DMA,
            pltpu.SemaphoreType.DMA,
            pltpu.SemaphoreType.DMA,
        ],
    )(vn, dst, src, se)


def _szinv_body(z_ref, szinv_ref):
    z = jnp.sum(z_ref[...], axis=0)
    z = jnp.where(z == 0.0, 1.0, z)
    szinv_ref[...] = lax.rsqrt(z)


def _post_body(fp_ref, vn_ref, szinv_ref, out_ref):
    out_ref[...] = (fp_ref[0] + fp_ref[1]) * szinv_ref[...] + vn_ref[...]


def _tc_post(fout, vn, zall):
    rb = 1000
    za = zall.reshape(NW, 80, 125)
    szinv = pl.pallas_call(
        _szinv_body,
        out_shape=jax.ShapeDtypeStruct((80, 125), jnp.float32),
    )(za)
    szinv = szinv.reshape(N, 1)
    return pl.pallas_call(
        _post_body,
        grid=(N // rb,),
        in_specs=[
            pl.BlockSpec((NC, rb, D), lambda i: (0, i, 0)),
            pl.BlockSpec((rb, D), lambda i: (i, 0)),
            pl.BlockSpec((rb, 1), lambda i: (i, 0)),
        ],
        out_specs=pl.BlockSpec((rb, D), lambda i: (i, 0)),
        out_shape=jax.ShapeDtypeStruct((N, D), jnp.float32),
    )(fout, vn, szinv)


@jax.jit
def kernel(node_features, edge_dst, edge_src, W_q, W_k, W_v, W_dot):
    dst = edge_dst.astype(jnp.int32)
    src = edge_src.astype(jnp.int32)
    wd2 = jnp.transpose(W_dot, (1, 0, 2)).reshape(D, H * D)

    qw, kn, vn = _tc_pre(node_features, W_q, W_k, W_v, wd2)
    se, zall = _sc_pass1(_pack_pairs(qw), kn, dst, src)
    fout = _sc_pass2(vn, dst, src, se)
    return _tc_post(fout, vn, zall)

# --- scband reference (transcript-rebuilt; emitter-appended) ---
"""Pipeline reference for scband-transformer-update-32186484916932 (READ-ONLY COPY).

The authoritative reference and input builder live on the scoring server;
editing this copy changes nothing except your own understanding.
"""

import jax, jax.numpy as jnp
import numpy as np

N = 10000
E = 320000
D = 128
H = 4


def _na(x, eps=1e-5):
    # NormActivation with scalar (0e) irreps: scale each scalar channel by
    # sigmoid of its norm: x * sigmoid(|x|) / (|x| + eps)
    n = jnp.abs(x)
    return x * jax.nn.sigmoid(n) / (n + eps)


def setup_inputs(seed: int = 0) -> dict:
    key = jax.random.key(seed)
    ks = jax.random.split(key, 8)
    return {
        "node_features": jax.random.normal(ks[0], (N, D), dtype=jnp.float32),
        "edge_dst": jax.random.randint(ks[1], (E,), 0, N),
        "edge_src": jax.random.randint(ks[2], (E,), 0, N),
        "W_q": jax.random.normal(ks[3], (D, D), dtype=jnp.float32) / jnp.sqrt(D),
        "W_k": jax.random.normal(ks[4], (D, D), dtype=jnp.float32) / jnp.sqrt(D),
        "W_v": jax.random.normal(ks[5], (D, D), dtype=jnp.float32) / jnp.sqrt(D),
        # FullyConnectedTensorProduct(query, key -> Hx0e) with component
        # normalization: bilinear weights scaled so outputs are O(1)
        "W_dot": jax.random.normal(ks[6], (H, D, D), dtype=jnp.float32) / D,
    }


def reference(node_features, edge_dst, edge_src, W_q, W_k, W_v, W_dot):
    f = node_features
    q = _na(f @ W_q)                    # [N, Dq]
    k = _na(f[edge_src] @ W_k)          # [E, Dk] (gather over src nodes)
    v = _na(f[edge_src] @ W_v)          # [E, Dv]
    # bilinear 'dot' tensor product producing H scalars per edge
    dot = jnp.einsum('ei,ej,hij->eh', q[edge_dst], k, W_dot)  # [E, H]
    expv = jnp.exp(dot)
    expv = jnp.mean(expv, axis=1, keepdims=True)              # [E, 1]
    z = jax.ops.segment_sum(expv, edge_dst, num_segments=f.shape[0])  # [N, 1]
    z = jnp.where(z == 0, 1.0, z)
    alpha = expv / z[edge_dst]                                # [E, 1]
    f_out = jax.ops.segment_sum(jnp.sqrt(jax.nn.relu(alpha)) * v,
                                edge_dst, num_segments=f.shape[0])    # [N, Dv]
    # residual: node-level value projection (edge-level v has shape [E, Dv]
    # and cannot be added to [N, Dv]; the intended residual is node-level)
    v_node = _na(f @ W_v)
    return f_out + v_node

if __name__ == "__main__":
    import jax
    _d = setup_inputs()
    print(jax.jit(kernel)(*tuple(_d.values())))

</pallas_src>

<mosaic_0001>
#map = affine_map<(d0, d1) -> (0, 0)>
#map1 = affine_map<(d0, d1) -> (0)>
#map2 = affine_map<(d0, d1) -> (0, 0, 0)>
module attributes {stable_mosaic.version = 14 : i64} {
  func.func @_pass2_body(%arg0: i32, %arg1: i32, %arg2: memref<10000x128xf32, #tpu.memory_space<hbm>>, %arg3: memref<320000xi32, #tpu.memory_space<hbm>>, %arg4: memref<320000xi32, #tpu.memory_space<hbm>>, %arg5: memref<320000xf32, #tpu.memory_space<hbm>>, %arg6: memref<2x10000x128xf32, #tpu.memory_space<hbm>>, %arg7: memref<80xi32, #tpu.memory_space<vmem>>, %arg8: memref<80xi32, #tpu.memory_space<vmem>>, %arg9: memref<80xi32, #tpu.memory_space<vmem>>, %arg10: memref<80xi32, #tpu.memory_space<vmem>>, %arg11: memref<80xf32, #tpu.memory_space<vmem>>, %arg12: memref<80xf32, #tpu.memory_space<vmem>>, %arg13: memref<80x128xf32, #tpu.memory_space<vmem>>, %arg14: memref<80x128xf32, #tpu.memory_space<vmem>>, %arg15: memref<80x128xf32, #tpu.memory_space<vmem>>, %arg16: memref<80x128xf32, #tpu.memory_space<vmem>>, %arg17: memref<80xi32, #tpu.memory_space<vmem>>, %arg18: memref<80xi32, #tpu.memory_space<vmem>>, %arg19: memref<10000x128xf32, #tpu.memory_space<vmem_shared>>, %arg20: memref<!tpu.dma_semaphore, #tpu.memory_space<semaphore_mem>>, %arg21: memref<!tpu.dma_semaphore, #tpu.memory_space<semaphore_mem>>, %arg22: memref<!tpu.dma_semaphore, #tpu.memory_space<semaphore_mem>>, %arg23: memref<!tpu.dma_semaphore, #tpu.memory_space<semaphore_mem>>, %arg24: memref<!tpu.dma_semaphore, #tpu.memory_space<semaphore_mem>>, %arg25: memref<!tpu.dma_semaphore, #tpu.memory_space<semaphore_mem>>) attributes {dimension_semantics = [#tpu.dimension_semantics<core_parallel>, #tpu.dimension_semantics<subcore_parallel>], iteration_bounds = array<i64: 2, 16>, scalar_prefetch = 0 : i64, scratch_operands = 19 : i64, tpu.core_type = #tpu.core_type<sc_vector_subcore>, window_params = [{transform_indices = #map}, {transform_indices = #map1}, {transform_indices = #map1}, {transform_indices = #map1}, {transform_indices = #map2}]} {
    %mul3A = arith.constant 2 : i32
    %mul3A_0 = arith.muli %arg1, %mul3A : i32
    %add3A = arith.addi %mul3A_0, %arg0 : i32
    %mul3A_1 = arith.constant 10000 : i32
    %mul3A_2 = arith.muli %add3A, %mul3A_1 : i32
    %broadcast_in_dim3A = arith.constant 0.000000e+00 : f32
    %broadcast_in_dim3A_3 = vector.broadcast %broadcast_in_dim3A : f32 to vector<16xf32>
    %scan3A = arith.constant 0 : i32
    %scan3A_4 = arith.constant 0 : i32
    %scan3A_5 = arith.constant 80 : i32
    %scan3A_6 = arith.addi %scan3A_4, %scan3A_5 : i32
    %scan3A_7 = arith.constant 1 : i32
    %scan3A_8 = scf.for %scan3A_110 = %scan3A_4 to %scan3A_6 step %scan3A_7 iter_args(%scan3A_111 = %scan3A) -> (i32)  : i32 {
      %swap3A = arith.index_cast %scan3A_110 : i32 to index
      %swap3A_112 = arith.constant 0 : index
      %swap3A_113 = tpu.vector_load %arg15[%swap3A, %swap3A_112] {strides = array<i32>} : memref<80x128xf32, #tpu.memory_space<vmem>>, vector<16xf32>,
      tpu.vector_store %arg15[%swap3A, %swap3A_112], %broadcast_in_dim3A_3 {strides = array<i32>} : memref<80x128xf32, #tpu.memory_space<vmem>>, vector<16xf32>,
      %swap3A_114 = arith.index_cast %scan3A_110 : i32 to index
      %swap3A_115 = arith.constant 16 : index
      %swap3A_116 = tpu.vector_load %arg15[%swap3A_114, %swap3A_115] {strides = array<i32>} : memref<80x128xf32, #tpu.memory_space<vmem>>, vector<16xf32>,
      tpu.vector_store %arg15[%swap3A_114, %swap3A_115], %broadcast_in_dim3A_3 {strides = array<i32>} : memref<80x128xf32, #tpu.memory_space<vmem>>, vector<16xf32>,
      %swap3A_117 = arith.index_cast %scan3A_110 : i32 to index
      %swap3A_118 = arith.constant 32 : index
      %swap3A_119 = tpu.vector_load %arg15[%swap3A_117, %swap3A_118] {strides = array<i32>} : memref<80x128xf32, #tpu.memory_space<vmem>>, vector<16xf32>,
      tpu.vector_store %arg15[%swap3A_117, %swap3A_118], %broadcast_in_dim3A_3 {strides = array<i32>} : memref<80x128xf32, #tpu.memory_space<vmem>>, vector<16xf32>,
      %swap3A_120 = arith.index_cast %scan3A_110 : i32 to index
      %swap3A_121 = arith.constant 48 : index
      %swap3A_122 = tpu.vector_load %arg15[%swap3A_120, %swap3A_121] {strides = array<i32>} : memref<80x128xf32, #tpu.memory_space<vmem>>, vector<16xf32>,
      tpu.vector_store %arg15[%swap3A_120, %swap3A_121], %broadcast_in_dim3A_3 {strides = array<i32>} : memref<80x128xf32, #tpu.memory_space<vmem>>, vector<16xf32>,
      %swap3A_123 = arith.index_cast %scan3A_110 : i32 to index
      %swap3A_124 = arith.constant 64 : index
      %swap3A_125 = tpu.vector_load %arg15[%swap3A_123, %swap3A_124] {strides = array<i32>} : memref<80x128xf32, #tpu.memory_space<vmem>>, vector<16xf32>,
      tpu.vector_store %arg15[%swap3A_123, %swap3A_124], %broadcast_in_dim3A_3 {strides = array<i32>} : memref<80x128xf32, #tpu.memory_space<vmem>>, vector<16xf32>,
      %swap3A_126 = arith.index_cast %scan3A_110 : i32 to index
      %swap3A_127 = arith.constant 80 : index
      %swap3A_128 = tpu.vector_load %arg15[%swap3A_126, %swap3A_127] {strides = array<i32>} : memref<80x128xf32, #tpu.memory_space<vmem>>, vector<16xf32>,
      tpu.vector_store %arg15[%swap3A_126, %swap3A_127], %broadcast_in_dim3A_3 {strides = array<i32>} : memref<80x128xf32, #tpu.memory_space<vmem>>, vector<16xf32>,
      %swap3A_129 = arith.index_cast %scan3A_110 : i32 to index
      %swap3A_130 = arith.constant 96 : index
      %swap3A_131 = tpu.vector_load %arg15[%swap3A_129, %swap3A_130] {strides = array<i32>} : memref<80x128xf32, #tpu.memory_space<vmem>>, vector<16xf32>,
      tpu.vector_store %arg15[%swap3A_129, %swap3A_130], %broadcast_in_dim3A_3 {strides = array<i32>} : memref<80x128xf32, #tpu.memory_space<vmem>>, vector<16xf32>,
      %swap3A_132 = arith.index_cast %scan3A_110 : i32 to index
      %swap3A_133 = arith.constant 112 : index
      %swap3A_134 = tpu.vector_load %arg15[%swap3A_132, %swap3A_133] {strides = array<i32>} : memref<80x128xf32, #tpu.memory_space<vmem>>, vector<16xf32>,
      tpu.vector_store %arg15[%swap3A_132, %swap3A_133], %broadcast_in_dim3A_3 {strides = array<i32>} : memref<80x128xf32, #tpu.memory_space<vmem>>, vector<16xf32>,
      %scan3A_135 = arith.constant 0 : i32
      scf.yield %scan3A_135 : i32
    }
    %scan3A_9 = arith.constant 80 : i32
    %scan3A_10 = arith.constant 0 : i32
    %scan3A_11 = arith.constant 0 : i32
    %scan3A_12 = arith.constant 8 : i32
    %scan3A_13 = arith.addi %scan3A_11, %scan3A_12 : i32
    %scan3A_14 = arith.constant 1 : i32
    %scan3A_15 = scf.for %scan3A_110 = %scan3A_11 to %scan3A_13 step %scan3A_14 iter_args(%scan3A_111 = %scan3A_10) -> (i32)  : i32 {
      %mul3A_112 = arith.constant 16 : i32
      %mul3A_113 = arith.muli %scan3A_110, %mul3A_112 : i32
      %add3A_114 = arith.addi %arg1, %mul3A_113 : i32
      %lt3A = arith.constant 125 : i32
      %lt3A_115 = arith.cmpi slt, %add3A_114, %lt3A : i32
      %convert_element_type3A = arith.extui %lt3A_115 : i1 to i32
      %cond3A = arith.constant 0 : i32
      %cond3A_116 = arith.cmpi ne, %convert_element_type3A, %cond3A : i32
      scf.if %cond3A_116 {
        %mul3A_118 = arith.constant 80 : i32
        %mul3A_119 = arith.muli %add3A_114, %mul3A_118 : i32
        %multiple_of3A = tpu.assume_multiple %mul3A_119, 8 : i32
        "tpu.region"() ({
          %run_scoped3A = tpu.sem_alloc : memref<!tpu.dma_semaphore, #tpu.memory_space<semaphore_mem>>
          %dma_start3A_120 = arith.constant 0 : i32
          %dma_start3A_121 = tpu.memref_slice %arg19[%multiple_of3A, %dma_start3A_120] : memref<10000x128xf32, #tpu.memory_space<vmem_shared>> -> memref<80x128xf32, #tpu.memory_space<vmem_shared>>
          %dma_start3A_122 = arith.constant 0 : i32
          %dma_start3A_123 = tpu.memref_slice %arg19[%multiple_of3A, %dma_start3A_122] : memref<10000x128xf32, #tpu.memory_space<vmem_shared>> -> memref<80x128xf32, #tpu.memory_space<vmem_shared>>
          tpu.enqueue_dma source(%arg15 : memref<80x128xf32, #tpu.memory_space<vmem>>) target(%dma_start3A_123 : memref<80x128xf32, #tpu.memory_space<vmem_shared>>) target_semaphore(%run_scoped3A : memref<!tpu.dma_semaphore, #tpu.memory_space<semaphore_mem>>)
          %dma_wait3A_124 = arith.constant 0 : i32
          %dma_wait3A_125 = tpu.memref_slice %arg19[%multiple_of3A, %dma_wait3A_124] : memref<10000x128xf32, #tpu.memory_space<vmem_shared>> -> memref<80x128xf32, #tpu.memory_space<vmem_shared>>
          %dma_wait3A_126 = arith.constant 0 : i32
          %dma_wait3A_127 = tpu.memref_slice %arg19[%multiple_of3A, %dma_wait3A_126] : memref<10000x128xf32, #tpu.memory_space<vmem_shared>> -> memref<80x128xf32, #tpu.memory_space<vmem_shared>>
          tpu.wait_dma2 semaphore(%run_scoped3A : memref<!tpu.dma_semaphore, #tpu.memory_space<semaphore_mem>>) src(%arg15 : memref<80x128xf32, #tpu.memory_space<vmem>>) dst(%dma_wait3A_127 : memref<80x128xf32, #tpu.memory_space<vmem_shared>>)
          tpu.yield
        }) : () -> ()
      } else {
      }
      %scan3A_117 = arith.constant 0 : i32
      scf.yield %scan3A_117 : i32
    }
    %scan3A_16 = arith.constant 8 : i32
    %barrier3A = arith.constant 0 : index
    tpu.barrier barrier_id(%barrier3A)
    %add3A_17 = arith.constant 0 : i32
    %add3A_18 = arith.addi %mul3A_2, %add3A_17 : i32
    %dma_start3A = tpu.memref_slice %arg3[%add3A_18] : memref<320000xi32, #tpu.memory_space<hbm>> -> memref<80xi32, #tpu.memory_space<hbm>>
    %dma_start3A_19 = tpu.memref_slice %arg3[%add3A_18] : memref<320000xi32, #tpu.memory_space<hbm>> -> memref<80xi32, #tpu.memory_space<hbm>>
    tpu.enqueue_dma source(%dma_start3A_19 : memref<80xi32, #tpu.memory_space<hbm>>) target(%arg7 : memref<80xi32, #tpu.memory_space<vmem>>) target_semaphore(%arg20 : memref<!tpu.dma_semaphore, #tpu.memory_space<semaphore_mem>>)
    %add3A_20 = arith.constant 0 : i32
    %add3A_21 = arith.addi %mul3A_2, %add3A_20 : i32
    %dma_start3A_22 = tpu.memref_slice %arg4[%add3A_21] : memref<320000xi32, #tpu.memory_space<hbm>> -> memref<80xi32, #tpu.memory_space<hbm>>
    %dma_start3A_23 = tpu.memref_slice %arg4[%add3A_21] : memref<320000xi32, #tpu.memory_space<hbm>> -> memref<80xi32, #tpu.memory_space<hbm>>
    tpu.enqueue_dma source(%dma_start3A_23 : memref<80xi32, #tpu.memory_space<hbm>>) target(%arg9 : memref<80xi32, #tpu.memory_space<vmem>>) target_semaphore(%arg20 : memref<!tpu.dma_semaphore, #tpu.memory_space<semaphore_mem>>)
    %add3A_24 = arith.constant 0 : i32
    %add3A_25 = arith.addi %mul3A_2, %add3A_24 : i32
    %dma_start3A_26 = tpu.memref_slice %arg5[%add3A_25] : memref<320000xf32, #tpu.memory_space<hbm>> -> memref<80xf32, #tpu.memory_space<hbm>>
    %dma_start3A_27 = tpu.memref_slice %arg5[%add3A_25] : memref<320000xf32, #tpu.memory_space<hbm>> -> memref<80xf32, #tpu.memory_space<hbm>>
    tpu.enqueue_dma source(%dma_start3A_27 : memref<80xf32, #tpu.memory_space<hbm>>) target(%arg11 : memref<80xf32, #tpu.memory_space<vmem>>) target_semaphore(%arg20 : memref<!tpu.dma_semaphore, #tpu.memory_space<semaphore_mem>>)
    %add3A_28 = arith.constant 80 : i32
    %add3A_29 = arith.addi %mul3A_2, %add3A_28 : i32
    %dma_start3A_30 = tpu.memref_slice %arg3[%add3A_29] : memref<320000xi32, #tpu.memory_space<hbm>> -> memref<80xi32, #tpu.memory_space<hbm>>
    %dma_start3A_31 = tpu.memref_slice %arg3[%add3A_29] : memref<320000xi32, #tpu.memory_space<hbm>> -> memref<80xi32, #tpu.memory_space<hbm>>
    tpu.enqueue_dma source(%dma_start3A_31 : memref<80xi32, #tpu.memory_space<hbm>>) target(%arg8 : memref<80xi32, #tpu.memory_space<vmem>>) target_semaphore(%arg21 : memref<!tpu.dma_semaphore, #tpu.memory_space<semaphore_mem>>)
    %add3A_32 = arith.constant 80 : i32
    %add3A_33 = arith.addi %mul3A_2, %add3A_32 : i32
    %dma_start3A_34 = tpu.memref_slice %arg4[%add3A_33] : memref<320000xi32, #tpu.memory_space<hbm>> -> memref<80xi32, #tpu.memory_space<hbm>>
    %dma_start3A_35 = tpu.memref_slice %arg4[%add3A_33] : memref<320000xi32, #tpu.memory_space<hbm>> -> memref<80xi32, #tpu.memory_space<hbm>>
    tpu.enqueue_dma source(%dma_start3A_35 : memref<80xi32, #tpu.memory_space<hbm>>) target(%arg10 : memref<80xi32, #tpu.memory_space<vmem>>) target_semaphore(%arg21 : memref<!tpu.dma_semaphore, #tpu.memory_space<semaphore_mem>>)
    %add3A_36 = arith.constant 80 : i32
    %add3A_37 = arith.addi %mul3A_2, %add3A_36 : i32
    %dma_start3A_38 = tpu.memref_slice %arg5[%add3A_37] : memref<320000xf32, #tpu.memory_space<hbm>> -> memref<80xf32, #tpu.memory_space<hbm>>
    %dma_start3A_39 = tpu.memref_slice %arg5[%add3A_37] : memref<320000xf32, #tpu.memory_space<hbm>> -> memref<80xf32, #tpu.memory_space<hbm>>
    tpu.enqueue_dma source(%dma_start3A_39 : memref<80xf32, #tpu.memory_space<hbm>>) target(%arg12 : memref<80xf32, #tpu.memory_space<vmem>>) target_semaphore(%arg21 : memref<!tpu.dma_semaphore, #tpu.memory_space<semaphore_mem>>)
    %dma_wait3A = arith.constant 0 : i32
    %dma_wait3A_40 = tpu.memref_slice %arg3[%dma_wait3A] : memref<320000xi32, #tpu.memory_space<hbm>> -> memref<80xi32, #tpu.memory_space<hbm>>
    %dma_wait3A_41 = arith.constant 0 : i32
    %dma_wait3A_42 = tpu.memref_slice %arg3[%dma_wait3A_41] : memref<320000xi32, #tpu.memory_space<hbm>> -> memref<80xi32, #tpu.memory_space<hbm>>
    tpu.wait_dma2 semaphore(%arg20 : memref<!tpu.dma_semaphore, #tpu.memory_space<semaphore_mem>>) src(%dma_wait3A_42 : memref<80xi32, #tpu.memory_space<hbm>>) dst(%arg7 : memref<80xi32, #tpu.memory_space<vmem>>)
    %dma_wait3A_43 = arith.constant 0 : i32
    %dma_wait3A_44 = tpu.memref_slice %arg4[%dma_wait3A_43] : memref<320000xi32, #tpu.memory_space<hbm>> -> memref<80xi32, #tpu.memory_space<hbm>>
    %dma_wait3A_45 = arith.constant 0 : i32
    %dma_wait3A_46 = tpu.memref_slice %arg4[%dma_wait3A_45] : memref<320000xi32, #tpu.memory_space<hbm>> -> memref<80xi32, #tpu.memory_space<hbm>>
    tpu.wait_dma2 semaphore(%arg20 : memref<!tpu.dma_semaphore, #tpu.memory_space<semaphore_mem>>) src(%dma_wait3A_46 : memref<80xi32, #tpu.memory_space<hbm>>) dst(%arg9 : memref<80xi32, #tpu.memory_space<vmem>>)
    %dma_wait3A_47 = arith.constant 0 : i32
    %dma_wait3A_48 = tpu.memref_slice %arg5[%dma_wait3A_47] : memref<320000xf32, #tpu.memory_space<hbm>> -> memref<80xf32, #tpu.memory_space<hbm>>
    %dma_wait3A_49 = arith.constant 0 : i32
    %dma_wait3A_50 = tpu.memref_slice %arg5[%dma_wait3A_49] : memref<320000xf32, #tpu.memory_space<hbm>> -> memref<80xf32, #tpu.memory_space<hbm>>
    tpu.wait_dma2 semaphore(%arg20 : memref<!tpu.dma_semaphore, #tpu.memory_space<semaphore_mem>>) src(%dma_wait3A_50 : memref<80xf32, #tpu.memory_space<hbm>>) dst(%arg11 : memref<80xf32, #tpu.memory_space<vmem>>)
    %dma_start3A_51 = arith.constant 0 : i32
    %dma_start3A_52 = arith.constant 0 : i32
    %dma_start3A_53 = tpu.memref_slice %arg2[%dma_start3A_51, %dma_start3A_52] : memref<10000x128xf32, #tpu.memory_space<hbm>> -> memref<10000x128xf32, #tpu.memory_space<hbm>>
    tpu.enqueue_indirect_dma source(%dma_start3A_53 : memref<10000x128xf32, #tpu.memory_space<hbm>>) target(%arg13 : memref<80x128xf32, #tpu.memory_space<vmem>>) offsets(%arg9 : memref<80xi32, #tpu.memory_space<vmem>>) semaphore(%arg22 : memref<!tpu.dma_semaphore, #tpu.memory_space<semaphore_mem>>)
    %scan3A_54 = arith.constant 0 : i32
    %scan3A_55 = arith.constant 0 : i32
    %scan3A_56 = arith.constant 62 : i32
    %scan3A_57 = arith.addi %scan3A_55, %scan3A_56 : i32
    %scan3A_58 = arith.constant 1 : i32
    %scan3A_59 = scf.for %scan3A_110 = %scan3A_55 to %scan3A_57 step %scan3A_58 iter_args(%scan3A_111 = %scan3A_54) -> (i32)  : i32 {
      %mul3A_112 = arith.constant 2 : i32
      %mul3A_113 = arith.muli %mul3A_112, %scan3A_110 : i32
      %add3A_114 = arith.constant 1 : i32
      %add3A_115 = arith.addi %mul3A_113, %add3A_114 : i32
      %lt3A = arith.constant 125 : i32
      %lt3A_116 = arith.cmpi slt, %add3A_115, %lt3A : i32
      %convert_element_type3A = arith.extui %lt3A_116 : i1 to i32
      %cond3A = arith.constant 0 : i32
      %cond3A_117 = arith.cmpi ne, %convert_element_type3A, %cond3A : i32
      scf.if %cond3A_117 {
        %dma_wait3A_197 = arith.constant 0 : i32
        %dma_wait3A_198 = tpu.memref_slice %arg3[%dma_wait3A_197] : memref<320000xi32, #tpu.memory_space<hbm>> -> memref<80xi32, #tpu.memory_space<hbm>>
        %dma_wait3A_199 = arith.constant 0 : i32
        %dma_wait3A_200 = tpu.memref_slice %arg3[%dma_wait3A_199] : memref<320000xi32, #tpu.memory_space<hbm>> -> memref<80xi32, #tpu.memory_space<hbm>>
        tpu.wait_dma2 semaphore(%arg21 : memref<!tpu.dma_semaphore, #tpu.memory_space<semaphore_mem>>) src(%dma_wait3A_200 : memref<80xi32, #tpu.memory_space<hbm>>) dst(%arg8 : memref<80xi32, #tpu.memory_space<vmem>>)
        %dma_wait3A_201 = arith.constant 0 : i32
        %dma_wait3A_202 = tpu.memref_slice %arg4[%dma_wait3A_201] : memref<320000xi32, #tpu.memory_space<hbm>> -> memref<80xi32, #tpu.memory_space<hbm>>
        %dma_wait3A_203 = arith.constant 0 : i32
        %dma_wait3A_204 = tpu.memref_slice %arg4[%dma_wait3A_203] : memref<320000xi32, #tpu.memory_space<hbm>> -> memref<80xi32, #tpu.memory_space<hbm>>
        tpu.wait_dma2 semaphore(%arg21 : memref<!tpu.dma_semaphore, #tpu.memory_space<semaphore_mem>>) src(%dma_wait3A_204 : memref<80xi32, #tpu.memory_space<hbm>>) dst(%arg10 : memref<80xi32, #tpu.memory_space<vmem>>)
        %dma_wait3A_205 = arith.constant 0 : i32
        %dma_wait3A_206 = tpu.memref_slice %arg5[%dma_wait3A_205] : memref<320000xf32, #tpu.memory_space<hbm>> -> memref<80xf32, #tpu.memory_space<hbm>>
        %dma_wait3A_207 = arith.constant 0 : i32
        %dma_wait3A_208 = tpu.memref_slice %arg5[%dma_wait3A_207] : memref<320000xf32, #tpu.memory_space<hbm>> -> memref<80xf32, #tpu.memory_space<hbm>>
        tpu.wait_dma2 semaphore(%arg21 : memref<!tpu.dma_semaphore, #tpu.memory_space<semaphore_mem>>) src(%dma_wait3A_208 : memref<80xf32, #tpu.memory_space<hbm>>) dst(%arg12 : memref<80xf32, #tpu.memory_space<vmem>>)
        %dma_start3A_209 = arith.constant 0 : i32
        %dma_start3A_210 = arith.constant 0 : i32
        %dma_start3A_211 = tpu.memref_slice %arg2[%dma_start3A_209, %dma_start3A_210] : memref<10000x128xf32, #tpu.memory_space<hbm>> -> memref<10000x128xf32, #tpu.memory_space<hbm>>
        tpu.enqueue_indirect_dma source(%dma_start3A_211 : memref<10000x128xf32, #tpu.memory_space<hbm>>) target(%arg14 : memref<80x128xf32, #tpu.memory_space<vmem>>) offsets(%arg10 : memref<80xi32, #tpu.memory_space<vmem>>) semaphore(%arg23 : memref<!tpu.dma_semaphore, #tpu.memory_space<semaphore_mem>>)
      } else {
      }
      %dma_wait3A_118 = arith.constant 0 : i32
      %dma_wait3A_119 = arith.constant 0 : i32
      %dma_wait3A_120 = tpu.memref_slice %arg2[%dma_wait3A_118, %dma_wait3A_119] : memref<10000x128xf32, #tpu.memory_space<hbm>> -> memref<80x128xf32, #tpu.memory_space<hbm>>
      %dma_wait3A_121 = arith.constant 0 : i32
      %dma_wait3A_122 = arith.constant 0 : i32
      %dma_wait3A_123 = tpu.memref_slice %arg2[%dma_wait3A_121, %dma_wait3A_122] : memref<10000x128xf32, #tpu.memory_space<hbm>> -> memref<80x128xf32, #tpu.memory_space<hbm>>
      tpu.wait_dma2 semaphore(%arg22 : memref<!tpu.dma_semaphore, #tpu.memory_space<semaphore_mem>>) src(%dma_wait3A_123 : memref<80x128xf32, #tpu.memory_space<hbm>>) dst(%arg13 : memref<80x128xf32, #tpu.memory_space<vmem>>)
      %ge3A = arith.constant 2 : i32
      %ge3A_124 = arith.cmpi sge, %mul3A_113, %ge3A : i32
      %convert_element_type3A_125 = arith.extui %ge3A_124 : i1 to i32
      %cond3A_126 = arith.constant 0 : i32
      %cond3A_127 = arith.cmpi ne, %convert_element_type3A_125, %cond3A_126 : i32
      scf.if %cond3A_127 {
        %dma_wait3A_197 = arith.constant 0 : i32
        %dma_wait3A_198 = arith.constant 0 : i32
        %dma_wait3A_199 = tpu.memref_slice %arg2[%dma_wait3A_197, %dma_wait3A_198] : memref<10000x128xf32, #tpu.memory_space<hbm>> -> memref<80x128xf32, #tpu.memory_space<hbm>>
        %dma_wait3A_200 = arith.constant 0 : i32
        %dma_wait3A_201 = arith.constant 0 : i32
        %dma_wait3A_202 = tpu.memref_slice %arg2[%dma_wait3A_200, %dma_wait3A_201] : memref<10000x128xf32, #tpu.memory_space<hbm>> -> memref<80x128xf32, #tpu.memory_space<hbm>>
        tpu.wait_dma2 semaphore(%arg24 : memref<!tpu.dma_semaphore, #tpu.memory_space<semaphore_mem>>) src(%dma_wait3A_202 : memref<80x128xf32, #tpu.memory_space<hbm>>) dst(%arg15 : memref<80x128xf32, #tpu.memory_space<vmem>>)
      } else {
      }
      %scan3A_128 = arith.constant 0 : i32
      %scan3A_129 = arith.constant 0 : i32
      %scan3A_130 = arith.constant 5 : i32
      %scan3A_131 = arith.addi %scan3A_129, %scan3A_130 : i32
      %scan3A_132 = arith.constant 1 : i32
      %scan3A_133 = scf.for %scan3A_197 = %scan3A_129 to %scan3A_131 step %scan3A_132 iter_args(%scan3A_198 = %scan3A_128) -> (i32)  : i32 {
        %mul3A_199 = arith.constant 16 : i32
        %mul3A_200 = arith.muli %scan3A_197, %mul3A_199 : i32
        %get3A = arith.index_cast %mul3A_200 : i32 to index
        %get3A_201 = tpu.vector_load %arg7[%get3A] {strides = array<i32>} : memref<80xi32, #tpu.memory_space<vmem>>, vector<16xi32>,
        %swap3A = arith.index_cast %mul3A_200 : i32 to index
        %swap3A_202 = tpu.vector_load %arg17[%swap3A] {strides = array<i32>} : memref<80xi32, #tpu.memory_space<vmem>>, vector<16xi32>,
        tpu.vector_store %arg17[%swap3A], %get3A_201 {strides = array<i32>} : memref<80xi32, #tpu.memory_space<vmem>>, vector<16xi32>,
        %scan3A_203 = arith.constant 0 : i32
        scf.yield %scan3A_203 : i32
      }
      %scan3A_134 = arith.constant 5 : i32
      %scan3A_135 = arith.constant 0 : i32
      %scan3A_136 = arith.constant 0 : i32
      %scan3A_137 = arith.constant 80 : i32
      %scan3A_138 = arith.addi %scan3A_136, %scan3A_137 : i32
      %scan3A_139 = arith.constant 1 : i32
      %scan3A_140 = scf.for %scan3A_197 = %scan3A_136 to %scan3A_138 step %scan3A_139 iter_args(%scan3A_198 = %scan3A_135) -> (i32)  : i32 {
        %broadcast_in_dim3A_199 = vector.broadcast %scan3A_197 : i32 to vector<16xi32>
        %gather3A = tpu.vector_load_idx %arg11[%broadcast_in_dim3A_199] : memref<80xf32, #tpu.memory_space<vmem>>[vector<16xi32>], vector<16xf32>,
        %get3A = arith.index_cast %scan3A_197 : i32 to index
        %get3A_200 = arith.constant 0 : index
        %get3A_201 = tpu.vector_load %arg13[%get3A, %get3A_200] {strides = array<i32>} : memref<80x128xf32, #tpu.memory_space<vmem>>, vector<16xf32>,
        %mul3A_202 = arith.mulf %get3A_201, %gather3A : vector<16xf32>
        %swap3A = arith.index_cast %scan3A_197 : i32 to index
        %swap3A_203 = arith.constant 0 : index
        %swap3A_204 = tpu.vector_load %arg15[%swap3A, %swap3A_203] {strides = array<i32>} : memref<80x128xf32, #tpu.memory_space<vmem>>, vector<16xf32>,
        tpu.vector_store %arg15[%swap3A, %swap3A_203], %mul3A_202 {strides = array<i32>} : memref<80x128xf32, #tpu.memory_space<vmem>>, vector<16xf32>,
        %get3A_205 = arith.index_cast %scan3A_197 : i32 to index
        %get3A_206 = arith.constant 16 : index
        %get3A_207 = tpu.vector_load %arg13[%get3A_205, %get3A_206] {strides = array<i32>} : memref<80x128xf32, #tpu.memory_space<vmem>>, vector<16xf32>,
        %mul3A_208 = arith.mulf %get3A_207, %gather3A : vector<16xf32>
        %swap3A_209 = arith.index_cast %scan3A_197 : i32 to index
        %swap3A_210 = arith.constant 16 : index
        %swap3A_211 = tpu.vector_load %arg15[%swap3A_209, %swap3A_210] {strides = array<i32>} : memref<80x128xf32, #tpu.memory_space<vmem>>, vector<16xf32>,
        tpu.vector_store %arg15[%swap3A_209, %swap3A_210], %mul3A_208 {strides = array<i32>} : memref<80x128xf32, #tpu.memory_space<vmem>>, vector<16xf32>,
        %get3A_212 = arith.index_cast %scan3A_197 : i32 to index
        %get3A_213 = arith.constant 32 : index
        %get3A_214 = tpu.vector_load %arg13[%get3A_212, %get3A_213] {strides = array<i32>} : memref<80x128xf32, #tpu.memory_space<vmem>>, vector<16xf32>,
        %mul3A_215 = arith.mulf %get3A_214, %gather3A : vector<16xf32>
        %swap3A_216 = arith.index_cast %scan3A_197 : i32 to index
        %swap3A_217 = arith.constant 32 : index
        %swap3A_218 = tpu.vector_load %arg15[%swap3A_216, %swap3A_217] {strides = array<i32>} : memref<80x128xf32, #tpu.memory_space<vmem>>, vector<16xf32>,
        tpu.vector_store %arg15[%swap3A_216, %swap3A_217], %mul3A_215 {strides = array<i32>} : memref<80x128xf32, #tpu.memory_space<vmem>>, vector<16xf32>,
        %get3A_219 = arith.index_cast %scan3A_197 : i32 to index
        %get3A_220 = arith.constant 48 : index
        %get3A_221 = tpu.vector_load %arg13[%get3A_219, %get3A_220] {strides = array<i32>} : memref<80x128xf32, #tpu.memory_space<vmem>>, vector<16xf32>,
        %mul3A_222 = arith.mulf %get3A_221, %gather3A : vector<16xf32>
        %swap3A_223 = arith.index_cast %scan3A_197 : i32 to index
        %swap3A_224 = arith.constant 48 : index
        %swap3A_225 = tpu.vector_load %arg15[%swap3A_223, %swap3A_224] {strides = array<i32>} : memref<80x128xf32, #tpu.memory_space<vmem>>, vector<16xf32>,
        tpu.vector_store %arg15[%swap3A_223, %swap3A_224], %mul3A_222 {strides = array<i32>} : memref<80x128xf32, #tpu.memory_space<vmem>>, vector<16xf32>,
        %get3A_226 = arith.index_cast %scan3A_197 : i32 to index
        %get3A_227 = arith.constant 64 : index
        %get3A_228 = tpu.vector_load %arg13[%get3A_226, %get3A_227] {strides = array<i32>} : memref<80x128xf32, #tpu.memory_space<vmem>>, vector<16xf32>,
        %mul3A_229 = arith.mulf %get3A_228, %gather3A : vector<16xf32>
        %swap3A_230 = arith.index_cast %scan3A_197 : i32 to index
        %swap3A_231 = arith.constant 64 : index
        %swap3A_232 = tpu.vector_load %arg15[%swap3A_230, %swap3A_231] {strides = array<i32>} : memref<80x128xf32, #tpu.memory_space<vmem>>, vector<16xf32>,
        tpu.vector_store %arg15[%swap3A_230, %swap3A_231], %mul3A_229 {strides = array<i32>} : memref<80x128xf32, #tpu.memory_space<vmem>>, vector<16xf32>,
        %get3A_233 = arith.index_cast %scan3A_197 : i32 to index
        %get3A_234 = arith.constant 80 : index
        %get3A_235 = tpu.vector_load %arg13[%get3A_233, %get3A_234] {strides = array<i32>} : memref<80x128xf32, #tpu.memory_space<vmem>>, vector<16xf32>,
        %mul3A_236 = arith.mulf %get3A_235, %gather3A : vector<16xf32>
        %swap3A_237 = arith.index_cast %scan3A_197 : i32 to index
        %swap3A_238 = arith.constant 80 : index
        %swap3A_239 = tpu.vector_load %arg15[%swap3A_237, %swap3A_238] {strides = array<i32>} : memref<80x128xf32, #tpu.memory_space<vmem>>, vector<16xf32>,
        tpu.vector_store %arg15[%swap3A_237, %swap3A_238], %mul3A_236 {strides = array<i32>} : memref<80x128xf32, #tpu.memory_space<vmem>>, vector<16xf32>,
        %get3A_240 = arith.index_cast %scan3A_197 : i32 to index
        %get3A_241 = arith.constant 96 : index
        %get3A_242 = tpu.vector_load %arg13[%get3A_240, %get3A_241] {strides = array<i32>} : memref<80x128xf32, #tpu.memory_space<vmem>>, vector<16xf32>,
        %mul3A_243 = arith.mulf %get3A_242, %gather3A : vector<16xf32>
        %swap3A_244 = arith.index_cast %scan3A_197 : i32 to index
        %swap3A_245 = arith.constant 96 : index
        %swap3A_246 = tpu.vector_load %arg15[%swap3A_244, %swap3A_245] {strides = array<i32>} : memref<80x128xf32, #tpu.memory_space<vmem>>, vector<16xf32>,
        tpu.vector_store %arg15[%swap3A_244, %swap3A_245], %mul3A_243 {strides = array<i32>} : memref<80x128xf32, #tpu.memory_space<vmem>>, vector<16xf32>,
        %get3A_247 = arith.index_cast %scan3A_197 : i32 to index
        %get3A_248 = arith.constant 112 : index
        %get3A_249 = tpu.vector_load %arg13[%get3A_247, %get3A_248] {strides = array<i32>} : memref<80x128xf32, #tpu.memory_space<vmem>>, vector<16xf32>,
        %mul3A_250 = arith.mulf %get3A_249, %gather3A : vector<16xf32>
        %swap3A_251 = arith.index_cast %scan3A_197 : i32 to index
        %swap3A_252 = arith.constant 112 : index
        %swap3A_253 = tpu.vector_load %arg15[%swap3A_251, %swap3A_252] {strides = array<i32>} : memref<80x128xf32, #tpu.memory_space<vmem>>, vector<16xf32>,
        tpu.vector_store %arg15[%swap3A_251, %swap3A_252], %mul3A_250 {strides = array<i32>} : memref<80x128xf32, #tpu.memory_space<vmem>>, vector<16xf32>,
        %scan3A_254 = arith.constant 0 : i32
        scf.yield %scan3A_254 : i32
      }
      %scan3A_141 = arith.constant 80 : i32
      %dma_start3A_142 = arith.constant 0 : i32
      %dma_start3A_143 = arith.constant 0 : i32
      %dma_start3A_144 = tpu.memref_slice %arg19[%dma_start3A_142, %dma_start3A_143] : memref<10000x128xf32, #tpu.memory_space<vmem_shared>> -> memref<10000x128xf32, #tpu.memory_space<vmem_shared>>
      tpu.enqueue_indirect_dma source(%arg15 : memref<80x128xf32, #tpu.memory_space<vmem>>) target(%dma_start3A_144 : memref<10000x128xf32, #tpu.memory_space<vmem_shared>>) offsets(%arg17 : memref<80xi32, #tpu.memory_space<vmem>>) semaphore(%arg24 : memref<!tpu.dma_semaphore, #tpu.memory_space<semaphore_mem>>) {add = true}
      %add3A_145 = arith.constant 2 : i32
      %add3A_146 = arith.addi %mul3A_113, %add3A_145 : i32
      %lt3A_147 = arith.constant 125 : i32
      %lt3A_148 = arith.cmpi slt, %add3A_146, %lt3A_147 : i32
      %convert_element_type3A_149 = arith.extui %lt3A_148 : i1 to i32
      %cond3A_150 = arith.constant 0 : i32
      %cond3A_151 = arith.cmpi ne, %convert_element_type3A_149, %cond3A_150 : i32
      scf.if %cond3A_151 {
        %add3A_197 = arith.constant 2 : i32
        %add3A_198 = arith.addi %mul3A_113, %add3A_197 : i32
        %mul3A_199 = arith.constant 80 : i32
        %mul3A_200 = arith.muli %add3A_198, %mul3A_199 : i32
        %add3A_201 = arith.addi %mul3A_2, %mul3A_200 : i32
        %dma_start3A_202 = tpu.memref_slice %arg3[%add3A_201] : memref<320000xi32, #tpu.memory_space<hbm>> -> memref<80xi32, #tpu.memory_space<hbm>>
        %dma_start3A_203 = tpu.memref_slice %arg3[%add3A_201] : memref<320000xi32, #tpu.memory_space<hbm>> -> memref<80xi32, #tpu.memory_space<hbm>>
        tpu.enqueue_dma source(%dma_start3A_203 : memref<80xi32, #tpu.memory_space<hbm>>) target(%arg7 : memref<80xi32, #tpu.memory_space<vmem>>) target_semaphore(%arg20 : memref<!tpu.dma_semaphore, #tpu.memory_space<semaphore_mem>>)
        %mul3A_204 = arith.constant 80 : i32
        %mul3A_205 = arith.muli %add3A_198, %mul3A_204 : i32
        %add3A_206 = arith.addi %mul3A_2, %mul3A_205 : i32
        %dma_start3A_207 = tpu.memref_slice %arg4[%add3A_206] : memref<320000xi32, #tpu.memory_space<hbm>> -> memref<80xi32, #tpu.memory_space<hbm>>
        %dma_start3A_208 = tpu.memref_slice %arg4[%add3A_206] : memref<320000xi32, #tpu.memory_space<hbm>> -> memref<80xi32, #tpu.memory_space<hbm>>
        tpu.enqueue_dma source(%dma_start3A_208 : memref<80xi32, #tpu.memory_space<hbm>>) target(%arg9 : memref<80xi32, #tpu.memory_space<vmem>>) target_semaphore(%arg20 : memref<!tpu.dma_semaphore, #tpu.memory_space<semaphore_mem>>)
        %mul3A_209 = arith.constant 80 : i32
        %mul3A_210 = arith.muli %add3A_198, %mul3A_209 : i32
        %add3A_211 = arith.addi %mul3A_2, %mul3A_210 : i32
        %dma_start3A_212 = tpu.memref_slice %arg5[%add3A_211] : memref<320000xf32, #tpu.memory_space<hbm>> -> memref<80xf32, #tpu.memory_space<hbm>>
        %dma_start3A_213 = tpu.memref_slice %arg5[%add3A_211] : memref<320000xf32, #tpu.memory_space<hbm>> -> memref<80xf32, #tpu.memory_space<hbm>>
        tpu.enqueue_dma source(%dma_start3A_213 : memref<80xf32, #tpu.memory_space<hbm>>) target(%arg11 : memref<80xf32, #tpu.memory_space<vmem>>) target_semaphore(%arg20 : memref<!tpu.dma_semaphore, #tpu.memory_space<semaphore_mem>>)
      } else {
      }
      %add3A_152 = arith.constant 1 : i32
      %add3A_153 = arith.addi %mul3A_113, %add3A_152 : i32
      %add3A_154 = arith.constant 1 : i32
      %add3A_155 = arith.addi %add3A_153, %add3A_154 : i32
      %lt3A_156 = arith.constant 125 : i32
      %lt3A_157 = arith.cmpi slt, %add3A_155, %lt3A_156 : i32
      %convert_element_type3A_158 = arith.extui %lt3A_157 : i1 to i32
      %cond3A_159 = arith.constant 0 : i32
      %cond3A_160 = arith.cmpi ne, %convert_element_type3A_158, %cond3A_159 : i32
      scf.if %cond3A_160 {
        %dma_wait3A_197 = arith.constant 0 : i32
        %dma_wait3A_198 = tpu.memref_slice %arg3[%dma_wait3A_197] : memref<320000xi32, #tpu.memory_space<hbm>> -> memref<80xi32, #tpu.memory_space<hbm>>
        %dma_wait3A_199 = arith.constant 0 : i32
        %dma_wait3A_200 = tpu.memref_slice %arg3[%dma_wait3A_199] : memref<320000xi32, #tpu.memory_space<hbm>> -> memref<80xi32, #tpu.memory_space<hbm>>
        tpu.wait_dma2 semaphore(%arg20 : memref<!tpu.dma_semaphore, #tpu.memory_space<semaphore_mem>>) src(%dma_wait3A_200 : memref<80xi32, #tpu.memory_space<hbm>>) dst(%arg7 : memref<80xi32, #tpu.memory_space<vmem>>)
        %dma_wait3A_201 = arith.constant 0 : i32
        %dma_wait3A_202 = tpu.memref_slice %arg4[%dma_wait3A_201] : memref<320000xi32, #tpu.memory_space<hbm>> -> memref<80xi32, #tpu.memory_space<hbm>>
        %dma_wait3A_203 = arith.constant 0 : i32
        %dma_wait3A_204 = tpu.memref_slice %arg4[%dma_wait3A_203] : memref<320000xi32, #tpu.memory_space<hbm>> -> memref<80xi32, #tpu.memory_space<hbm>>
        tpu.wait_dma2 semaphore(%arg20 : memref<!tpu.dma_semaphore, #tpu.memory_space<semaphore_mem>>) src(%dma_wait3A_204 : memref<80xi32, #tpu.memory_space<hbm>>) dst(%arg9 : memref<80xi32, #tpu.memory_space<vmem>>)
        %dma_wait3A_205 = arith.constant 0 : i32
        %dma_wait3A_206 = tpu.memref_slice %arg5[%dma_wait3A_205] : memref<320000xf32, #tpu.memory_space<hbm>> -> memref<80xf32, #tpu.memory_space<hbm>>
        %dma_wait3A_207 = arith.constant 0 : i32
        %dma_wait3A_208 = tpu.memref_slice %arg5[%dma_wait3A_207] : memref<320000xf32, #tpu.memory_space<hbm>> -> memref<80xf32, #tpu.memory_space<hbm>>
        tpu.wait_dma2 semaphore(%arg20 : memref<!tpu.dma_semaphore, #tpu.memory_space<semaphore_mem>>) src(%dma_wait3A_208 : memref<80xf32, #tpu.memory_space<hbm>>) dst(%arg11 : memref<80xf32, #tpu.memory_space<vmem>>)
        %dma_start3A_209 = arith.constant 0 : i32
        %dma_start3A_210 = arith.constant 0 : i32
        %dma_start3A_211 = tpu.memref_slice %arg2[%dma_start3A_209, %dma_start3A_210] : memref<10000x128xf32, #tpu.memory_space<hbm>> -> memref<10000x128xf32, #tpu.memory_space<hbm>>
        tpu.enqueue_indirect_dma source(%dma_start3A_211 : memref<10000x128xf32, #tpu.memory_space<hbm>>) target(%arg13 : memref<80x128xf32, #tpu.memory_space<vmem>>) offsets(%arg9 : memref<80xi32, #tpu.memory_space<vmem>>) semaphore(%arg22 : memref<!tpu.dma_semaphore, #tpu.memory_space<semaphore_mem>>)
      } else {
      }
      %dma_wait3A_161 = arith.constant 0 : i32
      %dma_wait3A_162 = arith.constant 0 : i32
      %dma_wait3A_163 = tpu.memref_slice %arg2[%dma_wait3A_161, %dma_wait3A_162] : memref<10000x128xf32, #tpu.memory_space<hbm>> -> memref<80x128xf32, #tpu.memory_space<hbm>>
      %dma_wait3A_164 = arith.constant 0 : i32
      %dma_wait3A_165 = arith.constant 0 : i32
      %dma_wait3A_166 = tpu.memref_slice %arg2[%dma_wait3A_164, %dma_wait3A_165] : memref<10000x128xf32, #tpu.memory_space<hbm>> -> memref<80x128xf32, #tpu.memory_space<hbm>>
      tpu.wait_dma2 semaphore(%arg23 : memref<!tpu.dma_semaphore, #tpu.memory_space<semaphore_mem>>) src(%dma_wait3A_166 : memref<80x128xf32, #tpu.memory_space<hbm>>) dst(%arg14 : memref<80x128xf32, #tpu.memory_space<vmem>>)
      %ge3A_167 = arith.constant 2 : i32
      %ge3A_168 = arith.cmpi sge, %add3A_153, %ge3A_167 : i32
      %convert_element_type3A_169 = arith.extui %ge3A_168 : i1 to i32
      %cond3A_170 = arith.constant 0 : i32
      %cond3A_171 = arith.cmpi ne, %convert_element_type3A_169, %cond3A_170 : i32
      scf.if %cond3A_171 {
        %dma_wait3A_197 = arith.constant 0 : i32
        %dma_wait3A_198 = arith.constant 0 : i32
        %dma_wait3A_199 = tpu.memref_slice %arg2[%dma_wait3A_197, %dma_wait3A_198] : memref<10000x128xf32, #tpu.memory_space<hbm>> -> memref<80x128xf32, #tpu.memory_space<hbm>>
        %dma_wait3A_200 = arith.constant 0 : i32
        %dma_wait3A_201 = arith.constant 0 : i32
        %dma_wait3A_202 = tpu.memref_slice %arg2[%dma_wait3A_200, %dma_wait3A_201] : memref<10000x128xf32, #tpu.memory_space<hbm>> -> memref<80x128xf32, #tpu.memory_space<hbm>>
        tpu.wait_dma2 semaphore(%arg25 : memref<!tpu.dma_semaphore, #tpu.memory_space<semaphore_mem>>) src(%dma_wait3A_202 : memref<80x128xf32, #tpu.memory_space<hbm>>) dst(%arg16 : memref<80x128xf32, #tpu.memory_space<vmem>>)
      } else {
      }
      %scan3A_172 = arith.constant 0 : i32
      %scan3A_173 = arith.constant 0 : i32
      %scan3A_174 = arith.constant 5 : i32
      %scan3A_175 = arith.addi %scan3A_173, %scan3A_174 : i32
      %scan3A_176 = arith.constant 1 : i32
      %scan3A_177 = scf.for %scan3A_197 = %scan3A_173 to %scan3A_175 step %scan3A_176 iter_args(%scan3A_198 = %scan3A_172) -> (i32)  : i32 {
        %mul3A_199 = arith.constant 16 : i32
        %mul3A_200 = arith.muli %scan3A_197, %mul3A_199 : i32
        %get3A = arith.index_cast %mul3A_200 : i32 to index
        %get3A_201 = tpu.vector_load %arg8[%get3A] {strides = array<i32>} : memref<80xi32, #tpu.memory_space<vmem>>, vector<16xi32>,
        %swap3A = arith.index_cast %mul3A_200 : i32 to index
        %swap3A_202 = tpu.vector_load %arg18[%swap3A] {strides = array<i32>} : memref<80xi32, #tpu.memory_space<vmem>>, vector<16xi32>,
        tpu.vector_store %arg18[%swap3A], %get3A_201 {strides = array<i32>} : memref<80xi32, #tpu.memory_space<vmem>>, vector<16xi32>,
        %scan3A_203 = arith.constant 0 : i32
        scf.yield %scan3A_203 : i32
      }
      %scan3A_178 = arith.constant 5 : i32
      %scan3A_179 = arith.constant 0 : i32
      %scan3A_180 = arith.constant 0 : i32
      %scan3A_181 = arith.constant 80 : i32
      %scan3A_182 = arith.addi %scan3A_180, %scan3A_181 : i32
      %scan3A_183 = arith.constant 1 : i32
      %scan3A_184 = scf.for %scan3A_197 = %scan3A_180 to %scan3A_182 step %scan3A_183 iter_args(%scan3A_198 = %scan3A_179) -> (i32)  : i32 {
        %broadcast_in_dim3A_199 = vector.broadcast %scan3A_197 : i32 to vector<16xi32>
        %gather3A = tpu.vector_load_idx %arg12[%broadcast_in_dim3A_199] : memref<80xf32, #tpu.memory_space<vmem>>[vector<16xi32>], vector<16xf32>,
        %get3A = arith.index_cast %scan3A_197 : i32 to index
        %get3A_200 = arith.constant 0 : index
        %get3A_201 = tpu.vector_load %arg14[%get3A, %get3A_200] {strides = array<i32>} : memref<80x128xf32, #tpu.memory_space<vmem>>, vector<16xf32>,
        %mul3A_202 = arith.mulf %get3A_201, %gather3A : vector<16xf32>
        %swap3A = arith.index_cast %scan3A_197 : i32 to index
        %swap3A_203 = arith.constant 0 : index
        %swap3A_204 = tpu.vector_load %arg16[%swap3A, %swap3A_203] {strides = array<i32>} : memref<80x128xf32, #tpu.memory_space<vmem>>, vector<16xf32>,
        tpu.vector_store %arg16[%swap3A, %swap3A_203], %mul3A_202 {strides = array<i32>} : memref<80x128xf32, #tpu.memory_space<vmem>>, vector<16xf32>,
        %get3A_205 = arith.index_cast %scan3A_197 : i32 to index
        %get3A_206 = arith.constant 16 : index
        %get3A_207 = tpu.vector_load %arg14[%get3A_205, %get3A_206] {strides = array<i32>} : memref<80x128xf32, #tpu.memory_space<vmem>>, vector<16xf32>,
        %mul3A_208 = arith.mulf %get3A_207, %gather3A : vector<16xf32>
        %swap3A_209 = arith.index_cast %scan3A_197 : i32 to index
        %swap3A_210 = arith.constant 16 : index
        %swap3A_211 = tpu.vector_load %arg16[%swap3A_209, %swap3A_210] {strides = array<i32>} : memref<80x128xf32, #tpu.memory_space<vmem>>, vector<16xf32>,
        tpu.vector_store %arg16[%swap3A_209, %swap3A_210], %mul3A_208 {strides = array<i32>} : memref<80x128xf32, #tpu.memory_space<vmem>>, vector<16xf32>,
        %get3A_212 = arith.index_cast %scan3A_197 : i32 to index
        %get3A_213 = arith.constant 32 : index
        %get3A_214 = tpu.vector_load %arg14[%get3A_212, %get3A_213] {strides = array<i32>} : memref<80x128xf32, #tpu.memory_space<vmem>>, vector<16xf32>,
        %mul3A_215 = arith.mulf %get3A_214, %gather3A : vector<16xf32>
        %swap3A_216 = arith.index_cast %scan3A_197 : i32 to index
        %swap3A_217 = arith.constant 32 : index
        %swap3A_218 = tpu.vector_load %arg16[%swap3A_216, %swap3A_217] {strides = array<i32>} : memref<80x128xf32, #tpu.memory_space<vmem>>, vector<16xf32>,
        tpu.vector_store %arg16[%swap3A_216, %swap3A_217], %mul3A_215 {strides = array<i32>} : memref<80x128xf32, #tpu.memory_space<vmem>>, vector<16xf32>,
        %get3A_219 = arith.index_cast %scan3A_197 : i32 to index
        %get3A_220 = arith.constant 48 : index
        %get3A_221 = tpu.vector_load %arg14[%get3A_219, %get3A_220] {strides = array<i32>} : memref<80x128xf32, #tpu.memory_space<vmem>>, vector<16xf32>,
        %mul3A_222 = arith.mulf %get3A_221, %gather3A : vector<16xf32>
        %swap3A_223 = arith.index_cast %scan3A_197 : i32 to index
        %swap3A_224 = arith.constant 48 : index
        %swap3A_225 = tpu.vector_load %arg16[%swap3A_223, %swap3A_224] {strides = array<i32>} : memref<80x128xf32, #tpu.memory_space<vmem>>, vector<16xf32>,
        tpu.vector_store %arg16[%swap3A_223, %swap3A_224], %mul3A_222 {strides = array<i32>} : memref<80x128xf32, #tpu.memory_space<vmem>>, vector<16xf32>,
        %get3A_226 = arith.index_cast %scan3A_197 : i32 to index
        %get3A_227 = arith.constant 64 : index
        %get3A_228 = tpu.vector_load %arg14[%get3A_226, %get3A_227] {strides = array<i32>} : memref<80x128xf32, #tpu.memory_space<vmem>>, vector<16xf32>,
        %mul3A_229 = arith.mulf %get3A_228, %gather3A : vector<16xf32>
        %swap3A_230 = arith.index_cast %scan3A_197 : i32 to index
        %swap3A_231 = arith.constant 64 : index
        %swap3A_232 = tpu.vector_load %arg16[%swap3A_230, %swap3A_231] {strides = array<i32>} : memref<80x128xf32, #tpu.memory_space<vmem>>, vector<16xf32>,
        tpu.vector_store %arg16[%swap3A_230, %swap3A_231], %mul3A_229 {strides = array<i32>} : memref<80x128xf32, #tpu.memory_space<vmem>>, vector<16xf32>,
        %get3A_233 = arith.index_cast %scan3A_197 : i32 to index
        %get3A_234 = arith.constant 80 : index
        %get3A_235 = tpu.vector_load %arg14[%get3A_233, %get3A_234] {strides = array<i32>} : memref<80x128xf32, #tpu.memory_space<vmem>>, vector<16xf32>,
        %mul3A_236 = arith.mulf %get3A_235, %gather3A : vector<16xf32>
        %swap3A_237 = arith.index_cast %scan3A_197 : i32 to index
        %swap3A_238 = arith.constant 80 : index
        %swap3A_239 = tpu.vector_load %arg16[%swap3A_237, %swap3A_238] {strides = array<i32>} : memref<80x128xf32, #tpu.memory_space<vmem>>, vector<16xf32>,
        tpu.vector_store %arg16[%swap3A_237, %swap3A_238], %mul3A_236 {strides = array<i32>} : memref<80x128xf32, #tpu.memory_space<vmem>>, vector<16xf32>,
        %get3A_240 = arith.index_cast %scan3A_197 : i32 to index
        %get3A_241 = arith.constant 96 : index
        %get3A_242 = tpu.vector_load %arg14[%get3A_240, %get3A_241] {strides = array<i32>} : memref<80x128xf32, #tpu.memory_space<vmem>>, vector<16xf32>,
        %mul3A_243 = arith.mulf %get3A_242, %gather3A : vector<16xf32>
        %swap3A_244 = arith.index_cast %scan3A_197 : i32 to index
        %swap3A_245 = arith.constant 96 : index
        %swap3A_246 = tpu.vector_load %arg16[%swap3A_244, %swap3A_245] {strides = array<i32>} : memref<80x128xf32, #tpu.memory_space<vmem>>, vector<16xf32>,
        tpu.vector_store %arg16[%swap3A_244, %swap3A_245], %mul3A_243 {strides = array<i32>} : memref<80x128xf32, #tpu.memory_space<vmem>>, vector<16xf32>,
        %get3A_247 = arith.index_cast %scan3A_197 : i32 to index
        %get3A_248 = arith.constant 112 : index
        %get3A_249 = tpu.vector_load %arg14[%get3A_247, %get3A_248] {strides = array<i32>} : memref<80x128xf32, #tpu.memory_space<vmem>>, vector<16xf32>,
        %mul3A_250 = arith.mulf %get3A_249, %gather3A : vector<16xf32>
        %swap3A_251 = arith.index_cast %scan3A_197 : i32 to index
        %swap3A_252 = arith.constant 112 : index
        %swap3A_253 = tpu.vector_load %arg16[%swap3A_251, %swap3A_252] {strides = array<i32>} : memref<80x128xf32, #tpu.memory_space<vmem>>, vector<16xf32>,
        tpu.vector_store %arg16[%swap3A_251, %swap3A_252], %mul3A_250 {strides = array<i32>} : memref<80x128xf32, #tpu.memory_space<vmem>>, vector<16xf32>,
        %scan3A_254 = arith.constant 0 : i32
        scf.yield %scan3A_254 : i32
      }
      %scan3A_185 = arith.constant 80 : i32
      %dma_start3A_186 = arith.constant 0 : i32
      %dma_start3A_187 = arith.constant 0 : i32
      %dma_start3A_188 = tpu.memref_slice %arg19[%dma_start3A_186, %dma_start3A_187] : memref<10000x128xf32, #tpu.memory_space<vmem_shared>> -> memref<10000x128xf32, #tpu.memory_space<vmem_shared>>
      tpu.enqueue_indirect_dma source(%arg16 : memref<80x128xf32, #tpu.memory_space<vmem>>) target(%dma_start3A_188 : memref<10000x128xf32, #tpu.memory_space<vmem_shared>>) offsets(%arg18 : memref<80xi32, #tpu.memory_space<vmem>>) semaphore(%arg25 : memref<!tpu.dma_semaphore, #tpu.memory_space<semaphore_mem>>) {add = true}
      %add3A_189 = arith.constant 2 : i32
      %add3A_190 = arith.addi %add3A_153, %add3A_189 : i32
      %lt3A_191 = arith.constant 125 : i32
      %lt3A_192 = arith.cmpi slt, %add3A_190, %lt3A_191 : i32
      %convert_element_type3A_193 = arith.extui %lt3A_192 : i1 to i32
      %cond3A_194 = arith.constant 0 : i32
      %cond3A_195 = arith.cmpi ne, %convert_element_type3A_193, %cond3A_194 : i32
      scf.if %cond3A_195 {
        %add3A_197 = arith.constant 2 : i32
        %add3A_198 = arith.addi %add3A_153, %add3A_197 : i32
        %mul3A_199 = arith.constant 80 : i32
        %mul3A_200 = arith.muli %add3A_198, %mul3A_199 : i32
        %add3A_201 = arith.addi %mul3A_2, %mul3A_200 : i32
        %dma_start3A_202 = tpu.memref_slice %arg3[%add3A_201] : memref<320000xi32, #tpu.memory_space<hbm>> -> memref<80xi32, #tpu.memory_space<hbm>>
        %dma_start3A_203 = tpu.memref_slice %arg3[%add3A_201] : memref<320000xi32, #tpu.memory_space<hbm>> -> memref<80xi32, #tpu.memory_space<hbm>>
        tpu.enqueue_dma source(%dma_start3A_203 : memref<80xi32, #tpu.memory_space<hbm>>) target(%arg8 : memref<80xi32, #tpu.memory_space<vmem>>) target_semaphore(%arg21 : memref<!tpu.dma_semaphore, #tpu.memory_space<semaphore_mem>>)
        %mul3A_204 = arith.constant 80 : i32
        %mul3A_205 = arith.muli %add3A_198, %mul3A_204 : i32
        %add3A_206 = arith.addi %mul3A_2, %mul3A_205 : i32
        %dma_start3A_207 = tpu.memref_slice %arg4[%add3A_206] : memref<320000xi32, #tpu.memory_space<hbm>> -> memref<80xi32, #tpu.memory_space<hbm>>
        %dma_start3A_208 = tpu.memref_slice %arg4[%add3A_206] : memref<320000xi32, #tpu.memory_space<hbm>> -> memref<80xi32, #tpu.memory_space<hbm>>
        tpu.enqueue_dma source(%dma_start3A_208 : memref<80xi32, #tpu.memory_space<hbm>>) target(%arg10 : memref<80xi32, #tpu.memory_space<vmem>>) target_semaphore(%arg21 : memref<!tpu.dma_semaphore, #tpu.memory_space<semaphore_mem>>)
        %mul3A_209 = arith.constant 80 : i32
        %mul3A_210 = arith.muli %add3A_198, %mul3A_209 : i32
        %add3A_211 = arith.addi %mul3A_2, %mul3A_210 : i32
        %dma_start3A_212 = tpu.memref_slice %arg5[%add3A_211] : memref<320000xf32, #tpu.memory_space<hbm>> -> memref<80xf32, #tpu.memory_space<hbm>>
        %dma_start3A_213 = tpu.memref_slice %arg5[%add3A_211] : memref<320000xf32, #tpu.memory_space<hbm>> -> memref<80xf32, #tpu.memory_space<hbm>>
        tpu.enqueue_dma source(%dma_start3A_213 : memref<80xf32, #tpu.memory_space<hbm>>) target(%arg12 : memref<80xf32, #tpu.memory_space<vmem>>) target_semaphore(%arg21 : memref<!tpu.dma_semaphore, #tpu.memory_space<semaphore_mem>>)
      } else {
      }
      %scan3A_196 = arith.constant 0 : i32
      scf.yield %scan3A_196 : i32
    }
    %scan3A_60 = arith.constant 62 : i32
    %dma_wait3A_61 = arith.constant 0 : i32
    %dma_wait3A_62 = arith.constant 0 : i32
    %dma_wait3A_63 = tpu.memref_slice %arg2[%dma_wait3A_61, %dma_wait3A_62] : memref<10000x128xf32, #tpu.memory_space<hbm>> -> memref<80x128xf32, #tpu.memory_space<hbm>>
    %dma_wait3A_64 = arith.constant 0 : i32
    %dma_wait3A_65 = arith.constant 0 : i32
    %dma_wait3A_66 = tpu.memref_slice %arg2[%dma_wait3A_64, %dma_wait3A_65] : memref<10000x128xf32, #tpu.memory_space<hbm>> -> memref<80x128xf32, #tpu.memory_space<hbm>>
    tpu.wait_dma2 semaphore(%arg22 : memref<!tpu.dma_semaphore, #tpu.memory_space<semaphore_mem>>) src(%dma_wait3A_66 : memref<80x128xf32, #tpu.memory_space<hbm>>) dst(%arg13 : memref<80x128xf32, #tpu.memory_space<vmem>>)
    %dma_wait3A_67 = arith.constant 0 : i32
    %dma_wait3A_68 = arith.constant 0 : i32
    %dma_wait3A_69 = tpu.memref_slice %arg2[%dma_wait3A_67, %dma_wait3A_68] : memref<10000x128xf32, #tpu.memory_space<hbm>> -> memref<80x128xf32, #tpu.memory_space<hbm>>
    %dma_wait3A_70 = arith.constant 0 : i32
    %dma_wait3A_71 = arith.constant 0 : i32
    %dma_wait3A_72 = tpu.memref_slice %arg2[%dma_wait3A_70, %dma_wait3A_71] : memref<10000x128xf32, #tpu.memory_space<hbm>> -> memref<80x128xf32, #tpu.memory_space<hbm>>
    tpu.wait_dma2 semaphore(%arg24 : memref<!tpu.dma_semaphore, #tpu.memory_space<semaphore_mem>>) src(%dma_wait3A_72 : memref<80x128xf32, #tpu.memory_space<hbm>>) dst(%arg15 : memref<80x128xf32, #tpu.memory_space<vmem>>)
    %scan3A_73 = arith.constant 0 : i32
    %scan3A_74 = arith.constant 0 : i32
    %scan3A_75 = arith.constant 5 : i32
    %scan3A_76 = arith.addi %scan3A_74, %scan3A_75 : i32
    %scan3A_77 = arith.constant 1 : i32
    %scan3A_78 = scf.for %scan3A_110 = %scan3A_74 to %scan3A_76 step %scan3A_77 iter_args(%scan3A_111 = %scan3A_73) -> (i32)  : i32 {
      %mul3A_112 = arith.constant 16 : i32
      %mul3A_113 = arith.muli %scan3A_110, %mul3A_112 : i32
      %get3A = arith.index_cast %mul3A_113 : i32 to index
      %get3A_114 = tpu.vector_load %arg7[%get3A] {strides = array<i32>} : memref<80xi32, #tpu.memory_space<vmem>>, vector<16xi32>,
      %swap3A = arith.index_cast %mul3A_113 : i32 to index
      %swap3A_115 = tpu.vector_load %arg17[%swap3A] {strides = array<i32>} : memref<80xi32, #tpu.memory_space<vmem>>, vector<16xi32>,
      tpu.vector_store %arg17[%swap3A], %get3A_114 {strides = array<i32>} : memref<80xi32, #tpu.memory_space<vmem>>, vector<16xi32>,
      %scan3A_116 = arith.constant 0 : i32
      scf.yield %scan3A_116 : i32
    }
    %scan3A_79 = arith.constant 5 : i32
    %scan3A_80 = arith.constant 0 : i32
    %scan3A_81 = arith.constant 0 : i32
    %scan3A_82 = arith.constant 80 : i32
    %scan3A_83 = arith.addi %scan3A_81, %scan3A_82 : i32
    %scan3A_84 = arith.constant 1 : i32
    %scan3A_85 = scf.for %scan3A_110 = %scan3A_81 to %scan3A_83 step %scan3A_84 iter_args(%scan3A_111 = %scan3A_80) -> (i32)  : i32 {
      %broadcast_in_dim3A_112 = vector.broadcast %scan3A_110 : i32 to vector<16xi32>
      %gather3A = tpu.vector_load_idx %arg11[%broadcast_in_dim3A_112] : memref<80xf32, #tpu.memory_space<vmem>>[vector<16xi32>], vector<16xf32>,
      %get3A = arith.index_cast %scan3A_110 : i32 to index
      %get3A_113 = arith.constant 0 : index
      %get3A_114 = tpu.vector_load %arg13[%get3A, %get3A_113] {strides = array<i32>} : memref<80x128xf32, #tpu.memory_space<vmem>>, vector<16xf32>,
      %mul3A_115 = arith.mulf %get3A_114, %gather3A : vector<16xf32>
      %swap3A = arith.index_cast %scan3A_110 : i32 to index
      %swap3A_116 = arith.constant 0 : index
      %swap3A_117 = tpu.vector_load %arg15[%swap3A, %swap3A_116] {strides = array<i32>} : memref<80x128xf32, #tpu.memory_space<vmem>>, vector<16xf32>,
      tpu.vector_store %arg15[%swap3A, %swap3A_116], %mul3A_115 {strides = array<i32>} : memref<80x128xf32, #tpu.memory_space<vmem>>, vector<16xf32>,
      %get3A_118 = arith.index_cast %scan3A_110 : i32 to index
      %get3A_119 = arith.constant 16 : index
      %get3A_120 = tpu.vector_load %arg13[%get3A_118, %get3A_119] {strides = array<i32>} : memref<80x128xf32, #tpu.memory_space<vmem>>, vector<16xf32>,
      %mul3A_121 = arith.mulf %get3A_120, %gather3A : vector<16xf32>
      %swap3A_122 = arith.index_cast %scan3A_110 : i32 to index
      %swap3A_123 = arith.constant 16 : index
      %swap3A_124 = tpu.vector_load %arg15[%swap3A_122, %swap3A_123] {strides = array<i32>} : memref<80x128xf32, #tpu.memory_space<vmem>>, vector<16xf32>,
      tpu.vector_store %arg15[%swap3A_122, %swap3A_123], %mul3A_121 {strides = array<i32>} : memref<80x128xf32, #tpu.memory_space<vmem>>, vector<16xf32>,
      %get3A_125 = arith.index_cast %scan3A_110 : i32 to index
      %get3A_126 = arith.constant 32 : index
      %get3A_127 = tpu.vector_load %arg13[%get3A_125, %get3A_126] {strides = array<i32>} : memref<80x128xf32, #tpu.memory_space<vmem>>, vector<16xf32>,
      %mul3A_128 = arith.mulf %get3A_127, %gather3A : vector<16xf32>
      %swap3A_129 = arith.index_cast %scan3A_110 : i32 to index
      %swap3A_130 = arith.constant 32 : index
      %swap3A_131 = tpu.vector_load %arg15[%swap3A_129, %swap3A_130] {strides = array<i32>} : memref<80x128xf32, #tpu.memory_space<vmem>>, vector<16xf32>,
      tpu.vector_store %arg15[%swap3A_129, %swap3A_130], %mul3A_128 {strides = array<i32>} : memref<80x128xf32, #tpu.memory_space<vmem>>, vector<16xf32>,
      %get3A_132 = arith.index_cast %scan3A_110 : i32 to index
      %get3A_133 = arith.constant 48 : index
      %get3A_134 = tpu.vector_load %arg13[%get3A_132, %get3A_133] {strides = array<i32>} : memref<80x128xf32, #tpu.memory_space<vmem>>, vector<16xf32>,
      %mul3A_135 = arith.mulf %get3A_134, %gather3A : vector<16xf32>
      %swap3A_136 = arith.index_cast %scan3A_110 : i32 to index
      %swap3A_137 = arith.constant 48 : index
      %swap3A_138 = tpu.vector_load %arg15[%swap3A_136, %swap3A_137] {strides = array<i32>} : memref<80x128xf32, #tpu.memory_space<vmem>>, vector<16xf32>,
      tpu.vector_store %arg15[%swap3A_136, %swap3A_137], %mul3A_135 {strides = array<i32>} : memref<80x128xf32, #tpu.memory_space<vmem>>, vector<16xf32>,
      %get3A_139 = arith.index_cast %scan3A_110 : i32 to index
      %get3A_140 = arith.constant 64 : index
      %get3A_141 = tpu.vector_load %arg13[%get3A_139, %get3A_140] {strides = array<i32>} : memref<80x128xf32, #tpu.memory_space<vmem>>, vector<16xf32>,
      %mul3A_142 = arith.mulf %get3A_141, %gather3A : vector<16xf32>
      %swap3A_143 = arith.index_cast %scan3A_110 : i32 to index
      %swap3A_144 = arith.constant 64 : index
      %swap3A_145 = tpu.vector_load %arg15[%swap3A_143, %swap3A_144] {strides = array<i32>} : memref<80x128xf32, #tpu.memory_space<vmem>>, vector<16xf32>,
      tpu.vector_store %arg15[%swap3A_143, %swap3A_144], %mul3A_142 {strides = array<i32>} : memref<80x128xf32, #tpu.memory_space<vmem>>, vector<16xf32>,
      %get3A_146 = arith.index_cast %scan3A_110 : i32 to index
      %get3A_147 = arith.constant 80 : index
      %get3A_148 = tpu.vector_load %arg13[%get3A_146, %get3A_147] {strides = array<i32>} : memref<80x128xf32, #tpu.memory_space<vmem>>, vector<16xf32>,
      %mul3A_149 = arith.mulf %get3A_148, %gather3A : vector<16xf32>
      %swap3A_150 = arith.index_cast %scan3A_110 : i32 to index
      %swap3A_151 = arith.constant 80 : index
      %swap3A_152 = tpu.vector_load %arg15[%swap3A_150, %swap3A_151] {strides = array<i32>} : memref<80x128xf32, #tpu.memory_space<vmem>>, vector<16xf32>,
      tpu.vector_store %arg15[%swap3A_150, %swap3A_151], %mul3A_149 {strides = array<i32>} : memref<80x128xf32, #tpu.memory_space<vmem>>, vector<16xf32>,
      %get3A_153 = arith.index_cast %scan3A_110 : i32 to index
      %get3A_154 = arith.constant 96 : index
      %get3A_155 = tpu.vector_load %arg13[%get3A_153, %get3A_154] {strides = array<i32>} : memref<80x128xf32, #tpu.memory_space<vmem>>, vector<16xf32>,
      %mul3A_156 = arith.mulf %get3A_155, %gather3A : vector<16xf32>
      %swap3A_157 = arith.index_cast %scan3A_110 : i32 to index
      %swap3A_158 = arith.constant 96 : index
      %swap3A_159 = tpu.vector_load %arg15[%swap3A_157, %swap3A_158] {strides = array<i32>} : memref<80x128xf32, #tpu.memory_space<vmem>>, vector<16xf32>,
      tpu.vector_store %arg15[%swap3A_157, %swap3A_158], %mul3A_156 {strides = array<i32>} : memref<80x128xf32, #tpu.memory_space<vmem>>, vector<16xf32>,
      %get3A_160 = arith.index_cast %scan3A_110 : i32 to index
      %get3A_161 = arith.constant 112 : index
      %get3A_162 = tpu.vector_load %arg13[%get3A_160, %get3A_161] {strides = array<i32>} : memref<80x128xf32, #tpu.memory_space<vmem>>, vector<16xf32>,
      %mul3A_163 = arith.mulf %get3A_162, %gather3A : vector<16xf32>
      %swap3A_164 = arith.index_cast %scan3A_110 : i32 to index
      %swap3A_165 = arith.constant 112 : index
      %swap3A_166 = tpu.vector_load %arg15[%swap3A_164, %swap3A_165] {strides = array<i32>} : memref<80x128xf32, #tpu.memory_space<vmem>>, vector<16xf32>,
      tpu.vector_store %arg15[%swap3A_164, %swap3A_165], %mul3A_163 {strides = array<i32>} : memref<80x128xf32, #tpu.memory_space<vmem>>, vector<16xf32>,
      %scan3A_167 = arith.constant 0 : i32
      scf.yield %scan3A_167 : i32
    }
    %scan3A_86 = arith.constant 80 : i32
    %dma_start3A_87 = arith.constant 0 : i32
    %dma_start3A_88 = arith.constant 0 : i32
    %dma_start3A_89 = tpu.memref_slice %arg19[%dma_start3A_87, %dma_start3A_88] : memref<10000x128xf32, #tpu.memory_space<vmem_shared>> -> memref<10000x128xf32, #tpu.memory_space<vmem_shared>>
    tpu.enqueue_indirect_dma source(%arg15 : memref<80x128xf32, #tpu.memory_space<vmem>>) target(%dma_start3A_89 : memref<10000x128xf32, #tpu.memory_space<vmem_shared>>) offsets(%arg17 : memref<80xi32, #tpu.memory_space<vmem>>) semaphore(%arg24 : memref<!tpu.dma_semaphore, #tpu.memory_space<semaphore_mem>>) {add = true}
    %dma_wait3A_90 = arith.constant 0 : i32
    %dma_wait3A_91 = arith.constant 0 : i32
    %dma_wait3A_92 = tpu.memref_slice %arg2[%dma_wait3A_90, %dma_wait3A_91] : memref<10000x128xf32, #tpu.memory_space<hbm>> -> memref<80x128xf32, #tpu.memory_space<hbm>>
    %dma_wait3A_93 = arith.constant 0 : i32
    %dma_wait3A_94 = arith.constant 0 : i32
    %dma_wait3A_95 = tpu.memref_slice %arg2[%dma_wait3A_93, %dma_wait3A_94] : memref<10000x128xf32, #tpu.memory_space<hbm>> -> memref<80x128xf32, #tpu.memory_space<hbm>>
    tpu.wait_dma2 semaphore(%arg24 : memref<!tpu.dma_semaphore, #tpu.memory_space<semaphore_mem>>) src(%dma_wait3A_95 : memref<80x128xf32, #tpu.memory_space<hbm>>) dst(%arg15 : memref<80x128xf32, #tpu.memory_space<vmem>>)
    %dma_wait3A_96 = arith.constant 0 : i32
    %dma_wait3A_97 = arith.constant 0 : i32
    %dma_wait3A_98 = tpu.memref_slice %arg2[%dma_wait3A_96, %dma_wait3A_97] : memref<10000x128xf32, #tpu.memory_space<hbm>> -> memref<80x128xf32, #tpu.memory_space<hbm>>
    %dma_wait3A_99 = arith.constant 0 : i32
    %dma_wait3A_100 = arith.constant 0 : i32
    %dma_wait3A_101 = tpu.memref_slice %arg2[%dma_wait3A_99, %dma_wait3A_100] : memref<10000x128xf32, #tpu.memory_space<hbm>> -> memref<80x128xf32, #tpu.memory_space<hbm>>
    tpu.wait_dma2 semaphore(%arg25 : memref<!tpu.dma_semaphore, #tpu.memory_space<semaphore_mem>>) src(%dma_wait3A_101 : memref<80x128xf32, #tpu.memory_space<hbm>>) dst(%arg16 : memref<80x128xf32, #tpu.memory_space<vmem>>)
    %barrier3A_102 = arith.constant 0 : index
    tpu.barrier barrier_id(%barrier3A_102)
    %scan3A_103 = arith.constant 0 : i32
    %scan3A_104 = arith.constant 0 : i32
    %scan3A_105 = arith.constant 8 : i32
    %scan3A_106 = arith.addi %scan3A_104, %scan3A_105 : i32
    %scan3A_107 = arith.constant 1 : i32
    %scan3A_108 = scf.for %scan3A_110 = %scan3A_104 to %scan3A_106 step %scan3A_107 iter_args(%scan3A_111 = %scan3A_103) -> (i32)  : i32 {
      %mul3A_112 = arith.constant 16 : i32
      %mul3A_113 = arith.muli %scan3A_110, %mul3A_112 : i32
      %add3A_114 = arith.addi %arg1, %mul3A_113 : i32
      %lt3A = arith.constant 125 : i32
      %lt3A_115 = arith.cmpi slt, %add3A_114, %lt3A : i32
      %convert_element_type3A = arith.extui %lt3A_115 : i1 to i32
      %cond3A = arith.constant 0 : i32
      %cond3A_116 = arith.cmpi ne, %convert_element_type3A, %cond3A : i32
      scf.if %cond3A_116 {
        %mul3A_118 = arith.constant 80 : i32
        %mul3A_119 = arith.muli %add3A_114, %mul3A_118 : i32
        %multiple_of3A = tpu.assume_multiple %mul3A_119, 8 : i32
        "tpu.region"() ({
          %run_scoped3A = tpu.sem_alloc : memref<!tpu.dma_semaphore, #tpu.memory_space<semaphore_mem>>
          %dma_start3A_120 = arith.constant 0 : i32
          %dma_start3A_121 = tpu.memref_slice %arg6[%arg0, %multiple_of3A, %dma_start3A_120] : memref<2x10000x128xf32, #tpu.memory_space<hbm>> -> memref<1x80x128xf32, #tpu.memory_space<hbm>>
          %dma_start3A_122 = tpu.memref_squeeze %dma_start3A_121 : memref<1x80x128xf32, #tpu.memory_space<hbm>> -> memref<80x128xf32, #tpu.memory_space<hbm>>
          %dma_start3A_123 = arith.constant 0 : i32
          %dma_start3A_124 = tpu.memref_slice %arg19[%multiple_of3A, %dma_start3A_123] : memref<10000x128xf32, #tpu.memory_space<vmem_shared>> -> memref<80x128xf32, #tpu.memory_space<vmem_shared>>
          tpu.enqueue_dma source(%dma_start3A_124 : memref<80x128xf32, #tpu.memory_space<vmem_shared>>) target(%dma_start3A_122 : memref<80x128xf32, #tpu.memory_space<hbm>>) target_semaphore(%run_scoped3A : memref<!tpu.dma_semaphore, #tpu.memory_space<semaphore_mem>>)
          %dma_wait3A_125 = arith.constant 0 : i32
          %dma_wait3A_126 = tpu.memref_slice %arg6[%arg0, %multiple_of3A, %dma_wait3A_125] : memref<2x10000x128xf32, #tpu.memory_space<hbm>> -> memref<1x80x128xf32, #tpu.memory_space<hbm>>
          %dma_wait3A_127 = tpu.memref_squeeze %dma_wait3A_126 : memref<1x80x128xf32, #tpu.memory_space<hbm>> -> memref<80x128xf32, #tpu.memory_space<hbm>>
          %dma_wait3A_128 = arith.constant 0 : i32
          %dma_wait3A_129 = tpu.memref_slice %arg19[%multiple_of3A, %dma_wait3A_128] : memref<10000x128xf32, #tpu.memory_space<vmem_shared>> -> memref<80x128xf32, #tpu.memory_space<vmem_shared>>
          tpu.wait_dma2 semaphore(%run_scoped3A : memref<!tpu.dma_semaphore, #tpu.memory_space<semaphore_mem>>) src(%dma_wait3A_129 : memref<80x128xf32, #tpu.memory_space<vmem_shared>>) dst(%dma_wait3A_127 : memref<80x128xf32, #tpu.memory_space<hbm>>)
          tpu.yield
        }) : () -> ()
      } else {
      }
      %scan3A_117 = arith.constant 0 : i32
      scf.yield %scan3A_117 : i32
    }
    %scan3A_109 = arith.constant 8 : i32
    return
  }
}

#map = affine_map<(d0, d1) -> (0, 0)>
#map1 = affine_map<(d0, d1) -> (0)>
module attributes {stable_mosaic.version = 14 : i64} {
  func.func @_pass1_body(%arg0: i32, %arg1: i32, %arg2: memref<10000x256xf32, #tpu.memory_space<hbm>>, %arg3: memref<10000x128xf32, #tpu.memory_space<hbm>>, %arg4: memref<320000xi32, #tpu.memory_space<hbm>>, %arg5: memref<320000xi32, #tpu.memory_space<hbm>>, %arg6: memref<320000xf32, #tpu.memory_space<hbm>>, %arg7: memref<320000xf32, #tpu.memory_space<hbm>>, %arg8: memref<10000xi32, #tpu.memory_space<vmem>>, %arg9: memref<10000xi32, #tpu.memory_space<vmem>>, %arg10: memref<96x256xf32, #tpu.memory_space<vmem>>, %arg11: memref<96x256xf32, #tpu.memory_space<vmem>>, %arg12: memref<96x128xf32, #tpu.memory_space<vmem>>, %arg13: memref<96x128xf32, #tpu.memory_space<vmem>>, %arg14: memref<10000xf32, #tpu.memory_space<vmem>>, %arg15: memref<10000xf32, #tpu.memory_space<vmem>>, %arg16: memref<1024xf32, #tpu.memory_space<vmem>>, %arg17: memref<!tpu.dma_semaphore, #tpu.memory_space<semaphore_mem>>, %arg18: memref<!tpu.dma_semaphore, #tpu.memory_space<semaphore_mem>>) attributes {dimension_semantics = [#tpu.dimension_semantics<core_parallel>, #tpu.dimension_semantics<subcore_parallel>], iteration_bounds = array<i64: 2, 16>, scalar_prefetch = 0 : i64, scratch_operands = 11 : i64, tpu.core_type = #tpu.core_type<sc_vector_subcore>, window_params = [{transform_indices = #map}, {transform_indices = #map}, {transform_indices = #map1}, {transform_indices = #map1}, {transform_indices = #map1}, {transform_indices = #map1}]} {
    %mul3A = arith.constant 2 : i32
    %mul3A_0 = arith.muli %arg1, %mul3A : i32
    %add3A = arith.addi %mul3A_0, %arg0 : i32
    %mul3A_1 = arith.constant 10000 : i32
    %mul3A_2 = arith.muli %add3A, %mul3A_1 : i32
    %iota3A = tpu.iota {dimensions = array<i32: 0>} : vector<16xi32>
    %broadcast_in_dim3A = arith.constant 0.000000e+00 : f32
    %broadcast_in_dim3A_3 = vector.broadcast %broadcast_in_dim3A : f32 to vector<16xf32>
    %dma_start3A = tpu.memref_slice %arg4[%mul3A_2] : memref<320000xi32, #tpu.memory_space<hbm>> -> memref<10000xi32, #tpu.memory_space<hbm>>
    %dma_start3A_4 = tpu.memref_slice %arg4[%mul3A_2] : memref<320000xi32, #tpu.memory_space<hbm>> -> memref<10000xi32, #tpu.memory_space<hbm>>
    tpu.enqueue_dma source(%dma_start3A_4 : memref<10000xi32, #tpu.memory_space<hbm>>) target(%arg8 : memref<10000xi32, #tpu.memory_space<vmem>>) target_semaphore(%arg17 : memref<!tpu.dma_semaphore, #tpu.memory_space<semaphore_mem>>)
    %dma_start3A_5 = tpu.memref_slice %arg5[%mul3A_2] : memref<320000xi32, #tpu.memory_space<hbm>> -> memref<10000xi32, #tpu.memory_space<hbm>>
    %dma_start3A_6 = tpu.memref_slice %arg5[%mul3A_2] : memref<320000xi32, #tpu.memory_space<hbm>> -> memref<10000xi32, #tpu.memory_space<hbm>>
    tpu.enqueue_dma source(%dma_start3A_6 : memref<10000xi32, #tpu.memory_space<hbm>>) target(%arg9 : memref<10000xi32, #tpu.memory_space<vmem>>) target_semaphore(%arg17 : memref<!tpu.dma_semaphore, #tpu.memory_space<semaphore_mem>>)
    %scan3A = arith.constant 0 : i32
    %scan3A_7 = arith.constant 0 : i32
    %scan3A_8 = arith.constant 625 : i32
    %scan3A_9 = arith.addi %scan3A_7, %scan3A_8 : i32
    %scan3A_10 = arith.constant 1 : i32
    %scan3A_11 = scf.for %scan3A_448 = %scan3A_7 to %scan3A_9 step %scan3A_10 iter_args(%scan3A_449 = %scan3A) -> (i32)  : i32 {
      %mul3A_450 = arith.constant 16 : i32
      %mul3A_451 = arith.muli %scan3A_448, %mul3A_450 : i32
      %swap3A_452 = arith.index_cast %mul3A_451 : i32 to index
      %swap3A_453 = tpu.vector_load %arg15[%swap3A_452] {strides = array<i32>} : memref<10000xf32, #tpu.memory_space<vmem>>, vector<16xf32>,
      tpu.vector_store %arg15[%swap3A_452], %broadcast_in_dim3A_3 {strides = array<i32>} : memref<10000xf32, #tpu.memory_space<vmem>>, vector<16xf32>,
      %scan3A_454 = arith.constant 0 : i32
      scf.yield %scan3A_454 : i32
    }
    %scan3A_12 = arith.constant 625 : i32
    %dma_wait3A = tpu.memref_slice %arg4[%mul3A_2] : memref<320000xi32, #tpu.memory_space<hbm>> -> memref<10000xi32, #tpu.memory_space<hbm>>
    %dma_wait3A_13 = tpu.memref_slice %arg4[%mul3A_2] : memref<320000xi32, #tpu.memory_space<hbm>> -> memref<10000xi32, #tpu.memory_space<hbm>>
    tpu.wait_dma2 semaphore(%arg17 : memref<!tpu.dma_semaphore, #tpu.memory_space<semaphore_mem>>) src(%dma_wait3A_13 : memref<10000xi32, #tpu.memory_space<hbm>>) dst(%arg8 : memref<10000xi32, #tpu.memory_space<vmem>>)
    %dma_wait3A_14 = tpu.memref_slice %arg5[%mul3A_2] : memref<320000xi32, #tpu.memory_space<hbm>> -> memref<10000xi32, #tpu.memory_space<hbm>>
    %dma_wait3A_15 = tpu.memref_slice %arg5[%mul3A_2] : memref<320000xi32, #tpu.memory_space<hbm>> -> memref<10000xi32, #tpu.memory_space<hbm>>
    tpu.wait_dma2 semaphore(%arg17 : memref<!tpu.dma_semaphore, #tpu.memory_space<semaphore_mem>>) src(%dma_wait3A_15 : memref<10000xi32, #tpu.memory_space<hbm>>) dst(%arg9 : memref<10000xi32, #tpu.memory_space<vmem>>)
    %dma_start3A_16 = arith.constant 0 : i32
    %dma_start3A_17 = tpu.memref_slice %arg8[%dma_start3A_16] : memref<10000xi32, #tpu.memory_space<vmem>> -> memref<96xi32, #tpu.memory_space<vmem>>
    %dma_start3A_18 = arith.constant 0 : i32
    %dma_start3A_19 = arith.constant 0 : i32
    %dma_start3A_20 = tpu.memref_slice %arg2[%dma_start3A_18, %dma_start3A_19] : memref<10000x256xf32, #tpu.memory_space<hbm>> -> memref<10000x256xf32, #tpu.memory_space<hbm>>
    tpu.enqueue_indirect_dma source(%dma_start3A_20 : memref<10000x256xf32, #tpu.memory_space<hbm>>) target(%arg10 : memref<96x256xf32, #tpu.memory_space<vmem>>) offsets(%dma_start3A_17 : memref<96xi32, #tpu.memory_space<vmem>>) semaphore(%arg17 : memref<!tpu.dma_semaphore, #tpu.memory_space<semaphore_mem>>)
    %dma_start3A_21 = arith.constant 0 : i32
    %dma_start3A_22 = tpu.memref_slice %arg9[%dma_start3A_21] : memref<10000xi32, #tpu.memory_space<vmem>> -> memref<96xi32, #tpu.memory_space<vmem>>
    %dma_start3A_23 = arith.constant 0 : i32
    %dma_start3A_24 = arith.constant 0 : i32
    %dma_start3A_25 = tpu.memref_slice %arg3[%dma_start3A_23, %dma_start3A_24] : memref<10000x128xf32, #tpu.memory_space<hbm>> -> memref<10000x128xf32, #tpu.memory_space<hbm>>
    tpu.enqueue_indirect_dma source(%dma_start3A_25 : memref<10000x128xf32, #tpu.memory_space<hbm>>) target(%arg12 : memref<96x128xf32, #tpu.memory_space<vmem>>) offsets(%dma_start3A_22 : memref<96xi32, #tpu.memory_space<vmem>>) semaphore(%arg17 : memref<!tpu.dma_semaphore, #tpu.memory_space<semaphore_mem>>)
    %scan3A_26 = arith.constant 0 : i32
    %scan3A_27 = arith.constant 0 : i32
    %scan3A_28 = arith.constant 52 : i32
    %scan3A_29 = arith.addi %scan3A_27, %scan3A_28 : i32
    %scan3A_30 = arith.constant 1 : i32
    %scan3A_31 = scf.for %scan3A_448 = %scan3A_27 to %scan3A_29 step %scan3A_30 iter_args(%scan3A_449 = %scan3A_26) -> (i32)  : i32 {
      %mul3A_450 = arith.constant 2 : i32
      %mul3A_451 = arith.muli %mul3A_450, %scan3A_448 : i32
      %add3A_452 = arith.constant 1 : i32
      %add3A_453 = arith.addi %mul3A_451, %add3A_452 : i32
      %mul3A_454 = arith.constant 96 : i32
      %mul3A_455 = arith.muli %add3A_453, %mul3A_454 : i32
      %dma_start3A_456 = tpu.memref_slice %arg8[%mul3A_455] : memref<10000xi32, #tpu.memory_space<vmem>> -> memref<96xi32, #tpu.memory_space<vmem>>
      %dma_start3A_457 = arith.constant 0 : i32
      %dma_start3A_458 = arith.constant 0 : i32
      %dma_start3A_459 = tpu.memref_slice %arg2[%dma_start3A_457, %dma_start3A_458] : memref<10000x256xf32, #tpu.memory_space<hbm>> -> memref<10000x256xf32, #tpu.memory_space<hbm>>
      tpu.enqueue_indirect_dma source(%dma_start3A_459 : memref<10000x256xf32, #tpu.memory_space<hbm>>) target(%arg11 : memref<96x256xf32, #tpu.memory_space<vmem>>) offsets(%dma_start3A_456 : memref<96xi32, #tpu.memory_space<vmem>>) semaphore(%arg18 : memref<!tpu.dma_semaphore, #tpu.memory_space<semaphore_mem>>)
      %mul3A_460 = arith.constant 96 : i32
      %mul3A_461 = arith.muli %add3A_453, %mul3A_460 : i32
      %dma_start3A_462 = tpu.memref_slice %arg9[%mul3A_461] : memref<10000xi32, #tpu.memory_space<vmem>> -> memref<96xi32, #tpu.memory_space<vmem>>
      %dma_start3A_463 = arith.constant 0 : i32
      %dma_start3A_464 = arith.constant 0 : i32
      %dma_start3A_465 = tpu.memref_slice %arg3[%dma_start3A_463, %dma_start3A_464] : memref<10000x128xf32, #tpu.memory_space<hbm>> -> memref<10000x128xf32, #tpu.memory_space<hbm>>
      tpu.enqueue_indirect_dma source(%dma_start3A_465 : memref<10000x128xf32, #tpu.memory_space<hbm>>) target(%arg13 : memref<96x128xf32, #tpu.memory_space<vmem>>) offsets(%dma_start3A_462 : memref<96xi32, #tpu.memory_space<vmem>>) semaphore(%arg18 : memref<!tpu.dma_semaphore, #tpu.memory_space<semaphore_mem>>)
      %dma_wait3A_466 = arith.constant 0 : i32
      %dma_wait3A_467 = arith.constant 0 : i32
      %dma_wait3A_468 = tpu.memref_slice %arg2[%dma_wait3A_466, %dma_wait3A_467] : memref<10000x256xf32, #tpu.memory_space<hbm>> -> memref<96x256xf32, #tpu.memory_space<hbm>>
      %dma_wait3A_469 = arith.constant 0 : i32
      %dma_wait3A_470 = arith.constant 0 : i32
      %dma_wait3A_471 = tpu.memref_slice %arg2[%dma_wait3A_469, %dma_wait3A_470] : memref<10000x256xf32, #tpu.memory_space<hbm>> -> memref<96x256xf32, #tpu.memory_space<hbm>>
      tpu.wait_dma2 semaphore(%arg17 : memref<!tpu.dma_semaphore, #tpu.memory_space<semaphore_mem>>) src(%dma_wait3A_471 : memref<96x256xf32, #tpu.memory_space<hbm>>) dst(%arg10 : memref<96x256xf32, #tpu.memory_space<vmem>>)
      %dma_wait3A_472 = arith.constant 0 : i32
      %dma_wait3A_473 = arith.constant 0 : i32
      %dma_wait3A_474 = tpu.memref_slice %arg3[%dma_wait3A_472, %dma_wait3A_473] : memref<10000x128xf32, #tpu.memory_space<hbm>> -> memref<96x128xf32, #tpu.memory_space<hbm>>
      %dma_wait3A_475 = arith.constant 0 : i32
      %dma_wait3A_476 = arith.constant 0 : i32
      %dma_wait3A_477 = tpu.memref_slice %arg3[%dma_wait3A_475, %dma_wait3A_476] : memref<10000x128xf32, #tpu.memory_space<hbm>> -> memref<96x128xf32, #tpu.memory_space<hbm>>
      tpu.wait_dma2 semaphore(%arg17 : memref<!tpu.dma_semaphore, #tpu.memory_space<semaphore_mem>>) src(%dma_wait3A_477 : memref<96x128xf32, #tpu.memory_space<hbm>>) dst(%arg12 : memref<96x128xf32, #tpu.memory_space<vmem>>)
      %scan3A_478 = arith.constant 0 : i32
      %scan3A_479 = arith.constant 0 : i32
      %scan3A_480 = arith.constant 6 : i32
      %scan3A_481 = arith.addi %scan3A_479, %scan3A_480 : i32
      %scan3A_482 = arith.constant 1 : i32
      %scan3A_483 = scf.for %scan3A_509 = %scan3A_479 to %scan3A_481 step %scan3A_482 iter_args(%scan3A_510 = %scan3A_478) -> (i32)  : i32 {
        %mul3A_511 = arith.constant 16 : i32
        %mul3A_512 = arith.muli %scan3A_509, %mul3A_511 : i32
        %mul3A_513 = arith.constant 96 : i32
        %mul3A_514 = arith.muli %mul3A_451, %mul3A_513 : i32
        %mul3A_515 = arith.constant 16 : i32
        %mul3A_516 = arith.muli %scan3A_509, %mul3A_515 : i32
        %add3A_517 = arith.addi %mul3A_514, %mul3A_516 : i32
        %scan3A_518 = arith.constant 0 : i32
        %scan3A_519 = arith.constant 0 : i32
        %scan3A_520 = arith.constant 16 : i32
        %scan3A_521 = arith.addi %scan3A_519, %scan3A_520 : i32
        %scan3A_522 = arith.constant 1 : i32
        %scan3A_523 = scf.for %scan3A_908 = %scan3A_519 to %scan3A_521 step %scan3A_522 iter_args(%scan3A_909 = %scan3A_518) -> (i32)  : i32 {
          %add3A_910 = arith.addi %mul3A_512, %scan3A_908 : i32
          %get3A_911 = arith.index_cast %add3A_910 : i32 to index
          %get3A_912 = arith.constant 0 : index
          %get3A_913 = tpu.vector_load %arg12[%get3A_911, %get3A_912] {strides = array<i32>} : memref<96x128xf32, #tpu.memory_space<vmem>>, vector<16xf32>,
          %get3A_914 = arith.index_cast %add3A_910 : i32 to index
          %get3A_915 = arith.constant 16 : index
          %get3A_916 = tpu.vector_load %arg12[%get3A_914, %get3A_915] {strides = array<i32>} : memref<96x128xf32, #tpu.memory_space<vmem>>, vector<16xf32>,
          %get3A_917 = arith.index_cast %add3A_910 : i32 to index
          %get3A_918 = arith.constant 32 : index
          %get3A_919 = tpu.vector_load %arg12[%get3A_917, %get3A_918] {strides = array<i32>} : memref<96x128xf32, #tpu.memory_space<vmem>>, vector<16xf32>,
          %get3A_920 = arith.index_cast %add3A_910 : i32 to index
          %get3A_921 = arith.constant 48 : index
          %get3A_922 = tpu.vector_load %arg12[%get3A_920, %get3A_921] {strides = array<i32>} : memref<96x128xf32, #tpu.memory_space<vmem>>, vector<16xf32>,
          %get3A_923 = arith.index_cast %add3A_910 : i32 to index
          %get3A_924 = arith.constant 64 : index
          %get3A_925 = tpu.vector_load %arg12[%get3A_923, %get3A_924] {strides = array<i32>} : memref<96x128xf32, #tpu.memory_space<vmem>>, vector<16xf32>,
          %get3A_926 = arith.index_cast %add3A_910 : i32 to index
          %get3A_927 = arith.constant 80 : index
          %get3A_928 = tpu.vector_load %arg12[%get3A_926, %get3A_927] {strides = array<i32>} : memref<96x128xf32, #tpu.memory_space<vmem>>, vector<16xf32>,
          %get3A_929 = arith.index_cast %add3A_910 : i32 to index
          %get3A_930 = arith.constant 96 : index
          %get3A_931 = tpu.vector_load %arg12[%get3A_929, %get3A_930] {strides = array<i32>} : memref<96x128xf32, #tpu.memory_space<vmem>>, vector<16xf32>,
          %get3A_932 = arith.index_cast %add3A_910 : i32 to index
          %get3A_933 = arith.constant 112 : index
          %get3A_934 = tpu.vector_load %arg12[%get3A_932, %get3A_933] {strides = array<i32>} : memref<96x128xf32, #tpu.memory_space<vmem>>, vector<16xf32>,
          %get3A_935 = arith.index_cast %add3A_910 : i32 to index
          %get3A_936 = arith.constant 0 : index
          %get3A_937 = tpu.vector_load %arg10[%get3A_935, %get3A_936] {strides = array<i32>} : memref<96x256xf32, #tpu.memory_space<vmem>>, vector<16xf32>,
          %bitcast3A_938 = vector.bitcast %get3A_937 : vector<16xf32> to vector<32xbf16>
          %unpack3A = tpu.unpack_subelements %bitcast3A_938, 0 {pack_format = #tpu.pack_format<interleaved>} : vector<32xbf16> -> vector<16xf32>
          %unpack3A_939 = tpu.unpack_subelements %bitcast3A_938, 1 {pack_format = #tpu.pack_format<interleaved>} : vector<32xbf16> -> vector<16xf32>
          %mul3A_940 = arith.mulf %unpack3A, %get3A_913 : vector<16xf32>
          %mul3A_941 = arith.mulf %unpack3A_939, %get3A_916 : vector<16xf32>
          %add3A_942 = arith.addf %mul3A_940, %mul3A_941 : vector<16xf32>
          %get3A_943 = arith.index_cast %add3A_910 : i32 to index
          %get3A_944 = arith.constant 16 : index
          %get3A_945 = tpu.vector_load %arg10[%get3A_943, %get3A_944] {strides = array<i32>} : memref<96x256xf32, #tpu.memory_space<vmem>>, vector<16xf32>,
          %bitcast3A_946 = vector.bitcast %get3A_945 : vector<16xf32> to vector<32xbf16>
          %unpack3A_947 = tpu.unpack_subelements %bitcast3A_946, 0 {pack_format = #tpu.pack_format<interleaved>} : vector<32xbf16> -> vector<16xf32>
          %unpack3A_948 = tpu.unpack_subelements %bitcast3A_946, 1 {pack_format = #tpu.pack_format<interleaved>} : vector<32xbf16> -> vector<16xf32>
          %mul3A_949 = arith.mulf %unpack3A_947, %get3A_919 : vector<16xf32>
          %mul3A_950 = arith.mulf %unpack3A_948, %get3A_922 : vector<16xf32>
          %add3A_951 = arith.addf %mul3A_949, %mul3A_950 : vector<16xf32>
          %add3A_952 = arith.addf %add3A_942, %add3A_951 : vector<16xf32>
          %get3A_953 = arith.index_cast %add3A_910 : i32 to index
          %get3A_954 = arith.constant 32 : index
          %get3A_955 = tpu.vector_load %arg10[%get3A_953, %get3A_954] {strides = array<i32>} : memref<96x256xf32, #tpu.memory_space<vmem>>, vector<16xf32>,
          %bitcast3A_956 = vector.bitcast %get3A_955 : vector<16xf32> to vector<32xbf16>
          %unpack3A_957 = tpu.unpack_subelements %bitcast3A_956, 0 {pack_format = #tpu.pack_format<interleaved>} : vector<32xbf16> -> vector<16xf32>
          %unpack3A_958 = tpu.unpack_subelements %bitcast3A_956, 1 {pack_format = #tpu.pack_format<interleaved>} : vector<32xbf16> -> vector<16xf32>
          %mul3A_959 = arith.mulf %unpack3A_957, %get3A_925 : vector<16xf32>
          %mul3A_960 = arith.mulf %unpack3A_958, %get3A_928 : vector<16xf32>
          %add3A_961 = arith.addf %mul3A_959, %mul3A_960 : vector<16xf32>
          %add3A_962 = arith.addf %add3A_952, %add3A_961 : vector<16xf32>
          %get3A_963 = arith.index_cast %add3A_910 : i32 to index
          %get3A_964 = arith.constant 48 : index
          %get3A_965 = tpu.vector_load %arg10[%get3A_963, %get3A_964] {strides = array<i32>} : memref<96x256xf32, #tpu.memory_space<vmem>>, vector<16xf32>,
          %bitcast3A_966 = vector.bitcast %get3A_965 : vector<16xf32> to vector<32xbf16>
          %unpack3A_967 = tpu.unpack_subelements %bitcast3A_966, 0 {pack_format = #tpu.pack_format<interleaved>} : vector<32xbf16> -> vector<16xf32>
          %unpack3A_968 = tpu.unpack_subelements %bitcast3A_966, 1 {pack_format = #tpu.pack_format<interleaved>} : vector<32xbf16> -> vector<16xf32>
          %mul3A_969 = arith.mulf %unpack3A_967, %get3A_931 : vector<16xf32>
          %mul3A_970 = arith.mulf %unpack3A_968, %get3A_934 : vector<16xf32>
          %add3A_971 = arith.addf %mul3A_969, %mul3A_970 : vector<16xf32>
          %add3A_972 = arith.addf %add3A_962, %add3A_971 : vector<16xf32>
          %add3A_973 = arith.constant 0 : i32
          %add3A_974 = arith.addi %add3A_973, %scan3A_908 : i32
          %mul3A_975 = arith.constant 16 : i32
          %mul3A_976 = arith.muli %add3A_974, %mul3A_975 : i32
          %swap3A_977 = arith.index_cast %mul3A_976 : i32 to index
          %swap3A_978 = tpu.vector_load %arg16[%swap3A_977] {strides = array<i32>} : memref<1024xf32, #tpu.memory_space<vmem>>, vector<16xf32>,
          tpu.vector_store %arg16[%swap3A_977], %add3A_972 {strides = array<i32>} : memref<1024xf32, #tpu.memory_space<vmem>>, vector<16xf32>,
          %get3A_979 = arith.index_cast %add3A_910 : i32 to index
          %get3A_980 = arith.constant 64 : index
          %get3A_981 = tpu.vector_load %arg10[%get3A_979, %get3A_980] {strides = array<i32>} : memref<96x256xf32, #tpu.memory_space<vmem>>, vector<16xf32>,
          %bitcast3A_982 = vector.bitcast %get3A_981 : vector<16xf32> to vector<32xbf16>
          %unpack3A_983 = tpu.unpack_subelements %bitcast3A_982, 0 {pack_format = #tpu.pack_format<interleaved>} : vector<32xbf16> -> vector<16xf32>
          %unpack3A_984 = tpu.unpack_subelements %bitcast3A_982, 1 {pack_format = #tpu.pack_format<interleaved>} : vector<32xbf16> -> vector<16xf32>
          %mul3A_985 = arith.mulf %unpack3A_983, %get3A_913 : vector<16xf32>
          %mul3A_986 = arith.mulf %unpack3A_984, %get3A_916 : vector<16xf32>
          %add3A_987 = arith.addf %mul3A_985, %mul3A_986 : vector<16xf32>
          %get3A_988 = arith.index_cast %add3A_910 : i32 to index
          %get3A_989 = arith.constant 80 : index
          %get3A_990 = tpu.vector_load %arg10[%get3A_988, %get3A_989] {strides = array<i32>} : memref<96x256xf32, #tpu.memory_space<vmem>>, vector<16xf32>,
          %bitcast3A_991 = vector.bitcast %get3A_990 : vector<16xf32> to vector<32xbf16>
          %unpack3A_992 = tpu.unpack_subelements %bitcast3A_991, 0 {pack_format = #tpu.pack_format<interleaved>} : vector<32xbf16> -> vector<16xf32>
          %unpack3A_993 = tpu.unpack_subelements %bitcast3A_991, 1 {pack_format = #tpu.pack_format<interleaved>} : vector<32xbf16> -> vector<16xf32>
          %mul3A_994 = arith.mulf %unpack3A_992, %get3A_919 : vector<16xf32>
          %mul3A_995 = arith.mulf %unpack3A_993, %get3A_922 : vector<16xf32>
          %add3A_996 = arith.addf %mul3A_994, %mul3A_995 : vector<16xf32>
          %add3A_997 = arith.addf %add3A_987, %add3A_996 : vector<16xf32>
          %get3A_998 = arith.index_cast %add3A_910 : i32 to index
          %get3A_999 = arith.constant 96 : index
          %get3A_1000 = tpu.vector_load %arg10[%get3A_998, %get3A_999] {strides = array<i32>} : memref<96x256xf32, #tpu.memory_space<vmem>>, vector<16xf32>,
          %bitcast3A_1001 = vector.bitcast %get3A_1000 : vector<16xf32> to vector<32xbf16>
          %unpack3A_1002 = tpu.unpack_subelements %bitcast3A_1001, 0 {pack_format = #tpu.pack_format<interleaved>} : vector<32xbf16> -> vector<16xf32>
          %unpack3A_1003 = tpu.unpack_subelements %bitcast3A_1001, 1 {pack_format = #tpu.pack_format<interleaved>} : vector<32xbf16> -> vector<16xf32>
          %mul3A_1004 = arith.mulf %unpack3A_1002, %get3A_925 : vector<16xf32>
          %mul3A_1005 = arith.mulf %unpack3A_1003, %get3A_928 : vector<16xf32>
          %add3A_1006 = arith.addf %mul3A_1004, %mul3A_1005 : vector<16xf32>
          %add3A_1007 = arith.addf %add3A_997, %add3A_1006 : vector<16xf32>
          %get3A_1008 = arith.index_cast %add3A_910 : i32 to index
          %get3A_1009 = arith.constant 112 : index
          %get3A_1010 = tpu.vector_load %arg10[%get3A_1008, %get3A_1009] {strides = array<i32>} : memref<96x256xf32, #tpu.memory_space<vmem>>, vector<16xf32>,
          %bitcast3A_1011 = vector.bitcast %get3A_1010 : vector<16xf32> to vector<32xbf16>
          %unpack3A_1012 = tpu.unpack_subelements %bitcast3A_1011, 0 {pack_format = #tpu.pack_format<interleaved>} : vector<32xbf16> -> vector<16xf32>
          %unpack3A_1013 = tpu.unpack_subelements %bitcast3A_1011, 1 {pack_format = #tpu.pack_format<interleaved>} : vector<32xbf16> -> vector<16xf32>
          %mul3A_1014 = arith.mulf %unpack3A_1012, %get3A_931 : vector<16xf32>
          %mul3A_1015 = arith.mulf %unpack3A_1013, %get3A_934 : vector<16xf32>
          %add3A_1016 = arith.addf %mul3A_1014, %mul3A_1015 : vector<16xf32>
          %add3A_1017 = arith.addf %add3A_1007, %add3A_1016 : vector<16xf32>
          %add3A_1018 = arith.constant 16 : i32
          %add3A_1019 = arith.addi %add3A_1018, %scan3A_908 : i32
          %mul3A_1020 = arith.constant 16 : i32
          %mul3A_1021 = arith.muli %add3A_1019, %mul3A_1020 : i32
          %swap3A_1022 = arith.index_cast %mul3A_1021 : i32 to index
          %swap3A_1023 = tpu.vector_load %arg16[%swap3A_1022] {strides = array<i32>} : memref<1024xf32, #tpu.memory_space<vmem>>, vector<16xf32>,
          tpu.vector_store %arg16[%swap3A_1022], %add3A_1017 {strides = array<i32>} : memref<1024xf32, #tpu.memory_space<vmem>>, vector<16xf32>,
          %get3A_1024 = arith.index_cast %add3A_910 : i32 to index
          %get3A_1025 = arith.constant 128 : index
          %get3A_1026 = tpu.vector_load %arg10[%get3A_1024, %get3A_1025] {strides = array<i32>} : memref<96x256xf32, #tpu.memory_space<vmem>>, vector<16xf32>,
          %bitcast3A_1027 = vector.bitcast %get3A_1026 : vector<16xf32> to vector<32xbf16>
          %unpack3A_1028 = tpu.unpack_subelements %bitcast3A_1027, 0 {pack_format = #tpu.pack_format<interleaved>} : vector<32xbf16> -> vector<16xf32>
          %unpack3A_1029 = tpu.unpack_subelements %bitcast3A_1027, 1 {pack_format = #tpu.pack_format<interleaved>} : vector<32xbf16> -> vector<16xf32>
          %mul3A_1030 = arith.mulf %unpack3A_1028, %get3A_913 : vector<16xf32>
          %mul3A_1031 = arith.mulf %unpack3A_1029, %get3A_916 : vector<16xf32>
          %add3A_1032 = arith.addf %mul3A_1030, %mul3A_1031 : vector<16xf32>
          %get3A_1033 = arith.index_cast %add3A_910 : i32 to index
          %get3A_1034 = arith.constant 144 : index
          %get3A_1035 = tpu.vector_load %arg10[%get3A_1033, %get3A_1034] {strides = array<i32>} : memref<96x256xf32, #tpu.memory_space<vmem>>, vector<16xf32>,
          %bitcast3A_1036 = vector.bitcast %get3A_1035 : vector<16xf32> to vector<32xbf16>
          %unpack3A_1037 = tpu.unpack_subelements %bitcast3A_1036, 0 {pack_format = #tpu.pack_format<interleaved>} : vector<32xbf16> -> vector<16xf32>
          %unpack3A_1038 = tpu.unpack_subelements %bitcast3A_1036, 1 {pack_format = #tpu.pack_format<interleaved>} : vector<32xbf16> -> vector<16xf32>
          %mul3A_1039 = arith.mulf %unpack3A_1037, %get3A_919 : vector<16xf32>
          %mul3A_1040 = arith.mulf %unpack3A_1038, %get3A_922 : vector<16xf32>
          %add3A_1041 = arith.addf %mul3A_1039, %mul3A_1040 : vector<16xf32>
          %add3A_1042 = arith.addf %add3A_1032, %add3A_1041 : vector<16xf32>
          %get3A_1043 = arith.index_cast %add3A_910 : i32 to index
          %get3A_1044 = arith.constant 160 : index
          %get3A_1045 = tpu.vector_load %arg10[%get3A_1043, %get3A_1044] {strides = array<i32>} : memref<96x256xf32, #tpu.memory_space<vmem>>, vector<16xf32>,
          %bitcast3A_1046 = vector.bitcast %get3A_1045 : vector<16xf32> to vector<32xbf16>
          %unpack3A_1047 = tpu.unpack_subelements %bitcast3A_1046, 0 {pack_format = #tpu.pack_format<interleaved>} : vector<32xbf16> -> vector<16xf32>
          %unpack3A_1048 = tpu.unpack_subelements %bitcast3A_1046, 1 {pack_format = #tpu.pack_format<interleaved>} : vector<32xbf16> -> vector<16xf32>
          %mul3A_1049 = arith.mulf %unpack3A_1047, %get3A_925 : vector<16xf32>
          %mul3A_1050 = arith.mulf %unpack3A_1048, %get3A_928 : vector<16xf32>
          %add3A_1051 = arith.addf %mul3A_1049, %mul3A_1050 : vector<16xf32>
          %add3A_1052 = arith.addf %add3A_1042, %add3A_1051 : vector<16xf32>
          %get3A_1053 = arith.index_cast %add3A_910 : i32 to index
          %get3A_1054 = arith.constant 176 : index
          %get3A_1055 = tpu.vector_load %arg10[%get3A_1053, %get3A_1054] {strides = array<i32>} : memref<96x256xf32, #tpu.memory_space<vmem>>, vector<16xf32>,
          %bitcast3A_1056 = vector.bitcast %get3A_1055 : vector<16xf32> to vector<32xbf16>
          %unpack3A_1057 = tpu.unpack_subelements %bitcast3A_1056, 0 {pack_format = #tpu.pack_format<interleaved>} : vector<32xbf16> -> vector<16xf32>
          %unpack3A_1058 = tpu.unpack_subelements %bitcast3A_1056, 1 {pack_format = #tpu.pack_format<interleaved>} : vector<32xbf16> -> vector<16xf32>
          %mul3A_1059 = arith.mulf %unpack3A_1057, %get3A_931 : vector<16xf32>
          %mul3A_1060 = arith.mulf %unpack3A_1058, %get3A_934 : vector<16xf32>
          %add3A_1061 = arith.addf %mul3A_1059, %mul3A_1060 : vector<16xf32>
          %add3A_1062 = arith.addf %add3A_1052, %add3A_1061 : vector<16xf32>
          %add3A_1063 = arith.constant 32 : i32
          %add3A_1064 = arith.addi %add3A_1063, %scan3A_908 : i32
          %mul3A_1065 = arith.constant 16 : i32
          %mul3A_1066 = arith.muli %add3A_1064, %mul3A_1065 : i32
          %swap3A_1067 = arith.index_cast %mul3A_1066 : i32 to index
          %swap3A_1068 = tpu.vector_load %arg16[%swap3A_1067] {strides = array<i32>} : memref<1024xf32, #tpu.memory_space<vmem>>, vector<16xf32>,
          tpu.vector_store %arg16[%swap3A_1067], %add3A_1062 {strides = array<i32>} : memref<1024xf32, #tpu.memory_space<vmem>>, vector<16xf32>,
          %get3A_1069 = arith.index_cast %add3A_910 : i32 to index
          %get3A_1070 = arith.constant 192 : index
          %get3A_1071 = tpu.vector_load %arg10[%get3A_1069, %get3A_1070] {strides = array<i32>} : memref<96x256xf32, #tpu.memory_space<vmem>>, vector<16xf32>,
          %bitcast3A_1072 = vector.bitcast %get3A_1071 : vector<16xf32> to vector<32xbf16>
          %unpack3A_1073 = tpu.unpack_subelements %bitcast3A_1072, 0 {pack_format = #tpu.pack_format<interleaved>} : vector<32xbf16> -> vector<16xf32>
          %unpack3A_1074 = tpu.unpack_subelements %bitcast3A_1072, 1 {pack_format = #tpu.pack_format<interleaved>} : vector<32xbf16> -> vector<16xf32>
          %mul3A_1075 = arith.mulf %unpack3A_1073, %get3A_913 : vector<16xf32>
          %mul3A_1076 = arith.mulf %unpack3A_1074, %get3A_916 : vector<16xf32>
          %add3A_1077 = arith.addf %mul3A_1075, %mul3A_1076 : vector<16xf32>
          %get3A_1078 = arith.index_cast %add3A_910 : i32 to index
          %get3A_1079 = arith.constant 208 : index
          %get3A_1080 = tpu.vector_load %arg10[%get3A_1078, %get3A_1079] {strides = array<i32>} : memref<96x256xf32, #tpu.memory_space<vmem>>, vector<16xf32>,
          %bitcast3A_1081 = vector.bitcast %get3A_1080 : vector<16xf32> to vector<32xbf16>
          %unpack3A_1082 = tpu.unpack_subelements %bitcast3A_1081, 0 {pack_format = #tpu.pack_format<interleaved>} : vector<32xbf16> -> vector<16xf32>
          %unpack3A_1083 = tpu.unpack_subelements %bitcast3A_1081, 1 {pack_format = #tpu.pack_format<interleaved>} : vector<32xbf16> -> vector<16xf32>
          %mul3A_1084 = arith.mulf %unpack3A_1082, %get3A_919 : vector<16xf32>
          %mul3A_1085 = arith.mulf %unpack3A_1083, %get3A_922 : vector<16xf32>
          %add3A_1086 = arith.addf %mul3A_1084, %mul3A_1085 : vector<16xf32>
          %add3A_1087 = arith.addf %add3A_1077, %add3A_1086 : vector<16xf32>
          %get3A_1088 = arith.index_cast %add3A_910 : i32 to index
          %get3A_1089 = arith.constant 224 : index
          %get3A_1090 = tpu.vector_load %arg10[%get3A_1088, %get3A_1089] {strides = array<i32>} : memref<96x256xf32, #tpu.memory_space<vmem>>, vector<16xf32>,
          %bitcast3A_1091 = vector.bitcast %get3A_1090 : vector<16xf32> to vector<32xbf16>
          %unpack3A_1092 = tpu.unpack_subelements %bitcast3A_1091, 0 {pack_format = #tpu.pack_format<interleaved>} : vector<32xbf16> -> vector<16xf32>
          %unpack3A_1093 = tpu.unpack_subelements %bitcast3A_1091, 1 {pack_format = #tpu.pack_format<interleaved>} : vector<32xbf16> -> vector<16xf32>
          %mul3A_1094 = arith.mulf %unpack3A_1092, %get3A_925 : vector<16xf32>
          %mul3A_1095 = arith.mulf %unpack3A_1093, %get3A_928 : vector<16xf32>
          %add3A_1096 = arith.addf %mul3A_1094, %mul3A_1095 : vector<16xf32>
          %add3A_1097 = arith.addf %add3A_1087, %add3A_1096 : vector<16xf32>
          %get3A_1098 = arith.index_cast %add3A_910 : i32 to index
          %get3A_1099 = arith.constant 240 : index
          %get3A_1100 = tpu.vector_load %arg10[%get3A_1098, %get3A_1099] {strides = array<i32>} : memref<96x256xf32, #tpu.memory_space<vmem>>, vector<16xf32>,
          %bitcast3A_1101 = vector.bitcast %get3A_1100 : vector<16xf32> to vector<32xbf16>
          %unpack3A_1102 = tpu.unpack_subelements %bitcast3A_1101, 0 {pack_format = #tpu.pack_format<interleaved>} : vector<32xbf16> -> vector<16xf32>
          %unpack3A_1103 = tpu.unpack_subelements %bitcast3A_1101, 1 {pack_format = #tpu.pack_format<interleaved>} : vector<32xbf16> -> vector<16xf32>
          %mul3A_1104 = arith.mulf %unpack3A_1102, %get3A_931 : vector<16xf32>
          %mul3A_1105 = arith.mulf %unpack3A_1103, %get3A_934 : vector<16xf32>
          %add3A_1106 = arith.addf %mul3A_1104, %mul3A_1105 : vector<16xf32>
          %add3A_1107 = arith.addf %add3A_1097, %add3A_1106 : vector<16xf32>
          %add3A_1108 = arith.constant 48 : i32
          %add3A_1109 = arith.addi %add3A_1108, %scan3A_908 : i32
          %mul3A_1110 = arith.constant 16 : i32
          %mul3A_1111 = arith.muli %add3A_1109, %mul3A_1110 : i32
          %swap3A_1112 = arith.index_cast %mul3A_1111 : i32 to index
          %swap3A_1113 = tpu.vector_load %arg16[%swap3A_1112] {strides = array<i32>} : memref<1024xf32, #tpu.memory_space<vmem>>, vector<16xf32>,
          tpu.vector_store %arg16[%swap3A_1112], %add3A_1107 {strides = array<i32>} : memref<1024xf32, #tpu.memory_space<vmem>>, vector<16xf32>,
          %scan3A_1114 = arith.constant 0 : i32
          scf.yield %scan3A_1114 : i32
        }
        %scan3A_524 = arith.constant 16 : i32
        %add3A_525 = arith.constant 0 : i32
        %add3A_526 = vector.broadcast %add3A_525 : i32 to vector<16xi32>
        %add3A_527 = arith.addi %add3A_526, %iota3A : vector<16xi32>
        %mul3A_528 = arith.constant 16 : i32
        %mul3A_529 = vector.broadcast %mul3A_528 : i32 to vector<16xi32>
        %mul3A_530 = arith.muli %add3A_527, %mul3A_529 : vector<16xi32>
        %gather3A_531 = tpu.vector_load_idx %arg16[%mul3A_530] : memref<1024xf32, #tpu.memory_space<vmem>>[vector<16xi32>], vector<16xf32>,
        %add3A_532 = arith.constant 1 : i32
        %add3A_533 = vector.broadcast %add3A_532 : i32 to vector<16xi32>
        %add3A_534 = arith.addi %mul3A_530, %add3A_533 : vector<16xi32>
        %gather3A_535 = tpu.vector_load_idx %arg16[%add3A_534] : memref<1024xf32, #tpu.memory_space<vmem>>[vector<16xi32>], vector<16xf32>,
        %add3A_536 = arith.addf %gather3A_531, %gather3A_535 : vector<16xf32>
        %add3A_537 = arith.constant 2 : i32
        %add3A_538 = vector.broadcast %add3A_537 : i32 to vector<16xi32>
        %add3A_539 = arith.addi %mul3A_530, %add3A_538 : vector<16xi32>
        %gather3A_540 = tpu.vector_load_idx %arg16[%add3A_539] : memref<1024xf32, #tpu.memory_space<vmem>>[vector<16xi32>], vector<16xf32>,
        %add3A_541 = arith.addf %add3A_536, %gather3A_540 : vector<16xf32>
        %add3A_542 = arith.constant 3 : i32
        %add3A_543 = vector.broadcast %add3A_542 : i32 to vector<16xi32>
        %add3A_544 = arith.addi %mul3A_530, %add3A_543 : vector<16xi32>
        %gather3A_545 = tpu.vector_load_idx %arg16[%add3A_544] : memref<1024xf32, #tpu.memory_space<vmem>>[vector<16xi32>], vector<16xf32>,
        %add3A_546 = arith.addf %add3A_541, %gather3A_545 : vector<16xf32>
        %add3A_547 = arith.constant 4 : i32
        %add3A_548 = vector.broadcast %add3A_547 : i32 to vector<16xi32>
        %add3A_549 = arith.addi %mul3A_530, %add3A_548 : vector<16xi32>
        %gather3A_550 = tpu.vector_load_idx %arg16[%add3A_549] : memref<1024xf32, #tpu.memory_space<vmem>>[vector<16xi32>], vector<16xf32>,
        %add3A_551 = arith.addf %add3A_546, %gather3A_550 : vector<16xf32>
        %add3A_552 = arith.constant 5 : i32
        %add3A_553 = vector.broadcast %add3A_552 : i32 to vector<16xi32>
        %add3A_554 = arith.addi %mul3A_530, %add3A_553 : vector<16xi32>
        %gather3A_555 = tpu.vector_load_idx %arg16[%add3A_554] : memref<1024xf32, #tpu.memory_space<vmem>>[vector<16xi32>], vector<16xf32>,
        %add3A_556 = arith.addf %add3A_551, %gather3A_555 : vector<16xf32>
        %add3A_557 = arith.constant 6 : i32
        %add3A_558 = vector.broadcast %add3A_557 : i32 to vector<16xi32>
        %add3A_559 = arith.addi %mul3A_530, %add3A_558 : vector<16xi32>
        %gather3A_560 = tpu.vector_load_idx %arg16[%add3A_559] : memref<1024xf32, #tpu.memory_space<vmem>>[vector<16xi32>], vector<16xf32>,
        %add3A_561 = arith.addf %add3A_556, %gather3A_560 : vector<16xf32>
        %add3A_562 = arith.constant 7 : i32
        %add3A_563 = vector.broadcast %add3A_562 : i32 to vector<16xi32>
        %add3A_564 = arith.addi %mul3A_530, %add3A_563 : vector<16xi32>
        %gather3A_565 = tpu.vector_load_idx %arg16[%add3A_564] : memref<1024xf32, #tpu.memory_space<vmem>>[vector<16xi32>], vector<16xf32>,
        %add3A_566 = arith.addf %add3A_561, %gather3A_565 : vector<16xf32>
        %add3A_567 = arith.constant 8 : i32
        %add3A_568 = vector.broadcast %add3A_567 : i32 to vector<16xi32>
        %add3A_569 = arith.addi %mul3A_530, %add3A_568 : vector<16xi32>
        %gather3A_570 = tpu.vector_load_idx %arg16[%add3A_569] : memref<1024xf32, #tpu.memory_space<vmem>>[vector<16xi32>], vector<16xf32>,
        %add3A_571 = arith.addf %add3A_566, %gather3A_570 : vector<16xf32>
        %add3A_572 = arith.constant 9 : i32
        %add3A_573 = vector.broadcast %add3A_572 : i32 to vector<16xi32>
        %add3A_574 = arith.addi %mul3A_530, %add3A_573 : vector<16xi32>
        %gather3A_575 = tpu.vector_load_idx %arg16[%add3A_574] : memref<1024xf32, #tpu.memory_space<vmem>>[vector<16xi32>], vector<16xf32>,
        %add3A_576 = arith.addf %add3A_571, %gather3A_575 : vector<16xf32>
        %add3A_577 = arith.constant 10 : i32
        %add3A_578 = vector.broadcast %add3A_577 : i32 to vector<16xi32>
        %add3A_579 = arith.addi %mul3A_530, %add3A_578 : vector<16xi32>
        %gather3A_580 = tpu.vector_load_idx %arg16[%add3A_579] : memref<1024xf32, #tpu.memory_space<vmem>>[vector<16xi32>], vector<16xf32>,
        %add3A_581 = arith.addf %add3A_576, %gather3A_580 : vector<16xf32>
        %add3A_582 = arith.constant 11 : i32
        %add3A_583 = vector.broadcast %add3A_582 : i32 to vector<16xi32>
        %add3A_584 = arith.addi %mul3A_530, %add3A_583 : vector<16xi32>
        %gather3A_585 = tpu.vector_load_idx %arg16[%add3A_584] : memref<1024xf32, #tpu.memory_space<vmem>>[vector<16xi32>], vector<16xf32>,
        %add3A_586 = arith.addf %add3A_581, %gather3A_585 : vector<16xf32>
        %add3A_587 = arith.constant 12 : i32
        %add3A_588 = vector.broadcast %add3A_587 : i32 to vector<16xi32>
        %add3A_589 = arith.addi %mul3A_530, %add3A_588 : vector<16xi32>
        %gather3A_590 = tpu.vector_load_idx %arg16[%add3A_589] : memref<1024xf32, #tpu.memory_space<vmem>>[vector<16xi32>], vector<16xf32>,
        %add3A_591 = arith.addf %add3A_586, %gather3A_590 : vector<16xf32>
        %add3A_592 = arith.constant 13 : i32
        %add3A_593 = vector.broadcast %add3A_592 : i32 to vector<16xi32>
        %add3A_594 = arith.addi %mul3A_530, %add3A_593 : vector<16xi32>
        %gather3A_595 = tpu.vector_load_idx %arg16[%add3A_594] : memref<1024xf32, #tpu.memory_space<vmem>>[vector<16xi32>], vector<16xf32>,
        %add3A_596 = arith.addf %add3A_591, %gather3A_595 : vector<16xf32>
        %add3A_597 = arith.constant 14 : i32
        %add3A_598 = vector.broadcast %add3A_597 : i32 to vector<16xi32>
        %add3A_599 = arith.addi %mul3A_530, %add3A_598 : vector<16xi32>
        %gather3A_600 = tpu.vector_load_idx %arg16[%add3A_599] : memref<1024xf32, #tpu.memory_space<vmem>>[vector<16xi32>], vector<16xf32>,
        %add3A_601 = arith.addf %add3A_596, %gather3A_600 : vector<16xf32>
        %add3A_602 = arith.constant 15 : i32
        %add3A_603 = vector.broadcast %add3A_602 : i32 to vector<16xi32>
        %add3A_604 = arith.addi %mul3A_530, %add3A_603 : vector<16xi32>
        %gather3A_605 = tpu.vector_load_idx %arg16[%add3A_604] : memref<1024xf32, #tpu.memory_space<vmem>>[vector<16xi32>], vector<16xf32>,
        %add3A_606 = arith.addf %add3A_601, %gather3A_605 : vector<16xf32>
        %exp3A_607 = math.exp %add3A_606 : vector<16xf32>
        %add3A_608 = arith.addf %broadcast_in_dim3A_3, %exp3A_607 : vector<16xf32>
        %add3A_609 = arith.constant 16 : i32
        %add3A_610 = vector.broadcast %add3A_609 : i32 to vector<16xi32>
        %add3A_611 = arith.addi %add3A_610, %iota3A : vector<16xi32>
        %mul3A_612 = arith.constant 16 : i32
        %mul3A_613 = vector.broadcast %mul3A_612 : i32 to vector<16xi32>
        %mul3A_614 = arith.muli %add3A_611, %mul3A_613 : vector<16xi32>
        %gather3A_615 = tpu.vector_load_idx %arg16[%mul3A_614] : memref<1024xf32, #tpu.memory_space<vmem>>[vector<16xi32>], vector<16xf32>,
        %add3A_616 = arith.constant 1 : i32
        %add3A_617 = vector.broadcast %add3A_616 : i32 to vector<16xi32>
        %add3A_618 = arith.addi %mul3A_614, %add3A_617 : vector<16xi32>
        %gather3A_619 = tpu.vector_load_idx %arg16[%add3A_618] : memref<1024xf32, #tpu.memory_space<vmem>>[vector<16xi32>], vector<16xf32>,
        %add3A_620 = arith.addf %gather3A_615, %gather3A_619 : vector<16xf32>
        %add3A_621 = arith.constant 2 : i32
        %add3A_622 = vector.broadcast %add3A_621 : i32 to vector<16xi32>
        %add3A_623 = arith.addi %mul3A_614, %add3A_622 : vector<16xi32>
        %gather3A_624 = tpu.vector_load_idx %arg16[%add3A_623] : memref<1024xf32, #tpu.memory_space<vmem>>[vector<16xi32>], vector<16xf32>,
        %add3A_625 = arith.addf %add3A_620, %gather3A_624 : vector<16xf32>
        %add3A_626 = arith.constant 3 : i32
        %add3A_627 = vector.broadcast %add3A_626 : i32 to vector<16xi32>
        %add3A_628 = arith.addi %mul3A_614, %add3A_627 : vector<16xi32>
        %gather3A_629 = tpu.vector_load_idx %arg16[%add3A_628] : memref<1024xf32, #tpu.memory_space<vmem>>[vector<16xi32>], vector<16xf32>,
        %add3A_630 = arith.addf %add3A_625, %gather3A_629 : vector<16xf32>
        %add3A_631 = arith.constant 4 : i32
        %add3A_632 = vector.broadcast %add3A_631 : i32 to vector<16xi32>
        %add3A_633 = arith.addi %mul3A_614, %add3A_632 : vector<16xi32>
        %gather3A_634 = tpu.vector_load_idx %arg16[%add3A_633] : memref<1024xf32, #tpu.memory_space<vmem>>[vector<16xi32>], vector<16xf32>,
        %add3A_635 = arith.addf %add3A_630, %gather3A_634 : vector<16xf32>
        %add3A_636 = arith.constant 5 : i32
        %add3A_637 = vector.broadcast %add3A_636 : i32 to vector<16xi32>
        %add3A_638 = arith.addi %mul3A_614, %add3A_637 : vector<16xi32>
        %gather3A_639 = tpu.vector_load_idx %arg16[%add3A_638] : memref<1024xf32, #tpu.memory_space<vmem>>[vector<16xi32>], vector<16xf32>,
        %add3A_640 = arith.addf %add3A_635, %gather3A_639 : vector<16xf32>
        %add3A_641 = arith.constant 6 : i32
        %add3A_642 = vector.broadcast %add3A_641 : i32 to vector<16xi32>
        %add3A_643 = arith.addi %mul3A_614, %add3A_642 : vector<16xi32>
        %gather3A_644 = tpu.vector_load_idx %arg16[%add3A_643] : memref<1024xf32, #tpu.memory_space<vmem>>[vector<16xi32>], vector<16xf32>,
        %add3A_645 = arith.addf %add3A_640, %gather3A_644 : vector<16xf32>
        %add3A_646 = arith.constant 7 : i32
        %add3A_647 = vector.broadcast %add3A_646 : i32 to vector<16xi32>
        %add3A_648 = arith.addi %mul3A_614, %add3A_647 : vector<16xi32>
        %gather3A_649 = tpu.vector_load_idx %arg16[%add3A_648] : memref<1024xf32, #tpu.memory_space<vmem>>[vector<16xi32>], vector<16xf32>,
        %add3A_650 = arith.addf %add3A_645, %gather3A_649 : vector<16xf32>
        %add3A_651 = arith.constant 8 : i32
        %add3A_652 = vector.broadcast %add3A_651 : i32 to vector<16xi32>
        %add3A_653 = arith.addi %mul3A_614, %add3A_652 : vector<16xi32>
        %gather3A_654 = tpu.vector_load_idx %arg16[%add3A_653] : memref<1024xf32, #tpu.memory_space<vmem>>[vector<16xi32>], vector<16xf32>,
        %add3A_655 = arith.addf %add3A_650, %gather3A_654 : vector<16xf32>
        %add3A_656 = arith.constant 9 : i32
        %add3A_657 = vector.broadcast %add3A_656 : i32 to vector<16xi32>
        %add3A_658 = arith.addi %mul3A_614, %add3A_657 : vector<16xi32>
        %gather3A_659 = tpu.vector_load_idx %arg16[%add3A_658] : memref<1024xf32, #tpu.memory_space<vmem>>[vector<16xi32>], vector<16xf32>,
        %add3A_660 = arith.addf %add3A_655, %gather3A_659 : vector<16xf32>
        %add3A_661 = arith.constant 10 : i32
        %add3A_662 = vector.broadcast %add3A_661 : i32 to vector<16xi32>
        %add3A_663 = arith.addi %mul3A_614, %add3A_662 : vector<16xi32>
        %gather3A_664 = tpu.vector_load_idx %arg16[%add3A_663] : memref<1024xf32, #tpu.memory_space<vmem>>[vector<16xi32>], vector<16xf32>,
        %add3A_665 = arith.addf %add3A_660, %gather3A_664 : vector<16xf32>
        %add3A_666 = arith.constant 11 : i32
        %add3A_667 = vector.broadcast %add3A_666 : i32 to vector<16xi32>
        %add3A_668 = arith.addi %mul3A_614, %add3A_667 : vector<16xi32>
        %gather3A_669 = tpu.vector_load_idx %arg16[%add3A_668] : memref<1024xf32, #tpu.memory_space<vmem>>[vector<16xi32>], vector<16xf32>,
        %add3A_670 = arith.addf %add3A_665, %gather3A_669 : vector<16xf32>
        %add3A_671 = arith.constant 12 : i32
        %add3A_672 = vector.broadcast %add3A_671 : i32 to vector<16xi32>
        %add3A_673 = arith.addi %mul3A_614, %add3A_672 : vector<16xi32>
        %gather3A_674 = tpu.vector_load_idx %arg16[%add3A_673] : memref<1024xf32, #tpu.memory_space<vmem>>[vector<16xi32>], vector<16xf32>,
        %add3A_675 = arith.addf %add3A_670, %gather3A_674 : vector<16xf32>
        %add3A_676 = arith.constant 13 : i32
        %add3A_677 = vector.broadcast %add3A_676 : i32 to vector<16xi32>
        %add3A_678 = arith.addi %mul3A_614, %add3A_677 : vector<16xi32>
        %gather3A_679 = tpu.vector_load_idx %arg16[%add3A_678] : memref<1024xf32, #tpu.memory_space<vmem>>[vector<16xi32>], vector<16xf32>,
        %add3A_680 = arith.addf %add3A_675, %gather3A_679 : vector<16xf32>
        %add3A_681 = arith.constant 14 : i32
        %add3A_682 = vector.broadcast %add3A_681 : i32 to vector<16xi32>
        %add3A_683 = arith.addi %mul3A_614, %add3A_682 : vector<16xi32>
        %gather3A_684 = tpu.vector_load_idx %arg16[%add3A_683] : memref<1024xf32, #tpu.memory_space<vmem>>[vector<16xi32>], vector<16xf32>,
        %add3A_685 = arith.addf %add3A_680, %gather3A_684 : vector<16xf32>
        %add3A_686 = arith.constant 15 : i32
        %add3A_687 = vector.broadcast %add3A_686 : i32 to vector<16xi32>
        %add3A_688 = arith.addi %mul3A_614, %add3A_687 : vector<16xi32>
        %gather3A_689 = tpu.vector_load_idx %arg16[%add3A_688] : memref<1024xf32, #tpu.memory_space<vmem>>[vector<16xi32>], vector<16xf32>,
        %add3A_690 = arith.addf %add3A_685, %gather3A_689 : vector<16xf32>
        %exp3A_691 = math.exp %add3A_690 : vector<16xf32>
        %add3A_692 = arith.addf %add3A_608, %exp3A_691 : vector<16xf32>
        %add3A_693 = arith.constant 32 : i32
        %add3A_694 = vector.broadcast %add3A_693 : i32 to vector<16xi32>
        %add3A_695 = arith.addi %add3A_694, %iota3A : vector<16xi32>
        %mul3A_696 = arith.constant 16 : i32
        %mul3A_697 = vector.broadcast %mul3A_696 : i32 to vector<16xi32>
        %mul3A_698 = arith.muli %add3A_695, %mul3A_697 : vector<16xi32>
        %gather3A_699 = tpu.vector_load_idx %arg16[%mul3A_698] : memref<1024xf32, #tpu.memory_space<vmem>>[vector<16xi32>], vector<16xf32>,
        %add3A_700 = arith.constant 1 : i32
        %add3A_701 = vector.broadcast %add3A_700 : i32 to vector<16xi32>
        %add3A_702 = arith.addi %mul3A_698, %add3A_701 : vector<16xi32>
        %gather3A_703 = tpu.vector_load_idx %arg16[%add3A_702] : memref<1024xf32, #tpu.memory_space<vmem>>[vector<16xi32>], vector<16xf32>,
        %add3A_704 = arith.addf %gather3A_699, %gather3A_703 : vector<16xf32>
        %add3A_705 = arith.constant 2 : i32
        %add3A_706 = vector.broadcast %add3A_705 : i32 to vector<16xi32>
        %add3A_707 = arith.addi %mul3A_698, %add3A_706 : vector<16xi32>
        %gather3A_708 = tpu.vector_load_idx %arg16[%add3A_707] : memref<1024xf32, #tpu.memory_space<vmem>>[vector<16xi32>], vector<16xf32>,
        %add3A_709 = arith.addf %add3A_704, %gather3A_708 : vector<16xf32>
        %add3A_710 = arith.constant 3 : i32
        %add3A_711 = vector.broadcast %add3A_710 : i32 to vector<16xi32>
        %add3A_712 = arith.addi %mul3A_698, %add3A_711 : vector<16xi32>
        %gather3A_713 = tpu.vector_load_idx %arg16[%add3A_712] : memref<1024xf32, #tpu.memory_space<vmem>>[vector<16xi32>], vector<16xf32>,
        %add3A_714 = arith.addf %add3A_709, %gather3A_713 : vector<16xf32>
        %add3A_715 = arith.constant 4 : i32
        %add3A_716 = vector.broadcast %add3A_715 : i32 to vector<16xi32>
        %add3A_717 = arith.addi %mul3A_698, %add3A_716 : vector<16xi32>
        %gather3A_718 = tpu.vector_load_idx %arg16[%add3A_717] : memref<1024xf32, #tpu.memory_space<vmem>>[vector<16xi32>], vector<16xf32>,
        %add3A_719 = arith.addf %add3A_714, %gather3A_718 : vector<16xf32>
        %add3A_720 = arith.constant 5 : i32
        %add3A_721 = vector.broadcast %add3A_720 : i32 to vector<16xi32>
        %add3A_722 = arith.addi %mul3A_698, %add3A_721 : vector<16xi32>
        %gather3A_723 = tpu.vector_load_idx %arg16[%add3A_722] : memref<1024xf32, #tpu.memory_space<vmem>>[vector<16xi32>], vector<16xf32>,
        %add3A_724 = arith.addf %add3A_719, %gather3A_723 : vector<16xf32>
        %add3A_725 = arith.constant 6 : i32
        %add3A_726 = vector.broadcast %add3A_725 : i32 to vector<16xi32>
        %add3A_727 = arith.addi %mul3A_698, %add3A_726 : vector<16xi32>
        %gather3A_728 = tpu.vector_load_idx %arg16[%add3A_727] : memref<1024xf32, #tpu.memory_space<vmem>>[vector<16xi32>], vector<16xf32>,
        %add3A_729 = arith.addf %add3A_724, %gather3A_728 : vector<16xf32>
        %add3A_730 = arith.constant 7 : i32
        %add3A_731 = vector.broadcast %add3A_730 : i32 to vector<16xi32>
        %add3A_732 = arith.addi %mul3A_698, %add3A_731 : vector<16xi32>
        %gather3A_733 = tpu.vector_load_idx %arg16[%add3A_732] : memref<1024xf32, #tpu.memory_space<vmem>>[vector<16xi32>], vector<16xf32>,
        %add3A_734 = arith.addf %add3A_729, %gather3A_733 : vector<16xf32>
        %add3A_735 = arith.constant 8 : i32
        %add3A_736 = vector.broadcast %add3A_735 : i32 to vector<16xi32>
        %add3A_737 = arith.addi %mul3A_698, %add3A_736 : vector<16xi32>
        %gather3A_738 = tpu.vector_load_idx %arg16[%add3A_737] : memref<1024xf32, #tpu.memory_space<vmem>>[vector<16xi32>], vector<16xf32>,
        %add3A_739 = arith.addf %add3A_734, %gather3A_738 : vector<16xf32>
        %add3A_740 = arith.constant 9 : i32
        %add3A_741 = vector.broadcast %add3A_740 : i32 to vector<16xi32>
        %add3A_742 = arith.addi %mul3A_698, %add3A_741 : vector<16xi32>
        %gather3A_743 = tpu.vector_load_idx %arg16[%add3A_742] : memref<1024xf32, #tpu.memory_space<vmem>>[vector<16xi32>], vector<16xf32>,
        %add3A_744 = arith.addf %add3A_739, %gather3A_743 : vector<16xf32>
        %add3A_745 = arith.constant 10 : i32
        %add3A_746 = vector.broadcast %add3A_745 : i32 to vector<16xi32>
        %add3A_747 = arith.addi %mul3A_698, %add3A_746 : vector<16xi32>
        %gather3A_748 = tpu.vector_load_idx %arg16[%add3A_747] : memref<1024xf32, #tpu.memory_space<vmem>>[vector<16xi32>], vector<16xf32>,
        %add3A_749 = arith.addf %add3A_744, %gather3A_748 : vector<16xf32>
        %add3A_750 = arith.constant 11 : i32
        %add3A_751 = vector.broadcast %add3A_750 : i32 to vector<16xi32>
        %add3A_752 = arith.addi %mul3A_698, %add3A_751 : vector<16xi32>
        %gather3A_753 = tpu.vector_load_idx %arg16[%add3A_752] : memref<1024xf32, #tpu.memory_space<vmem>>[vector<16xi32>], vector<16xf32>,
        %add3A_754 = arith.addf %add3A_749, %gather3A_753 : vector<16xf32>
        %add3A_755 = arith.constant 12 : i32
        %add3A_756 = vector.broadcast %add3A_755 : i32 to vector<16xi32>
        %add3A_757 = arith.addi %mul3A_698, %add3A_756 : vector<16xi32>
        %gather3A_758 = tpu.vector_load_idx %arg16[%add3A_757] : memref<1024xf32, #tpu.memory_space<vmem>>[vector<16xi32>], vector<16xf32>,
        %add3A_759 = arith.addf %add3A_754, %gather3A_758 : vector<16xf32>
        %add3A_760 = arith.constant 13 : i32
        %add3A_761 = vector.broadcast %add3A_760 : i32 to vector<16xi32>
        %add3A_762 = arith.addi %mul3A_698, %add3A_761 : vector<16xi32>
        %gather3A_763 = tpu.vector_load_idx %arg16[%add3A_762] : memref<1024xf32, #tpu.memory_space<vmem>>[vector<16xi32>], vector<16xf32>,
        %add3A_764 = arith.addf %add3A_759, %gather3A_763 : vector<16xf32>
        %add3A_765 = arith.constant 14 : i32
        %add3A_766 = vector.broadcast %add3A_765 : i32 to vector<16xi32>
        %add3A_767 = arith.addi %mul3A_698, %add3A_766 : vector<16xi32>
        %gather3A_768 = tpu.vector_load_idx %arg16[%add3A_767] : memref<1024xf32, #tpu.memory_space<vmem>>[vector<16xi32>], vector<16xf32>,
        %add3A_769 = arith.addf %add3A_764, %gather3A_768 : vector<16xf32>
        %add3A_770 = arith.constant 15 : i32
        %add3A_771 = vector.broadcast %add3A_770 : i32 to vector<16xi32>
        %add3A_772 = arith.addi %mul3A_698, %add3A_771 : vector<16xi32>
        %gather3A_773 = tpu.vector_load_idx %arg16[%add3A_772] : memref<1024xf32, #tpu.memory_space<vmem>>[vector<16xi32>], vector<16xf32>,
        %add3A_774 = arith.addf %add3A_769, %gather3A_773 : vector<16xf32>
        %exp3A_775 = math.exp %add3A_774 : vector<16xf32>
        %add3A_776 = arith.addf %add3A_692, %exp3A_775 : vector<16xf32>
        %add3A_777 = arith.constant 48 : i32
        %add3A_778 = vector.broadcast %add3A_777 : i32 to vector<16xi32>
        %add3A_779 = arith.addi %add3A_778, %iota3A : vector<16xi32>
        %mul3A_780 = arith.constant 16 : i32
        %mul3A_781 = vector.broadcast %mul3A_780 : i32 to vector<16xi32>
        %mul3A_782 = arith.muli %add3A_779, %mul3A_781 : vector<16xi32>
        %gather3A_783 = tpu.vector_load_idx %arg16[%mul3A_782] : memref<1024xf32, #tpu.memory_space<vmem>>[vector<16xi32>], vector<16xf32>,
        %add3A_784 = arith.constant 1 : i32
        %add3A_785 = vector.broadcast %add3A_784 : i32 to vector<16xi32>
        %add3A_786 = arith.addi %mul3A_782, %add3A_785 : vector<16xi32>
        %gather3A_787 = tpu.vector_load_idx %arg16[%add3A_786] : memref<1024xf32, #tpu.memory_space<vmem>>[vector<16xi32>], vector<16xf32>,
        %add3A_788 = arith.addf %gather3A_783, %gather3A_787 : vector<16xf32>
        %add3A_789 = arith.constant 2 : i32
        %add3A_790 = vector.broadcast %add3A_789 : i32 to vector<16xi32>
        %add3A_791 = arith.addi %mul3A_782, %add3A_790 : vector<16xi32>
        %gather3A_792 = tpu.vector_load_idx %arg16[%add3A_791] : memref<1024xf32, #tpu.memory_space<vmem>>[vector<16xi32>], vector<16xf32>,
        %add3A_793 = arith.addf %add3A_788, %gather3A_792 : vector<16xf32>
        %add3A_794 = arith.constant 3 : i32
        %add3A_795 = vector.broadcast %add3A_794 : i32 to vector<16xi32>
        %add3A_796 = arith.addi %mul3A_782, %add3A_795 : vector<16xi32>
        %gather3A_797 = tpu.vector_load_idx %arg16[%add3A_796] : memref<1024xf32, #tpu.memory_space<vmem>>[vector<16xi32>], vector<16xf32>,
        %add3A_798 = arith.addf %add3A_793, %gather3A_797 : vector<16xf32>
        %add3A_799 = arith.constant 4 : i32
        %add3A_800 = vector.broadcast %add3A_799 : i32 to vector<16xi32>
        %add3A_801 = arith.addi %mul3A_782, %add3A_800 : vector<16xi32>
        %gather3A_802 = tpu.vector_load_idx %arg16[%add3A_801] : memref<1024xf32, #tpu.memory_space<vmem>>[vector<16xi32>], vector<16xf32>,
        %add3A_803 = arith.addf %add3A_798, %gather3A_802 : vector<16xf32>
        %add3A_804 = arith.constant 5 : i32
        %add3A_805 = vector.broadcast %add3A_804 : i32 to vector<16xi32>
        %add3A_806 = arith.addi %mul3A_782, %add3A_805 : vector<16xi32>
        %gather3A_807 = tpu.vector_load_idx %arg16[%add3A_806] : memref<1024xf32, #tpu.memory_space<vmem>>[vector<16xi32>], vector<16xf32>,
        %add3A_808 = arith.addf %add3A_803, %gather3A_807 : vector<16xf32>
        %add3A_809 = arith.constant 6 : i32
        %add3A_810 = vector.broadcast %add3A_809 : i32 to vector<16xi32>
        %add3A_811 = arith.addi %mul3A_782, %add3A_810 : vector<16xi32>
        %gather3A_812 = tpu.vector_load_idx %arg16[%add3A_811] : memref<1024xf32, #tpu.memory_space<vmem>>[vector<16xi32>], vector<16xf32>,
        %add3A_813 = arith.addf %add3A_808, %gather3A_812 : vector<16xf32>
        %add3A_814 = arith.constant 7 : i32
        %add3A_815 = vector.broadcast %add3A_814 : i32 to vector<16xi32>
        %add3A_816 = arith.addi %mul3A_782, %add3A_815 : vector<16xi32>
        %gather3A_817 = tpu.vector_load_idx %arg16[%add3A_816] : memref<1024xf32, #tpu.memory_space<vmem>>[vector<16xi32>], vector<16xf32>,
        %add3A_818 = arith.addf %add3A_813, %gather3A_817 : vector<16xf32>
        %add3A_819 = arith.constant 8 : i32
        %add3A_820 = vector.broadcast %add3A_819 : i32 to vector<16xi32>
        %add3A_821 = arith.addi %mul3A_782, %add3A_820 : vector<16xi32>
        %gather3A_822 = tpu.vector_load_idx %arg16[%add3A_821] : memref<1024xf32, #tpu.memory_space<vmem>>[vector<16xi32>], vector<16xf32>,
        %add3A_823 = arith.addf %add3A_818, %gather3A_822 : vector<16xf32>
        %add3A_824 = arith.constant 9 : i32
        %add3A_825 = vector.broadcast %add3A_824 : i32 to vector<16xi32>
        %add3A_826 = arith.addi %mul3A_782, %add3A_825 : vector<16xi32>
        %gather3A_827 = tpu.vector_load_idx %arg16[%add3A_826] : memref<1024xf32, #tpu.memory_space<vmem>>[vector<16xi32>], vector<16xf32>,
        %add3A_828 = arith.addf %add3A_823, %gather3A_827 : vector<16xf32>
        %add3A_829 = arith.constant 10 : i32
        %add3A_830 = vector.broadcast %add3A_829 : i32 to vector<16xi32>
        %add3A_831 = arith.addi %mul3A_782, %add3A_830 : vector<16xi32>
        %gather3A_832 = tpu.vector_load_idx %arg16[%add3A_831] : memref<1024xf32, #tpu.memory_space<vmem>>[vector<16xi32>], vector<16xf32>,
        %add3A_833 = arith.addf %add3A_828, %gather3A_832 : vector<16xf32>
        %add3A_834 = arith.constant 11 : i32
        %add3A_835 = vector.broadcast %add3A_834 : i32 to vector<16xi32>
        %add3A_836 = arith.addi %mul3A_782, %add3A_835 : vector<16xi32>
        %gather3A_837 = tpu.vector_load_idx %arg16[%add3A_836] : memref<1024xf32, #tpu.memory_space<vmem>>[vector<16xi32>], vector<16xf32>,
        %add3A_838 = arith.addf %add3A_833, %gather3A_837 : vector<16xf32>
        %add3A_839 = arith.constant 12 : i32
        %add3A_840 = vector.broadcast %add3A_839 : i32 to vector<16xi32>
        %add3A_841 = arith.addi %mul3A_782, %add3A_840 : vector<16xi32>
        %gather3A_842 = tpu.vector_load_idx %arg16[%add3A_841] : memref<1024xf32, #tpu.memory_space<vmem>>[vector<16xi32>], vector<16xf32>,
        %add3A_843 = arith.addf %add3A_838, %gather3A_842 : vector<16xf32>
        %add3A_844 = arith.constant 13 : i32
        %add3A_845 = vector.broadcast %add3A_844 : i32 to vector<16xi32>
        %add3A_846 = arith.addi %mul3A_782, %add3A_845 : vector<16xi32>
        %gather3A_847 = tpu.vector_load_idx %arg16[%add3A_846] : memref<1024xf32, #tpu.memory_space<vmem>>[vector<16xi32>], vector<16xf32>,
        %add3A_848 = arith.addf %add3A_843, %gather3A_847 : vector<16xf32>
        %add3A_849 = arith.constant 14 : i32
        %add3A_850 = vector.broadcast %add3A_849 : i32 to vector<16xi32>
        %add3A_851 = arith.addi %mul3A_782, %add3A_850 : vector<16xi32>
        %gather3A_852 = tpu.vector_load_idx %arg16[%add3A_851] : memref<1024xf32, #tpu.memory_space<vmem>>[vector<16xi32>], vector<16xf32>,
        %add3A_853 = arith.addf %add3A_848, %gather3A_852 : vector<16xf32>
        %add3A_854 = arith.constant 15 : i32
        %add3A_855 = vector.broadcast %add3A_854 : i32 to vector<16xi32>
        %add3A_856 = arith.addi %mul3A_782, %add3A_855 : vector<16xi32>
        %gather3A_857 = tpu.vector_load_idx %arg16[%add3A_856] : memref<1024xf32, #tpu.memory_space<vmem>>[vector<16xi32>], vector<16xf32>,
        %add3A_858 = arith.addf %add3A_853, %gather3A_857 : vector<16xf32>
        %exp3A_859 = math.exp %add3A_858 : vector<16xf32>
        %add3A_860 = arith.addf %add3A_776, %exp3A_859 : vector<16xf32>
        %mul3A_861 = arith.constant 2.500000e-01 : f32
        %mul3A_862 = vector.broadcast %mul3A_861 : f32 to vector<16xf32>
        %mul3A_863 = arith.mulf %add3A_860, %mul3A_862 : vector<16xf32>
        %get3A_864 = arith.index_cast %add3A_517 : i32 to index
        %get3A_865 = tpu.vector_load %arg8[%get3A_864] {strides = array<i32>} : memref<10000xi32, #tpu.memory_space<vmem>>, vector<16xi32>,
        tpu.vector_store_idx %arg15[%get3A_865], %mul3A_863 {add = true} : memref<10000xf32, #tpu.memory_space<vmem>>[vector<16xi32>], vector<16xf32>,
        %max3A_866 = arith.constant 1.000000e-30 : f32
        %max3A_867 = vector.broadcast %max3A_866 : f32 to vector<16xf32>
        %max3A_868 = arith.maximumf %mul3A_863, %max3A_867 : vector<16xf32>
        %broadcast_in_dim3A_869 = arith.constant 1597463007 : i32
        %broadcast_in_dim3A_870 = vector.broadcast %broadcast_in_dim3A_869 : i32 to vector<16xi32>
        %bitcast3A_871 = vector.bitcast %max3A_868 : vector<16xf32> to vector<16xi32>
        %shift_right_arithmetic3A_872 = arith.constant 1 : i32
        %shift_right_arithmetic3A_873 = vector.broadcast %shift_right_arithmetic3A_872 : i32 to vector<16xi32>
        %shift_right_arithmetic3A_874 = arith.shrsi %bitcast3A_871, %shift_right_arithmetic3A_873 : vector<16xi32>
        %sub3A_875 = arith.subi %broadcast_in_dim3A_870, %shift_right_arithmetic3A_874 : vector<16xi32>
        %bitcast3A_876 = vector.bitcast %sub3A_875 : vector<16xi32> to vector<16xf32>
        %mul3A_877 = arith.constant 5.000000e-01 : f32
        %mul3A_878 = vector.broadcast %mul3A_877 : f32 to vector<16xf32>
        %mul3A_879 = arith.mulf %mul3A_878, %max3A_868 : vector<16xf32>
        %mul3A_880 = arith.mulf %mul3A_879, %bitcast3A_876 : vector<16xf32>
        %mul3A_881 = arith.mulf %mul3A_880, %bitcast3A_876 : vector<16xf32>
        %sub3A_882 = arith.constant 1.500000e+00 : f32
        %sub3A_883 = vector.broadcast %sub3A_882 : f32 to vector<16xf32>
        %sub3A_884 = arith.subf %sub3A_883, %mul3A_881 : vector<16xf32>
        %mul3A_885 = arith.mulf %bitcast3A_876, %sub3A_884 : vector<16xf32>
        %mul3A_886 = arith.constant 5.000000e-01 : f32
        %mul3A_887 = vector.broadcast %mul3A_886 : f32 to vector<16xf32>
        %mul3A_888 = arith.mulf %mul3A_887, %max3A_868 : vector<16xf32>
        %mul3A_889 = arith.mulf %mul3A_888, %mul3A_885 : vector<16xf32>
        %mul3A_890 = arith.mulf %mul3A_889, %mul3A_885 : vector<16xf32>
        %sub3A_891 = arith.constant 1.500000e+00 : f32
        %sub3A_892 = vector.broadcast %sub3A_891 : f32 to vector<16xf32>
        %sub3A_893 = arith.subf %sub3A_892, %mul3A_890 : vector<16xf32>
        %mul3A_894 = arith.mulf %mul3A_885, %sub3A_893 : vector<16xf32>
        %mul3A_895 = arith.constant 5.000000e-01 : f32
        %mul3A_896 = vector.broadcast %mul3A_895 : f32 to vector<16xf32>
        %mul3A_897 = arith.mulf %mul3A_896, %max3A_868 : vector<16xf32>
        %mul3A_898 = arith.mulf %mul3A_897, %mul3A_894 : vector<16xf32>
        %mul3A_899 = arith.mulf %mul3A_898, %mul3A_894 : vector<16xf32>
        %sub3A_900 = arith.constant 1.500000e+00 : f32
        %sub3A_901 = vector.broadcast %sub3A_900 : f32 to vector<16xf32>
        %sub3A_902 = arith.subf %sub3A_901, %mul3A_899 : vector<16xf32>
        %mul3A_903 = arith.mulf %mul3A_894, %sub3A_902 : vector<16xf32>
        %mul3A_904 = arith.mulf %mul3A_863, %mul3A_903 : vector<16xf32>
        %swap3A_905 = arith.index_cast %add3A_517 : i32 to index
        %swap3A_906 = tpu.vector_load %arg14[%swap3A_905] {strides = array<i32>} : memref<10000xf32, #tpu.memory_space<vmem>>, vector<16xf32>,
        tpu.vector_store %arg14[%swap3A_905], %mul3A_904 {strides = array<i32>} : memref<10000xf32, #tpu.memory_space<vmem>>, vector<16xf32>,
        %scan3A_907 = arith.constant 0 : i32
        scf.yield %scan3A_907 : i32
      }
      %scan3A_484 = arith.constant 6 : i32
      %lt3A = arith.constant 51 : i32
      %lt3A_485 = arith.cmpi slt, %scan3A_448, %lt3A : i32
      %convert_element_type3A = arith.extui %lt3A_485 : i1 to i32
      %cond3A = arith.constant 0 : i32
      %cond3A_486 = arith.cmpi ne, %convert_element_type3A, %cond3A : i32
      scf.if %cond3A_486 {
        %add3A_509 = arith.constant 2 : i32
        %add3A_510 = arith.addi %mul3A_451, %add3A_509 : i32
        %mul3A_511 = arith.constant 96 : i32
        %mul3A_512 = arith.muli %add3A_510, %mul3A_511 : i32
        %dma_start3A_513 = tpu.memref_slice %arg8[%mul3A_512] : memref<10000xi32, #tpu.memory_space<vmem>> -> memref<96xi32, #tpu.memory_space<vmem>>
        %dma_start3A_514 = arith.constant 0 : i32
        %dma_start3A_515 = arith.constant 0 : i32
        %dma_start3A_516 = tpu.memref_slice %arg2[%dma_start3A_514, %dma_start3A_515] : memref<10000x256xf32, #tpu.memory_space<hbm>> -> memref<10000x256xf32, #tpu.memory_space<hbm>>
        tpu.enqueue_indirect_dma source(%dma_start3A_516 : memref<10000x256xf32, #tpu.memory_space<hbm>>) target(%arg10 : memref<96x256xf32, #tpu.memory_space<vmem>>) offsets(%dma_start3A_513 : memref<96xi32, #tpu.memory_space<vmem>>) semaphore(%arg17 : memref<!tpu.dma_semaphore, #tpu.memory_space<semaphore_mem>>)
        %mul3A_517 = arith.constant 96 : i32
        %mul3A_518 = arith.muli %add3A_510, %mul3A_517 : i32
        %dma_start3A_519 = tpu.memref_slice %arg9[%mul3A_518] : memref<10000xi32, #tpu.memory_space<vmem>> -> memref<96xi32, #tpu.memory_space<vmem>>
        %dma_start3A_520 = arith.constant 0 : i32
        %dma_start3A_521 = arith.constant 0 : i32
        %dma_start3A_522 = tpu.memref_slice %arg3[%dma_start3A_520, %dma_start3A_521] : memref<10000x128xf32, #tpu.memory_space<hbm>> -> memref<10000x128xf32, #tpu.memory_space<hbm>>
        tpu.enqueue_indirect_dma source(%dma_start3A_522 : memref<10000x128xf32, #tpu.memory_space<hbm>>) target(%arg12 : memref<96x128xf32, #tpu.memory_space<vmem>>) offsets(%dma_start3A_519 : memref<96xi32, #tpu.memory_space<vmem>>) semaphore(%arg17 : memref<!tpu.dma_semaphore, #tpu.memory_space<semaphore_mem>>)
      } else {
      }
      %dma_wait3A_487 = arith.constant 0 : i32
      %dma_wait3A_488 = arith.constant 0 : i32
      %dma_wait3A_489 = tpu.memref_slice %arg2[%dma_wait3A_487, %dma_wait3A_488] : memref<10000x256xf32, #tpu.memory_space<hbm>> -> memref<96x256xf32, #tpu.memory_space<hbm>>
      %dma_wait3A_490 = arith.constant 0 : i32
      %dma_wait3A_491 = arith.constant 0 : i32
      %dma_wait3A_492 = tpu.memref_slice %arg2[%dma_wait3A_490, %dma_wait3A_491] : memref<10000x256xf32, #tpu.memory_space<hbm>> -> memref<96x256xf32, #tpu.memory_space<hbm>>
      tpu.wait_dma2 semaphore(%arg18 : memref<!tpu.dma_semaphore, #tpu.memory_space<semaphore_mem>>) src(%dma_wait3A_492 : memref<96x256xf32, #tpu.memory_space<hbm>>) dst(%arg11 : memref<96x256xf32, #tpu.memory_space<vmem>>)
      %dma_wait3A_493 = arith.constant 0 : i32
      %dma_wait3A_494 = arith.constant 0 : i32
      %dma_wait3A_495 = tpu.memref_slice %arg3[%dma_wait3A_493, %dma_wait3A_494] : memref<10000x128xf32, #tpu.memory_space<hbm>> -> memref<96x128xf32, #tpu.memory_space<hbm>>
      %dma_wait3A_496 = arith.constant 0 : i32
      %dma_wait3A_497 = arith.constant 0 : i32
      %dma_wait3A_498 = tpu.memref_slice %arg3[%dma_wait3A_496, %dma_wait3A_497] : memref<10000x128xf32, #tpu.memory_space<hbm>> -> memref<96x128xf32, #tpu.memory_space<hbm>>
      tpu.wait_dma2 semaphore(%arg18 : memref<!tpu.dma_semaphore, #tpu.memory_space<semaphore_mem>>) src(%dma_wait3A_498 : memref<96x128xf32, #tpu.memory_space<hbm>>) dst(%arg13 : memref<96x128xf32, #tpu.memory_space<vmem>>)
      %add3A_499 = arith.constant 1 : i32
      %add3A_500 = arith.addi %mul3A_451, %add3A_499 : i32
      %scan3A_501 = arith.constant 0 : i32
      %scan3A_502 = arith.constant 0 : i32
      %scan3A_503 = arith.constant 6 : i32
      %scan3A_504 = arith.addi %scan3A_502, %scan3A_503 : i32
      %scan3A_505 = arith.constant 1 : i32
      %scan3A_506 = scf.for %scan3A_509 = %scan3A_502 to %scan3A_504 step %scan3A_505 iter_args(%scan3A_510 = %scan3A_501) -> (i32)  : i32 {
        %mul3A_511 = arith.constant 16 : i32
        %mul3A_512 = arith.muli %scan3A_509, %mul3A_511 : i32
        %mul3A_513 = arith.constant 96 : i32
        %mul3A_514 = arith.muli %add3A_500, %mul3A_513 : i32
        %mul3A_515 = arith.constant 16 : i32
        %mul3A_516 = arith.muli %scan3A_509, %mul3A_515 : i32
        %add3A_517 = arith.addi %mul3A_514, %mul3A_516 : i32
        %scan3A_518 = arith.constant 0 : i32
        %scan3A_519 = arith.constant 0 : i32
        %scan3A_520 = arith.constant 16 : i32
        %scan3A_521 = arith.addi %scan3A_519, %scan3A_520 : i32
        %scan3A_522 = arith.constant 1 : i32
        %scan3A_523 = scf.for %scan3A_908 = %scan3A_519 to %scan3A_521 step %scan3A_522 iter_args(%scan3A_909 = %scan3A_518) -> (i32)  : i32 {
          %add3A_910 = arith.addi %mul3A_512, %scan3A_908 : i32
          %get3A_911 = arith.index_cast %add3A_910 : i32 to index
          %get3A_912 = arith.constant 0 : index
          %get3A_913 = tpu.vector_load %arg13[%get3A_911, %get3A_912] {strides = array<i32>} : memref<96x128xf32, #tpu.memory_space<vmem>>, vector<16xf32>,
          %get3A_914 = arith.index_cast %add3A_910 : i32 to index
          %get3A_915 = arith.constant 16 : index
          %get3A_916 = tpu.vector_load %arg13[%get3A_914, %get3A_915] {strides = array<i32>} : memref<96x128xf32, #tpu.memory_space<vmem>>, vector<16xf32>,
          %get3A_917 = arith.index_cast %add3A_910 : i32 to index
          %get3A_918 = arith.constant 32 : index
          %get3A_919 = tpu.vector_load %arg13[%get3A_917, %get3A_918] {strides = array<i32>} : memref<96x128xf32, #tpu.memory_space<vmem>>, vector<16xf32>,
          %get3A_920 = arith.index_cast %add3A_910 : i32 to index
          %get3A_921 = arith.constant 48 : index
          %get3A_922 = tpu.vector_load %arg13[%get3A_920, %get3A_921] {strides = array<i32>} : memref<96x128xf32, #tpu.memory_space<vmem>>, vector<16xf32>,
          %get3A_923 = arith.index_cast %add3A_910 : i32 to index
          %get3A_924 = arith.constant 64 : index
          %get3A_925 = tpu.vector_load %arg13[%get3A_923, %get3A_924] {strides = array<i32>} : memref<96x128xf32, #tpu.memory_space<vmem>>, vector<16xf32>,
          %get3A_926 = arith.index_cast %add3A_910 : i32 to index
          %get3A_927 = arith.constant 80 : index
          %get3A_928 = tpu.vector_load %arg13[%get3A_926, %get3A_927] {strides = array<i32>} : memref<96x128xf32, #tpu.memory_space<vmem>>, vector<16xf32>,
          %get3A_929 = arith.index_cast %add3A_910 : i32 to index
          %get3A_930 = arith.constant 96 : index
          %get3A_931 = tpu.vector_load %arg13[%get3A_929, %get3A_930] {strides = array<i32>} : memref<96x128xf32, #tpu.memory_space<vmem>>, vector<16xf32>,
          %get3A_932 = arith.index_cast %add3A_910 : i32 to index
          %get3A_933 = arith.constant 112 : index
          %get3A_934 = tpu.vector_load %arg13[%get3A_932, %get3A_933] {strides = array<i32>} : memref<96x128xf32, #tpu.memory_space<vmem>>, vector<16xf32>,
          %get3A_935 = arith.index_cast %add3A_910 : i32 to index
          %get3A_936 = arith.constant 0 : index
          %get3A_937 = tpu.vector_load %arg11[%get3A_935, %get3A_936] {strides = array<i32>} : memref<96x256xf32, #tpu.memory_space<vmem>>, vector<16xf32>,
          %bitcast3A_938 = vector.bitcast %get3A_937 : vector<16xf32> to vector<32xbf16>
          %unpack3A = tpu.unpack_subelements %bitcast3A_938, 0 {pack_format = #tpu.pack_format<interleaved>} : vector<32xbf16> -> vector<16xf32>
          %unpack3A_939 = tpu.unpack_subelements %bitcast3A_938, 1 {pack_format = #tpu.pack_format<interleaved>} : vector<32xbf16> -> vector<16xf32>
          %mul3A_940 = arith.mulf %unpack3A, %get3A_913 : vector<16xf32>
          %mul3A_941 = arith.mulf %unpack3A_939, %get3A_916 : vector<16xf32>
          %add3A_942 = arith.addf %mul3A_940, %mul3A_941 : vector<16xf32>
          %get3A_943 = arith.index_cast %add3A_910 : i32 to index
          %get3A_944 = arith.constant 16 : index
          %get3A_945 = tpu.vector_load %arg11[%get3A_943, %get3A_944] {strides = array<i32>} : memref<96x256xf32, #tpu.memory_space<vmem>>, vector<16xf32>,
          %bitcast3A_946 = vector.bitcast %get3A_945 : vector<16xf32> to vector<32xbf16>
          %unpack3A_947 = tpu.unpack_subelements %bitcast3A_946, 0 {pack_format = #tpu.pack_format<interleaved>} : vector<32xbf16> -> vector<16xf32>
          %unpack3A_948 = tpu.unpack_subelements %bitcast3A_946, 1 {pack_format = #tpu.pack_format<interleaved>} : vector<32xbf16> -> vector<16xf32>
          %mul3A_949 = arith.mulf %unpack3A_947, %get3A_919 : vector<16xf32>
          %mul3A_950 = arith.mulf %unpack3A_948, %get3A_922 : vector<16xf32>
          %add3A_951 = arith.addf %mul3A_949, %mul3A_950 : vector<16xf32>
          %add3A_952 = arith.addf %add3A_942, %add3A_951 : vector<16xf32>
          %get3A_953 = arith.index_cast %add3A_910 : i32 to index
          %get3A_954 = arith.constant 32 : index
          %get3A_955 = tpu.vector_load %arg11[%get3A_953, %get3A_954] {strides = array<i32>} : memref<96x256xf32, #tpu.memory_space<vmem>>, vector<16xf32>,
          %bitcast3A_956 = vector.bitcast %get3A_955 : vector<16xf32> to vector<32xbf16>
          %unpack3A_957 = tpu.unpack_subelements %bitcast3A_956, 0 {pack_format = #tpu.pack_format<interleaved>} : vector<32xbf16> -> vector<16xf32>
          %unpack3A_958 = tpu.unpack_subelements %bitcast3A_956, 1 {pack_format = #tpu.pack_format<interleaved>} : vector<32xbf16> -> vector<16xf32>
          %mul3A_959 = arith.mulf %unpack3A_957, %get3A_925 : vector<16xf32>
          %mul3A_960 = arith.mulf %unpack3A_958, %get3A_928 : vector<16xf32>
          %add3A_961 = arith.addf %mul3A_959, %mul3A_960 : vector<16xf32>
          %add3A_962 = arith.addf %add3A_952, %add3A_961 : vector<16xf32>
          %get3A_963 = arith.index_cast %add3A_910 : i32 to index
          %get3A_964 = arith.constant 48 : index
          %get3A_965 = tpu.vector_load %arg11[%get3A_963, %get3A_964] {strides = array<i32>} : memref<96x256xf32, #tpu.memory_space<vmem>>, vector<16xf32>,
          %bitcast3A_966 = vector.bitcast %get3A_965 : vector<16xf32> to vector<32xbf16>
          %unpack3A_967 = tpu.unpack_subelements %bitcast3A_966, 0 {pack_format = #tpu.pack_format<interleaved>} : vector<32xbf16> -> vector<16xf32>
          %unpack3A_968 = tpu.unpack_subelements %bitcast3A_966, 1 {pack_format = #tpu.pack_format<interleaved>} : vector<32xbf16> -> vector<16xf32>
          %mul3A_969 = arith.mulf %unpack3A_967, %get3A_931 : vector<16xf32>
          %mul3A_970 = arith.mulf %unpack3A_968, %get3A_934 : vector<16xf32>
          %add3A_971 = arith.addf %mul3A_969, %mul3A_970 : vector<16xf32>
          %add3A_972 = arith.addf %add3A_962, %add3A_971 : vector<16xf32>
          %add3A_973 = arith.constant 0 : i32
          %add3A_974 = arith.addi %add3A_973, %scan3A_908 : i32
          %mul3A_975 = arith.constant 16 : i32
          %mul3A_976 = arith.muli %add3A_974, %mul3A_975 : i32
          %swap3A_977 = arith.index_cast %mul3A_976 : i32 to index
          %swap3A_978 = tpu.vector_load %arg16[%swap3A_977] {strides = array<i32>} : memref<1024xf32, #tpu.memory_space<vmem>>, vector<16xf32>,
          tpu.vector_store %arg16[%swap3A_977], %add3A_972 {strides = array<i32>} : memref<1024xf32, #tpu.memory_space<vmem>>, vector<16xf32>,
          %get3A_979 = arith.index_cast %add3A_910 : i32 to index
          %get3A_980 = arith.constant 64 : index
          %get3A_981 = tpu.vector_load %arg11[%get3A_979, %get3A_980] {strides = array<i32>} : memref<96x256xf32, #tpu.memory_space<vmem>>, vector<16xf32>,
          %bitcast3A_982 = vector.bitcast %get3A_981 : vector<16xf32> to vector<32xbf16>
          %unpack3A_983 = tpu.unpack_subelements %bitcast3A_982, 0 {pack_format = #tpu.pack_format<interleaved>} : vector<32xbf16> -> vector<16xf32>
          %unpack3A_984 = tpu.unpack_subelements %bitcast3A_982, 1 {pack_format = #tpu.pack_format<interleaved>} : vector<32xbf16> -> vector<16xf32>
          %mul3A_985 = arith.mulf %unpack3A_983, %get3A_913 : vector<16xf32>
          %mul3A_986 = arith.mulf %unpack3A_984, %get3A_916 : vector<16xf32>
          %add3A_987 = arith.addf %mul3A_985, %mul3A_986 : vector<16xf32>
          %get3A_988 = arith.index_cast %add3A_910 : i32 to index
          %get3A_989 = arith.constant 80 : index
          %get3A_990 = tpu.vector_load %arg11[%get3A_988, %get3A_989] {strides = array<i32>} : memref<96x256xf32, #tpu.memory_space<vmem>>, vector<16xf32>,
          %bitcast3A_991 = vector.bitcast %get3A_990 : vector<16xf32> to vector<32xbf16>
          %unpack3A_992 = tpu.unpack_subelements %bitcast3A_991, 0 {pack_format = #tpu.pack_format<interleaved>} : vector<32xbf16> -> vector<16xf32>
          %unpack3A_993 = tpu.unpack_subelements %bitcast3A_991, 1 {pack_format = #tpu.pack_format<interleaved>} : vector<32xbf16> -> vector<16xf32>
          %mul3A_994 = arith.mulf %unpack3A_992, %get3A_919 : vector<16xf32>
          %mul3A_995 = arith.mulf %unpack3A_993, %get3A_922 : vector<16xf32>
          %add3A_996 = arith.addf %mul3A_994, %mul3A_995 : vector<16xf32>
          %add3A_997 = arith.addf %add3A_987, %add3A_996 : vector<16xf32>
          %get3A_998 = arith.index_cast %add3A_910 : i32 to index
          %get3A_999 = arith.constant 96 : index
          %get3A_1000 = tpu.vector_load %arg11[%get3A_998, %get3A_999] {strides = array<i32>} : memref<96x256xf32, #tpu.memory_space<vmem>>, vector<16xf32>,
          %bitcast3A_1001 = vector.bitcast %get3A_1000 : vector<16xf32> to vector<32xbf16>
          %unpack3A_1002 = tpu.unpack_subelements %bitcast3A_1001, 0 {pack_format = #tpu.pack_format<interleaved>} : vector<32xbf16> -> vector<16xf32>
          %unpack3A_1003 = tpu.unpack_subelements %bitcast3A_1001, 1 {pack_format = #tpu.pack_format<interleaved>} : vector<32xbf16> -> vector<16xf32>
          %mul3A_1004 = arith.mulf %unpack3A_1002, %get3A_925 : vector<16xf32>
          %mul3A_1005 = arith.mulf %unpack3A_1003, %get3A_928 : vector<16xf32>
          %add3A_1006 = arith.addf %mul3A_1004, %mul3A_1005 : vector<16xf32>
          %add3A_1007 = arith.addf %add3A_997, %add3A_1006 : vector<16xf32>
          %get3A_1008 = arith.index_cast %add3A_910 : i32 to index
          %get3A_1009 = arith.constant 112 : index
          %get3A_1010 = tpu.vector_load %arg11[%get3A_1008, %get3A_1009] {strides = array<i32>} : memref<96x256xf32, #tpu.memory_space<vmem>>, vector<16xf32>,
          %bitcast3A_1011 = vector.bitcast %get3A_1010 : vector<16xf32> to vector<32xbf16>
          %unpack3A_1012 = tpu.unpack_subelements %bitcast3A_1011, 0 {pack_format = #tpu.pack_format<interleaved>} : vector<32xbf16> -> vector<16xf32>
          %unpack3A_1013 = tpu.unpack_subelements %bitcast3A_1011, 1 {pack_format = #tpu.pack_format<interleaved>} : vector<32xbf16> -> vector<16xf32>
          %mul3A_1014 = arith.mulf %unpack3A_1012, %get3A_931 : vector<16xf32>
          %mul3A_1015 = arith.mulf %unpack3A_1013, %get3A_934 : vector<16xf32>
          %add3A_1016 = arith.addf %mul3A_1014, %mul3A_1015 : vector<16xf32>
          %add3A_1017 = arith.addf %add3A_1007, %add3A_1016 : vector<16xf32>
          %add3A_1018 = arith.constant 16 : i32
          %add3A_1019 = arith.addi %add3A_1018, %scan3A_908 : i32
          %mul3A_1020 = arith.constant 16 : i32
          %mul3A_1021 = arith.muli %add3A_1019, %mul3A_1020 : i32
          %swap3A_1022 = arith.index_cast %mul3A_1021 : i32 to index
          %swap3A_1023 = tpu.vector_load %arg16[%swap3A_1022] {strides = array<i32>} : memref<1024xf32, #tpu.memory_space<vmem>>, vector<16xf32>,
          tpu.vector_store %arg16[%swap3A_1022], %add3A_1017 {strides = array<i32>} : memref<1024xf32, #tpu.memory_space<vmem>>, vector<16xf32>,
          %get3A_1024 = arith.index_cast %add3A_910 : i32 to index
          %get3A_1025 = arith.constant 128 : index
          %get3A_1026 = tpu.vector_load %arg11[%get3A_1024, %get3A_1025] {strides = array<i32>} : memref<96x256xf32, #tpu.memory_space<vmem>>, vector<16xf32>,
          %bitcast3A_1027 = vector.bitcast %get3A_1026 : vector<16xf32> to vector<32xbf16>
          %unpack3A_1028 = tpu.unpack_subelements %bitcast3A_1027, 0 {pack_format = #tpu.pack_format<interleaved>} : vector<32xbf16> -> vector<16xf32>
          %unpack3A_1029 = tpu.unpack_subelements %bitcast3A_1027, 1 {pack_format = #tpu.pack_format<interleaved>} : vector<32xbf16> -> vector<16xf32>
          %mul3A_1030 = arith.mulf %unpack3A_1028, %get3A_913 : vector<16xf32>
          %mul3A_1031 = arith.mulf %unpack3A_1029, %get3A_916 : vector<16xf32>
          %add3A_1032 = arith.addf %mul3A_1030, %mul3A_1031 : vector<16xf32>
          %get3A_1033 = arith.index_cast %add3A_910 : i32 to index
          %get3A_1034 = arith.constant 144 : index
          %get3A_1035 = tpu.vector_load %arg11[%get3A_1033, %get3A_1034] {strides = array<i32>} : memref<96x256xf32, #tpu.memory_space<vmem>>, vector<16xf32>,
          %bitcast3A_1036 = vector.bitcast %get3A_1035 : vector<16xf32> to vector<32xbf16>
          %unpack3A_1037 = tpu.unpack_subelements %bitcast3A_1036, 0 {pack_format = #tpu.pack_format<interleaved>} : vector<32xbf16> -> vector<16xf32>
          %unpack3A_1038 = tpu.unpack_subelements %bitcast3A_1036, 1 {pack_format = #tpu.pack_format<interleaved>} : vector<32xbf16> -> vector<16xf32>
          %mul3A_1039 = arith.mulf %unpack3A_1037, %get3A_919 : vector<16xf32>
          %mul3A_1040 = arith.mulf %unpack3A_1038, %get3A_922 : vector<16xf32>
          %add3A_1041 = arith.addf %mul3A_1039, %mul3A_1040 : vector<16xf32>
          %add3A_1042 = arith.addf %add3A_1032, %add3A_1041 : vector<16xf32>
          %get3A_1043 = arith.index_cast %add3A_910 : i32 to index
          %get3A_1044 = arith.constant 160 : index
          %get3A_1045 = tpu.vector_load %arg11[%get3A_1043, %get3A_1044] {strides = array<i32>} : memref<96x256xf32, #tpu.memory_space<vmem>>, vector<16xf32>,
          %bitcast3A_1046 = vector.bitcast %get3A_1045 : vector<16xf32> to vector<32xbf16>
          %unpack3A_1047 = tpu.unpack_subelements %bitcast3A_1046, 0 {pack_format = #tpu.pack_format<interleaved>} : vector<32xbf16> -> vector<16xf32>
          %unpack3A_1048 = tpu.unpack_subelements %bitcast3A_1046, 1 {pack_format = #tpu.pack_format<interleaved>} : vector<32xbf16> -> vector<16xf32>
          %mul3A_1049 = arith.mulf %unpack3A_1047, %get3A_925 : vector<16xf32>
          %mul3A_1050 = arith.mulf %unpack3A_1048, %get3A_928 : vector<16xf32>
          %add3A_1051 = arith.addf %mul3A_1049, %mul3A_1050 : vector<16xf32>
          %add3A_1052 = arith.addf %add3A_1042, %add3A_1051 : vector<16xf32>
          %get3A_1053 = arith.index_cast %add3A_910 : i32 to index
          %get3A_1054 = arith.constant 176 : index
          %get3A_1055 = tpu.vector_load %arg11[%get3A_1053, %get3A_1054] {strides = array<i32>} : memref<96x256xf32, #tpu.memory_space<vmem>>, vector<16xf32>,
          %bitcast3A_1056 = vector.bitcast %get3A_1055 : vector<16xf32> to vector<32xbf16>
          %unpack3A_1057 = tpu.unpack_subelements %bitcast3A_1056, 0 {pack_format = #tpu.pack_format<interleaved>} : vector<32xbf16> -> vector<16xf32>
          %unpack3A_1058 = tpu.unpack_subelements %bitcast3A_1056, 1 {pack_format = #tpu.pack_format<interleaved>} : vector<32xbf16> -> vector<16xf32>
          %mul3A_1059 = arith.mulf %unpack3A_1057, %get3A_931 : vector<16xf32>
          %mul3A_1060 = arith.mulf %unpack3A_1058, %get3A_934 : vector<16xf32>
          %add3A_1061 = arith.addf %mul3A_1059, %mul3A_1060 : vector<16xf32>
          %add3A_1062 = arith.addf %add3A_1052, %add3A_1061 : vector<16xf32>
          %add3A_1063 = arith.constant 32 : i32
          %add3A_1064 = arith.addi %add3A_1063, %scan3A_908 : i32
          %mul3A_1065 = arith.constant 16 : i32
          %mul3A_1066 = arith.muli %add3A_1064, %mul3A_1065 : i32
          %swap3A_1067 = arith.index_cast %mul3A_1066 : i32 to index
          %swap3A_1068 = tpu.vector_load %arg16[%swap3A_1067] {strides = array<i32>} : memref<1024xf32, #tpu.memory_space<vmem>>, vector<16xf32>,
          tpu.vector_store %arg16[%swap3A_1067], %add3A_1062 {strides = array<i32>} : memref<1024xf32, #tpu.memory_space<vmem>>, vector<16xf32>,
          %get3A_1069 = arith.index_cast %add3A_910 : i32 to index
          %get3A_1070 = arith.constant 192 : index
          %get3A_1071 = tpu.vector_load %arg11[%get3A_1069, %get3A_1070] {strides = array<i32>} : memref<96x256xf32, #tpu.memory_space<vmem>>, vector<16xf32>,
          %bitcast3A_1072 = vector.bitcast %get3A_1071 : vector<16xf32> to vector<32xbf16>
          %unpack3A_1073 = tpu.unpack_subelements %bitcast3A_1072, 0 {pack_format = #tpu.pack_format<interleaved>} : vector<32xbf16> -> vector<16xf32>
          %unpack3A_1074 = tpu.unpack_subelements %bitcast3A_1072, 1 {pack_format = #tpu.pack_format<interleaved>} : vector<32xbf16> -> vector<16xf32>
          %mul3A_1075 = arith.mulf %unpack3A_1073, %get3A_913 : vector<16xf32>
          %mul3A_1076 = arith.mulf %unpack3A_1074, %get3A_916 : vector<16xf32>
          %add3A_1077 = arith.addf %mul3A_1075, %mul3A_1076 : vector<16xf32>
          %get3A_1078 = arith.index_cast %add3A_910 : i32 to index
          %get3A_1079 = arith.constant 208 : index
          %get3A_1080 = tpu.vector_load %arg11[%get3A_1078, %get3A_1079] {strides = array<i32>} : memref<96x256xf32, #tpu.memory_space<vmem>>, vector<16xf32>,
          %bitcast3A_1081 = vector.bitcast %get3A_1080 : vector<16xf32> to vector<32xbf16>
          %unpack3A_1082 = tpu.unpack_subelements %bitcast3A_1081, 0 {pack_format = #tpu.pack_format<interleaved>} : vector<32xbf16> -> vector<16xf32>
          %unpack3A_1083 = tpu.unpack_subelements %bitcast3A_1081, 1 {pack_format = #tpu.pack_format<interleaved>} : vector<32xbf16> -> vector<16xf32>
          %mul3A_1084 = arith.mulf %unpack3A_1082, %get3A_919 : vector<16xf32>
          %mul3A_1085 = arith.mulf %unpack3A_1083, %get3A_922 : vector<16xf32>
          %add3A_1086 = arith.addf %mul3A_1084, %mul3A_1085 : vector<16xf32>
          %add3A_1087 = arith.addf %add3A_1077, %add3A_1086 : vector<16xf32>
          %get3A_1088 = arith.index_cast %add3A_910 : i32 to index
          %get3A_1089 = arith.constant 224 : index
          %get3A_1090 = tpu.vector_load %arg11[%get3A_1088, %get3A_1089] {strides = array<i32>} : memref<96x256xf32, #tpu.memory_space<vmem>>, vector<16xf32>,
          %bitcast3A_1091 = vector.bitcast %get3A_1090 : vector<16xf32> to vector<32xbf16>
          %unpack3A_1092 = tpu.unpack_subelements %bitcast3A_1091, 0 {pack_format = #tpu.pack_format<interleaved>} : vector<32xbf16> -> vector<16xf32>
          %unpack3A_1093 = tpu.unpack_subelements %bitcast3A_1091, 1 {pack_format = #tpu.pack_format<interleaved>} : vector<32xbf16> -> vector<16xf32>
          %mul3A_1094 = arith.mulf %unpack3A_1092, %get3A_925 : vector<16xf32>
          %mul3A_1095 = arith.mulf %unpack3A_1093, %get3A_928 : vector<16xf32>
          %add3A_1096 = arith.addf %mul3A_1094, %mul3A_1095 : vector<16xf32>
          %add3A_1097 = arith.addf %add3A_1087, %add3A_1096 : vector<16xf32>
          %get3A_1098 = arith.index_cast %add3A_910 : i32 to index
          %get3A_1099 = arith.constant 240 : index
          %get3A_1100 = tpu.vector_load %arg11[%get3A_1098, %get3A_1099] {strides = array<i32>} : memref<96x256xf32, #tpu.memory_space<vmem>>, vector<16xf32>,
          %bitcast3A_1101 = vector.bitcast %get3A_1100 : vector<16xf32> to vector<32xbf16>
          %unpack3A_1102 = tpu.unpack_subelements %bitcast3A_1101, 0 {pack_format = #tpu.pack_format<interleaved>} : vector<32xbf16> -> vector<16xf32>
          %unpack3A_1103 = tpu.unpack_subelements %bitcast3A_1101, 1 {pack_format = #tpu.pack_format<interleaved>} : vector<32xbf16> -> vector<16xf32>
          %mul3A_1104 = arith.mulf %unpack3A_1102, %get3A_931 : vector<16xf32>
          %mul3A_1105 = arith.mulf %unpack3A_1103, %get3A_934 : vector<16xf32>
          %add3A_1106 = arith.addf %mul3A_1104, %mul3A_1105 : vector<16xf32>
          %add3A_1107 = arith.addf %add3A_1097, %add3A_1106 : vector<16xf32>
          %add3A_1108 = arith.constant 48 : i32
          %add3A_1109 = arith.addi %add3A_1108, %scan3A_908 : i32
          %mul3A_1110 = arith.constant 16 : i32
          %mul3A_1111 = arith.muli %add3A_1109, %mul3A_1110 : i32
          %swap3A_1112 = arith.index_cast %mul3A_1111 : i32 to index
          %swap3A_1113 = tpu.vector_load %arg16[%swap3A_1112] {strides = array<i32>} : memref<1024xf32, #tpu.memory_space<vmem>>, vector<16xf32>,
          tpu.vector_store %arg16[%swap3A_1112], %add3A_1107 {strides = array<i32>} : memref<1024xf32, #tpu.memory_space<vmem>>, vector<16xf32>,
          %scan3A_1114 = arith.constant 0 : i32
          scf.yield %scan3A_1114 : i32
        }
        %scan3A_524 = arith.constant 16 : i32
        %add3A_525 = arith.constant 0 : i32
        %add3A_526 = vector.broadcast %add3A_525 : i32 to vector<16xi32>
        %add3A_527 = arith.addi %add3A_526, %iota3A : vector<16xi32>
        %mul3A_528 = arith.constant 16 : i32
        %mul3A_529 = vector.broadcast %mul3A_528 : i32 to vector<16xi32>
        %mul3A_530 = arith.muli %add3A_527, %mul3A_529 : vector<16xi32>
        %gather3A_531 = tpu.vector_load_idx %arg16[%mul3A_530] : memref<1024xf32, #tpu.memory_space<vmem>>[vector<16xi32>], vector<16xf32>,
        %add3A_532 = arith.constant 1 : i32
        %add3A_533 = vector.broadcast %add3A_532 : i32 to vector<16xi32>
        %add3A_534 = arith.addi %mul3A_530, %add3A_533 : vector<16xi32>
        %gather3A_535 = tpu.vector_load_idx %arg16[%add3A_534] : memref<1024xf32, #tpu.memory_space<vmem>>[vector<16xi32>], vector<16xf32>,
        %add3A_536 = arith.addf %gather3A_531, %gather3A_535 : vector<16xf32>
        %add3A_537 = arith.constant 2 : i32
        %add3A_538 = vector.broadcast %add3A_537 : i32 to vector<16xi32>
        %add3A_539 = arith.addi %mul3A_530, %add3A_538 : vector<16xi32>
        %gather3A_540 = tpu.vector_load_idx %arg16[%add3A_539] : memref<1024xf32, #tpu.memory_space<vmem>>[vector<16xi32>], vector<16xf32>,
        %add3A_541 = arith.addf %add3A_536, %gather3A_540 : vector<16xf32>
        %add3A_542 = arith.constant 3 : i32
        %add3A_543 = vector.broadcast %add3A_542 : i32 to vector<16xi32>
        %add3A_544 = arith.addi %mul3A_530, %add3A_543 : vector<16xi32>
        %gather3A_545 = tpu.vector_load_idx %arg16[%add3A_544] : memref<1024xf32, #tpu.memory_space<vmem>>[vector<16xi32>], vector<16xf32>,
        %add3A_546 = arith.addf %add3A_541, %gather3A_545 : vector<16xf32>
        %add3A_547 = arith.constant 4 : i32
        %add3A_548 = vector.broadcast %add3A_547 : i32 to vector<16xi32>
        %add3A_549 = arith.addi %mul3A_530, %add3A_548 : vector<16xi32>
        %gather3A_550 = tpu.vector_load_idx %arg16[%add3A_549] : memref<1024xf32, #tpu.memory_space<vmem>>[vector<16xi32>], vector<16xf32>,
        %add3A_551 = arith.addf %add3A_546, %gather3A_550 : vector<16xf32>
        %add3A_552 = arith.constant 5 : i32
        %add3A_553 = vector.broadcast %add3A_552 : i32 to vector<16xi32>
        %add3A_554 = arith.addi %mul3A_530, %add3A_553 : vector<16xi32>
        %gather3A_555 = tpu.vector_load_idx %arg16[%add3A_554] : memref<1024xf32, #tpu.memory_space<vmem>>[vector<16xi32>], vector<16xf32>,
        %add3A_556 = arith.addf %add3A_551, %gather3A_555 : vector<16xf32>
        %add3A_557 = arith.constant 6 : i32
        %add3A_558 = vector.broadcast %add3A_557 : i32 to vector<16xi32>
        %add3A_559 = arith.addi %mul3A_530, %add3A_558 : vector<16xi32>
        %gather3A_560 = tpu.vector_load_idx %arg16[%add3A_559] : memref<1024xf32, #tpu.memory_space<vmem>>[vector<16xi32>], vector<16xf32>,
        %add3A_561 = arith.addf %add3A_556, %gather3A_560 : vector<16xf32>
        %add3A_562 = arith.constant 7 : i32
        %add3A_563 = vector.broadcast %add3A_562 : i32 to vector<16xi32>
        %add3A_564 = arith.addi %mul3A_530, %add3A_563 : vector<16xi32>
        %gather3A_565 = tpu.vector_load_idx %arg16[%add3A_564] : memref<1024xf32, #tpu.memory_space<vmem>>[vector<16xi32>], vector<16xf32>,
        %add3A_566 = arith.addf %add3A_561, %gather3A_565 : vector<16xf32>
        %add3A_567 = arith.constant 8 : i32
        %add3A_568 = vector.broadcast %add3A_567 : i32 to vector<16xi32>
        %add3A_569 = arith.addi %mul3A_530, %add3A_568 : vector<16xi32>
        %gather3A_570 = tpu.vector_load_idx %arg16[%add3A_569] : memref<1024xf32, #tpu.memory_space<vmem>>[vector<16xi32>], vector<16xf32>,
        %add3A_571 = arith.addf %add3A_566, %gather3A_570 : vector<16xf32>
        %add3A_572 = arith.constant 9 : i32
        %add3A_573 = vector.broadcast %add3A_572 : i32 to vector<16xi32>
        %add3A_574 = arith.addi %mul3A_530, %add3A_573 : vector<16xi32>
        %gather3A_575 = tpu.vector_load_idx %arg16[%add3A_574] : memref<1024xf32, #tpu.memory_space<vmem>>[vector<16xi32>], vector<16xf32>,
        %add3A_576 = arith.addf %add3A_571, %gather3A_575 : vector<16xf32>
        %add3A_577 = arith.constant 10 : i32
        %add3A_578 = vector.broadcast %add3A_577 : i32 to vector<16xi32>
        %add3A_579 = arith.addi %mul3A_530, %add3A_578 : vector<16xi32>
        %gather3A_580 = tpu.vector_load_idx %arg16[%add3A_579] : memref<1024xf32, #tpu.memory_space<vmem>>[vector<16xi32>], vector<16xf32>,
        %add3A_581 = arith.addf %add3A_576, %gather3A_580 : vector<16xf32>
        %add3A_582 = arith.constant 11 : i32
        %add3A_583 = vector.broadcast %add3A_582 : i32 to vector<16xi32>
        %add3A_584 = arith.addi %mul3A_530, %add3A_583 : vector<16xi32>
        %gather3A_585 = tpu.vector_load_idx %arg16[%add3A_584] : memref<1024xf32, #tpu.memory_space<vmem>>[vector<16xi32>], vector<16xf32>,
        %add3A_586 = arith.addf %add3A_581, %gather3A_585 : vector<16xf32>
        %add3A_587 = arith.constant 12 : i32
        %add3A_588 = vector.broadcast %add3A_587 : i32 to vector<16xi32>
        %add3A_589 = arith.addi %mul3A_530, %add3A_588 : vector<16xi32>
        %gather3A_590 = tpu.vector_load_idx %arg16[%add3A_589] : memref<1024xf32, #tpu.memory_space<vmem>>[vector<16xi32>], vector<16xf32>,
        %add3A_591 = arith.addf %add3A_586, %gather3A_590 : vector<16xf32>
        %add3A_592 = arith.constant 13 : i32
        %add3A_593 = vector.broadcast %add3A_592 : i32 to vector<16xi32>
        %add3A_594 = arith.addi %mul3A_530, %add3A_593 : vector<16xi32>
        %gather3A_595 = tpu.vector_load_idx %arg16[%add3A_594] : memref<1024xf32, #tpu.memory_space<vmem>>[vector<16xi32>], vector<16xf32>,
        %add3A_596 = arith.addf %add3A_591, %gather3A_595 : vector<16xf32>
        %add3A_597 = arith.constant 14 : i32
        %add3A_598 = vector.broadcast %add3A_597 : i32 to vector<16xi32>
        %add3A_599 = arith.addi %mul3A_530, %add3A_598 : vector<16xi32>
        %gather3A_600 = tpu.vector_load_idx %arg16[%add3A_599] : memref<1024xf32, #tpu.memory_space<vmem>>[vector<16xi32>], vector<16xf32>,
        %add3A_601 = arith.addf %add3A_596, %gather3A_600 : vector<16xf32>
        %add3A_602 = arith.constant 15 : i32
        %add3A_603 = vector.broadcast %add3A_602 : i32 to vector<16xi32>
        %add3A_604 = arith.addi %mul3A_530, %add3A_603 : vector<16xi32>
        %gather3A_605 = tpu.vector_load_idx %arg16[%add3A_604] : memref<1024xf32, #tpu.memory_space<vmem>>[vector<16xi32>], vector<16xf32>,
        %add3A_606 = arith.addf %add3A_601, %gather3A_605 : vector<16xf32>
        %exp3A_607 = math.exp %add3A_606 : vector<16xf32>
        %add3A_608 = arith.addf %broadcast_in_dim3A_3, %exp3A_607 : vector<16xf32>
        %add3A_609 = arith.constant 16 : i32
        %add3A_610 = vector.broadcast %add3A_609 : i32 to vector<16xi32>
        %add3A_611 = arith.addi %add3A_610, %iota3A : vector<16xi32>
        %mul3A_612 = arith.constant 16 : i32
        %mul3A_613 = vector.broadcast %mul3A_612 : i32 to vector<16xi32>
        %mul3A_614 = arith.muli %add3A_611, %mul3A_613 : vector<16xi32>
        %gather3A_615 = tpu.vector_load_idx %arg16[%mul3A_614] : memref<1024xf32, #tpu.memory_space<vmem>>[vector<16xi32>], vector<16xf32>,
        %add3A_616 = arith.constant 1 : i32
        %add3A_617 = vector.broadcast %add3A_616 : i32 to vector<16xi32>
        %add3A_618 = arith.addi %mul3A_614, %add3A_617 : vector<16xi32>
        %gather3A_619 = tpu.vector_load_idx %arg16[%add3A_618] : memref<1024xf32, #tpu.memory_space<vmem>>[vector<16xi32>], vector<16xf32>,
        %add3A_620 = arith.addf %gather3A_615, %gather3A_619 : vector<16xf32>
        %add3A_621 = arith.constant 2 : i32
        %add3A_622 = vector.broadcast %add3A_621 : i32 to vector<16xi32>
        %add3A_623 = arith.addi %mul3A_614, %add3A_622 : vector<16xi32>
        %gather3A_624 = tpu.vector_load_idx %arg16[%add3A_623] : memref<1024xf32, #tpu.memory_space<vmem>>[vector<16xi32>], vector<16xf32>,
        %add3A_625 = arith.addf %add3A_620, %gather3A_624 : vector<16xf32>
        %add3A_626 = arith.constant 3 : i32
        %add3A_627 = vector.broadcast %add3A_626 : i32 to vector<16xi32>
        %add3A_628 = arith.addi %mul3A_614, %add3A_627 : vector<16xi32>
        %gather3A_629 = tpu.vector_load_idx %arg16[%add3A_628] : memref<1024xf32, #tpu.memory_space<vmem>>[vector<16xi32>], vector<16xf32>,
        %add3A_630 = arith.addf %add3A_625, %gather3A_629 : vector<16xf32>
        %add3A_631 = arith.constant 4 : i32
        %add3A_632 = vector.broadcast %add3A_631 : i32 to vector<16xi32>
        %add3A_633 = arith.addi %mul3A_614, %add3A_632 : vector<16xi32>
        %gather3A_634 = tpu.vector_load_idx %arg16[%add3A_633] : memref<1024xf32, #tpu.memory_space<vmem>>[vector<16xi32>], vector<16xf32>,
        %add3A_635 = arith.addf %add3A_630, %gather3A_634 : vector<16xf32>
        %add3A_636 = arith.constant 5 : i32
        %add3A_637 = vector.broadcast %add3A_636 : i32 to vector<16xi32>
        %add3A_638 = arith.addi %mul3A_614, %add3A_637 : vector<16xi32>
        %gather3A_639 = tpu.vector_load_idx %arg16[%add3A_638] : memref<1024xf32, #tpu.memory_space<vmem>>[vector<16xi32>], vector<16xf32>,
        %add3A_640 = arith.addf %add3A_635, %gather3A_639 : vector<16xf32>
        %add3A_641 = arith.constant 6 : i32
        %add3A_642 = vector.broadcast %add3A_641 : i32 to vector<16xi32>
        %add3A_643 = arith.addi %mul3A_614, %add3A_642 : vector<16xi32>
        %gather3A_644 = tpu.vector_load_idx %arg16[%add3A_643] : memref<1024xf32, #tpu.memory_space<vmem>>[vector<16xi32>], vector<16xf32>,
        %add3A_645 = arith.addf %add3A_640, %gather3A_644 : vector<16xf32>
        %add3A_646 = arith.constant 7 : i32
        %add3A_647 = vector.broadcast %add3A_646 : i32 to vector<16xi32>
        %add3A_648 = arith.addi %mul3A_614, %add3A_647 : vector<16xi32>
        %gather3A_649 = tpu.vector_load_idx %arg16[%add3A_648] : memref<1024xf32, #tpu.memory_space<vmem>>[vector<16xi32>], vector<16xf32>,
        %add3A_650 = arith.addf %add3A_645, %gather3A_649 : vector<16xf32>
        %add3A_651 = arith.constant 8 : i32
        %add3A_652 = vector.broadcast %add3A_651 : i32 to vector<16xi32>
        %add3A_653 = arith.addi %mul3A_614, %add3A_652 : vector<16xi32>
        %gather3A_654 = tpu.vector_load_idx %arg16[%add3A_653] : memref<1024xf32, #tpu.memory_space<vmem>>[vector<16xi32>], vector<16xf32>,
        %add3A_655 = arith.addf %add3A_650, %gather3A_654 : vector<16xf32>
        %add3A_656 = arith.constant 9 : i32
        %add3A_657 = vector.broadcast %add3A_656 : i32 to vector<16xi32>
        %add3A_658 = arith.addi %mul3A_614, %add3A_657 : vector<16xi32>
        %gather3A_659 = tpu.vector_load_idx %arg16[%add3A_658] : memref<1024xf32, #tpu.memory_space<vmem>>[vector<16xi32>], vector<16xf32>,
        %add3A_660 = arith.addf %add3A_655, %gather3A_659 : vector<16xf32>
        %add3A_661 = arith.constant 10 : i32
        %add3A_662 = vector.broadcast %add3A_661 : i32 to vector<16xi32>
        %add3A_663 = arith.addi %mul3A_614, %add3A_662 : vector<16xi32>
        %gather3A_664 = tpu.vector_load_idx %arg16[%add3A_663] : memref<1024xf32, #tpu.memory_space<vmem>>[vector<16xi32>], vector<16xf32>,
        %add3A_665 = arith.addf %add3A_660, %gather3A_664 : vector<16xf32>
        %add3A_666 = arith.constant 11 : i32
        %add3A_667 = vector.broadcast %add3A_666 : i32 to vector<16xi32>
        %add3A_668 = arith.addi %mul3A_614, %add3A_667 : vector<16xi32>
        %gather3A_669 = tpu.vector_load_idx %arg16[%add3A_668] : memref<1024xf32, #tpu.memory_space<vmem>>[vector<16xi32>], vector<16xf32>,
        %add3A_670 = arith.addf %add3A_665, %gather3A_669 : vector<16xf32>
        %add3A_671 = arith.constant 12 : i32
        %add3A_672 = vector.broadcast %add3A_671 : i32 to vector<16xi32>
        %add3A_673 = arith.addi %mul3A_614, %add3A_672 : vector<16xi32>
        %gather3A_674 = tpu.vector_load_idx %arg16[%add3A_673] : memref<1024xf32, #tpu.memory_space<vmem>>[vector<16xi32>], vector<16xf32>,
        %add3A_675 = arith.addf %add3A_670, %gather3A_674 : vector<16xf32>
        %add3A_676 = arith.constant 13 : i32
        %add3A_677 = vector.broadcast %add3A_676 : i32 to vector<16xi32>
        %add3A_678 = arith.addi %mul3A_614, %add3A_677 : vector<16xi32>
        %gather3A_679 = tpu.vector_load_idx %arg16[%add3A_678] : memref<1024xf32, #tpu.memory_space<vmem>>[vector<16xi32>], vector<16xf32>,
        %add3A_680 = arith.addf %add3A_675, %gather3A_679 : vector<16xf32>
        %add3A_681 = arith.constant 14 : i32
        %add3A_682 = vector.broadcast %add3A_681 : i32 to vector<16xi32>
        %add3A_683 = arith.addi %mul3A_614, %add3A_682 : vector<16xi32>
        %gather3A_684 = tpu.vector_load_idx %arg16[%add3A_683] : memref<1024xf32, #tpu.memory_space<vmem>>[vector<16xi32>], vector<16xf32>,
        %add3A_685 = arith.addf %add3A_680, %gather3A_684 : vector<16xf32>
        %add3A_686 = arith.constant 15 : i32
        %add3A_687 = vector.broadcast %add3A_686 : i32 to vector<16xi32>
        %add3A_688 = arith.addi %mul3A_614, %add3A_687 : vector<16xi32>
        %gather3A_689 = tpu.vector_load_idx %arg16[%add3A_688] : memref<1024xf32, #tpu.memory_space<vmem>>[vector<16xi32>], vector<16xf32>,
        %add3A_690 = arith.addf %add3A_685, %gather3A_689 : vector<16xf32>
        %exp3A_691 = math.exp %add3A_690 : vector<16xf32>
        %add3A_692 = arith.addf %add3A_608, %exp3A_691 : vector<16xf32>
        %add3A_693 = arith.constant 32 : i32
        %add3A_694 = vector.broadcast %add3A_693 : i32 to vector<16xi32>
        %add3A_695 = arith.addi %add3A_694, %iota3A : vector<16xi32>
        %mul3A_696 = arith.constant 16 : i32
        %mul3A_697 = vector.broadcast %mul3A_696 : i32 to vector<16xi32>
        %mul3A_698 = arith.muli %add3A_695, %mul3A_697 : vector<16xi32>
        %gather3A_699 = tpu.vector_load_idx %arg16[%mul3A_698] : memref<1024xf32, #tpu.memory_space<vmem>>[vector<16xi32>], vector<16xf32>,
        %add3A_700 = arith.constant 1 : i32
        %add3A_701 = vector.broadcast %add3A_700 : i32 to vector<16xi32>
        %add3A_702 = arith.addi %mul3A_698, %add3A_701 : vector<16xi32>
        %gather3A_703 = tpu.vector_load_idx %arg16[%add3A_702] : memref<1024xf32, #tpu.memory_space<vmem>>[vector<16xi32>], vector<16xf32>,
        %add3A_704 = arith.addf %gather3A_699, %gather3A_703 : vector<16xf32>
        %add3A_705 = arith.constant 2 : i32
        %add3A_706 = vector.broadcast %add3A_705 : i32 to vector<16xi32>
        %add3A_707 = arith.addi %mul3A_698, %add3A_706 : vector<16xi32>
        %gather3A_708 = tpu.vector_load_idx %arg16[%add3A_707] : memref<1024xf32, #tpu.memory_space<vmem>>[vector<16xi32>], vector<16xf32>,
        %add3A_709 = arith.addf %add3A_704, %gather3A_708 : vector<16xf32>
        %add3A_710 = arith.constant 3 : i32
        %add3A_711 = vector.broadcast %add3A_710 : i32 to vector<16xi32>
        %add3A_712 = arith.addi %mul3A_698, %add3A_711 : vector<16xi32>
        %gather3A_713 = tpu.vector_load_idx %arg16[%add3A_712] : memref<1024xf32, #tpu.memory_space<vmem>>[vector<16xi32>], vector<16xf32>,
        %add3A_714 = arith.addf %add3A_709, %gather3A_713 : vector<16xf32>
        %add3A_715 = arith.constant 4 : i32
        %add3A_716 = vector.broadcast %add3A_715 : i32 to vector<16xi32>
        %add3A_717 = arith.addi %mul3A_698, %add3A_716 : vector<16xi32>
        %gather3A_718 = tpu.vector_load_idx %arg16[%add3A_717] : memref<1024xf32, #tpu.memory_space<vmem>>[vector<16xi32>], vector<16xf32>,
        %add3A_719 = arith.addf %add3A_714, %gather3A_718 : vector<16xf32>
        %add3A_720 = arith.constant 5 : i32
        %add3A_721 = vector.broadcast %add3A_720 : i32 to vector<16xi32>
        %add3A_722 = arith.addi %mul3A_698, %add3A_721 : vector<16xi32>
        %gather3A_723 = tpu.vector_load_idx %arg16[%add3A_722] : memref<1024xf32, #tpu.memory_space<vmem>>[vector<16xi32>], vector<16xf32>,
        %add3A_724 = arith.addf %add3A_719, %gather3A_723 : vector<16xf32>
        %add3A_725 = arith.constant 6 : i32
        %add3A_726 = vector.broadcast %add3A_725 : i32 to vector<16xi32>
        %add3A_727 = arith.addi %mul3A_698, %add3A_726 : vector<16xi32>
        %gather3A_728 = tpu.vector_load_idx %arg16[%add3A_727] : memref<1024xf32, #tpu.memory_space<vmem>>[vector<16xi32>], vector<16xf32>,
        %add3A_729 = arith.addf %add3A_724, %gather3A_728 : vector<16xf32>
        %add3A_730 = arith.constant 7 : i32
        %add3A_731 = vector.broadcast %add3A_730 : i32 to vector<16xi32>
        %add3A_732 = arith.addi %mul3A_698, %add3A_731 : vector<16xi32>
        %gather3A_733 = tpu.vector_load_idx %arg16[%add3A_732] : memref<1024xf32, #tpu.memory_space<vmem>>[vector<16xi32>], vector<16xf32>,
        %add3A_734 = arith.addf %add3A_729, %gather3A_733 : vector<16xf32>
        %add3A_735 = arith.constant 8 : i32
        %add3A_736 = vector.broadcast %add3A_735 : i32 to vector<16xi32>
        %add3A_737 = arith.addi %mul3A_698, %add3A_736 : vector<16xi32>
        %gather3A_738 = tpu.vector_load_idx %arg16[%add3A_737] : memref<1024xf32, #tpu.memory_space<vmem>>[vector<16xi32>], vector<16xf32>,
        %add3A_739 = arith.addf %add3A_734, %gather3A_738 : vector<16xf32>
        %add3A_740 = arith.constant 9 : i32
        %add3A_741 = vector.broadcast %add3A_740 : i32 to vector<16xi32>
        %add3A_742 = arith.addi %mul3A_698, %add3A_741 : vector<16xi32>
        %gather3A_743 = tpu.vector_load_idx %arg16[%add3A_742] : memref<1024xf32, #tpu.memory_space<vmem>>[vector<16xi32>], vector<16xf32>,
        %add3A_744 = arith.addf %add3A_739, %gather3A_743 : vector<16xf32>
        %add3A_745 = arith.constant 10 : i32
        %add3A_746 = vector.broadcast %add3A_745 : i32 to vector<16xi32>
        %add3A_747 = arith.addi %mul3A_698, %add3A_746 : vector<16xi32>
        %gather3A_748 = tpu.vector_load_idx %arg16[%add3A_747] : memref<1024xf32, #tpu.memory_space<vmem>>[vector<16xi32>], vector<16xf32>,
        %add3A_749 = arith.addf %add3A_744, %gather3A_748 : vector<16xf32>
        %add3A_750 = arith.constant 11 : i32
        %add3A_751 = vector.broadcast %add3A_750 : i32 to vector<16xi32>
        %add3A_752 = arith.addi %mul3A_698, %add3A_751 : vector<16xi32>
        %gather3A_753 = tpu.vector_load_idx %arg16[%add3A_752] : memref<1024xf32, #tpu.memory_space<vmem>>[vector<16xi32>], vector<16xf32>,
        %add3A_754 = arith.addf %add3A_749, %gather3A_753 : vector<16xf32>
        %add3A_755 = arith.constant 12 : i32
        %add3A_756 = vector.broadcast %add3A_755 : i32 to vector<16xi32>
        %add3A_757 = arith.addi %mul3A_698, %add3A_756 : vector<16xi32>
        %gather3A_758 = tpu.vector_load_idx %arg16[%add3A_757] : memref<1024xf32, #tpu.memory_space<vmem>>[vector<16xi32>], vector<16xf32>,
        %add3A_759 = arith.addf %add3A_754, %gather3A_758 : vector<16xf32>
        %add3A_760 = arith.constant 13 : i32
        %add3A_761 = vector.broadcast %add3A_760 : i32 to vector<16xi32>
        %add3A_762 = arith.addi %mul3A_698, %add3A_761 : vector<16xi32>
        %gather3A_763 = tpu.vector_load_idx %arg16[%add3A_762] : memref<1024xf32, #tpu.memory_space<vmem>>[vector<16xi32>], vector<16xf32>,
        %add3A_764 = arith.addf %add3A_759, %gather3A_763 : vector<16xf32>
        %add3A_765 = arith.constant 14 : i32
        %add3A_766 = vector.broadcast %add3A_765 : i32 to vector<16xi32>
        %add3A_767 = arith.addi %mul3A_698, %add3A_766 : vector<16xi32>
        %gather3A_768 = tpu.vector_load_idx %arg16[%add3A_767] : memref<1024xf32, #tpu.memory_space<vmem>>[vector<16xi32>], vector<16xf32>,
        %add3A_769 = arith.addf %add3A_764, %gather3A_768 : vector<16xf32>
        %add3A_770 = arith.constant 15 : i32
        %add3A_771 = vector.broadcast %add3A_770 : i32 to vector<16xi32>
        %add3A_772 = arith.addi %mul3A_698, %add3A_771 : vector<16xi32>
        %gather3A_773 = tpu.vector_load_idx %arg16[%add3A_772] : memref<1024xf32, #tpu.memory_space<vmem>>[vector<16xi32>], vector<16xf32>,
        %add3A_774 = arith.addf %add3A_769, %gather3A_773 : vector<16xf32>
        %exp3A_775 = math.exp %add3A_774 : vector<16xf32>
        %add3A_776 = arith.addf %add3A_692, %exp3A_775 : vector<16xf32>
        %add3A_777 = arith.constant 48 : i32
        %add3A_778 = vector.broadcast %add3A_777 : i32 to vector<16xi32>
        %add3A_779 = arith.addi %add3A_778, %iota3A : vector<16xi32>
        %mul3A_780 = arith.constant 16 : i32
        %mul3A_781 = vector.broadcast %mul3A_780 : i32 to vector<16xi32>
        %mul3A_782 = arith.muli %add3A_779, %mul3A_781 : vector<16xi32>
        %gather3A_783 = tpu.vector_load_idx %arg16[%mul3A_782] : memref<1024xf32, #tpu.memory_space<vmem>>[vector<16xi32>], vector<16xf32>,
        %add3A_784 = arith.constant 1 : i32
        %add3A_785 = vector.broadcast %add3A_784 : i32 to vector<16xi32>
        %add3A_786 = arith.addi %mul3A_782, %add3A_785 : vector<16xi32>
        %gather3A_787 = tpu.vector_load_idx %arg16[%add3A_786] : memref<1024xf32, #tpu.memory_space<vmem>>[vector<16xi32>], vector<16xf32>,
        %add3A_788 = arith.addf %gather3A_783, %gather3A_787 : vector<16xf32>
        %add3A_789 = arith.constant 2 : i32
        %add3A_790 = vector.broadcast %add3A_789 : i32 to vector<16xi32>
        %add3A_791 = arith.addi %mul3A_782, %add3A_790 : vector<16xi32>
        %gather3A_792 = tpu.vector_load_idx %arg16[%add3A_791] : memref<1024xf32, #tpu.memory_space<vmem>>[vector<16xi32>], vector<16xf32>,
        %add3A_793 = arith.addf %add3A_788, %gather3A_792 : vector<16xf32>
        %add3A_794 = arith.constant 3 : i32
        %add3A_795 = vector.broadcast %add3A_794 : i32 to vector<16xi32>
        %add3A_796 = arith.addi %mul3A_782, %add3A_795 : vector<16xi32>
        %gather3A_797 = tpu.vector_load_idx %arg16[%add3A_796] : memref<1024xf32, #tpu.memory_space<vmem>>[vector<16xi32>], vector<16xf32>,
        %add3A_798 = arith.addf %add3A_793, %gather3A_797 : vector<16xf32>
        %add3A_799 = arith.constant 4 : i32
        %add3A_800 = vector.broadcast %add3A_799 : i32 to vector<16xi32>
        %add3A_801 = arith.addi %mul3A_782, %add3A_800 : vector<16xi32>
        %gather3A_802 = tpu.vector_load_idx %arg16[%add3A_801] : memref<1024xf32, #tpu.memory_space<vmem>>[vector<16xi32>], vector<16xf32>,
        %add3A_803 = arith.addf %add3A_798, %gather3A_802 : vector<16xf32>
        %add3A_804 = arith.constant 5 : i32
        %add3A_805 = vector.broadcast %add3A_804 : i32 to vector<16xi32>
        %add3A_806 = arith.addi %mul3A_782, %add3A_805 : vector<16xi32>
        %gather3A_807 = tpu.vector_load_idx %arg16[%add3A_806] : memref<1024xf32, #tpu.memory_space<vmem>>[vector<16xi32>], vector<16xf32>,
        %add3A_808 = arith.addf %add3A_803, %gather3A_807 : vector<16xf32>
        %add3A_809 = arith.constant 6 : i32
        %add3A_810 = vector.broadcast %add3A_809 : i32 to vector<16xi32>
        %add3A_811 = arith.addi %mul3A_782, %add3A_810 : vector<16xi32>
        %gather3A_812 = tpu.vector_load_idx %arg16[%add3A_811] : memref<1024xf32, #tpu.memory_space<vmem>>[vector<16xi32>], vector<16xf32>,
        %add3A_813 = arith.addf %add3A_808, %gather3A_812 : vector<16xf32>
        %add3A_814 = arith.constant 7 : i32
        %add3A_815 = vector.broadcast %add3A_814 : i32 to vector<16xi32>
        %add3A_816 = arith.addi %mul3A_782, %add3A_815 : vector<16xi32>
        %gather3A_817 = tpu.vector_load_idx %arg16[%add3A_816] : memref<1024xf32, #tpu.memory_space<vmem>>[vector<16xi32>], vector<16xf32>,
        %add3A_818 = arith.addf %add3A_813, %gather3A_817 : vector<16xf32>
        %add3A_819 = arith.constant 8 : i32
        %add3A_820 = vector.broadcast %add3A_819 : i32 to vector<16xi32>
        %add3A_821 = arith.addi %mul3A_782, %add3A_820 : vector<16xi32>
        %gather3A_822 = tpu.vector_load_idx %arg16[%add3A_821] : memref<1024xf32, #tpu.memory_space<vmem>>[vector<16xi32>], vector<16xf32>,
        %add3A_823 = arith.addf %add3A_818, %gather3A_822 : vector<16xf32>
        %add3A_824 = arith.constant 9 : i32
        %add3A_825 = vector.broadcast %add3A_824 : i32 to vector<16xi32>
        %add3A_826 = arith.addi %mul3A_782, %add3A_825 : vector<16xi32>
        %gather3A_827 = tpu.vector_load_idx %arg16[%add3A_826] : memref<1024xf32, #tpu.memory_space<vmem>>[vector<16xi32>], vector<16xf32>,
        %add3A_828 = arith.addf %add3A_823, %gather3A_827 : vector<16xf32>
        %add3A_829 = arith.constant 10 : i32
        %add3A_830 = vector.broadcast %add3A_829 : i32 to vector<16xi32>
        %add3A_831 = arith.addi %mul3A_782, %add3A_830 : vector<16xi32>
        %gather3A_832 = tpu.vector_load_idx %arg16[%add3A_831] : memref<1024xf32, #tpu.memory_space<vmem>>[vector<16xi32>], vector<16xf32>,
        %add3A_833 = arith.addf %add3A_828, %gather3A_832 : vector<16xf32>
        %add3A_834 = arith.constant 11 : i32
        %add3A_835 = vector.broadcast %add3A_834 : i32 to vector<16xi32>
        %add3A_836 = arith.addi %mul3A_782, %add3A_835 : vector<16xi32>
        %gather3A_837 = tpu.vector_load_idx %arg16[%add3A_836] : memref<1024xf32, #tpu.memory_space<vmem>>[vector<16xi32>], vector<16xf32>,
        %add3A_838 = arith.addf %add3A_833, %gather3A_837 : vector<16xf32>
        %add3A_839 = arith.constant 12 : i32
        %add3A_840 = vector.broadcast %add3A_839 : i32 to vector<16xi32>
        %add3A_841 = arith.addi %mul3A_782, %add3A_840 : vector<16xi32>
        %gather3A_842 = tpu.vector_load_idx %arg16[%add3A_841] : memref<1024xf32, #tpu.memory_space<vmem>>[vector<16xi32>], vector<16xf32>,
        %add3A_843 = arith.addf %add3A_838, %gather3A_842 : vector<16xf32>
        %add3A_844 = arith.constant 13 : i32
        %add3A_845 = vector.broadcast %add3A_844 : i32 to vector<16xi32>
        %add3A_846 = arith.addi %mul3A_782, %add3A_845 : vector<16xi32>
        %gather3A_847 = tpu.vector_load_idx %arg16[%add3A_846] : memref<1024xf32, #tpu.memory_space<vmem>>[vector<16xi32>], vector<16xf32>,
        %add3A_848 = arith.addf %add3A_843, %gather3A_847 : vector<16xf32>
        %add3A_849 = arith.constant 14 : i32
        %add3A_850 = vector.broadcast %add3A_849 : i32 to vector<16xi32>
        %add3A_851 = arith.addi %mul3A_782, %add3A_850 : vector<16xi32>
        %gather3A_852 = tpu.vector_load_idx %arg16[%add3A_851] : memref<1024xf32, #tpu.memory_space<vmem>>[vector<16xi32>], vector<16xf32>,
        %add3A_853 = arith.addf %add3A_848, %gather3A_852 : vector<16xf32>
        %add3A_854 = arith.constant 15 : i32
        %add3A_855 = vector.broadcast %add3A_854 : i32 to vector<16xi32>
        %add3A_856 = arith.addi %mul3A_782, %add3A_855 : vector<16xi32>
        %gather3A_857 = tpu.vector_load_idx %arg16[%add3A_856] : memref<1024xf32, #tpu.memory_space<vmem>>[vector<16xi32>], vector<16xf32>,
        %add3A_858 = arith.addf %add3A_853, %gather3A_857 : vector<16xf32>
        %exp3A_859 = math.exp %add3A_858 : vector<16xf32>
        %add3A_860 = arith.addf %add3A_776, %exp3A_859 : vector<16xf32>
        %mul3A_861 = arith.constant 2.500000e-01 : f32
        %mul3A_862 = vector.broadcast %mul3A_861 : f32 to vector<16xf32>
        %mul3A_863 = arith.mulf %add3A_860, %mul3A_862 : vector<16xf32>
        %get3A_864 = arith.index_cast %add3A_517 : i32 to index
        %get3A_865 = tpu.vector_load %arg8[%get3A_864] {strides = array<i32>} : memref<10000xi32, #tpu.memory_space<vmem>>, vector<16xi32>,
        tpu.vector_store_idx %arg15[%get3A_865], %mul3A_863 {add = true} : memref<10000xf32, #tpu.memory_space<vmem>>[vector<16xi32>], vector<16xf32>,
        %max3A_866 = arith.constant 1.000000e-30 : f32
        %max3A_867 = vector.broadcast %max3A_866 : f32 to vector<16xf32>
        %max3A_868 = arith.maximumf %mul3A_863, %max3A_867 : vector<16xf32>
        %broadcast_in_dim3A_869 = arith.constant 1597463007 : i32
        %broadcast_in_dim3A_870 = vector.broadcast %broadcast_in_dim3A_869 : i32 to vector<16xi32>
        %bitcast3A_871 = vector.bitcast %max3A_868 : vector<16xf32> to vector<16xi32>
        %shift_right_arithmetic3A_872 = arith.constant 1 : i32
        %shift_right_arithmetic3A_873 = vector.broadcast %shift_right_arithmetic3A_872 : i32 to vector<16xi32>
        %shift_right_arithmetic3A_874 = arith.shrsi %bitcast3A_871, %shift_right_arithmetic3A_873 : vector<16xi32>
        %sub3A_875 = arith.subi %broadcast_in_dim3A_870, %shift_right_arithmetic3A_874 : vector<16xi32>
        %bitcast3A_876 = vector.bitcast %sub3A_875 : vector<16xi32> to vector<16xf32>
        %mul3A_877 = arith.constant 5.000000e-01 : f32
        %mul3A_878 = vector.broadcast %mul3A_877 : f32 to vector<16xf32>
        %mul3A_879 = arith.mulf %mul3A_878, %max3A_868 : vector<16xf32>
        %mul3A_880 = arith.mulf %mul3A_879, %bitcast3A_876 : vector<16xf32>
        %mul3A_881 = arith.mulf %mul3A_880, %bitcast3A_876 : vector<16xf32>
        %sub3A_882 = arith.constant 1.500000e+00 : f32
        %sub3A_883 = vector.broadcast %sub3A_882 : f32 to vector<16xf32>
        %sub3A_884 = arith.subf %sub3A_883, %mul3A_881 : vector<16xf32>
        %mul3A_885 = arith.mulf %bitcast3A_876, %sub3A_884 : vector<16xf32>
        %mul3A_886 = arith.constant 5.000000e-01 : f32
        %mul3A_887 = vector.broadcast %mul3A_886 : f32 to vector<16xf32>
        %mul3A_888 = arith.mulf %mul3A_887, %max3A_868 : vector<16xf32>
        %mul3A_889 = arith.mulf %mul3A_888, %mul3A_885 : vector<16xf32>
        %mul3A_890 = arith.mulf %mul3A_889, %mul3A_885 : vector<16xf32>
        %sub3A_891 = arith.constant 1.500000e+00 : f32
        %sub3A_892 = vector.broadcast %sub3A_891 : f32 to vector<16xf32>
        %sub3A_893 = arith.subf %sub3A_892, %mul3A_890 : vector<16xf32>
        %mul3A_894 = arith.mulf %mul3A_885, %sub3A_893 : vector<16xf32>
        %mul3A_895 = arith.constant 5.000000e-01 : f32
        %mul3A_896 = vector.broadcast %mul3A_895 : f32 to vector<16xf32>
        %mul3A_897 = arith.mulf %mul3A_896, %max3A_868 : vector<16xf32>
        %mul3A_898 = arith.mulf %mul3A_897, %mul3A_894 : vector<16xf32>
        %mul3A_899 = arith.mulf %mul3A_898, %mul3A_894 : vector<16xf32>
        %sub3A_900 = arith.constant 1.500000e+00 : f32
        %sub3A_901 = vector.broadcast %sub3A_900 : f32 to vector<16xf32>
        %sub3A_902 = arith.subf %sub3A_901, %mul3A_899 : vector<16xf32>
        %mul3A_903 = arith.mulf %mul3A_894, %sub3A_902 : vector<16xf32>
        %mul3A_904 = arith.mulf %mul3A_863, %mul3A_903 : vector<16xf32>
        %swap3A_905 = arith.index_cast %add3A_517 : i32 to index
        %swap3A_906 = tpu.vector_load %arg14[%swap3A_905] {strides = array<i32>} : memref<10000xf32, #tpu.memory_space<vmem>>, vector<16xf32>,
        tpu.vector_store %arg14[%swap3A_905], %mul3A_904 {strides = array<i32>} : memref<10000xf32, #tpu.memory_space<vmem>>, vector<16xf32>,
        %scan3A_907 = arith.constant 0 : i32
        scf.yield %scan3A_907 : i32
      }
      %scan3A_507 = arith.constant 6 : i32
      %scan3A_508 = arith.constant 0 : i32
      scf.yield %scan3A_508 : i32
    }
    %scan3A_32 = arith.constant 52 : i32
    %dma_start3A_33 = arith.constant 0 : i32
    %dma_start3A_34 = arith.constant 0 : i32
    %dma_start3A_35 = tpu.memref_slice %arg10[%dma_start3A_33, %dma_start3A_34] : memref<96x256xf32, #tpu.memory_space<vmem>> -> memref<16x256xf32, #tpu.memory_space<vmem>>
    %dma_start3A_36 = arith.constant 9984 : i32
    %dma_start3A_37 = tpu.memref_slice %arg8[%dma_start3A_36] : memref<10000xi32, #tpu.memory_space<vmem>> -> memref<16xi32, #tpu.memory_space<vmem>>
    %dma_start3A_38 = arith.constant 0 : i32
    %dma_start3A_39 = arith.constant 0 : i32
    %dma_start3A_40 = tpu.memref_slice %arg2[%dma_start3A_38, %dma_start3A_39] : memref<10000x256xf32, #tpu.memory_space<hbm>> -> memref<10000x256xf32, #tpu.memory_space<hbm>>
    tpu.enqueue_indirect_dma source(%dma_start3A_40 : memref<10000x256xf32, #tpu.memory_space<hbm>>) target(%dma_start3A_35 : memref<16x256xf32, #tpu.memory_space<vmem>>) offsets(%dma_start3A_37 : memref<16xi32, #tpu.memory_space<vmem>>) semaphore(%arg17 : memref<!tpu.dma_semaphore, #tpu.memory_space<semaphore_mem>>)
    %dma_start3A_41 = arith.constant 0 : i32
    %dma_start3A_42 = arith.constant 0 : i32
    %dma_start3A_43 = tpu.memref_slice %arg12[%dma_start3A_41, %dma_start3A_42] : memref<96x128xf32, #tpu.memory_space<vmem>> -> memref<16x128xf32, #tpu.memory_space<vmem>>
    %dma_start3A_44 = arith.constant 9984 : i32
    %dma_start3A_45 = tpu.memref_slice %arg9[%dma_start3A_44] : memref<10000xi32, #tpu.memory_space<vmem>> -> memref<16xi32, #tpu.memory_space<vmem>>
    %dma_start3A_46 = arith.constant 0 : i32
    %dma_start3A_47 = arith.constant 0 : i32
    %dma_start3A_48 = tpu.memref_slice %arg3[%dma_start3A_46, %dma_start3A_47] : memref<10000x128xf32, #tpu.memory_space<hbm>> -> memref<10000x128xf32, #tpu.memory_space<hbm>>
    tpu.enqueue_indirect_dma source(%dma_start3A_48 : memref<10000x128xf32, #tpu.memory_space<hbm>>) target(%dma_start3A_43 : memref<16x128xf32, #tpu.memory_space<vmem>>) offsets(%dma_start3A_45 : memref<16xi32, #tpu.memory_space<vmem>>) semaphore(%arg17 : memref<!tpu.dma_semaphore, #tpu.memory_space<semaphore_mem>>)
    %dma_wait3A_49 = arith.constant 0 : i32
    %dma_wait3A_50 = arith.constant 0 : i32
    %dma_wait3A_51 = tpu.memref_slice %arg10[%dma_wait3A_49, %dma_wait3A_50] : memref<96x256xf32, #tpu.memory_space<vmem>> -> memref<16x256xf32, #tpu.memory_space<vmem>>
    %dma_wait3A_52 = arith.constant 9984 : i32
    %dma_wait3A_53 = tpu.memref_slice %arg8[%dma_wait3A_52] : memref<10000xi32, #tpu.memory_space<vmem>> -> memref<16xi32, #tpu.memory_space<vmem>>
    %dma_wait3A_54 = arith.constant 0 : i32
    %dma_wait3A_55 = arith.constant 0 : i32
    %dma_wait3A_56 = tpu.memref_slice %arg2[%dma_wait3A_54, %dma_wait3A_55] : memref<10000x256xf32, #tpu.memory_space<hbm>> -> memref<10000x256xf32, #tpu.memory_space<hbm>>
    tpu.wait_indirect_dma semaphore(%arg17 : memref<!tpu.dma_semaphore, #tpu.memory_space<semaphore_mem>>) src(%dma_wait3A_56 : memref<10000x256xf32, #tpu.memory_space<hbm>>) dst(%dma_wait3A_51 : memref<16x256xf32, #tpu.memory_space<vmem>>)
    %dma_wait3A_57 = arith.constant 0 : i32
    %dma_wait3A_58 = arith.constant 0 : i32
    %dma_wait3A_59 = tpu.memref_slice %arg12[%dma_wait3A_57, %dma_wait3A_58] : memref<96x128xf32, #tpu.memory_space<vmem>> -> memref<16x128xf32, #tpu.memory_space<vmem>>
    %dma_wait3A_60 = arith.constant 9984 : i32
    %dma_wait3A_61 = tpu.memref_slice %arg9[%dma_wait3A_60] : memref<10000xi32, #tpu.memory_space<vmem>> -> memref<16xi32, #tpu.memory_space<vmem>>
    %dma_wait3A_62 = arith.constant 0 : i32
    %dma_wait3A_63 = arith.constant 0 : i32
    %dma_wait3A_64 = tpu.memref_slice %arg3[%dma_wait3A_62, %dma_wait3A_63] : memref<10000x128xf32, #tpu.memory_space<hbm>> -> memref<10000x128xf32, #tpu.memory_space<hbm>>
    tpu.wait_indirect_dma semaphore(%arg17 : memref<!tpu.dma_semaphore, #tpu.memory_space<semaphore_mem>>) src(%dma_wait3A_64 : memref<10000x128xf32, #tpu.memory_space<hbm>>) dst(%dma_wait3A_59 : memref<16x128xf32, #tpu.memory_space<vmem>>)
    %scan3A_65 = arith.constant 0 : i32
    %scan3A_66 = arith.constant 0 : i32
    %scan3A_67 = arith.constant 16 : i32
    %scan3A_68 = arith.addi %scan3A_66, %scan3A_67 : i32
    %scan3A_69 = arith.constant 1 : i32
    %scan3A_70 = scf.for %scan3A_448 = %scan3A_66 to %scan3A_68 step %scan3A_69 iter_args(%scan3A_449 = %scan3A_65) -> (i32)  : i32 {
      %add3A_450 = arith.constant 0 : i32
      %add3A_451 = arith.addi %add3A_450, %scan3A_448 : i32
      %get3A_452 = arith.index_cast %add3A_451 : i32 to index
      %get3A_453 = arith.constant 0 : index
      %get3A_454 = tpu.vector_load %arg12[%get3A_452, %get3A_453] {strides = array<i32>} : memref<96x128xf32, #tpu.memory_space<vmem>>, vector<16xf32>,
      %get3A_455 = arith.index_cast %add3A_451 : i32 to index
      %get3A_456 = arith.constant 16 : index
      %get3A_457 = tpu.vector_load %arg12[%get3A_455, %get3A_456] {strides = array<i32>} : memref<96x128xf32, #tpu.memory_space<vmem>>, vector<16xf32>,
      %get3A_458 = arith.index_cast %add3A_451 : i32 to index
      %get3A_459 = arith.constant 32 : index
      %get3A_460 = tpu.vector_load %arg12[%get3A_458, %get3A_459] {strides = array<i32>} : memref<96x128xf32, #tpu.memory_space<vmem>>, vector<16xf32>,
      %get3A_461 = arith.index_cast %add3A_451 : i32 to index
      %get3A_462 = arith.constant 48 : index
      %get3A_463 = tpu.vector_load %arg12[%get3A_461, %get3A_462] {strides = array<i32>} : memref<96x128xf32, #tpu.memory_space<vmem>>, vector<16xf32>,
      %get3A_464 = arith.index_cast %add3A_451 : i32 to index
      %get3A_465 = arith.constant 64 : index
      %get3A_466 = tpu.vector_load %arg12[%get3A_464, %get3A_465] {strides = array<i32>} : memref<96x128xf32, #tpu.memory_space<vmem>>, vector<16xf32>,
      %get3A_467 = arith.index_cast %add3A_451 : i32 to index
      %get3A_468 = arith.constant 80 : index
      %get3A_469 = tpu.vector_load %arg12[%get3A_467, %get3A_468] {strides = array<i32>} : memref<96x128xf32, #tpu.memory_space<vmem>>, vector<16xf32>,
      %get3A_470 = arith.index_cast %add3A_451 : i32 to index
      %get3A_471 = arith.constant 96 : index
      %get3A_472 = tpu.vector_load %arg12[%get3A_470, %get3A_471] {strides = array<i32>} : memref<96x128xf32, #tpu.memory_space<vmem>>, vector<16xf32>,
      %get3A_473 = arith.index_cast %add3A_451 : i32 to index
      %get3A_474 = arith.constant 112 : index
      %get3A_475 = tpu.vector_load %arg12[%get3A_473, %get3A_474] {strides = array<i32>} : memref<96x128xf32, #tpu.memory_space<vmem>>, vector<16xf32>,
      %get3A_476 = arith.index_cast %add3A_451 : i32 to index
      %get3A_477 = arith.constant 0 : index
      %get3A_478 = tpu.vector_load %arg10[%get3A_476, %get3A_477] {strides = array<i32>} : memref<96x256xf32, #tpu.memory_space<vmem>>, vector<16xf32>,
      %bitcast3A_479 = vector.bitcast %get3A_478 : vector<16xf32> to vector<32xbf16>
      %unpack3A = tpu.unpack_subelements %bitcast3A_479, 0 {pack_format = #tpu.pack_format<interleaved>} : vector<32xbf16> -> vector<16xf32>
      %unpack3A_480 = tpu.unpack_subelements %bitcast3A_479, 1 {pack_format = #tpu.pack_format<interleaved>} : vector<32xbf16> -> vector<16xf32>
      %mul3A_481 = arith.mulf %unpack3A, %get3A_454 : vector<16xf32>
      %mul3A_482 = arith.mulf %unpack3A_480, %get3A_457 : vector<16xf32>
      %add3A_483 = arith.addf %mul3A_481, %mul3A_482 : vector<16xf32>
      %get3A_484 = arith.index_cast %add3A_451 : i32 to index
      %get3A_485 = arith.constant 16 : index
      %get3A_486 = tpu.vector_load %arg10[%get3A_484, %get3A_485] {strides = array<i32>} : memref<96x256xf32, #tpu.memory_space<vmem>>, vector<16xf32>,
      %bitcast3A_487 = vector.bitcast %get3A_486 : vector<16xf32> to vector<32xbf16>
      %unpack3A_488 = tpu.unpack_subelements %bitcast3A_487, 0 {pack_format = #tpu.pack_format<interleaved>} : vector<32xbf16> -> vector<16xf32>
      %unpack3A_489 = tpu.unpack_subelements %bitcast3A_487, 1 {pack_format = #tpu.pack_format<interleaved>} : vector<32xbf16> -> vector<16xf32>
      %mul3A_490 = arith.mulf %unpack3A_488, %get3A_460 : vector<16xf32>
      %mul3A_491 = arith.mulf %unpack3A_489, %get3A_463 : vector<16xf32>
      %add3A_492 = arith.addf %mul3A_490, %mul3A_491 : vector<16xf32>
      %add3A_493 = arith.addf %add3A_483, %add3A_492 : vector<16xf32>
      %get3A_494 = arith.index_cast %add3A_451 : i32 to index
      %get3A_495 = arith.constant 32 : index
      %get3A_496 = tpu.vector_load %arg10[%get3A_494, %get3A_495] {strides = array<i32>} : memref<96x256xf32, #tpu.memory_space<vmem>>, vector<16xf32>,
      %bitcast3A_497 = vector.bitcast %get3A_496 : vector<16xf32> to vector<32xbf16>
      %unpack3A_498 = tpu.unpack_subelements %bitcast3A_497, 0 {pack_format = #tpu.pack_format<interleaved>} : vector<32xbf16> -> vector<16xf32>
      %unpack3A_499 = tpu.unpack_subelements %bitcast3A_497, 1 {pack_format = #tpu.pack_format<interleaved>} : vector<32xbf16> -> vector<16xf32>
      %mul3A_500 = arith.mulf %unpack3A_498, %get3A_466 : vector<16xf32>
      %mul3A_501 = arith.mulf %unpack3A_499, %get3A_469 : vector<16xf32>
      %add3A_502 = arith.addf %mul3A_500, %mul3A_501 : vector<16xf32>
      %add3A_503 = arith.addf %add3A_493, %add3A_502 : vector<16xf32>
      %get3A_504 = arith.index_cast %add3A_451 : i32 to index
      %get3A_505 = arith.constant 48 : index
      %get3A_506 = tpu.vector_load %arg10[%get3A_504, %get3A_505] {strides = array<i32>} : memref<96x256xf32, #tpu.memory_space<vmem>>, vector<16xf32>,
      %bitcast3A_507 = vector.bitcast %get3A_506 : vector<16xf32> to vector<32xbf16>
      %unpack3A_508 = tpu.unpack_subelements %bitcast3A_507, 0 {pack_format = #tpu.pack_format<interleaved>} : vector<32xbf16> -> vector<16xf32>
      %unpack3A_509 = tpu.unpack_subelements %bitcast3A_507, 1 {pack_format = #tpu.pack_format<interleaved>} : vector<32xbf16> -> vector<16xf32>
      %mul3A_510 = arith.mulf %unpack3A_508, %get3A_472 : vector<16xf32>
      %mul3A_511 = arith.mulf %unpack3A_509, %get3A_475 : vector<16xf32>
      %add3A_512 = arith.addf %mul3A_510, %mul3A_511 : vector<16xf32>
      %add3A_513 = arith.addf %add3A_503, %add3A_512 : vector<16xf32>
      %add3A_514 = arith.constant 0 : i32
      %add3A_515 = arith.addi %add3A_514, %scan3A_448 : i32
      %mul3A_516 = arith.constant 16 : i32
      %mul3A_517 = arith.muli %add3A_515, %mul3A_516 : i32
      %swap3A_518 = arith.index_cast %mul3A_517 : i32 to index
      %swap3A_519 = tpu.vector_load %arg16[%swap3A_518] {strides = array<i32>} : memref<1024xf32, #tpu.memory_space<vmem>>, vector<16xf32>,
      tpu.vector_store %arg16[%swap3A_518], %add3A_513 {strides = array<i32>} : memref<1024xf32, #tpu.memory_space<vmem>>, vector<16xf32>,
      %get3A_520 = arith.index_cast %add3A_451 : i32 to index
      %get3A_521 = arith.constant 64 : index
      %get3A_522 = tpu.vector_load %arg10[%get3A_520, %get3A_521] {strides = array<i32>} : memref<96x256xf32, #tpu.memory_space<vmem>>, vector<16xf32>,
      %bitcast3A_523 = vector.bitcast %get3A_522 : vector<16xf32> to vector<32xbf16>
      %unpack3A_524 = tpu.unpack_subelements %bitcast3A_523, 0 {pack_format = #tpu.pack_format<interleaved>} : vector<32xbf16> -> vector<16xf32>
      %unpack3A_525 = tpu.unpack_subelements %bitcast3A_523, 1 {pack_format = #tpu.pack_format<interleaved>} : vector<32xbf16> -> vector<16xf32>
      %mul3A_526 = arith.mulf %unpack3A_524, %get3A_454 : vector<16xf32>
      %mul3A_527 = arith.mulf %unpack3A_525, %get3A_457 : vector<16xf32>
      %add3A_528 = arith.addf %mul3A_526, %mul3A_527 : vector<16xf32>
      %get3A_529 = arith.index_cast %add3A_451 : i32 to index
      %get3A_530 = arith.constant 80 : index
      %get3A_531 = tpu.vector_load %arg10[%get3A_529, %get3A_530] {strides = array<i32>} : memref<96x256xf32, #tpu.memory_space<vmem>>, vector<16xf32>,
      %bitcast3A_532 = vector.bitcast %get3A_531 : vector<16xf32> to vector<32xbf16>
      %unpack3A_533 = tpu.unpack_subelements %bitcast3A_532, 0 {pack_format = #tpu.pack_format<interleaved>} : vector<32xbf16> -> vector<16xf32>
      %unpack3A_534 = tpu.unpack_subelements %bitcast3A_532, 1 {pack_format = #tpu.pack_format<interleaved>} : vector<32xbf16> -> vector<16xf32>
      %mul3A_535 = arith.mulf %unpack3A_533, %get3A_460 : vector<16xf32>
      %mul3A_536 = arith.mulf %unpack3A_534, %get3A_463 : vector<16xf32>
      %add3A_537 = arith.addf %mul3A_535, %mul3A_536 : vector<16xf32>
      %add3A_538 = arith.addf %add3A_528, %add3A_537 : vector<16xf32>
      %get3A_539 = arith.index_cast %add3A_451 : i32 to index
      %get3A_540 = arith.constant 96 : index
      %get3A_541 = tpu.vector_load %arg10[%get3A_539, %get3A_540] {strides = array<i32>} : memref<96x256xf32, #tpu.memory_space<vmem>>, vector<16xf32>,
      %bitcast3A_542 = vector.bitcast %get3A_541 : vector<16xf32> to vector<32xbf16>
      %unpack3A_543 = tpu.unpack_subelements %bitcast3A_542, 0 {pack_format = #tpu.pack_format<interleaved>} : vector<32xbf16> -> vector<16xf32>
      %unpack3A_544 = tpu.unpack_subelements %bitcast3A_542, 1 {pack_format = #tpu.pack_format<interleaved>} : vector<32xbf16> -> vector<16xf32>
      %mul3A_545 = arith.mulf %unpack3A_543, %get3A_466 : vector<16xf32>
      %mul3A_546 = arith.mulf %unpack3A_544, %get3A_469 : vector<16xf32>
      %add3A_547 = arith.addf %mul3A_545, %mul3A_546 : vector<16xf32>
      %add3A_548 = arith.addf %add3A_538, %add3A_547 : vector<16xf32>
      %get3A_549 = arith.index_cast %add3A_451 : i32 to index
      %get3A_550 = arith.constant 112 : index
      %get3A_551 = tpu.vector_load %arg10[%get3A_549, %get3A_550] {strides = array<i32>} : memref<96x256xf32, #tpu.memory_space<vmem>>, vector<16xf32>,
      %bitcast3A_552 = vector.bitcast %get3A_551 : vector<16xf32> to vector<32xbf16>
      %unpack3A_553 = tpu.unpack_subelements %bitcast3A_552, 0 {pack_format = #tpu.pack_format<interleaved>} : vector<32xbf16> -> vector<16xf32>
      %unpack3A_554 = tpu.unpack_subelements %bitcast3A_552, 1 {pack_format = #tpu.pack_format<interleaved>} : vector<32xbf16> -> vector<16xf32>
      %mul3A_555 = arith.mulf %unpack3A_553, %get3A_472 : vector<16xf32>
      %mul3A_556 = arith.mulf %unpack3A_554, %get3A_475 : vector<16xf32>
      %add3A_557 = arith.addf %mul3A_555, %mul3A_556 : vector<16xf32>
      %add3A_558 = arith.addf %add3A_548, %add3A_557 : vector<16xf32>
      %add3A_559 = arith.constant 16 : i32
      %add3A_560 = arith.addi %add3A_559, %scan3A_448 : i32
      %mul3A_561 = arith.constant 16 : i32
      %mul3A_562 = arith.muli %add3A_560, %mul3A_561 : i32
      %swap3A_563 = arith.index_cast %mul3A_562 : i32 to index
      %swap3A_564 = tpu.vector_load %arg16[%swap3A_563] {strides = array<i32>} : memref<1024xf32, #tpu.memory_space<vmem>>, vector<16xf32>,
      tpu.vector_store %arg16[%swap3A_563], %add3A_558 {strides = array<i32>} : memref<1024xf32, #tpu.memory_space<vmem>>, vector<16xf32>,
      %get3A_565 = arith.index_cast %add3A_451 : i32 to index
      %get3A_566 = arith.constant 128 : index
      %get3A_567 = tpu.vector_load %arg10[%get3A_565, %get3A_566] {strides = array<i32>} : memref<96x256xf32, #tpu.memory_space<vmem>>, vector<16xf32>,
      %bitcast3A_568 = vector.bitcast %get3A_567 : vector<16xf32> to vector<32xbf16>
      %unpack3A_569 = tpu.unpack_subelements %bitcast3A_568, 0 {pack_format = #tpu.pack_format<interleaved>} : vector<32xbf16> -> vector<16xf32>
      %unpack3A_570 = tpu.unpack_subelements %bitcast3A_568, 1 {pack_format = #tpu.pack_format<interleaved>} : vector<32xbf16> -> vector<16xf32>
      %mul3A_571 = arith.mulf %unpack3A_569, %get3A_454 : vector<16xf32>
      %mul3A_572 = arith.mulf %unpack3A_570, %get3A_457 : vector<16xf32>
      %add3A_573 = arith.addf %mul3A_571, %mul3A_572 : vector<16xf32>
      %get3A_574 = arith.index_cast %add3A_451 : i32 to index
      %get3A_575 = arith.constant 144 : index
      %get3A_576 = tpu.vector_load %arg10[%get3A_574, %get3A_575] {strides = array<i32>} : memref<96x256xf32, #tpu.memory_space<vmem>>, vector<16xf32>,
      %bitcast3A_577 = vector.bitcast %get3A_576 : vector<16xf32> to vector<32xbf16>
      %unpack3A_578 = tpu.unpack_subelements %bitcast3A_577, 0 {pack_format = #tpu.pack_format<interleaved>} : vector<32xbf16> -> vector<16xf32>
      %unpack3A_579 = tpu.unpack_subelements %bitcast3A_577, 1 {pack_format = #tpu.pack_format<interleaved>} : vector<32xbf16> -> vector<16xf32>
      %mul3A_580 = arith.mulf %unpack3A_578, %get3A_460 : vector<16xf32>
      %mul3A_581 = arith.mulf %unpack3A_579, %get3A_463 : vector<16xf32>
      %add3A_582 = arith.addf %mul3A_580, %mul3A_581 : vector<16xf32>
      %add3A_583 = arith.addf %add3A_573, %add3A_582 : vector<16xf32>
      %get3A_584 = arith.index_cast %add3A_451 : i32 to index
      %get3A_585 = arith.constant 160 : index
      %get3A_586 = tpu.vector_load %arg10[%get3A_584, %get3A_585] {strides = array<i32>} : memref<96x256xf32, #tpu.memory_space<vmem>>, vector<16xf32>,
      %bitcast3A_587 = vector.bitcast %get3A_586 : vector<16xf32> to vector<32xbf16>
      %unpack3A_588 = tpu.unpack_subelements %bitcast3A_587, 0 {pack_format = #tpu.pack_format<interleaved>} : vector<32xbf16> -> vector<16xf32>
      %unpack3A_589 = tpu.unpack_subelements %bitcast3A_587, 1 {pack_format = #tpu.pack_format<interleaved>} : vector<32xbf16> -> vector<16xf32>
      %mul3A_590 = arith.mulf %unpack3A_588, %get3A_466 : vector<16xf32>
      %mul3A_591 = arith.mulf %unpack3A_589, %get3A_469 : vector<16xf32>
      %add3A_592 = arith.addf %mul3A_590, %mul3A_591 : vector<16xf32>
      %add3A_593 = arith.addf %add3A_583, %add3A_592 : vector<16xf32>
      %get3A_594 = arith.index_cast %add3A_451 : i32 to index
      %get3A_595 = arith.constant 176 : index
      %get3A_596 = tpu.vector_load %arg10[%get3A_594, %get3A_595] {strides = array<i32>} : memref<96x256xf32, #tpu.memory_space<vmem>>, vector<16xf32>,
      %bitcast3A_597 = vector.bitcast %get3A_596 : vector<16xf32> to vector<32xbf16>
      %unpack3A_598 = tpu.unpack_subelements %bitcast3A_597, 0 {pack_format = #tpu.pack_format<interleaved>} : vector<32xbf16> -> vector<16xf32>
      %unpack3A_599 = tpu.unpack_subelements %bitcast3A_597, 1 {pack_format = #tpu.pack_format<interleaved>} : vector<32xbf16> -> vector<16xf32>
      %mul3A_600 = arith.mulf %unpack3A_598, %get3A_472 : vector<16xf32>
      %mul3A_601 = arith.mulf %unpack3A_599, %get3A_475 : vector<16xf32>
      %add3A_602 = arith.addf %mul3A_600, %mul3A_601 : vector<16xf32>
      %add3A_603 = arith.addf %add3A_593, %add3A_602 : vector<16xf32>
      %add3A_604 = arith.constant 32 : i32
      %add3A_605 = arith.addi %add3A_604, %scan3A_448 : i32
      %mul3A_606 = arith.constant 16 : i32
      %mul3A_607 = arith.muli %add3A_605, %mul3A_606 : i32
      %swap3A_608 = arith.index_cast %mul3A_607 : i32 to index
      %swap3A_609 = tpu.vector_load %arg16[%swap3A_608] {strides = array<i32>} : memref<1024xf32, #tpu.memory_space<vmem>>, vector<16xf32>,
      tpu.vector_store %arg16[%swap3A_608], %add3A_603 {strides = array<i32>} : memref<1024xf32, #tpu.memory_space<vmem>>, vector<16xf32>,
      %get3A_610 = arith.index_cast %add3A_451 : i32 to index
      %get3A_611 = arith.constant 192 : index
      %get3A_612 = tpu.vector_load %arg10[%get3A_610, %get3A_611] {strides = array<i32>} : memref<96x256xf32, #tpu.memory_space<vmem>>, vector<16xf32>,
      %bitcast3A_613 = vector.bitcast %get3A_612 : vector<16xf32> to vector<32xbf16>
      %unpack3A_614 = tpu.unpack_subelements %bitcast3A_613, 0 {pack_format = #tpu.pack_format<interleaved>} : vector<32xbf16> -> vector<16xf32>
      %unpack3A_615 = tpu.unpack_subelements %bitcast3A_613, 1 {pack_format = #tpu.pack_format<interleaved>} : vector<32xbf16> -> vector<16xf32>
      %mul3A_616 = arith.mulf %unpack3A_614, %get3A_454 : vector<16xf32>
      %mul3A_617 = arith.mulf %unpack3A_615, %get3A_457 : vector<16xf32>
      %add3A_618 = arith.addf %mul3A_616, %mul3A_617 : vector<16xf32>
      %get3A_619 = arith.index_cast %add3A_451 : i32 to index
      %get3A_620 = arith.constant 208 : index
      %get3A_621 = tpu.vector_load %arg10[%get3A_619, %get3A_620] {strides = array<i32>} : memref<96x256xf32, #tpu.memory_space<vmem>>, vector<16xf32>,
      %bitcast3A_622 = vector.bitcast %get3A_621 : vector<16xf32> to vector<32xbf16>
      %unpack3A_623 = tpu.unpack_subelements %bitcast3A_622, 0 {pack_format = #tpu.pack_format<interleaved>} : vector<32xbf16> -> vector<16xf32>
      %unpack3A_624 = tpu.unpack_subelements %bitcast3A_622, 1 {pack_format = #tpu.pack_format<interleaved>} : vector<32xbf16> -> vector<16xf32>
      %mul3A_625 = arith.mulf %unpack3A_623, %get3A_460 : vector<16xf32>
      %mul3A_626 = arith.mulf %unpack3A_624, %get3A_463 : vector<16xf32>
      %add3A_627 = arith.addf %mul3A_625, %mul3A_626 : vector<16xf32>
      %add3A_628 = arith.addf %add3A_618, %add3A_627 : vector<16xf32>
      %get3A_629 = arith.index_cast %add3A_451 : i32 to index
      %get3A_630 = arith.constant 224 : index
      %get3A_631 = tpu.vector_load %arg10[%get3A_629, %get3A_630] {strides = array<i32>} : memref<96x256xf32, #tpu.memory_space<vmem>>, vector<16xf32>,
      %bitcast3A_632 = vector.bitcast %get3A_631 : vector<16xf32> to vector<32xbf16>
      %unpack3A_633 = tpu.unpack_subelements %bitcast3A_632, 0 {pack_format = #tpu.pack_format<interleaved>} : vector<32xbf16> -> vector<16xf32>
      %unpack3A_634 = tpu.unpack_subelements %bitcast3A_632, 1 {pack_format = #tpu.pack_format<interleaved>} : vector<32xbf16> -> vector<16xf32>
      %mul3A_635 = arith.mulf %unpack3A_633, %get3A_466 : vector<16xf32>
      %mul3A_636 = arith.mulf %unpack3A_634, %get3A_469 : vector<16xf32>
      %add3A_637 = arith.addf %mul3A_635, %mul3A_636 : vector<16xf32>
      %add3A_638 = arith.addf %add3A_628, %add3A_637 : vector<16xf32>
      %get3A_639 = arith.index_cast %add3A_451 : i32 to index
      %get3A_640 = arith.constant 240 : index
      %get3A_641 = tpu.vector_load %arg10[%get3A_639, %get3A_640] {strides = array<i32>} : memref<96x256xf32, #tpu.memory_space<vmem>>, vector<16xf32>,
      %bitcast3A_642 = vector.bitcast %get3A_641 : vector<16xf32> to vector<32xbf16>
      %unpack3A_643 = tpu.unpack_subelements %bitcast3A_642, 0 {pack_format = #tpu.pack_format<interleaved>} : vector<32xbf16> -> vector<16xf32>
      %unpack3A_644 = tpu.unpack_subelements %bitcast3A_642, 1 {pack_format = #tpu.pack_format<interleaved>} : vector<32xbf16> -> vector<16xf32>
      %mul3A_645 = arith.mulf %unpack3A_643, %get3A_472 : vector<16xf32>
      %mul3A_646 = arith.mulf %unpack3A_644, %get3A_475 : vector<16xf32>
      %add3A_647 = arith.addf %mul3A_645, %mul3A_646 : vector<16xf32>
      %add3A_648 = arith.addf %add3A_638, %add3A_647 : vector<16xf32>
      %add3A_649 = arith.constant 48 : i32
      %add3A_650 = arith.addi %add3A_649, %scan3A_448 : i32
      %mul3A_651 = arith.constant 16 : i32
      %mul3A_652 = arith.muli %add3A_650, %mul3A_651 : i32
      %swap3A_653 = arith.index_cast %mul3A_652 : i32 to index
      %swap3A_654 = tpu.vector_load %arg16[%swap3A_653] {strides = array<i32>} : memref<1024xf32, #tpu.memory_space<vmem>>, vector<16xf32>,
      tpu.vector_store %arg16[%swap3A_653], %add3A_648 {strides = array<i32>} : memref<1024xf32, #tpu.memory_space<vmem>>, vector<16xf32>,
      %scan3A_655 = arith.constant 0 : i32
      scf.yield %scan3A_655 : i32
    }
    %scan3A_71 = arith.constant 16 : i32
    %add3A_72 = arith.constant 0 : i32
    %add3A_73 = vector.broadcast %add3A_72 : i32 to vector<16xi32>
    %add3A_74 = arith.addi %add3A_73, %iota3A : vector<16xi32>
    %mul3A_75 = arith.constant 16 : i32
    %mul3A_76 = vector.broadcast %mul3A_75 : i32 to vector<16xi32>
    %mul3A_77 = arith.muli %add3A_74, %mul3A_76 : vector<16xi32>
    %gather3A = tpu.vector_load_idx %arg16[%mul3A_77] : memref<1024xf32, #tpu.memory_space<vmem>>[vector<16xi32>], vector<16xf32>,
    %add3A_78 = arith.constant 1 : i32
    %add3A_79 = vector.broadcast %add3A_78 : i32 to vector<16xi32>
    %add3A_80 = arith.addi %mul3A_77, %add3A_79 : vector<16xi32>
    %gather3A_81 = tpu.vector_load_idx %arg16[%add3A_80] : memref<1024xf32, #tpu.memory_space<vmem>>[vector<16xi32>], vector<16xf32>,
    %add3A_82 = arith.addf %gather3A, %gather3A_81 : vector<16xf32>
    %add3A_83 = arith.constant 2 : i32
    %add3A_84 = vector.broadcast %add3A_83 : i32 to vector<16xi32>
    %add3A_85 = arith.addi %mul3A_77, %add3A_84 : vector<16xi32>
    %gather3A_86 = tpu.vector_load_idx %arg16[%add3A_85] : memref<1024xf32, #tpu.memory_space<vmem>>[vector<16xi32>], vector<16xf32>,
    %add3A_87 = arith.addf %add3A_82, %gather3A_86 : vector<16xf32>
    %add3A_88 = arith.constant 3 : i32
    %add3A_89 = vector.broadcast %add3A_88 : i32 to vector<16xi32>
    %add3A_90 = arith.addi %mul3A_77, %add3A_89 : vector<16xi32>
    %gather3A_91 = tpu.vector_load_idx %arg16[%add3A_90] : memref<1024xf32, #tpu.memory_space<vmem>>[vector<16xi32>], vector<16xf32>,
    %add3A_92 = arith.addf %add3A_87, %gather3A_91 : vector<16xf32>
    %add3A_93 = arith.constant 4 : i32
    %add3A_94 = vector.broadcast %add3A_93 : i32 to vector<16xi32>
    %add3A_95 = arith.addi %mul3A_77, %add3A_94 : vector<16xi32>
    %gather3A_96 = tpu.vector_load_idx %arg16[%add3A_95] : memref<1024xf32, #tpu.memory_space<vmem>>[vector<16xi32>], vector<16xf32>,
    %add3A_97 = arith.addf %add3A_92, %gather3A_96 : vector<16xf32>
    %add3A_98 = arith.constant 5 : i32
    %add3A_99 = vector.broadcast %add3A_98 : i32 to vector<16xi32>
    %add3A_100 = arith.addi %mul3A_77, %add3A_99 : vector<16xi32>
    %gather3A_101 = tpu.vector_load_idx %arg16[%add3A_100] : memref<1024xf32, #tpu.memory_space<vmem>>[vector<16xi32>], vector<16xf32>,
    %add3A_102 = arith.addf %add3A_97, %gather3A_101 : vector<16xf32>
    %add3A_103 = arith.constant 6 : i32
    %add3A_104 = vector.broadcast %add3A_103 : i32 to vector<16xi32>
    %add3A_105 = arith.addi %mul3A_77, %add3A_104 : vector<16xi32>
    %gather3A_106 = tpu.vector_load_idx %arg16[%add3A_105] : memref<1024xf32, #tpu.memory_space<vmem>>[vector<16xi32>], vector<16xf32>,
    %add3A_107 = arith.addf %add3A_102, %gather3A_106 : vector<16xf32>
    %add3A_108 = arith.constant 7 : i32
    %add3A_109 = vector.broadcast %add3A_108 : i32 to vector<16xi32>
    %add3A_110 = arith.addi %mul3A_77, %add3A_109 : vector<16xi32>
    %gather3A_111 = tpu.vector_load_idx %arg16[%add3A_110] : memref<1024xf32, #tpu.memory_space<vmem>>[vector<16xi32>], vector<16xf32>,
    %add3A_112 = arith.addf %add3A_107, %gather3A_111 : vector<16xf32>
    %add3A_113 = arith.constant 8 : i32
    %add3A_114 = vector.broadcast %add3A_113 : i32 to vector<16xi32>
    %add3A_115 = arith.addi %mul3A_77, %add3A_114 : vector<16xi32>
    %gather3A_116 = tpu.vector_load_idx %arg16[%add3A_115] : memref<1024xf32, #tpu.memory_space<vmem>>[vector<16xi32>], vector<16xf32>,
    %add3A_117 = arith.addf %add3A_112, %gather3A_116 : vector<16xf32>
    %add3A_118 = arith.constant 9 : i32
    %add3A_119 = vector.broadcast %add3A_118 : i32 to vector<16xi32>
    %add3A_120 = arith.addi %mul3A_77, %add3A_119 : vector<16xi32>
    %gather3A_121 = tpu.vector_load_idx %arg16[%add3A_120] : memref<1024xf32, #tpu.memory_space<vmem>>[vector<16xi32>], vector<16xf32>,
    %add3A_122 = arith.addf %add3A_117, %gather3A_121 : vector<16xf32>
    %add3A_123 = arith.constant 10 : i32
    %add3A_124 = vector.broadcast %add3A_123 : i32 to vector<16xi32>
    %add3A_125 = arith.addi %mul3A_77, %add3A_124 : vector<16xi32>
    %gather3A_126 = tpu.vector_load_idx %arg16[%add3A_125] : memref<1024xf32, #tpu.memory_space<vmem>>[vector<16xi32>], vector<16xf32>,
    %add3A_127 = arith.addf %add3A_122, %gather3A_126 : vector<16xf32>
    %add3A_128 = arith.constant 11 : i32
    %add3A_129 = vector.broadcast %add3A_128 : i32 to vector<16xi32>
    %add3A_130 = arith.addi %mul3A_77, %add3A_129 : vector<16xi32>
    %gather3A_131 = tpu.vector_load_idx %arg16[%add3A_130] : memref<1024xf32, #tpu.memory_space<vmem>>[vector<16xi32>], vector<16xf32>,
    %add3A_132 = arith.addf %add3A_127, %gather3A_131 : vector<16xf32>
    %add3A_133 = arith.constant 12 : i32
    %add3A_134 = vector.broadcast %add3A_133 : i32 to vector<16xi32>
    %add3A_135 = arith.addi %mul3A_77, %add3A_134 : vector<16xi32>
    %gather3A_136 = tpu.vector_load_idx %arg16[%add3A_135] : memref<1024xf32, #tpu.memory_space<vmem>>[vector<16xi32>], vector<16xf32>,
    %add3A_137 = arith.addf %add3A_132, %gather3A_136 : vector<16xf32>
    %add3A_138 = arith.constant 13 : i32
    %add3A_139 = vector.broadcast %add3A_138 : i32 to vector<16xi32>
    %add3A_140 = arith.addi %mul3A_77, %add3A_139 : vector<16xi32>
    %gather3A_141 = tpu.vector_load_idx %arg16[%add3A_140] : memref<1024xf32, #tpu.memory_space<vmem>>[vector<16xi32>], vector<16xf32>,
    %add3A_142 = arith.addf %add3A_137, %gather3A_141 : vector<16xf32>
    %add3A_143 = arith.constant 14 : i32
    %add3A_144 = vector.broadcast %add3A_143 : i32 to vector<16xi32>
    %add3A_145 = arith.addi %mul3A_77, %add3A_144 : vector<16xi32>
    %gather3A_146 = tpu.vector_load_idx %arg16[%add3A_145] : memref<1024xf32, #tpu.memory_space<vmem>>[vector<16xi32>], vector<16xf32>,
    %add3A_147 = arith.addf %add3A_142, %gather3A_146 : vector<16xf32>
    %add3A_148 = arith.constant 15 : i32
    %add3A_149 = vector.broadcast %add3A_148 : i32 to vector<16xi32>
    %add3A_150 = arith.addi %mul3A_77, %add3A_149 : vector<16xi32>
    %gather3A_151 = tpu.vector_load_idx %arg16[%add3A_150] : memref<1024xf32, #tpu.memory_space<vmem>>[vector<16xi32>], vector<16xf32>,
    %add3A_152 = arith.addf %add3A_147, %gather3A_151 : vector<16xf32>
    %exp3A = math.exp %add3A_152 : vector<16xf32>
    %add3A_153 = arith.addf %broadcast_in_dim3A_3, %exp3A : vector<16xf32>
    %add3A_154 = arith.constant 16 : i32
    %add3A_155 = vector.broadcast %add3A_154 : i32 to vector<16xi32>
    %add3A_156 = arith.addi %add3A_155, %iota3A : vector<16xi32>
    %mul3A_157 = arith.constant 16 : i32
    %mul3A_158 = vector.broadcast %mul3A_157 : i32 to vector<16xi32>
    %mul3A_159 = arith.muli %add3A_156, %mul3A_158 : vector<16xi32>
    %gather3A_160 = tpu.vector_load_idx %arg16[%mul3A_159] : memref<1024xf32, #tpu.memory_space<vmem>>[vector<16xi32>], vector<16xf32>,
    %add3A_161 = arith.constant 1 : i32
    %add3A_162 = vector.broadcast %add3A_161 : i32 to vector<16xi32>
    %add3A_163 = arith.addi %mul3A_159, %add3A_162 : vector<16xi32>
    %gather3A_164 = tpu.vector_load_idx %arg16[%add3A_163] : memref<1024xf32, #tpu.memory_space<vmem>>[vector<16xi32>], vector<16xf32>,
    %add3A_165 = arith.addf %gather3A_160, %gather3A_164 : vector<16xf32>
    %add3A_166 = arith.constant 2 : i32
    %add3A_167 = vector.broadcast %add3A_166 : i32 to vector<16xi32>
    %add3A_168 = arith.addi %mul3A_159, %add3A_167 : vector<16xi32>
    %gather3A_169 = tpu.vector_load_idx %arg16[%add3A_168] : memref<1024xf32, #tpu.memory_space<vmem>>[vector<16xi32>], vector<16xf32>,
    %add3A_170 = arith.addf %add3A_165, %gather3A_169 : vector<16xf32>
    %add3A_171 = arith.constant 3 : i32
    %add3A_172 = vector.broadcast %add3A_171 : i32 to vector<16xi32>
    %add3A_173 = arith.addi %mul3A_159, %add3A_172 : vector<16xi32>
    %gather3A_174 = tpu.vector_load_idx %arg16[%add3A_173] : memref<1024xf32, #tpu.memory_space<vmem>>[vector<16xi32>], vector<16xf32>,
    %add3A_175 = arith.addf %add3A_170, %gather3A_174 : vector<16xf32>
    %add3A_176 = arith.constant 4 : i32
    %add3A_177 = vector.broadcast %add3A_176 : i32 to vector<16xi32>
    %add3A_178 = arith.addi %mul3A_159, %add3A_177 : vector<16xi32>
    %gather3A_179 = tpu.vector_load_idx %arg16[%add3A_178] : memref<1024xf32, #tpu.memory_space<vmem>>[vector<16xi32>], vector<16xf32>,
    %add3A_180 = arith.addf %add3A_175, %gather3A_179 : vector<16xf32>
    %add3A_181 = arith.constant 5 : i32
    %add3A_182 = vector.broadcast %add3A_181 : i32 to vector<16xi32>
    %add3A_183 = arith.addi %mul3A_159, %add3A_182 : vector<16xi32>
    %gather3A_184 = tpu.vector_load_idx %arg16[%add3A_183] : memref<1024xf32, #tpu.memory_space<vmem>>[vector<16xi32>], vector<16xf32>,
    %add3A_185 = arith.addf %add3A_180, %gather3A_184 : vector<16xf32>
    %add3A_186 = arith.constant 6 : i32
    %add3A_187 = vector.broadcast %add3A_186 : i32 to vector<16xi32>
    %add3A_188 = arith.addi %mul3A_159, %add3A_187 : vector<16xi32>
    %gather3A_189 = tpu.vector_load_idx %arg16[%add3A_188] : memref<1024xf32, #tpu.memory_space<vmem>>[vector<16xi32>], vector<16xf32>,
    %add3A_190 = arith.addf %add3A_185, %gather3A_189 : vector<16xf32>
    %add3A_191 = arith.constant 7 : i32
    %add3A_192 = vector.broadcast %add3A_191 : i32 to vector<16xi32>
    %add3A_193 = arith.addi %mul3A_159, %add3A_192 : vector<16xi32>
    %gather3A_194 = tpu.vector_load_idx %arg16[%add3A_193] : memref<1024xf32, #tpu.memory_space<vmem>>[vector<16xi32>], vector<16xf32>,
    %add3A_195 = arith.addf %add3A_190, %gather3A_194 : vector<16xf32>
    %add3A_196 = arith.constant 8 : i32
    %add3A_197 = vector.broadcast %add3A_196 : i32 to vector<16xi32>
    %add3A_198 = arith.addi %mul3A_159, %add3A_197 : vector<16xi32>
    %gather3A_199 = tpu.vector_load_idx %arg16[%add3A_198] : memref<1024xf32, #tpu.memory_space<vmem>>[vector<16xi32>], vector<16xf32>,
    %add3A_200 = arith.addf %add3A_195, %gather3A_199 : vector<16xf32>
    %add3A_201 = arith.constant 9 : i32
    %add3A_202 = vector.broadcast %add3A_201 : i32 to vector<16xi32>
    %add3A_203 = arith.addi %mul3A_159, %add3A_202 : vector<16xi32>
    %gather3A_204 = tpu.vector_load_idx %arg16[%add3A_203] : memref<1024xf32, #tpu.memory_space<vmem>>[vector<16xi32>], vector<16xf32>,
    %add3A_205 = arith.addf %add3A_200, %gather3A_204 : vector<16xf32>
    %add3A_206 = arith.constant 10 : i32
    %add3A_207 = vector.broadcast %add3A_206 : i32 to vector<16xi32>
    %add3A_208 = arith.addi %mul3A_159, %add3A_207 : vector<16xi32>
    %gather3A_209 = tpu.vector_load_idx %arg16[%add3A_208] : memref<1024xf32, #tpu.memory_space<vmem>>[vector<16xi32>], vector<16xf32>,
    %add3A_210 = arith.addf %add3A_205, %gather3A_209 : vector<16xf32>
    %add3A_211 = arith.constant 11 : i32
    %add3A_212 = vector.broadcast %add3A_211 : i32 to vector<16xi32>
    %add3A_213 = arith.addi %mul3A_159, %add3A_212 : vector<16xi32>
    %gather3A_214 = tpu.vector_load_idx %arg16[%add3A_213] : memref<1024xf32, #tpu.memory_space<vmem>>[vector<16xi32>], vector<16xf32>,
    %add3A_215 = arith.addf %add3A_210, %gather3A_214 : vector<16xf32>
    %add3A_216 = arith.constant 12 : i32
    %add3A_217 = vector.broadcast %add3A_216 : i32 to vector<16xi32>
    %add3A_218 = arith.addi %mul3A_159, %add3A_217 : vector<16xi32>
    %gather3A_219 = tpu.vector_load_idx %arg16[%add3A_218] : memref<1024xf32, #tpu.memory_space<vmem>>[vector<16xi32>], vector<16xf32>,
    %add3A_220 = arith.addf %add3A_215, %gather3A_219 : vector<16xf32>
    %add3A_221 = arith.constant 13 : i32
    %add3A_222 = vector.broadcast %add3A_221 : i32 to vector<16xi32>
    %add3A_223 = arith.addi %mul3A_159, %add3A_222 : vector<16xi32>
    %gather3A_224 = tpu.vector_load_idx %arg16[%add3A_223] : memref<1024xf32, #tpu.memory_space<vmem>>[vector<16xi32>], vector<16xf32>,
    %add3A_225 = arith.addf %add3A_220, %gather3A_224 : vector<16xf32>
    %add3A_226 = arith.constant 14 : i32
    %add3A_227 = vector.broadcast %add3A_226 : i32 to vector<16xi32>
    %add3A_228 = arith.addi %mul3A_159, %add3A_227 : vector<16xi32>
    %gather3A_229 = tpu.vector_load_idx %arg16[%add3A_228] : memref<1024xf32, #tpu.memory_space<vmem>>[vector<16xi32>], vector<16xf32>,
    %add3A_230 = arith.addf %add3A_225, %gather3A_229 : vector<16xf32>
    %add3A_231 = arith.constant 15 : i32
    %add3A_232 = vector.broadcast %add3A_231 : i32 to vector<16xi32>
    %add3A_233 = arith.addi %mul3A_159, %add3A_232 : vector<16xi32>
    %gather3A_234 = tpu.vector_load_idx %arg16[%add3A_233] : memref<1024xf32, #tpu.memory_space<vmem>>[vector<16xi32>], vector<16xf32>,
    %add3A_235 = arith.addf %add3A_230, %gather3A_234 : vector<16xf32>
    %exp3A_236 = math.exp %add3A_235 : vector<16xf32>
    %add3A_237 = arith.addf %add3A_153, %exp3A_236 : vector<16xf32>
    %add3A_238 = arith.constant 32 : i32
    %add3A_239 = vector.broadcast %add3A_238 : i32 to vector<16xi32>
    %add3A_240 = arith.addi %add3A_239, %iota3A : vector<16xi32>
    %mul3A_241 = arith.constant 16 : i32
    %mul3A_242 = vector.broadcast %mul3A_241 : i32 to vector<16xi32>
    %mul3A_243 = arith.muli %add3A_240, %mul3A_242 : vector<16xi32>
    %gather3A_244 = tpu.vector_load_idx %arg16[%mul3A_243] : memref<1024xf32, #tpu.memory_space<vmem>>[vector<16xi32>], vector<16xf32>,
    %add3A_245 = arith.constant 1 : i32
    %add3A_246 = vector.broadcast %add3A_245 : i32 to vector<16xi32>
    %add3A_247 = arith.addi %mul3A_243, %add3A_246 : vector<16xi32>
    %gather3A_248 = tpu.vector_load_idx %arg16[%add3A_247] : memref<1024xf32, #tpu.memory_space<vmem>>[vector<16xi32>], vector<16xf32>,
    %add3A_249 = arith.addf %gather3A_244, %gather3A_248 : vector<16xf32>
    %add3A_250 = arith.constant 2 : i32
    %add3A_251 = vector.broadcast %add3A_250 : i32 to vector<16xi32>
    %add3A_252 = arith.addi %mul3A_243, %add3A_251 : vector<16xi32>
    %gather3A_253 = tpu.vector_load_idx %arg16[%add3A_252] : memref<1024xf32, #tpu.memory_space<vmem>>[vector<16xi32>], vector<16xf32>,
    %add3A_254 = arith.addf %add3A_249, %gather3A_253 : vector<16xf32>
    %add3A_255 = arith.constant 3 : i32
    %add3A_256 = vector.broadcast %add3A_255 : i32 to vector<16xi32>
    %add3A_257 = arith.addi %mul3A_243, %add3A_256 : vector<16xi32>
    %gather3A_258 = tpu.vector_load_idx %arg16[%add3A_257] : memref<1024xf32, #tpu.memory_space<vmem>>[vector<16xi32>], vector<16xf32>,
    %add3A_259 = arith.addf %add3A_254, %gather3A_258 : vector<16xf32>
    %add3A_260 = arith.constant 4 : i32
    %add3A_261 = vector.broadcast %add3A_260 : i32 to vector<16xi32>
    %add3A_262 = arith.addi %mul3A_243, %add3A_261 : vector<16xi32>
    %gather3A_263 = tpu.vector_load_idx %arg16[%add3A_262] : memref<1024xf32, #tpu.memory_space<vmem>>[vector<16xi32>], vector<16xf32>,
    %add3A_264 = arith.addf %add3A_259, %gather3A_263 : vector<16xf32>
    %add3A_265 = arith.constant 5 : i32
    %add3A_266 = vector.broadcast %add3A_265 : i32 to vector<16xi32>
    %add3A_267 = arith.addi %mul3A_243, %add3A_266 : vector<16xi32>
    %gather3A_268 = tpu.vector_load_idx %arg16[%add3A_267] : memref<1024xf32, #tpu.memory_space<vmem>>[vector<16xi32>], vector<16xf32>,
    %add3A_269 = arith.addf %add3A_264, %gather3A_268 : vector<16xf32>
    %add3A_270 = arith.constant 6 : i32
    %add3A_271 = vector.broadcast %add3A_270 : i32 to vector<16xi32>
    %add3A_272 = arith.addi %mul3A_243, %add3A_271 : vector<16xi32>
    %gather3A_273 = tpu.vector_load_idx %arg16[%add3A_272] : memref<1024xf32, #tpu.memory_space<vmem>>[vector<16xi32>], vector<16xf32>,
    %add3A_274 = arith.addf %add3A_269, %gather3A_273 : vector<16xf32>
    %add3A_275 = arith.constant 7 : i32
    %add3A_276 = vector.broadcast %add3A_275 : i32 to vector<16xi32>
    %add3A_277 = arith.addi %mul3A_243, %add3A_276 : vector<16xi32>
    %gather3A_278 = tpu.vector_load_idx %arg16[%add3A_277] : memref<1024xf32, #tpu.memory_space<vmem>>[vector<16xi32>], vector<16xf32>,
    %add3A_279 = arith.addf %add3A_274, %gather3A_278 : vector<16xf32>
    %add3A_280 = arith.constant 8 : i32
    %add3A_281 = vector.broadcast %add3A_280 : i32 to vector<16xi32>
    %add3A_282 = arith.addi %mul3A_243, %add3A_281 : vector<16xi32>
    %gather3A_283 = tpu.vector_load_idx %arg16[%add3A_282] : memref<1024xf32, #tpu.memory_space<vmem>>[vector<16xi32>], vector<16xf32>,
    %add3A_284 = arith.addf %add3A_279, %gather3A_283 : vector<16xf32>
    %add3A_285 = arith.constant 9 : i32
    %add3A_286 = vector.broadcast %add3A_285 : i32 to vector<16xi32>
    %add3A_287 = arith.addi %mul3A_243, %add3A_286 : vector<16xi32>
    %gather3A_288 = tpu.vector_load_idx %arg16[%add3A_287] : memref<1024xf32, #tpu.memory_space<vmem>>[vector<16xi32>], vector<16xf32>,
    %add3A_289 = arith.addf %add3A_284, %gather3A_288 : vector<16xf32>
    %add3A_290 = arith.constant 10 : i32
    %add3A_291 = vector.broadcast %add3A_290 : i32 to vector<16xi32>
    %add3A_292 = arith.addi %mul3A_243, %add3A_291 : vector<16xi32>
    %gather3A_293 = tpu.vector_load_idx %arg16[%add3A_292] : memref<1024xf32, #tpu.memory_space<vmem>>[vector<16xi32>], vector<16xf32>,
    %add3A_294 = arith.addf %add3A_289, %gather3A_293 : vector<16xf32>
    %add3A_295 = arith.constant 11 : i32
    %add3A_296 = vector.broadcast %add3A_295 : i32 to vector<16xi32>
    %add3A_297 = arith.addi %mul3A_243, %add3A_296 : vector<16xi32>
    %gather3A_298 = tpu.vector_load_idx %arg16[%add3A_297] : memref<1024xf32, #tpu.memory_space<vmem>>[vector<16xi32>], vector<16xf32>,
    %add3A_299 = arith.addf %add3A_294, %gather3A_298 : vector<16xf32>
    %add3A_300 = arith.constant 12 : i32
    %add3A_301 = vector.broadcast %add3A_300 : i32 to vector<16xi32>
    %add3A_302 = arith.addi %mul3A_243, %add3A_301 : vector<16xi32>
    %gather3A_303 = tpu.vector_load_idx %arg16[%add3A_302] : memref<1024xf32, #tpu.memory_space<vmem>>[vector<16xi32>], vector<16xf32>,
    %add3A_304 = arith.addf %add3A_299, %gather3A_303 : vector<16xf32>
    %add3A_305 = arith.constant 13 : i32
    %add3A_306 = vector.broadcast %add3A_305 : i32 to vector<16xi32>
    %add3A_307 = arith.addi %mul3A_243, %add3A_306 : vector<16xi32>
    %gather3A_308 = tpu.vector_load_idx %arg16[%add3A_307] : memref<1024xf32, #tpu.memory_space<vmem>>[vector<16xi32>], vector<16xf32>,
    %add3A_309 = arith.addf %add3A_304, %gather3A_308 : vector<16xf32>
    %add3A_310 = arith.constant 14 : i32
    %add3A_311 = vector.broadcast %add3A_310 : i32 to vector<16xi32>
    %add3A_312 = arith.addi %mul3A_243, %add3A_311 : vector<16xi32>
    %gather3A_313 = tpu.vector_load_idx %arg16[%add3A_312] : memref<1024xf32, #tpu.memory_space<vmem>>[vector<16xi32>], vector<16xf32>,
    %add3A_314 = arith.addf %add3A_309, %gather3A_313 : vector<16xf32>
    %add3A_315 = arith.constant 15 : i32
    %add3A_316 = vector.broadcast %add3A_315 : i32 to vector<16xi32>
    %add3A_317 = arith.addi %mul3A_243, %add3A_316 : vector<16xi32>
    %gather3A_318 = tpu.vector_load_idx %arg16[%add3A_317] : memref<1024xf32, #tpu.memory_space<vmem>>[vector<16xi32>], vector<16xf32>,
    %add3A_319 = arith.addf %add3A_314, %gather3A_318 : vector<16xf32>
    %exp3A_320 = math.exp %add3A_319 : vector<16xf32>
    %add3A_321 = arith.addf %add3A_237, %exp3A_320 : vector<16xf32>
    %add3A_322 = arith.constant 48 : i32
    %add3A_323 = vector.broadcast %add3A_322 : i32 to vector<16xi32>
    %add3A_324 = arith.addi %add3A_323, %iota3A : vector<16xi32>
    %mul3A_325 = arith.constant 16 : i32
    %mul3A_326 = vector.broadcast %mul3A_325 : i32 to vector<16xi32>
    %mul3A_327 = arith.muli %add3A_324, %mul3A_326 : vector<16xi32>
    %gather3A_328 = tpu.vector_load_idx %arg16[%mul3A_327] : memref<1024xf32, #tpu.memory_space<vmem>>[vector<16xi32>], vector<16xf32>,
    %add3A_329 = arith.constant 1 : i32
    %add3A_330 = vector.broadcast %add3A_329 : i32 to vector<16xi32>
    %add3A_331 = arith.addi %mul3A_327, %add3A_330 : vector<16xi32>
    %gather3A_332 = tpu.vector_load_idx %arg16[%add3A_331] : memref<1024xf32, #tpu.memory_space<vmem>>[vector<16xi32>], vector<16xf32>,
    %add3A_333 = arith.addf %gather3A_328, %gather3A_332 : vector<16xf32>
    %add3A_334 = arith.constant 2 : i32
    %add3A_335 = vector.broadcast %add3A_334 : i32 to vector<16xi32>
    %add3A_336 = arith.addi %mul3A_327, %add3A_335 : vector<16xi32>
    %gather3A_337 = tpu.vector_load_idx %arg16[%add3A_336] : memref<1024xf32, #tpu.memory_space<vmem>>[vector<16xi32>], vector<16xf32>,
    %add3A_338 = arith.addf %add3A_333, %gather3A_337 : vector<16xf32>
    %add3A_339 = arith.constant 3 : i32
    %add3A_340 = vector.broadcast %add3A_339 : i32 to vector<16xi32>
    %add3A_341 = arith.addi %mul3A_327, %add3A_340 : vector<16xi32>
    %gather3A_342 = tpu.vector_load_idx %arg16[%add3A_341] : memref<1024xf32, #tpu.memory_space<vmem>>[vector<16xi32>], vector<16xf32>,
    %add3A_343 = arith.addf %add3A_338, %gather3A_342 : vector<16xf32>
    %add3A_344 = arith.constant 4 : i32
    %add3A_345 = vector.broadcast %add3A_344 : i32 to vector<16xi32>
    %add3A_346 = arith.addi %mul3A_327, %add3A_345 : vector<16xi32>
    %gather3A_347 = tpu.vector_load_idx %arg16[%add3A_346] : memref<1024xf32, #tpu.memory_space<vmem>>[vector<16xi32>], vector<16xf32>,
    %add3A_348 = arith.addf %add3A_343, %gather3A_347 : vector<16xf32>
    %add3A_349 = arith.constant 5 : i32
    %add3A_350 = vector.broadcast %add3A_349 : i32 to vector<16xi32>
    %add3A_351 = arith.addi %mul3A_327, %add3A_350 : vector<16xi32>
    %gather3A_352 = tpu.vector_load_idx %arg16[%add3A_351] : memref<1024xf32, #tpu.memory_space<vmem>>[vector<16xi32>], vector<16xf32>,
    %add3A_353 = arith.addf %add3A_348, %gather3A_352 : vector<16xf32>
    %add3A_354 = arith.constant 6 : i32
    %add3A_355 = vector.broadcast %add3A_354 : i32 to vector<16xi32>
    %add3A_356 = arith.addi %mul3A_327, %add3A_355 : vector<16xi32>
    %gather3A_357 = tpu.vector_load_idx %arg16[%add3A_356] : memref<1024xf32, #tpu.memory_space<vmem>>[vector<16xi32>], vector<16xf32>,
    %add3A_358 = arith.addf %add3A_353, %gather3A_357 : vector<16xf32>
    %add3A_359 = arith.constant 7 : i32
    %add3A_360 = vector.broadcast %add3A_359 : i32 to vector<16xi32>
    %add3A_361 = arith.addi %mul3A_327, %add3A_360 : vector<16xi32>
    %gather3A_362 = tpu.vector_load_idx %arg16[%add3A_361] : memref<1024xf32, #tpu.memory_space<vmem>>[vector<16xi32>], vector<16xf32>,
    %add3A_363 = arith.addf %add3A_358, %gather3A_362 : vector<16xf32>
    %add3A_364 = arith.constant 8 : i32
    %add3A_365 = vector.broadcast %add3A_364 : i32 to vector<16xi32>
    %add3A_366 = arith.addi %mul3A_327, %add3A_365 : vector<16xi32>
    %gather3A_367 = tpu.vector_load_idx %arg16[%add3A_366] : memref<1024xf32, #tpu.memory_space<vmem>>[vector<16xi32>], vector<16xf32>,
    %add3A_368 = arith.addf %add3A_363, %gather3A_367 : vector<16xf32>
    %add3A_369 = arith.constant 9 : i32
    %add3A_370 = vector.broadcast %add3A_369 : i32 to vector<16xi32>
    %add3A_371 = arith.addi %mul3A_327, %add3A_370 : vector<16xi32>
    %gather3A_372 = tpu.vector_load_idx %arg16[%add3A_371] : memref<1024xf32, #tpu.memory_space<vmem>>[vector<16xi32>], vector<16xf32>,
    %add3A_373 = arith.addf %add3A_368, %gather3A_372 : vector<16xf32>
    %add3A_374 = arith.constant 10 : i32
    %add3A_375 = vector.broadcast %add3A_374 : i32 to vector<16xi32>
    %add3A_376 = arith.addi %mul3A_327, %add3A_375 : vector<16xi32>
    %gather3A_377 = tpu.vector_load_idx %arg16[%add3A_376] : memref<1024xf32, #tpu.memory_space<vmem>>[vector<16xi32>], vector<16xf32>,
    %add3A_378 = arith.addf %add3A_373, %gather3A_377 : vector<16xf32>
    %add3A_379 = arith.constant 11 : i32
    %add3A_380 = vector.broadcast %add3A_379 : i32 to vector<16xi32>
    %add3A_381 = arith.addi %mul3A_327, %add3A_380 : vector<16xi32>
    %gather3A_382 = tpu.vector_load_idx %arg16[%add3A_381] : memref<1024xf32, #tpu.memory_space<vmem>>[vector<16xi32>], vector<16xf32>,
    %add3A_383 = arith.addf %add3A_378, %gather3A_382 : vector<16xf32>
    %add3A_384 = arith.constant 12 : i32
    %add3A_385 = vector.broadcast %add3A_384 : i32 to vector<16xi32>
    %add3A_386 = arith.addi %mul3A_327, %add3A_385 : vector<16xi32>
    %gather3A_387 = tpu.vector_load_idx %arg16[%add3A_386] : memref<1024xf32, #tpu.memory_space<vmem>>[vector<16xi32>], vector<16xf32>,
    %add3A_388 = arith.addf %add3A_383, %gather3A_387 : vector<16xf32>
    %add3A_389 = arith.constant 13 : i32
    %add3A_390 = vector.broadcast %add3A_389 : i32 to vector<16xi32>
    %add3A_391 = arith.addi %mul3A_327, %add3A_390 : vector<16xi32>
    %gather3A_392 = tpu.vector_load_idx %arg16[%add3A_391] : memref<1024xf32, #tpu.memory_space<vmem>>[vector<16xi32>], vector<16xf32>,
    %add3A_393 = arith.addf %add3A_388, %gather3A_392 : vector<16xf32>
    %add3A_394 = arith.constant 14 : i32
    %add3A_395 = vector.broadcast %add3A_394 : i32 to vector<16xi32>
    %add3A_396 = arith.addi %mul3A_327, %add3A_395 : vector<16xi32>
    %gather3A_397 = tpu.vector_load_idx %arg16[%add3A_396] : memref<1024xf32, #tpu.memory_space<vmem>>[vector<16xi32>], vector<16xf32>,
    %add3A_398 = arith.addf %add3A_393, %gather3A_397 : vector<16xf32>
    %add3A_399 = arith.constant 15 : i32
    %add3A_400 = vector.broadcast %add3A_399 : i32 to vector<16xi32>
    %add3A_401 = arith.addi %mul3A_327, %add3A_400 : vector<16xi32>
    %gather3A_402 = tpu.vector_load_idx %arg16[%add3A_401] : memref<1024xf32, #tpu.memory_space<vmem>>[vector<16xi32>], vector<16xf32>,
    %add3A_403 = arith.addf %add3A_398, %gather3A_402 : vector<16xf32>
    %exp3A_404 = math.exp %add3A_403 : vector<16xf32>
    %add3A_405 = arith.addf %add3A_321, %exp3A_404 : vector<16xf32>
    %mul3A_406 = arith.constant 2.500000e-01 : f32
    %mul3A_407 = vector.broadcast %mul3A_406 : f32 to vector<16xf32>
    %mul3A_408 = arith.mulf %add3A_405, %mul3A_407 : vector<16xf32>
    %get3A = arith.constant 9984 : index
    %get3A_409 = tpu.vector_load %arg8[%get3A] {strides = array<i32>} : memref<10000xi32, #tpu.memory_space<vmem>>, vector<16xi32>,
    tpu.vector_store_idx %arg15[%get3A_409], %mul3A_408 {add = true} : memref<10000xf32, #tpu.memory_space<vmem>>[vector<16xi32>], vector<16xf32>,
    %max3A = arith.constant 1.000000e-30 : f32
    %max3A_410 = vector.broadcast %max3A : f32 to vector<16xf32>
    %max3A_411 = arith.maximumf %mul3A_408, %max3A_410 : vector<16xf32>
    %broadcast_in_dim3A_412 = arith.constant 1597463007 : i32
    %broadcast_in_dim3A_413 = vector.broadcast %broadcast_in_dim3A_412 : i32 to vector<16xi32>
    %bitcast3A = vector.bitcast %max3A_411 : vector<16xf32> to vector<16xi32>
    %shift_right_arithmetic3A = arith.constant 1 : i32
    %shift_right_arithmetic3A_414 = vector.broadcast %shift_right_arithmetic3A : i32 to vector<16xi32>
    %shift_right_arithmetic3A_415 = arith.shrsi %bitcast3A, %shift_right_arithmetic3A_414 : vector<16xi32>
    %sub3A = arith.subi %broadcast_in_dim3A_413, %shift_right_arithmetic3A_415 : vector<16xi32>
    %bitcast3A_416 = vector.bitcast %sub3A : vector<16xi32> to vector<16xf32>
    %mul3A_417 = arith.constant 5.000000e-01 : f32
    %mul3A_418 = vector.broadcast %mul3A_417 : f32 to vector<16xf32>
    %mul3A_419 = arith.mulf %mul3A_418, %max3A_411 : vector<16xf32>
    %mul3A_420 = arith.mulf %mul3A_419, %bitcast3A_416 : vector<16xf32>
    %mul3A_421 = arith.mulf %mul3A_420, %bitcast3A_416 : vector<16xf32>
    %sub3A_422 = arith.constant 1.500000e+00 : f32
    %sub3A_423 = vector.broadcast %sub3A_422 : f32 to vector<16xf32>
    %sub3A_424 = arith.subf %sub3A_423, %mul3A_421 : vector<16xf32>
    %mul3A_425 = arith.mulf %bitcast3A_416, %sub3A_424 : vector<16xf32>
    %mul3A_426 = arith.constant 5.000000e-01 : f32
    %mul3A_427 = vector.broadcast %mul3A_426 : f32 to vector<16xf32>
    %mul3A_428 = arith.mulf %mul3A_427, %max3A_411 : vector<16xf32>
    %mul3A_429 = arith.mulf %mul3A_428, %mul3A_425 : vector<16xf32>
    %mul3A_430 = arith.mulf %mul3A_429, %mul3A_425 : vector<16xf32>
    %sub3A_431 = arith.constant 1.500000e+00 : f32
    %sub3A_432 = vector.broadcast %sub3A_431 : f32 to vector<16xf32>
    %sub3A_433 = arith.subf %sub3A_432, %mul3A_430 : vector<16xf32>
    %mul3A_434 = arith.mulf %mul3A_425, %sub3A_433 : vector<16xf32>
    %mul3A_435 = arith.constant 5.000000e-01 : f32
    %mul3A_436 = vector.broadcast %mul3A_435 : f32 to vector<16xf32>
    %mul3A_437 = arith.mulf %mul3A_436, %max3A_411 : vector<16xf32>
    %mul3A_438 = arith.mulf %mul3A_437, %mul3A_434 : vector<16xf32>
    %mul3A_439 = arith.mulf %mul3A_438, %mul3A_434 : vector<16xf32>
    %sub3A_440 = arith.constant 1.500000e+00 : f32
    %sub3A_441 = vector.broadcast %sub3A_440 : f32 to vector<16xf32>
    %sub3A_442 = arith.subf %sub3A_441, %mul3A_439 : vector<16xf32>
    %mul3A_443 = arith.mulf %mul3A_434, %sub3A_442 : vector<16xf32>
    %mul3A_444 = arith.mulf %mul3A_408, %mul3A_443 : vector<16xf32>
    %swap3A = arith.constant 9984 : index
    %swap3A_445 = tpu.vector_load %arg14[%swap3A] {strides = array<i32>} : memref<10000xf32, #tpu.memory_space<vmem>>, vector<16xf32>,
    tpu.vector_store %arg14[%swap3A], %mul3A_444 {strides = array<i32>} : memref<10000xf32, #tpu.memory_space<vmem>>, vector<16xf32>,
    "tpu.region"() ({
      %run_scoped3A = tpu.sem_alloc : memref<!tpu.dma_semaphore, #tpu.memory_space<semaphore_mem>>
      %dma_start3A_448 = tpu.memref_slice %arg6[%mul3A_2] : memref<320000xf32, #tpu.memory_space<hbm>> -> memref<10000xf32, #tpu.memory_space<hbm>>
      %dma_start3A_449 = tpu.memref_slice %arg6[%mul3A_2] : memref<320000xf32, #tpu.memory_space<hbm>> -> memref<10000xf32, #tpu.memory_space<hbm>>
      tpu.enqueue_dma source(%arg14 : memref<10000xf32, #tpu.memory_space<vmem>>) target(%dma_start3A_449 : memref<10000xf32, #tpu.memory_space<hbm>>) target_semaphore(%run_scoped3A : memref<!tpu.dma_semaphore, #tpu.memory_space<semaphore_mem>>)
      %dma_wait3A_450 = tpu.memref_slice %arg6[%mul3A_2] : memref<320000xf32, #tpu.memory_space<hbm>> -> memref<10000xf32, #tpu.memory_space<hbm>>
      %dma_wait3A_451 = tpu.memref_slice %arg6[%mul3A_2] : memref<320000xf32, #tpu.memory_space<hbm>> -> memref<10000xf32, #tpu.memory_space<hbm>>
      tpu.wait_dma2 semaphore(%run_scoped3A : memref<!tpu.dma_semaphore, #tpu.memory_space<semaphore_mem>>) src(%arg14 : memref<10000xf32, #tpu.memory_space<vmem>>) dst(%dma_wait3A_451 : memref<10000xf32, #tpu.memory_space<hbm>>)
      tpu.yield
    }) : () -> ()
    %mul3A_446 = arith.constant 10000 : i32
    %mul3A_447 = arith.muli %add3A, %mul3A_446 : i32
    "tpu.region"() ({
      %run_scoped3A = tpu.sem_alloc : memref<!tpu.dma_semaphore, #tpu.memory_space<semaphore_mem>>
      %dma_start3A_448 = tpu.memref_slice %arg7[%mul3A_447] : memref<320000xf32, #tpu.memory_space<hbm>> -> memref<10000xf32, #tpu.memory_space<hbm>>
      %dma_start3A_449 = tpu.memref_slice %arg7[%mul3A_447] : memref<320000xf32, #tpu.memory_space<hbm>> -> memref<10000xf32, #tpu.memory_space<hbm>>
      tpu.enqueue_dma source(%arg15 : memref<10000xf32, #tpu.memory_space<vmem>>) target(%dma_start3A_449 : memref<10000xf32, #tpu.memory_space<hbm>>) target_semaphore(%run_scoped3A : memref<!tpu.dma_semaphore, #tpu.memory_space<semaphore_mem>>)
      %dma_wait3A_450 = tpu.memref_slice %arg7[%mul3A_447] : memref<320000xf32, #tpu.memory_space<hbm>> -> memref<10000xf32, #tpu.memory_space<hbm>>
      %dma_wait3A_451 = tpu.memref_slice %arg7[%mul3A_447] : memref<320000xf32, #tpu.memory_space<hbm>> -> memref<10000xf32, #tpu.memory_space<hbm>>
      tpu.wait_dma2 semaphore(%run_scoped3A : memref<!tpu.dma_semaphore, #tpu.memory_space<semaphore_mem>>) src(%arg15 : memref<10000xf32, #tpu.memory_space<vmem>>) dst(%dma_wait3A_451 : memref<10000xf32, #tpu.memory_space<hbm>>)
      tpu.yield
    }) : () -> ()
    return
  }
}

module attributes {stable_mosaic.version = 14 : i64} {
  func.func @_pre_body(%arg0: i32, %arg1: memref<1000x128xf32, #tpu.memory_space<vmem>>, %arg2: memref<128x128xf32, #tpu.memory_space<vmem>>, %arg3: memref<128x128xf32, #tpu.memory_space<vmem>>, %arg4: memref<128x128xf32, #tpu.memory_space<vmem>>, %arg5: memref<128x512xf32, #tpu.memory_space<vmem>>, %arg6: memref<1000x512xf32, #tpu.memory_space<vmem>>, %arg7: memref<1000x128xf32, #tpu.memory_space<vmem>>, %arg8: memref<1000x128xf32, #tpu.memory_space<vmem>>) attributes {dimension_semantics = [#tpu.dimension_semantics<arbitrary>], iteration_bounds = array<i64: 10>, scalar_prefetch = 0 : i64, scratch_operands = 0 : i64, tpu.core_type = #tpu.core_type<tc>, window_params = [{transform_indices = @transform_0, window_bounds = array<i64: 1000, 128>}, {pipeline_mode = #tpu.pipeline_mode<synchronous>, transform_indices = @transform_1, window_bounds = array<i64: 128, 128>}, {pipeline_mode = #tpu.pipeline_mode<synchronous>, transform_indices = @transform_2, window_bounds = array<i64: 128, 128>}, {pipeline_mode = #tpu.pipeline_mode<synchronous>, transform_indices = @transform_3, window_bounds = array<i64: 128, 128>}, {pipeline_mode = #tpu.pipeline_mode<synchronous>, transform_indices = @transform_4, window_bounds = array<i64: 128, 512>}, {transform_indices = @transform_5, window_bounds = array<i64: 1000, 512>}, {transform_indices = @transform_6, window_bounds = array<i64: 1000, 128>}, {transform_indices = @transform_7, window_bounds = array<i64: 1000, 128>}]} {
    %get3A = arith.constant 0 : index
    %get3A_0 = arith.constant 0 : index
    %get3A_1 = vector.load %arg1[%get3A, %get3A_0] : memref<1000x128xf32, #tpu.memory_space<vmem>>, vector<1000x128xf32>
    %get3A_2 = arith.constant 0 : index
    %get3A_3 = arith.constant 0 : index
    %get3A_4 = vector.load %arg2[%get3A_2, %get3A_3] : memref<128x128xf32, #tpu.memory_space<vmem>>, vector<128x128xf32>
    %dot_general3A = arith.constant dense<0.000000e+00> : vector<1000x128xf32>
    %dot_general3A_5 = tpu.matmul %get3A_1, %get3A_4, %dot_general3A {dimension_numbers = #tpu.dot_dimension_numbers<[1], [0], [0], [1], [0, 0, 1, 1], [], []>, transpose_lhs_hint = false} : vector<1000x128xf32>, vector<128x128xf32>, vector<1000x128xf32> -> vector<1000x128xf32>
    %abs3A = math.absf %dot_general3A_5 : vector<1000x128xf32>
    %logistic3A = arith.negf %abs3A : vector<1000x128xf32>
    %logistic3A_6 = math.exp %logistic3A : vector<1000x128xf32>
    %logistic3A_7 = arith.constant 1.000000e+00 : f32
    %logistic3A_8 = vector.broadcast %logistic3A_7 : f32 to vector<1000x128xf32>
    %logistic3A_9 = arith.addf %logistic3A_8, %logistic3A_6 : vector<1000x128xf32>
    %logistic3A_10 = arith.divf %logistic3A_8, %logistic3A_9 : vector<1000x128xf32>
    %mul3A = arith.mulf %dot_general3A_5, %logistic3A_10 : vector<1000x128xf32>
    %add3A = arith.constant 9.99999974E-6 : f32
    %add3A_11 = vector.broadcast %add3A : f32 to vector<1000x128xf32>
    %add3A_12 = arith.addf %abs3A, %add3A_11 : vector<1000x128xf32>
    %div3A = arith.divf %mul3A, %add3A_12 : vector<1000x128xf32>
    %get3A_13 = arith.constant 0 : index
    %get3A_14 = arith.constant 0 : index
    %get3A_15 = vector.load %arg5[%get3A_13, %get3A_14] : memref<128x512xf32, #tpu.memory_space<vmem>>, vector<128x512xf32>
    %dot_general3A_16 = arith.constant dense<0.000000e+00> : vector<1000x512xf32>
    %dot_general3A_17 = tpu.matmul %div3A, %get3A_15, %dot_general3A_16 {dimension_numbers = #tpu.dot_dimension_numbers<[1], [0], [0], [1], [0, 0, 1, 1], [], []>, transpose_lhs_hint = false} : vector<1000x128xf32>, vector<128x512xf32>, vector<1000x512xf32> -> vector<1000x512xf32>
    %swap3A = arith.constant 0 : index
    %swap3A_18 = arith.constant 0 : index
    %swap3A_19 = vector.load %arg6[%swap3A, %swap3A_18] : memref<1000x512xf32, #tpu.memory_space<vmem>>, vector<1000x512xf32>
    tpu.vector_store %arg6[%swap3A, %swap3A_18], %dot_general3A_17 {strides = array<i32>} : memref<1000x512xf32, #tpu.memory_space<vmem>>, vector<1000x512xf32>,
    %get3A_20 = arith.constant 0 : index
    %get3A_21 = arith.constant 0 : index
    %get3A_22 = vector.load %arg3[%get3A_20, %get3A_21] : memref<128x128xf32, #tpu.memory_space<vmem>>, vector<128x128xf32>
    %dot_general3A_23 = arith.constant dense<0.000000e+00> : vector<1000x128xf32>
    %dot_general3A_24 = tpu.matmul %get3A_1, %get3A_22, %dot_general3A_23 {dimension_numbers = #tpu.dot_dimension_numbers<[1], [0], [0], [1], [0, 0, 1, 1], [], []>, transpose_lhs_hint = false} : vector<1000x128xf32>, vector<128x128xf32>, vector<1000x128xf32> -> vector<1000x128xf32>
    %abs3A_25 = math.absf %dot_general3A_24 : vector<1000x128xf32>
    %logistic3A_26 = arith.negf %abs3A_25 : vector<1000x128xf32>
    %logistic3A_27 = math.exp %logistic3A_26 : vector<1000x128xf32>
    %logistic3A_28 = arith.constant 1.000000e+00 : f32
    %logistic3A_29 = vector.broadcast %logistic3A_28 : f32 to vector<1000x128xf32>
    %logistic3A_30 = arith.addf %logistic3A_29, %logistic3A_27 : vector<1000x128xf32>
    %logistic3A_31 = arith.divf %logistic3A_29, %logistic3A_30 : vector<1000x128xf32>
    %mul3A_32 = arith.mulf %dot_general3A_24, %logistic3A_31 : vector<1000x128xf32>
    %add3A_33 = arith.constant 9.99999974E-6 : f32
    %add3A_34 = vector.broadcast %add3A_33 : f32 to vector<1000x128xf32>
    %add3A_35 = arith.addf %abs3A_25, %add3A_34 : vector<1000x128xf32>
    %div3A_36 = arith.divf %mul3A_32, %add3A_35 : vector<1000x128xf32>
    %swap3A_37 = arith.constant 0 : index
    %swap3A_38 = arith.constant 0 : index
    %swap3A_39 = vector.load %arg7[%swap3A_37, %swap3A_38] : memref<1000x128xf32, #tpu.memory_space<vmem>>, vector<1000x128xf32>
    tpu.vector_store %arg7[%swap3A_37, %swap3A_38], %div3A_36 {strides = array<i32>} : memref<1000x128xf32, #tpu.memory_space<vmem>>, vector<1000x128xf32>,
    %get3A_40 = arith.constant 0 : index
    %get3A_41 = arith.constant 0 : index
    %get3A_42 = vector.load %arg4[%get3A_40, %get3A_41] : memref<128x128xf32, #tpu.memory_space<vmem>>, vector<128x128xf32>
    %dot_general3A_43 = arith.constant dense<0.000000e+00> : vector<1000x128xf32>
    %dot_general3A_44 = tpu.matmul %get3A_1, %get3A_42, %dot_general3A_43 {dimension_numbers = #tpu.dot_dimension_numbers<[1], [0], [0], [1], [0, 0, 1, 1], [], []>, transpose_lhs_hint = false} : vector<1000x128xf32>, vector<128x128xf32>, vector<1000x128xf32> -> vector<1000x128xf32>
    %abs3A_45 = math.absf %dot_general3A_44 : vector<1000x128xf32>
    %logistic3A_46 = arith.negf %abs3A_45 : vector<1000x128xf32>
    %logistic3A_47 = math.exp %logistic3A_46 : vector<1000x128xf32>
    %logistic3A_48 = arith.constant 1.000000e+00 : f32
    %logistic3A_49 = vector.broadcast %logistic3A_48 : f32 to vector<1000x128xf32>
    %logistic3A_50 = arith.addf %logistic3A_49, %logistic3A_47 : vector<1000x128xf32>
    %logistic3A_51 = arith.divf %logistic3A_49, %logistic3A_50 : vector<1000x128xf32>
    %mul3A_52 = arith.mulf %dot_general3A_44, %logistic3A_51 : vector<1000x128xf32>
    %add3A_53 = arith.constant 9.99999974E-6 : f32
    %add3A_54 = vector.broadcast %add3A_53 : f32 to vector<1000x128xf32>
    %add3A_55 = arith.addf %abs3A_45, %add3A_54 : vector<1000x128xf32>
    %div3A_56 = arith.divf %mul3A_52, %add3A_55 : vector<1000x128xf32>
    %swap3A_57 = arith.constant 0 : index
    %swap3A_58 = arith.constant 0 : index
    %swap3A_59 = vector.load %arg8[%swap3A_57, %swap3A_58] : memref<1000x128xf32, #tpu.memory_space<vmem>>, vector<1000x128xf32>
    tpu.vector_store %arg8[%swap3A_57, %swap3A_58], %div3A_56 {strides = array<i32>} : memref<1000x128xf32, #tpu.memory_space<vmem>>, vector<1000x128xf32>,
    return
  }
  func.func @transform_0(%arg0: i32) -> (i32, i32) {
    %c0_i32 = arith.constant 0 : i32
    %c0_i32_0 = arith.constant 0 : i32
    return %arg0, %c0_i32 : i32, i32
  }
  func.func @transform_1(%arg0: i32) -> (i32, i32) {
    %c0_i32 = arith.constant 0 : i32
    %c0_i32_0 = arith.constant 0 : i32
    %c0_i32_1 = arith.constant 0 : i32
    return %c0_i32, %c0_i32_0 : i32, i32
  }
  func.func @transform_2(%arg0: i32) -> (i32, i32) {
    %c0_i32 = arith.constant 0 : i32
    %c0_i32_0 = arith.constant 0 : i32
    %c0_i32_1 = arith.constant 0 : i32
    return %c0_i32, %c0_i32_0 : i32, i32
  }
  func.func @transform_3(%arg0: i32) -> (i32, i32) {
    %c0_i32 = arith.constant 0 : i32
    %c0_i32_0 = arith.constant 0 : i32
    %c0_i32_1 = arith.constant 0 : i32
    return %c0_i32, %c0_i32_0 : i32, i32
  }
  func.func @transform_4(%arg0: i32) -> (i32, i32) {
    %c0_i32 = arith.constant 0 : i32
    %c0_i32_0 = arith.constant 0 : i32
    %c0_i32_1 = arith.constant 0 : i32
    return %c0_i32, %c0_i32_0 : i32, i32
  }
  func.func @transform_5(%arg0: i32) -> (i32, i32) {
    %c0_i32 = arith.constant 0 : i32
    %c0_i32_0 = arith.constant 0 : i32
    return %arg0, %c0_i32 : i32, i32
  }
  func.func @transform_6(%arg0: i32) -> (i32, i32) {
    %c0_i32 = arith.constant 0 : i32
    %c0_i32_0 = arith.constant 0 : i32
    return %arg0, %c0_i32 : i32, i32
  }
  func.func @transform_7(%arg0: i32) -> (i32, i32) {
    %c0_i32 = arith.constant 0 : i32
    %c0_i32_0 = arith.constant 0 : i32
    return %arg0, %c0_i32 : i32, i32
  }
}

module attributes {stable_mosaic.version = 14 : i64} {
  func.func @_szinv_body(%arg0: memref<32x80x125xf32, #tpu.memory_space<vmem>>, %arg1: memref<80x125xf32, #tpu.memory_space<vmem>>) attributes {dimension_semantics = [], scalar_prefetch = 0 : i64, scratch_operands = 0 : i64, tpu.core_type = #tpu.core_type<tc>} {
    %get3A = arith.constant 0 : index
    %get3A_0 = arith.constant 0 : index
    %get3A_1 = arith.constant 0 : index
    %get3A_2 = vector.load %arg0[%get3A, %get3A_0, %get3A_1] : memref<32x80x125xf32, #tpu.memory_space<vmem>>, vector<32x80x125xf32>
    %reduce_sum3A = arith.constant dense<0.000000e+00> : vector<80x125xf32>
    %reduce_sum3A_3 = vector.multi_reduction <add>, %get3A_2, %reduce_sum3A [0] : vector<32x80x125xf32> to vector<80x125xf32>
    %eq3A = arith.constant 0.000000e+00 : f32
    %eq3A_4 = vector.broadcast %eq3A : f32 to vector<80x125xf32>
    %eq3A_5 = arith.cmpf oeq, %reduce_sum3A_3, %eq3A_4 : vector<80x125xf32>
    %jit3A = arith.constant 1.000000e+00 : f32
    %broadcast_in_dim3A = vector.broadcast %jit3A : f32 to vector<80x125xf32>
    %select_n3A = arith.select %eq3A_5, %broadcast_in_dim3A, %reduce_sum3A_3 : vector<80x125xi1>, vector<80x125xf32>
    %rsqrt3A = math.rsqrt %select_n3A : vector<80x125xf32>
    %swap3A = arith.constant 0 : index
    %swap3A_6 = arith.constant 0 : index
    %swap3A_7 = vector.load %arg1[%swap3A, %swap3A_6] : memref<80x125xf32, #tpu.memory_space<vmem>>, vector<80x125xf32>
    tpu.vector_store %arg1[%swap3A, %swap3A_6], %rsqrt3A {strides = array<i32>} : memref<80x125xf32, #tpu.memory_space<vmem>>, vector<80x125xf32>,
    return
  }
}

module attributes {stable_mosaic.version = 14 : i64} {
  func.func @_post_body(%arg0: i32, %arg1: memref<2x1000x128xf32, #tpu.memory_space<vmem>>, %arg2: memref<1000x128xf32, #tpu.memory_space<vmem>>, %arg3: memref<1000x1xf32, #tpu.memory_space<vmem>>, %arg4: memref<1000x128xf32, #tpu.memory_space<vmem>>) attributes {dimension_semantics = [#tpu.dimension_semantics<arbitrary>], iteration_bounds = array<i64: 10>, scalar_prefetch = 0 : i64, scratch_operands = 0 : i64, tpu.core_type = #tpu.core_type<tc>, window_params = [{transform_indices = @transform_0, window_bounds = array<i64: 2, 1000, 128>}, {transform_indices = @transform_1, window_bounds = array<i64: 1000, 128>}, {transform_indices = @transform_2, window_bounds = array<i64: 1000, 1>}, {transform_indices = @transform_3, window_bounds = array<i64: 1000, 128>}]} {
    %get3A = arith.constant 0 : index
    %get3A_0 = arith.constant 0 : index
    %get3A_1 = arith.constant 0 : index
    %get3A_2 = vector.load %arg1[%get3A, %get3A_0, %get3A_1] : memref<2x1000x128xf32, #tpu.memory_space<vmem>>, vector<1x1000x128xf32>
    %get3A_3 = vector.shape_cast %get3A_2 : vector<1x1000x128xf32> to vector<1000x128xf32>
    %get3A_4 = arith.constant 1 : index
    %get3A_5 = arith.constant 0 : index
    %get3A_6 = arith.constant 0 : index
    %get3A_7 = vector.load %arg1[%get3A_4, %get3A_5, %get3A_6] : memref<2x1000x128xf32, #tpu.memory_space<vmem>>, vector<1x1000x128xf32>
    %get3A_8 = vector.shape_cast %get3A_7 : vector<1x1000x128xf32> to vector<1000x128xf32>
    %add3A = arith.addf %get3A_3, %get3A_8 : vector<1000x128xf32>
    %get3A_9 = arith.constant 0 : index
    %get3A_10 = arith.constant 0 : index
    %get3A_11 = vector.load %arg3[%get3A_9, %get3A_10] : memref<1000x1xf32, #tpu.memory_space<vmem>>, vector<1000x1xf32>
    %mul3A = vector.broadcast %get3A_11 : vector<1000x1xf32> to vector<1000x128xf32>
    %mul3A_12 = arith.mulf %add3A, %mul3A : vector<1000x128xf32>
    %get3A_13 = arith.constant 0 : index
    %get3A_14 = arith.constant 0 : index
    %get3A_15 = vector.load %arg2[%get3A_13, %get3A_14] : memref<1000x128xf32, #tpu.memory_space<vmem>>, vector<1000x128xf32>
    %add3A_16 = arith.addf %mul3A_12, %get3A_15 : vector<1000x128xf32>
    %swap3A = arith.constant 0 : index
    %swap3A_17 = arith.constant 0 : index
    %swap3A_18 = vector.load %arg4[%swap3A, %swap3A_17] : memref<1000x128xf32, #tpu.memory_space<vmem>>, vector<1000x128xf32>
    tpu.vector_store %arg4[%swap3A, %swap3A_17], %add3A_16 {strides = array<i32>} : memref<1000x128xf32, #tpu.memory_space<vmem>>, vector<1000x128xf32>,
    return
  }
  func.func @transform_0(%arg0: i32) -> (i32, i32, i32) {
    %c0_i32 = arith.constant 0 : i32
    %c0_i32_0 = arith.constant 0 : i32
    %c0_i32_1 = arith.constant 0 : i32
    return %c0_i32, %arg0, %c0_i32_0 : i32, i32, i32
  }
  func.func @transform_1(%arg0: i32) -> (i32, i32) {
    %c0_i32 = arith.constant 0 : i32
    %c0_i32_0 = arith.constant 0 : i32
    return %arg0, %c0_i32 : i32, i32
  }
  func.func @transform_2(%arg0: i32) -> (i32, i32) {
    %c0_i32 = arith.constant 0 : i32
    %c0_i32_0 = arith.constant 0 : i32
    return %arg0, %c0_i32 : i32, i32
  }
  func.func @transform_3(%arg0: i32) -> (i32, i32) {
    %c0_i32 = arith.constant 0 : i32
    %c0_i32_0 = arith.constant 0 : i32
    return %arg0, %c0_i32 : i32, i32
  }
}

</mosaic_0001>

<sc_bundles>
// kernel: kernel.10.cloned.1.call-start
scs
__scs_entry_jumppad:
0x0: {  	(pc) =	sbr.rel $0x88, $3  }
0x1: {  	(tag) =	ssettag $0x0;
	lr =	simm.s32 $0x1  }
0x2: {  	[smem:$0x3F9A] =	sst lr;
	_ =	strace $0xD0000000  }
0x3: {  	_ = 	snop  }
0x4: {  	_ = 	snop  }
0x5: {  	_ = 	snop  }
0x6: {  	_ = 	snop  }
0x7: {  	_ = 	snop  }
__scs_overlays_trampoline_lowered:
0x8: {  	[smem:$0x3FA9] =	sst s0  }
0x9: {  	[smem:$0x3FAA] =	sst s1  }
0xa: {  	[smem:$0x3FAB] =	sst s2  }
0xb: {  	[smem:$0x3FAC] =	sst s3  }
0xc: {  	[smem:$0x3FAD] =	sst s4  }
0xd: {  	[smem:$0x3FAE] =	sst s5  }
0xe: {  	[smem:$0x3FAF] =	sst s6  }
0xf: {  	[smem:$0x3FB0] =	sst s7  }
0x10: {  	[smem:$0x3FB1] =	sst s8  }
0x11: {  	[smem:$0x3FB2] =	sst s9;
	s0 =	simm.s32 @!p0 $0x0  }
0x12: {  	s1 =	sld [smem:$0x3F98];
	s0 =	simm.s32 @p0 $0x1  }
0x13: {  	[smem:$0x3FB3] =	sst s0;
	s0 =	simm.s32 @!p1 $0x0  }
0x14: {  	s2 =	sld [smem:$0x3F97];
	s0 =	simm.s32 @p1 $0x1  }
0x15: {  	[smem:$0x3FB4] =	sst s0;
	s0 =	simm.s32 @!p2 $0x0  }
0x16: {  	s3 =	sld [smem:$0x3FDB];
	s0 =	simm.s32 @p2 $0x1  }
0x17: {  	s4 =	simm.s32 $0x1BF5;
	[smem:$0x3FB6] =	sst s0  }
0x18: {  	s0 =	sld [smem:$0x3F99];
	_ =	swait.ge [sflag:s4], $0x0  }
0x19: {  	s7 =	sld [smem:$0x3F9A]  }
0x1a: {  	s8 =	sadd.s32 $0xFFFFE003, lr  }
0x1b: {  	s9 =	sadd.s32 $0xFFFFFEF7, lr;
	s5 =	simm.s32 $0xFFFFFFFF;
	p2 =	slt.u32 s8, $0xFFFFF086  }
0x1c: {  	p1 =	slt.u32 s9, $0xF7A;
	s5 =	simm.s32 @!p2 $0x0  }
0x1d: {  	s5 =	simm.s32 @p1 $0x1;
	p0 =	seq.s32 s7, s2  }
0x1e: {  	s7 =	smul.u32 @!p0 $0xF7A, s2;
	p2 =	seq.s32 @!p0 s5, $0x0  }
0x1f: {  	s9 =	smul.u32 $0xF7A, s1;
	s8 =	simm.s32 @!p0 $0x1BF5;
	p2 =	por !p2, p0  }
0x20: {  	[sflag:s8] =	ssyncset.s32 @!p0 $0xFFFFF086;
	s6 =	sadd.s32 @!p0 s3, s7;
	s7 =	simm.s32 @!p0 $0x108  }
0x21: {  	s3 =	sadd.s32 s3, s9;
	s6 =	sadd.s32 @!p0 $0x88, s6;
	s7 =	simm.s32 @p2 $0x1082  }
0x22: {  	[simem:s7], [sflag:s8] =	dma.local @!p0 [hbm:s6], $0xF7A  }
0x23: {  	s9 =	sor.u32 $0xD0000000, s2;
	s6 =	simm.s32 $0x108;
	_ =	swait.ge @!p0 [sflag:s8], $0x0  }
0x24: {  	s3 =	sadd.s32 $0x88, s3;
	s6 =	simm.s32 @!p1 $0x1082;
	[sflag:s4] =	ssyncset.s32 $0xFFFFF086  }
0x25: {  	[simem:s6], [sflag:s4] =	dma.local [hbm:s3], $0xF7A  }
0x26: {  	[smem:$0x3F9A] =	sst s1;
	(tag) =	ssettag s2;
	_ =	strace s9  }
0x27: {  	s1 =	sld [smem:$0x3FAA]  }
0x28: {  	s2 =	sld [smem:$0x3FAB]  }
0x29: {  	s4 =	sld [smem:$0x3FAD]  }
0x2a: {  	p0 =	seq.s32 s5, $0x0;
	s5 =	sld [smem:$0x3FAE]  }
0x2b: {  	s6 =	sld [smem:$0x3FAF]  }
0x2c: {  	s7 =	sld [smem:$0x3FB0]  }
0x2d: {  	s3 =	simm.s32 $0x108;
	s8 =	sld [smem:$0x3FB1]  }
0x2e: {  	s3 =	simm.s32 @!p0 $0x1082;
	s9 =	sld [smem:$0x3FB2]  }
0x2f: {  	lr =	sadd.s32 s0, s3;
	s0 =	sld [smem:$0x3FA9]  }
0x30: {  	s3 =	sld [smem:$0x3FAC]  }
0x31: {  	[smem:$0x3FB5] =	sst s10  }
0x32: {  	s10 =	sld [smem:$0x3FB3];
	_ =	sdelay $0x3  }
0x33: {  	p0 =	seq.s32 s10, $0x1;
	s10 =	sld [smem:$0x3FB5];
	_ =	sdelay $0x3  }
0x34: {  	[smem:$0x3FB5] =	sst s10  }
0x35: {  	s10 =	sld [smem:$0x3FB4];
	_ =	sdelay $0x3  }
0x36: {  	p1 =	seq.s32 s10, $0x1;
	s10 =	sld [smem:$0x3FB5];
	_ =	sdelay $0x3  }
0x37: {  	[smem:$0x3FB5] =	sst s10  }
0x38: {  	s10 =	sld [smem:$0x3FB6]  }
0x39: {  	_ = 	snop;
	(pc) =	sbr.ind lr, $3  }
0x3a: {  	_ = 	snop  }
0x3b: {  	_ = 	snop  }
0x3c: {  	p2 =	seq.s32 s10, $0x1;
	s10 =	sld [smem:$0x3FB5]  }
0x3d: {  	_ =	shalt  }
0x3e: {  	_ =	shalt  }
0x3f: {  	_ =	shalt  }
0x40: {  	_ =	shalt  }
0x41: {  	_ =	shalt  }
0x42: {  	_ =	shalt  }
0x43: {  	_ =	shalt  }
0x44: {  	_ =	shalt  }
0x45: {  	_ =	shalt  }
0x46: {  	_ =	shalt  }
0x47: {  	_ =	shalt  }
0x48: {  	_ =	shalt  }
0x49: {  	_ =	shalt  }
0x4a: {  	_ =	shalt  }
0x4b: {  	_ =	shalt  }
0x4c: {  	_ =	shalt  }
0x4d: {  	_ =	shalt  }
0x4e: {  	_ =	shalt  }
0x4f: {  	_ =	shalt  }
0x50: {  	_ =	shalt  }
0x51: {  	_ =	shalt  }
0x52: {  	_ =	shalt  }
0x53: {  	_ =	shalt  }
0x54: {  	_ =	shalt  }
0x55: {  	_ =	shalt  }
0x56: {  	_ =	shalt  }
0x57: {  	_ =	shalt  }
0x58: {  	_ =	shalt  }
0x59: {  	_ =	shalt  }
0x5a: {  	_ =	shalt  }
0x5b: {  	_ =	shalt  }
0x5c: {  	_ =	shalt  }
0x5d: {  	_ =	shalt  }
0x5e: {  	_ =	shalt  }
0x5f: {  	_ =	shalt  }
0x60: {  	_ =	shalt  }
0x61: {  	_ =	shalt  }
0x62: {  	_ =	shalt  }
0x63: {  	_ =	shalt  }
0x64: {  	_ =	shalt  }
0x65: {  	_ =	shalt  }
0x66: {  	_ =	shalt  }
0x67: {  	_ =	shalt  }
0x68: {  	_ =	shalt  }
0x69: {  	_ =	shalt  }
0x6a: {  	_ =	shalt  }
0x6b: {  	_ =	shalt  }
0x6c: {  	_ =	shalt  }
0x6d: {  	_ =	shalt  }
0x6e: {  	_ =	shalt  }
0x6f: {  	_ =	shalt  }
0x70: {  	_ =	shalt  }
0x71: {  	_ =	shalt  }
0x72: {  	_ =	shalt  }
0x73: {  	_ =	shalt  }
0x74: {  	_ =	shalt  }
0x75: {  	_ =	shalt  }
0x76: {  	_ =	shalt  }
0x77: {  	_ =	shalt  }
0x78: {  	_ =	shalt  }
0x79: {  	_ =	shalt  }
0x7a: {  	_ =	shalt  }
0x7b: {  	_ =	shalt  }
0x7c: {  	_ =	shalt  }
0x7d: {  	_ =	shalt  }
0x7e: {  	_ =	shalt  }
0x7f: {  	_ =	shalt  }
0x80: {  	_ =	shalt  }
0x81: {  	_ =	shalt  }
0x82: {  	_ =	shalt  }
0x83: {  	_ =	shalt  }
0x84: {  	_ =	shalt  }
0x85: {  	_ =	shalt  }
0x86: {  	_ =	shalt  }
0x87: {  	_ =	shalt  }
.Lfunc_end0:
.L_simem_size_0:
called_computation.1_lowered:
.L_overlay_start_0:
0x88: {  	s2 =	sld [smem:$0x3FD9]  }
0x89: {  	s3 =	sld [smem:$0x3FFE];
	_ =	sdelay $0x1  }
0x8a: {  	s1 =	srdreg.scid  }
0x8b: {  	s0 =	sand.u32 $0x1, s1  }
0x8c: {  	s17 =	sshll.u32 s0, $0xA;
	s2 =	sadd.s32 s3, s2  }
0x8d: {  	s2 =	sadd.s32 s2, s17  }
0x8e: {  	[smem:$0x3FC1] =	sst s2  }
0x8f: {  	_ = 	snop  }
0x90: {  	s2 =	sld [smem:$0x3FC8]  }
0x91: {  	s18 =	sld [smem:$0x3FC7]  }
0x92: {  	s4 =	sld [smem:$0x3FD0];
	(tm) =	ssettm $0x1  }
0x93: {  	s5 =	sld [smem:$0x3FFB];
	_ =	sdelay $0x3  }
0x94: {  	_ =	strace s5  }
0x95: {  	s5 =	sld [smem:$0x3FFC];
	_ =	sdelay $0x3  }
0x96: {  	_ =	strace s5  }
0x97: {  	s5 =	sld [smem:$0x3FFD];
	_ =	sdelay $0x3  }
0x98: {  	_ =	strace s5  }
0x99: {  	_ =	strace $0x8FFFFFFF  }
0x9a: {  	s19 =	sld [smem:$0x3FDB];
	_ =	sdelay $0x1  }
0x9b: {  	s6 =	simm.s32 $_scs_section_size  }
0x9c: {  	s7 =	simm.s32 $_size__tile_overlayer_lowered;
	s8 =	simm.s32 $_tile_overlayer_lowered  }
0x9d: {  	s22 =	simm.s32 $0x1BFF;
	s21 =	sshll.u32 s8, $0x1;
	s5 =	sadd.s32 s6, s19  }
0x9e: {  	s9 =	simm.s32 $0x0;
	s20 =	sshll.u32 s7, $0x1;
	s7 =	sadd.s32 s21, s5  }
0x9f: {  	[timem:s9], [sflag:s22] =	dma.local [hbm:s7], s20  }
0xa0: {  	_ =	swait.ge [sflag:s22], s20  }
0xa1: {  	s6 =	ssub.s32 $0x0, s20;
	[sflag:s22] =	ssyncset.done $0x0  }
0xa2: {  	[sflag:s22] =	ssyncadd.s32 s6;
	_ =	sdelay $0x1  }
0xa3: {  	s23 =	simm.s32 $0x1B8B  }
0xa4: {  	_ =	swait.ge [sflag:s23], $0x1  }
0xa5: {  	[sflag:s23] =	ssyncset.done $0x0  }
0xa6: {  	s25 =	simm.s32 $0x1B8E;
	s24 =	sld [smem:$0x3FFE];
	[sflag:s23] =	ssyncadd.s32 $0xFFFFFFFF  }
0xa7: {  	s26 =	simm.s32 $execute0_lowered;
	[smem:$0x3FD2] =	sst s25  }
0xa8: {  	s7 =	sshll.u32 s26, $0x1;
	_ =	strace $0x80000049;
	[dreg:$0x1] =	wrdreg $0xFFFFFFFF  }
0xa9: {  	s28 =	simm.s32 $_size_execute0_lowered;
	s5 =	sadd.s32 s5, s7;
	[dreg:$0x0] =	wrdreg $0x0  }
0xaa: {  	s7 =	sshll.u32 s28, $0x1;
	[dreg:$0x2] =	wrdreg s5  }
0xab: {  	[dreg:$0x3] =	wrdreg s7  }
0xac: {  	[dreg:$0x4] =	wrdreg $0xC0  }
0xad: {  	_ =	task [dreg:s9], $0x5FFFF  }
0xae: {  	[dreg:$0x1] =	wrdreg $0xFFFFFFFF  }
0xaf: {  	[dreg:$0x0] =	wrdreg $0x60  }
0xb0: {  	[dreg:$0x2] =	wrdreg s4  }
0xb1: {  	[dreg:$0x3] =	wrdreg s2  }
0xb2: {  	[dreg:$0x4] =	wrdreg s18  }
0xb3: {  	[dreg:$0x5] =	wrdreg s24  }
0xb4: {  	[dreg:$0x6] =	wrdreg $0xA4000  }
0xb5: {  	[dreg:$0x7] =	wrdreg $0x9  }
0xb6: {  	_ =	task.clear_ibuf [dreg:s9], $0x8FFFF;
	_ =	strace $0x90000049  }
0xb7: {  	s29 =	simm.s32 $0x9;
	_ =	strace $0x8000004B  }
0xb8: {  	_ =	swait.ge [sflag:s29], $0x1  }
0xb9: {  	[sflag:s29] =	ssyncadd.s32 $0xFFFFFFFF  }
0xba: {  	_ =	strace $0x9000004B  }
0xbb: {  	_ =	sfence  }
0xbc: {  	s30 =	sld [smem:$0x0];
	_ =	sdelay $0x2  }
0xbd: {  	s31 =	sshll.u32 s1, $0xD;
	s1 =	sshrl.u32 s1, $0x2  }
0xbe: {  	s3 =	sand.u32 $0x4000, s31;
	s1 =	sadd.s32 s1, s30  }
0xbf: {  	s0 =	sor.u32 s3, s0;
	s1 =	sshll.u32 s1, $0x11  }
0xc0: {  	s0 =	sor.u32 s1, s0  }
0xc1: {  	s0 =	sadd.s32 $0x8F2B, s0  }
0xc2: {  	[sflag:s0] =	ssyncadd.remote.s32 $0x1  }
0xc3: {  	_ =	sfence.sel $0xFFFF  }
0xc4: {  	[dreg:$0x0] =	wrdreg $0xFFFFFFFF;
	(pc) =	sbr.abs _section_cstart, $3  }
0xc5: {  	[dreg:$0x1] =	wrdreg $0xFFFFFFFF  }
0xc6: {  	_ =	task.clear_ibuf [dreg:s9], $0x2FFFF;
	_ =	strace $0x9FFFFFFF  }
0xc7: {  	(tm) =	ssettm $0x7FFFFFFF  }
tec
execute0_lowered:
.L_overlay_start_1:
0x0: {  	(tag) =	ssettag $0x1  }
0x1: {  	s5 =	srdreg.scid;
	s24 =	stileid.u32  }
0x2: {  	s5 =	sand.u32 $0x1, s5;
	s9 =	smul.u32 $0x2800, s24  }
0x3: {  	s8 =	sor.u32 $0x10, s24;
	s7 =	smul.u32 $0x138800, s5  }
0x4: {  	s11 =	sor.u32 $0x20, s24;
	s12 =	smul.u32 $0x2800, s8  }
0x5: {  	s1 =	rddreg [dreg:$0x0];
	s14 =	sor.u32 $0x30, s24;
	s15 =	smul.u32 $0x2800, s11  }
0x6: {  	s2 =	rddreg [dreg:$0x1];
	s18 =	sor.u32 $0x50, s24;
	s16 =	smul.u32 $0x2800, s14  }
0x7: {  	s3 =	rddreg [dreg:$0x2];
	s21 =	sor.u32 $0x70, s24;
	s20 =	smul.u32 $0x2800, s18  }
0x8: {  	s0 =	rddreg [dreg:$0x3];
	s23 =	smul.u32 $0x2800, s21  }
0x9: {  	s4 =	rddreg [dreg:$0x4];
	s17 =	sshll.u32 s24, $0x1;
	s11 =	smul.u32 $0xA000, s11  }
0xa: {  	s10 =	ssub.s32 $0x2, s5;
	s5 =	sor.u32 s5, s17;
	s18 =	smul.u32 $0xA000, s18  }
0xb: {  	s17 =	sor.u32 $0x60, s24;
	p0 =	sgt.u32 s21, $0x7C;
	s21 =	smul.u32 $0xA000, s21  }
0xc: {  	s6 =	simm.s32 $0x0;
	s28 =	simm.s32 $0x0;
	s22 =	smul.u32 $0x2800, s17  }
0xd: {  	[smem:$0x7FF] =	sst s6;
	s13 =	sshrl.u32 s10, $0x1;
	s5 =	smul.u32 $0x2710, s5  }
0xe: {  	s10 =	ssub.s32 s10, s13;
	s13 =	sor.u32 $0x40, s24;
	s9 =	sadd.s32 s7, s9  }
0xf: {  	s12 =	sadd.s32 s7, s12;
	s15 =	sadd.s32 s7, s15;
	s16 =	sadd.s32 s7, s16  }
0x10: {  	s20 =	sadd.s32 s7, s20;
	s19 =	smul.u32 $0x2800, s13;
	s22 =	sadd.s32 s7, s22  }
0x11: {  	s9 =	sshrl.u32 s9, $0x3;
	s12 =	sshrl.u32 s12, $0x3;
	s20 =	sshrl.u32 s20, $0x3  }
0x12: {  	s10 =	smax.u32 s10, $0x1;
	s25 =	sshrl.u32 s22, $0x3;
	s22 =	sadd.s32 $0xA0, s5  }
0x13: {  	s19 =	sadd.s32 s7, s19;
	s7 =	sadd.s32 s7, s23;
	s23 =	sadd.s32 $0x2600, s0  }
0x14: {  	s9 =	sadd.s32 s23, s9;
	s26 =	sadd.s32 s23, s12;
	s12 =	sshrl.u32 s15, $0x3  }
0x15: {  	s15 =	sshrl.u32 s16, $0x3;
	s16 =	sshrl.u32 s19, $0x3;
	[dreg:$0x6] =	wrdreg s9  }
0x16: {  	s7 =	sshrl.u32 s7, $0x3;
	[dreg:$0x7] =	wrdreg s26;
	s9 =	sadd.s32 s23, s12  }
0x17: {  	s19 =	sadd.s32 s23, s16;
	s7 =	sadd.s32 s23, s7;
	[dreg:$0x8] =	wrdreg s9  }
0x18: {  	s26 =	sshrl.u32 s5, $0x3;
	s9 =	sadd.s32 s23, s15;
	[dreg:$0xa] =	wrdreg s19  }
0x19: {  	[dreg:$0xd] =	wrdreg s7;
	s15 =	sadd.s32 $0x5A600, s0;
	s12 =	sadd.s32 s3, s26  }
0x1a: {  	s19 =	sadd.s32 $0xA, s26;
	[dreg:$0x9] =	wrdreg s9;
	s9 =	sadd.s32 s23, s20  }
0x1b: {  	s16 =	sadd.s32 s15, s26;
	[dreg:$0xb] =	wrdreg s9;
	s9 =	sadd.s32 s23, s25  }
0x1c: {  	s20 =	smul.u32 $0xA000, s8;
	[dreg:$0xc] =	wrdreg s9;
	s9 =	sadd.s32 s2, s26  }
0x1d: {  	s0 =	sadd.s32 s15, s19;
	_ =	strace $0x8000004A;
	[dreg:$0xe] =	wrdreg s9  }
0x1e: {  	s8 =	simm.s32 $0x7;
	s25 =	sadd.s32 s2, s19;
	[dreg:$0xf] =	wrdreg s12  }
0x1f: {  	s23 =	sadd.s32 $0xF0, s5;
	s5 =	sshrl.u32 s11, $0x2;
	[dreg:$0x10] =	wrdreg s16  }
0x20: {  	s11 =	simm.s32 $0x80;
	s26 =	sadd.s32 s3, s19;
	[dreg:$0x11] =	wrdreg s25  }
0x21: {  	s7 =	sshrl.u32 s20, $0x2;
	s20 =	smul.u32 $0xA000, s17;
	[dreg:$0x12] =	wrdreg s26  }
0x22: {  	s31 =	sadd.s32 s5, s4;
	[dreg:$0x13] =	wrdreg s0;
	s9 =	smul.u32 $0xA000, s24  }
0x23: {  	s17 =	simm.s32 $0x300;
	[dreg:$0x14] =	wrdreg s10;
	s12 =	smul.u32 $0xA000, s14  }
0x24: {  	s30 =	sadd.s32 s7, s4;
	s14 =	smul.u32 $0xA000, s13;
	s24 =	sshrl.u32 s18, $0x2  }
0x25: {  	s26 =	sshrl.u32 s21, $0x2;
	s7 =	simm.s32 $0x5300;
	s10 =	simm.s32 $0x200  }
0x26: {  	s13 =	simm.s32 $0x280;
	s18 =	simm.s32 $0x2;
	s21 =	simm.s32 $0xA300  }
0x27: {  	[dreg:$0x17] =	wrdreg s31;
	s5 =	sshrl.u32 s20, $0x2;
	s20 =	simm.s32 $0x3  }
0x28: {  	[dreg:$0x16] =	wrdreg s30;
	s0 =	sshrl.u32 s9, $0x2;
	s16 =	sshrl.u32 s12, $0x2  }
0x29: {  	s25 =	sadd.s32 s5, s4;
	s9 =	simm.s32 $0x100;
	s12 =	simm.s32 $0x180  }
0x2a: {  	s29 =	sadd.s32 s0, s4;
	s19 =	sadd.s32 s16, s4;
	[dreg:$0x1b] =	wrdreg s25  }
0x2b: {  	s0 =	sshrl.u32 s14, $0x2;
	s14 =	simm.s32 $0x1;
	[dreg:$0x18] =	wrdreg s19  }
0x2c: {  	s16 =	simm.s32 $0x50;
	s0 =	sadd.s32 s0, s4;
	[dreg:$0x15] =	wrdreg s29  }
0x2d: {  	s25 =	simm.s32 $0xA380;
	[dreg:$0x19] =	wrdreg s0;
	s0 =	sadd.s32 s24, s4  }
0x2e: {  	s19 =	simm.s32 $0x2B00;
	[dreg:$0x1a] =	wrdreg s0;
	s0 =	sadd.s32 s26, s4  }
0x2f: {  	v0 =	vimm.f32 $0.0e+00;
	s24 =	simm.s32 $0x4;
	s26 =	simm.s32 $0x7B00;
	[dreg:$0x1c] =	wrdreg s0  }
.LBB2_1:
0x30: {  	s0 =	simm.s32 $0x0;
	s5 =	simm.s32 $0x200  }
.LBB2_2:
0x31: {  	p1 =	sne.s32 s5, $0x9E00;
	[tilespmem:s0+$0x5370] =	vst v0  }
0x32: {  	[tilespmem:s0+$0x5300] =	vst v0  }
0x33: {  	[tilespmem:s0+$0x5310] =	vst v0  }
.Ltmp0:
0x34: {  	[tilespmem:s0+$0x5320] =	vst v0;
	(pc) =	sbr.rel @p1 .LBB2_2-.Ltmp0, $4  }
0x35: {  	[tilespmem:s0+$0x5330] =	vst v0  }
0x36: {  	[tilespmem:s0+$0x5340] =	vst v0  }
0x37: {  	[tilespmem:s0+$0x5350] =	vst v0  }
0x38: {  	[tilespmem:s0+$0x5360] =	vst v0;
	s0 =	sshra.s32 s5, $0x2;
	s5 =	sadd.s32 $0x200, s5  }
0x39: {  	[tilespmem:s0+$0x5370] =	vst v0  }
0x3a: {  	[tilespmem:s0+$0x5300] =	vst v0  }
0x3b: {  	[tilespmem:s0+$0x5310] =	vst v0  }
0x3c: {  	[tilespmem:s0+$0x5320] =	vst v0  }
0x3d: {  	[tilespmem:s0+$0x5330] =	vst v0  }
0x3e: {  	[tilespmem:s0+$0x5340] =	vst v0  }
0x3f: {  	[tilespmem:s0+$0x5350] =	vst v0  }
0x40: {  	[dreg:$0x1d] =	wrdreg s28;
	[tilespmem:s0+$0x5360] =	vst v0  }
0x41: {  	[spmem:s29] =	stream.linear.scatter [tilespmem:s7], [sflag:$0x7], $0x2800, $0x38;
	[tilespmem:$0x1DC80] =	vst v63  }
0x42: {  	_ =	swait.ge [sflag:s8], $0x2800  }
0x43: {  	[sflag:s8] =	ssyncset.done $0x0  }
0x44: {  	[sflag:s8] =	ssyncadd.s32 $0xFFFFD800  }
0x45: {  	[spmem:s30] =	stream.linear.scatter [tilespmem:s7], [sflag:$0x7], $0x2800, $0x38;
	[tilespmem:$0x1DC80] =	vst v63  }
0x46: {  	_ =	swait.ge [sflag:s8], $0x2800  }
0x47: {  	[sflag:s8] =	ssyncset.done $0x0  }
0x48: {  	[sflag:s8] =	ssyncadd.s32 $0xFFFFD800  }
0x49: {  	[spmem:s31] =	stream.linear.scatter [tilespmem:s7], [sflag:$0x7], $0x2800, $0x38;
	[tilespmem:$0x1DC80] =	vst v63  }
0x4a: {  	_ =	swait.ge [sflag:s8], $0x2800  }
0x4b: {  	[sflag:s8] =	ssyncset.done $0x0  }
0x4c: {  	s29 =	rddreg [dreg:$0x18];
	[sflag:s8] =	ssyncadd.s32 $0xFFFFD800  }
0x4d: {  	[spmem:s29] =	stream.linear.scatter [tilespmem:s7], [sflag:$0x7], $0x2800, $0x38;
	[tilespmem:$0x1DC80] =	vst v63  }
0x4e: {  	_ =	swait.ge [sflag:s8], $0x2800  }
0x4f: {  	[sflag:s8] =	ssyncset.done $0x0  }
0x50: {  	s5 =	rddreg [dreg:$0x19];
	[sflag:s8] =	ssyncadd.s32 $0xFFFFD800  }
0x51: {  	[spmem:s5] =	stream.linear.scatter [tilespmem:s7], [sflag:$0x7], $0x2800, $0x38;
	[tilespmem:$0x1DC80] =	vst v63  }
0x52: {  	_ =	swait.ge [sflag:s8], $0x2800  }
0x53: {  	[sflag:s8] =	ssyncset.done $0x0  }
0x54: {  	s28 =	rddreg [dreg:$0x1a];
	[sflag:s8] =	ssyncadd.s32 $0xFFFFD800  }
0x55: {  	[spmem:s28] =	stream.linear.scatter [tilespmem:s7], [sflag:$0x7], $0x2800, $0x38;
	[tilespmem:$0x1DC80] =	vst v63  }
0x56: {  	_ =	swait.ge [sflag:s8], $0x2800  }
0x57: {  	[sflag:s8] =	ssyncset.done $0x0  }
0x58: {  	s29 =	rddreg [dreg:$0x1b];
	[sflag:s8] =	ssyncadd.s32 $0xFFFFD800  }
0x59: {  	[spmem:s29] =	stream.linear.scatter [tilespmem:s7], [sflag:$0x7], $0x2800, $0x38;
	[tilespmem:$0x1DC80] =	vst v63  }
0x5a: {  	_ =	swait.ge [sflag:s8], $0x2800  }
0x5b: {  	[sflag:s8] =	ssyncset.done $0x0  }
0x5c: {  	s0 =	simm.s32 @!p0 $0x5300;
	s5 =	rddreg [dreg:$0x1c];
	[sflag:s8] =	ssyncadd.s32 $0xFFFFD800  }
0x5d: {  	[spmem:s5] =	stream.linear.scatter @!p0 [tilespmem:s0], [sflag:$0x7], $0x2800, $0x38;
	[tilespmem:$0x1DC80] =	vst v63  }
0x5e: {  	s0 =	simm.s32 @!p0 $0x7  }
0x5f: {  	_ =	swait.ge @!p0 [sflag:s0], $0x2800  }
0x60: {  	[sflag:s0] =	ssyncset.done @!p0 $0x0  }
0x61: {  	[sflag:s0] =	ssyncadd.s32 @!p0 $0xFFFFD800  }
0x62: {  	[bflag:$0x0] =	sbarrier.arrive $0xFFFF  }
0x63: {  	s30 =	simm.s32 $0x0;
	s5 =	rddreg [dreg:$0xe]  }
0x64: {  	[tilespmem:s30], [sflag:$0x1] =	stream.linear.gather [hbm4b:s5+s30], $0x50, $0x38;
	[tilespmem:$0x1DC80] =	vst v63  }
0x65: {  	s28 =	rddreg [dreg:$0xf]  }
0x66: {  	[tilespmem:s9], [sflag:$0x1] =	stream.linear.gather [hbm4b:s28+s30], $0x50, $0x38;
	[tilespmem:$0x1DC80] =	vst v63  }
0x67: {  	s29 =	rddreg [dreg:$0x10]  }
0x68: {  	[tilespmem:s10], [sflag:$0x1] =	stream.linear.gather [hbm4b:s29+s30], $0x50, $0x38;
	[tilespmem:$0x1DC80] =	vst v63  }
0x69: {  	s5 =	rddreg [dreg:$0x11]  }
0x6a: {  	[tilespmem:s11], [sflag:$0x2] =	stream.linear.gather [hbm4b:s5+s30], $0x50, $0x38;
	[tilespmem:$0x1DC80] =	vst v63  }
0x6b: {  	s28 =	rddreg [dreg:$0x12]  }
0x6c: {  	[tilespmem:s12], [sflag:$0x2] =	stream.linear.gather [hbm4b:s28+s30], $0x50, $0x38;
	[tilespmem:$0x1DC80] =	vst v63  }
0x6d: {  	s29 =	rddreg [dreg:$0x13]  }
0x6e: {  	[tilespmem:s13], [sflag:$0x2] =	stream.linear.gather [hbm4b:s29+s30], $0x50, $0x38;
	[tilespmem:$0x1DC80] =	vst v63  }
0x6f: {  	_ =	swait.ge [sflag:s14], $0x50  }
0x70: {  	[sflag:s14] =	ssyncset.done $0x0  }
0x71: {  	[sflag:s14] =	ssyncadd.s32 $0xFFFFFFB0  }
0x72: {  	_ =	swait.ge [sflag:s14], $0x50  }
0x73: {  	[sflag:s14] =	ssyncset.done $0x0  }
0x74: {  	[sflag:s14] =	ssyncadd.s32 $0xFFFFFFB0  }
0x75: {  	_ =	swait.ge [sflag:s14], $0x50  }
0x76: {  	[sflag:s14] =	ssyncset.done $0x0  }
0x77: {  	s31 =	simm.s32 $0x0;
	[sflag:s14] =	ssyncadd.s32 $0xFFFFFFB0  }
0x78: {  	[tilespmem:s17], [sflag:$0x3] =	stream.indirect.gather [hbm4b:s1+s16], $0x80, s9, s16, $0xb8;
	[tilespmem:$0x1DC80] =	vst v63  }
.LBB2_4:
0x79: {  	_ =	swait.ge [sflag:s18], $0x50  }
0x7a: {  	[sflag:s18] =	ssyncset.done $0x0  }
0x7b: {  	[sflag:s18] =	ssyncadd.s32 $0xFFFFFFB0  }
0x7c: {  	_ =	swait.ge [sflag:s18], $0x50  }
0x7d: {  	[sflag:s18] =	ssyncset.done $0x0  }
0x7e: {  	[sflag:s18] =	ssyncadd.s32 $0xFFFFFFB0  }
0x7f: {  	_ =	swait.ge [sflag:s18], $0x50  }
0x80: {  	[sflag:s18] =	ssyncset.done $0x0  }
0x81: {  	[sflag:s18] =	ssyncadd.s32 $0xFFFFFFB0  }
0x82: {  	[tilespmem:s19], [sflag:$0x4] =	stream.indirect.gather [hbm4b:s1+s16], $0x80, s12, s16, $0xb8;
	[tilespmem:$0x1DC80] =	vst v63  }
0x83: {  	_ =	swait.ge [sflag:s20], $0x2800  }
0x84: {  	p1 =	seq.s32 s31, $0x0;
	[sflag:s20] =	ssyncset.done $0x0  }
0x85: {  	s0 =	simm.s32 @!p1 $0x5;
	[sflag:s20] =	ssyncadd.s32 $0xFFFFD800  }
0x86: {  	_ =	swait.ge @!p1 [sflag:s0], $0x2800  }
0x87: {  	[sflag:s0] =	ssyncset.done @!p1 $0x0  }
0x88: {  	[sflag:s0] =	ssyncadd.s32 @!p1 $0xFFFFD800  }
0x89: {  	v1 =	vld [tilespmem:$0x0]  }
0x8a: {  	v2 =	vld [tilespmem:$0x10]  }
0x8b: {  	v3 =	vld [tilespmem:$0x20]  }
0x8c: {  	v4 =	vld [tilespmem:$0x30]  }
0x8d: {  	v5 =	vld [tilespmem:$0x40]  }
0x8e: {  	[tilespmem:$0xA300] =	vst v1  }
0x8f: {  	v1 =	vmov s30;
	[tilespmem:$0xA310] =	vst v2  }
0x90: {  	[tilespmem:$0xA320] =	vst v3  }
0x91: {  	[tilespmem:$0xA330] =	vst v4  }
0x92: {  	s0 =	simm.s32 $0x340;
	[tilespmem:$0xA340] =	vst v5  }
0x93: {  	v2 =	vld [tilespmem:s0+$0xFFFFFFC0]  }
0x94: {  	v1 =	vld.idx.msk [tilespmem:v1+s10+$0x0], $0xffff;
	_ =	sdelay $0x4  }
0x95: {  	v2 =	vmul.f32 v2, v1  }
0x96: {  	s5 =	simm.s32 $0x5340  }
0x97: {  	[tilespmem:s5+$0xFFFFFFC0] =	vst v2  }
0x98: {  	v2 =	vld [tilespmem:s0+$0xFFFFFFD0];
	_ =	sdelay $0x4  }
0x99: {  	v2 =	vmul.f32 v2, v1;
	_ =	sdelay $0x1  }
0x9a: {  	[tilespmem:s5+$0xFFFFFFD0] =	vst v2  }
0x9b: {  	v2 =	vld [tilespmem:s0+$0xFFFFFFE0];
	_ =	sdelay $0x4  }
0x9c: {  	v2 =	vmul.f32 v2, v1;
	_ =	sdelay $0x1  }
0x9d: {  	[tilespmem:s5+$0xFFFFFFE0] =	vst v2  }
0x9e: {  	v2 =	vld [tilespmem:s0+$0xFFFFFFF0];
	_ =	sdelay $0x4  }
0x9f: {  	v2 =	vmul.f32 v2, v1;
	_ =	sdelay $0x1  }
0xa0: {  	[tilespmem:s5+$0xFFFFFFF0] =	vst v2  }
0xa1: {  	v2 =	vld [tilespmem:s0+$0x0];
	_ =	sdelay $0x4  }
0xa2: {  	v2 =	vmul.f32 v2, v1;
	_ =	sdelay $0x1  }
0xa3: {  	[tilespmem:s5+$0x0] =	vst v2  }
0xa4: {  	v2 =	vld [tilespmem:s0+$0x10];
	_ =	sdelay $0x4  }
0xa5: {  	v2 =	vmul.f32 v2, v1;
	_ =	sdelay $0x1  }
0xa6: {  	[tilespmem:s5+$0x10] =	vst v2  }
0xa7: {  	v2 =	vld [tilespmem:s0+$0x20];
	_ =	sdelay $0x4  }
0xa8: {  	v2 =	vmul.f32 v2, v1;
	_ =	sdelay $0x1  }
0xa9: {  	[tilespmem:s5+$0x20] =	vst v2  }
0xaa: {  	v3 =	vld [tilespmem:s0+$0x30];
	_ =	sdelay $0x1  }
0xab: {  	s28 =	simm.s32 $0x1  }
0xac: {  	v2 =	vmov s28;
	s28 =	simm.s32 $0x2  }
.LBB2_5:
0xad: {  	p2 =	sne.s32 s28, $0x4F  }
0xae: {  	v1 =	vmul.f32 v3, v1;
	_ =	sdelay $0x1  }
0xaf: {  	[tilespmem:s5+$0x30] =	vst v1  }
0xb0: {  	s0 =	sadd.s32 $0x80, s0;
	v1 =	vld.idx.msk [tilespmem:v2+s10+$0x0], $0xffff  }
0xb1: {  	v2 =	vld [tilespmem:s0+$0xFFFFFFC0];
	_ =	sdelay $0x4  }
0xb2: {  	v2 =	vmul.f32 v2, v1  }
0xb3: {  	s5 =	sadd.s32 $0x80, s5  }
0xb4: {  	[tilespmem:s5+$0xFFFFFFC0] =	vst v2  }
0xb5: {  	v2 =	vld [tilespmem:s0+$0xFFFFFFD0];
	_ =	sdelay $0x4  }
0xb6: {  	v2 =	vmul.f32 v2, v1;
	_ =	sdelay $0x1  }
0xb7: {  	[tilespmem:s5+$0xFFFFFFD0] =	vst v2  }
0xb8: {  	v2 =	vld [tilespmem:s0+$0xFFFFFFE0];
	_ =	sdelay $0x4  }
0xb9: {  	v2 =	vmul.f32 v2, v1;
	_ =	sdelay $0x1  }
0xba: {  	[tilespmem:s5+$0xFFFFFFE0] =	vst v2  }
0xbb: {  	v2 =	vld [tilespmem:s0+$0xFFFFFFF0];
	_ =	sdelay $0x4  }
0xbc: {  	v2 =	vmul.f32 v2, v1;
	_ =	sdelay $0x1  }
0xbd: {  	[tilespmem:s5+$0xFFFFFFF0] =	vst v2  }
0xbe: {  	v2 =	vld [tilespmem:s0+$0x0];
	_ =	sdelay $0x4  }
0xbf: {  	v2 =	vmul.f32 v2, v1;
	_ =	sdelay $0x1  }
0xc0: {  	[tilespmem:s5+$0x0] =	vst v2  }
0xc1: {  	v2 =	vld [tilespmem:s0+$0x10];
	_ =	sdelay $0x4  }
0xc2: {  	v2 =	vmul.f32 v2, v1;
	_ =	sdelay $0x1  }
0xc3: {  	[tilespmem:s5+$0x10] =	vst v2  }
0xc4: {  	v2 =	vld [tilespmem:s0+$0x20];
	_ =	sdelay $0x4  }
0xc5: {  	v2 =	vmul.f32 v2, v1;
	_ =	sdelay $0x1  }
.Ltmp1:
0xc6: {  	[tilespmem:s5+$0x20] =	vst v2;
	(pc) =	sbr.rel @p2 .LBB2_5-.Ltmp1, $2  }
0xc7: {  	v3 =	vld [tilespmem:s0+$0x30];
	_ =	sdelay $0x2  }
0xc8: {  	v2 =	vmov s28;
	s28 =	sadd.s32 $0x1, s28  }
0xc9: {  	_ = 	snop  }
0xca: {  	v1 =	vmul.f32 v3, v1;
	_ =	sdelay $0x1  }
0xcb: {  	[tilespmem:s5+$0x30] =	vst v1  }
0xcc: {  	s0 =	sadd.s32 $0x80, s0;
	v1 =	vld.idx.msk [tilespmem:v2+s10+$0x0], $0xffff  }
0xcd: {  	v2 =	vld [tilespmem:s0+$0xFFFFFFC0];
	_ =	sdelay $0x4  }
0xce: {  	v2 =	vmul.f32 v2, v1  }
0xcf: {  	s5 =	sadd.s32 $0x80, s5  }
0xd0: {  	[tilespmem:s5+$0xFFFFFFC0] =	vst v2  }
0xd1: {  	v2 =	vld [tilespmem:s0+$0xFFFFFFD0];
	_ =	sdelay $0x4  }
0xd2: {  	v2 =	vmul.f32 v2, v1;
	_ =	sdelay $0x1  }
0xd3: {  	[tilespmem:s5+$0xFFFFFFD0] =	vst v2  }
0xd4: {  	v2 =	vld [tilespmem:s0+$0xFFFFFFE0];
	_ =	sdelay $0x4  }
0xd5: {  	v2 =	vmul.f32 v2, v1;
	_ =	sdelay $0x1  }
0xd6: {  	[tilespmem:s5+$0xFFFFFFE0] =	vst v2  }
0xd7: {  	v2 =	vld [tilespmem:s0+$0xFFFFFFF0];
	_ =	sdelay $0x4  }
0xd8: {  	v2 =	vmul.f32 v2, v1;
	_ =	sdelay $0x1  }
0xd9: {  	[tilespmem:s5+$0xFFFFFFF0] =	vst v2  }
0xda: {  	v2 =	vld [tilespmem:s0+$0x0];
	_ =	sdelay $0x4  }
0xdb: {  	v2 =	vmul.f32 v2, v1;
	_ =	sdelay $0x1  }
0xdc: {  	[tilespmem:s5+$0x0] =	vst v2  }
0xdd: {  	v2 =	vld [tilespmem:s0+$0x10];
	_ =	sdelay $0x4  }
0xde: {  	v2 =	vmul.f32 v2, v1;
	_ =	sdelay $0x1  }
0xdf: {  	[tilespmem:s5+$0x10] =	vst v2  }
0xe0: {  	v2 =	vld [tilespmem:s0+$0x20];
	_ =	sdelay $0x4  }
0xe1: {  	v2 =	vmul.f32 v2, v1;
	_ =	sdelay $0x1  }
0xe2: {  	[tilespmem:s5+$0x20] =	vst v2  }
0xe3: {  	v2 =	vld [tilespmem:s0+$0x30];
	_ =	sdelay $0x4  }
0xe4: {  	s0 =	smul.u32 $0xA0, s31;
	v1 =	vmul.f32 v2, v1;
	_ =	sdelay $0x1  }
0xe5: {  	[tilespmem:s5+$0x30] =	vst v1;
	s5 =	sadd.s32 s0, s22  }
0xe6: {  	[spmem:s4] =	stream.indirect.scatter.add.f32 [tilespmem:s7], [sflag:$0x5], $0x80, s21, s16, $0xb8;
	[tilespmem:$0x1DC80] =	vst v63  }
0xe7: {  	s5 =	sshrl.u32 s5, $0x3  }
0xe8: {  	s28 =	sadd.s32 s2, s5  }
0xe9: {  	[tilespmem:s6], [sflag:$0x1] =	stream.linear.gather [hbm4b:s28+s6], $0x50, $0x38;
	[tilespmem:$0x1DC80] =	vst v63  }
0xea: {  	s28 =	sadd.s32 s3, s5  }
0xeb: {  	[tilespmem:s9], [sflag:$0x1] =	stream.linear.gather [hbm4b:s28+s6], $0x50, $0x38;
	[tilespmem:$0x1DC80] =	vst v63  }
0xec: {  	s5 =	sadd.s32 s15, s5  }
0xed: {  	[tilespmem:s10], [sflag:$0x1] =	stream.linear.gather [hbm4b:s5+s6], $0x50, $0x38;
	[tilespmem:$0x1DC80] =	vst v63  }
0xee: {  	_ =	swait.ge [sflag:s14], $0x50  }
0xef: {  	[sflag:s14] =	ssyncset.done $0x0  }
0xf0: {  	[sflag:s14] =	ssyncadd.s32 $0xFFFFFFB0  }
0xf1: {  	_ =	swait.ge [sflag:s14], $0x50  }
0xf2: {  	[sflag:s14] =	ssyncset.done $0x0  }
0xf3: {  	[sflag:s14] =	ssyncadd.s32 $0xFFFFFFB0  }
0xf4: {  	_ =	swait.ge [sflag:s14], $0x50  }
0xf5: {  	[sflag:s14] =	ssyncset.done $0x0  }
0xf6: {  	[sflag:s14] =	ssyncadd.s32 $0xFFFFFFB0  }
0xf7: {  	[tilespmem:s17], [sflag:$0x3] =	stream.indirect.gather [hbm4b:s1+s16], $0x80, s9, s16, $0xb8;
	[tilespmem:$0x1DC80] =	vst v63  }
0xf8: {  	_ =	swait.ge [sflag:s24], $0x2800  }
0xf9: {  	[sflag:s24] =	ssyncset.done $0x0  }
0xfa: {  	s5 =	simm.s32 @!p1 $0x6;
	[sflag:s24] =	ssyncadd.s32 $0xFFFFD800  }
0xfb: {  	_ =	swait.ge @!p1 [sflag:s5], $0x2800  }
0xfc: {  	[sflag:s5] =	ssyncset.done @!p1 $0x0  }
0xfd: {  	[sflag:s5] =	ssyncadd.s32 @!p1 $0xFFFFD800  }
0xfe: {  	v1 =	vld [tilespmem:$0x80]  }
0xff: {  	v2 =	vld [tilespmem:$0x90]  }
0x100: {  	v3 =	vld [tilespmem:$0xA0]  }
0x101: {  	v4 =	vld [tilespmem:$0xB0]  }
0x102: {  	v5 =	vld [tilespmem:$0xC0]  }
0x103: {  	s5 =	simm.s32 $0x0;
	[tilespmem:$0xA380] =	vst v1  }
0x104: {  	v1 =	vmov s5;
	[tilespmem:$0xA390] =	vst v2  }
0x105: {  	[tilespmem:$0xA3A0] =	vst v3  }
0x106: {  	[tilespmem:$0xA3B0] =	vst v4  }
0x107: {  	[tilespmem:$0xA3C0] =	vst v5;
	s5 =	simm.s32 $0x2B40  }
0x108: {  	v2 =	vld [tilespmem:s5+$0xFFFFFFC0]  }
0x109: {  	v1 =	vld.idx.msk [tilespmem:v1+s13+$0x0], $0xffff;
	_ =	sdelay $0x4  }
0x10a: {  	v2 =	vmul.f32 v2, v1  }
0x10b: {  	s28 =	simm.s32 $0x7B40  }
0x10c: {  	[tilespmem:s28+$0xFFFFFFC0] =	vst v2  }
0x10d: {  	v2 =	vld [tilespmem:s5+$0xFFFFFFD0];
	_ =	sdelay $0x4  }
0x10e: {  	v2 =	vmul.f32 v2, v1;
	_ =	sdelay $0x1  }
0x10f: {  	[tilespmem:s28+$0xFFFFFFD0] =	vst v2  }
0x110: {  	v2 =	vld [tilespmem:s5+$0xFFFFFFE0];
	_ =	sdelay $0x4  }
0x111: {  	v2 =	vmul.f32 v2, v1;
	_ =	sdelay $0x1  }
0x112: {  	[tilespmem:s28+$0xFFFFFFE0] =	vst v2  }
0x113: {  	v2 =	vld [tilespmem:s5+$0xFFFFFFF0];
	_ =	sdelay $0x4  }
0x114: {  	v2 =	vmul.f32 v2, v1;
	_ =	sdelay $0x1  }
0x115: {  	[tilespmem:s28+$0xFFFFFFF0] =	vst v2  }
0x116: {  	v2 =	vld [tilespmem:s5+$0x0];
	_ =	sdelay $0x4  }
0x117: {  	v2 =	vmul.f32 v2, v1;
	_ =	sdelay $0x1  }
0x118: {  	[tilespmem:s28+$0x0] =	vst v2  }
0x119: {  	v2 =	vld [tilespmem:s5+$0x10];
	_ =	sdelay $0x4  }
0x11a: {  	v2 =	vmul.f32 v2, v1;
	_ =	sdelay $0x1  }
0x11b: {  	[tilespmem:s28+$0x10] =	vst v2  }
0x11c: {  	v2 =	vld [tilespmem:s5+$0x20];
	_ =	sdelay $0x4  }
0x11d: {  	v2 =	vmul.f32 v2, v1;
	_ =	sdelay $0x1  }
0x11e: {  	[tilespmem:s28+$0x20] =	vst v2  }
0x11f: {  	v3 =	vld [tilespmem:s5+$0x30];
	_ =	sdelay $0x1  }
0x120: {  	s29 =	simm.s32 $0x1  }
0x121: {  	v2 =	vmov s29;
	s29 =	simm.s32 $0x2  }
.LBB2_7:
0x122: {  	p1 =	sne.s32 s29, $0x4F  }
0x123: {  	v1 =	vmul.f32 v3, v1;
	_ =	sdelay $0x1  }
0x124: {  	[tilespmem:s28+$0x30] =	vst v1  }
0x125: {  	s5 =	sadd.s32 $0x80, s5;
	v1 =	vld.idx.msk [tilespmem:v2+s13+$0x0], $0xffff  }
0x126: {  	v2 =	vld [tilespmem:s5+$0xFFFFFFC0];
	_ =	sdelay $0x4  }
0x127: {  	v2 =	vmul.f32 v2, v1  }
0x128: {  	s28 =	sadd.s32 $0x80, s28  }
0x129: {  	[tilespmem:s28+$0xFFFFFFC0] =	vst v2  }
0x12a: {  	v2 =	vld [tilespmem:s5+$0xFFFFFFD0];
	_ =	sdelay $0x4  }
0x12b: {  	v2 =	vmul.f32 v2, v1;
	_ =	sdelay $0x1  }
0x12c: {  	[tilespmem:s28+$0xFFFFFFD0] =	vst v2  }
0x12d: {  	v2 =	vld [tilespmem:s5+$0xFFFFFFE0];
	_ =	sdelay $0x4  }
0x12e: {  	v2 =	vmul.f32 v2, v1;
	_ =	sdelay $0x1  }
0x12f: {  	[tilespmem:s28+$0xFFFFFFE0] =	vst v2  }
0x130: {  	v2 =	vld [tilespmem:s5+$0xFFFFFFF0];
	_ =	sdelay $0x4  }
0x131: {  	v2 =	vmul.f32 v2, v1;
	_ =	sdelay $0x1  }
0x132: {  	[tilespmem:s28+$0xFFFFFFF0] =	vst v2  }
0x133: {  	v2 =	vld [tilespmem:s5+$0x0];
	_ =	sdelay $0x4  }
0x134: {  	v2 =	vmul.f32 v2, v1;
	_ =	sdelay $0x1  }
0x135: {  	[tilespmem:s28+$0x0] =	vst v2  }
0x136: {  	v2 =	vld [tilespmem:s5+$0x10];
	_ =	sdelay $0x4  }
0x137: {  	v2 =	vmul.f32 v2, v1;
	_ =	sdelay $0x1  }
0x138: {  	[tilespmem:s28+$0x10] =	vst v2  }
0x139: {  	v2 =	vld [tilespmem:s5+$0x20];
	_ =	sdelay $0x4  }
0x13a: {  	v2 =	vmul.f32 v2, v1;
	_ =	sdelay $0x1  }
.Ltmp2:
0x13b: {  	[tilespmem:s28+$0x20] =	vst v2;
	(pc) =	sbr.rel @p1 .LBB2_7-.Ltmp2, $2  }
0x13c: {  	v3 =	vld [tilespmem:s5+$0x30];
	_ =	sdelay $0x2  }
0x13d: {  	v2 =	vmov s29;
	s29 =	sadd.s32 $0x1, s29  }
0x13e: {  	_ = 	snop  }
0x13f: {  	v1 =	vmul.f32 v3, v1;
	_ =	sdelay $0x1  }
0x140: {  	[tilespmem:s28+$0x30] =	vst v1  }
0x141: {  	s5 =	sadd.s32 $0x80, s5;
	v1 =	vld.idx.msk [tilespmem:v2+s13+$0x0], $0xffff  }
0x142: {  	v2 =	vld [tilespmem:s5+$0xFFFFFFC0];
	_ =	sdelay $0x4  }
0x143: {  	v2 =	vmul.f32 v2, v1  }
0x144: {  	s29 =	sadd.s32 $0x80, s28  }
0x145: {  	[tilespmem:s29+$0xFFFFFFC0] =	vst v2  }
0x146: {  	v2 =	vld [tilespmem:s5+$0xFFFFFFD0];
	_ =	sdelay $0x4  }
0x147: {  	v2 =	vmul.f32 v2, v1;
	_ =	sdelay $0x1  }
0x148: {  	[tilespmem:s29+$0xFFFFFFD0] =	vst v2  }
0x149: {  	v2 =	vld [tilespmem:s5+$0xFFFFFFE0];
	_ =	sdelay $0x4  }
0x14a: {  	v2 =	vmul.f32 v2, v1;
	_ =	sdelay $0x1  }
0x14b: {  	[tilespmem:s29+$0xFFFFFFE0] =	vst v2  }
0x14c: {  	v2 =	vld [tilespmem:s5+$0xFFFFFFF0];
	_ =	sdelay $0x4  }
0x14d: {  	v2 =	vmul.f32 v2, v1;
	_ =	sdelay $0x1  }
0x14e: {  	[tilespmem:s29+$0xFFFFFFF0] =	vst v2  }
0x14f: {  	v2 =	vld [tilespmem:s5+$0x0];
	_ =	sdelay $0x4  }
0x150: {  	v2 =	vmul.f32 v2, v1;
	_ =	sdelay $0x1  }
0x151: {  	[tilespmem:s29+$0x0] =	vst v2  }
0x152: {  	v2 =	vld [tilespmem:s5+$0x10];
	_ =	sdelay $0x4  }
0x153: {  	v2 =	vmul.f32 v2, v1;
	_ =	sdelay $0x1  }
0x154: {  	[tilespmem:s29+$0x10] =	vst v2  }
0x155: {  	v2 =	vld [tilespmem:s5+$0x20];
	_ =	sdelay $0x4  }
0x156: {  	v2 =	vmul.f32 v2, v1;
	_ =	sdelay $0x1  }
0x157: {  	[tilespmem:s29+$0x20] =	vst v2  }
0x158: {  	v2 =	vld [tilespmem:s5+$0x30];
	_ =	sdelay $0x2  }
0x159: {  	p1 =	seq.s32 s31, $0x3D  }
.Ltmp3:
0x15a: {  	_ = 	snop;
	(pc) =	sbr.rel @p1 .LBB2_10-.Ltmp3, $3  }
0x15b: {  	v1 =	vmul.f32 v2, v1;
	_ =	sdelay $0x1  }
0x15c: {  	[tilespmem:s29+$0x30] =	vst v1  }
0x15d: {  	[spmem:s4] =	stream.indirect.scatter.add.f32 [tilespmem:s26], [sflag:$0x6], $0x80, s25, s16, $0xb8;
	[tilespmem:$0x1DC80] =	vst v63  }
0x15e: {  	s0 =	sadd.s32 s0, s23  }
0x15f: {  	s0 =	sshrl.u32 s0, $0x3  }
0x160: {  	s5 =	sadd.s32 s2, s0  }
0x161: {  	[tilespmem:s11], [sflag:$0x2] =	stream.linear.gather [hbm4b:s5+s6], $0x50, $0x38;
	[tilespmem:$0x1DC80] =	vst v63  }
.Ltmp4:
0x162: {  	_ = 	snop;
	(pc) =	sbr.rel .LBB2_4-.Ltmp4, $4  }
0x163: {  	s29 =	sadd.s32 s3, s0  }
0x164: {  	[tilespmem:s12], [sflag:$0x2] =	stream.linear.gather [hbm4b:s29+s6], $0x50, $0x38;
	[tilespmem:$0x1DC80] =	vst v63  }
0x165: {  	s31 =	sadd.s32 $0x1, s31;
	s0 =	sadd.s32 s15, s0  }
0x166: {  	[tilespmem:s13], [sflag:$0x2] =	stream.linear.gather [hbm4b:s0+s6], $0x50, $0x38;
	[tilespmem:$0x1DC80] =	vst v63  }
.LBB2_10:
0x167: {  	_ =	swait.ge [sflag:s20], $0x2800  }
0x168: {  	[sflag:s20] =	ssyncset.done $0x0  }
0x169: {  	s0 =	simm.s32 $0x5;
	[sflag:s20] =	ssyncadd.s32 $0xFFFFD800  }
0x16a: {  	_ =	swait.ge [sflag:s0], $0x2800  }
0x16b: {  	[sflag:s0] =	ssyncset.done $0x0  }
0x16c: {  	[sflag:s0] =	ssyncadd.s32 $0xFFFFD800  }
0x16d: {  	v1 =	vld [tilespmem:$0x0]  }
0x16e: {  	v2 =	vld [tilespmem:$0x10]  }
0x16f: {  	v3 =	vld [tilespmem:$0x20]  }
0x170: {  	v4 =	vld [tilespmem:$0x30]  }
0x171: {  	v5 =	vld [tilespmem:$0x40]  }
0x172: {  	s31 =	simm.s32 $0x0;
	[tilespmem:$0xA300] =	vst v1  }
0x173: {  	v1 =	vmov s31;
	[tilespmem:$0xA310] =	vst v2  }
0x174: {  	[tilespmem:$0xA320] =	vst v3  }
0x175: {  	[tilespmem:$0xA330] =	vst v4  }
0x176: {  	s0 =	simm.s32 $0x340;
	[tilespmem:$0xA340] =	vst v5  }
0x177: {  	v2 =	vld [tilespmem:s0+$0xFFFFFFC0]  }
0x178: {  	v1 =	vld.idx.msk [tilespmem:v1+s10+$0x0], $0xffff;
	_ =	sdelay $0x4  }
0x179: {  	v2 =	vmul.f32 v2, v1  }
0x17a: {  	s5 =	simm.s32 $0x5340  }
0x17b: {  	[tilespmem:s5+$0xFFFFFFC0] =	vst v2  }
0x17c: {  	v2 =	vld [tilespmem:s0+$0xFFFFFFD0];
	_ =	sdelay $0x4  }
0x17d: {  	v2 =	vmul.f32 v2, v1;
	_ =	sdelay $0x1  }
0x17e: {  	[tilespmem:s5+$0xFFFFFFD0] =	vst v2  }
0x17f: {  	v2 =	vld [tilespmem:s0+$0xFFFFFFE0];
	_ =	sdelay $0x4  }
0x180: {  	v2 =	vmul.f32 v2, v1;
	_ =	sdelay $0x1  }
0x181: {  	[tilespmem:s5+$0xFFFFFFE0] =	vst v2  }
0x182: {  	v2 =	vld [tilespmem:s0+$0xFFFFFFF0];
	_ =	sdelay $0x4  }
0x183: {  	v2 =	vmul.f32 v2, v1;
	_ =	sdelay $0x1  }
0x184: {  	[tilespmem:s5+$0xFFFFFFF0] =	vst v2  }
0x185: {  	v2 =	vld [tilespmem:s0+$0x0];
	_ =	sdelay $0x4  }
0x186: {  	v2 =	vmul.f32 v2, v1;
	_ =	sdelay $0x1  }
0x187: {  	[tilespmem:s5+$0x0] =	vst v2  }
0x188: {  	v2 =	vld [tilespmem:s0+$0x10];
	_ =	sdelay $0x4  }
0x189: {  	v2 =	vmul.f32 v2, v1;
	_ =	sdelay $0x1  }
0x18a: {  	[tilespmem:s5+$0x10] =	vst v2  }
0x18b: {  	v2 =	vld [tilespmem:s0+$0x20];
	_ =	sdelay $0x4  }
0x18c: {  	v2 =	vmul.f32 v2, v1;
	_ =	sdelay $0x1  }
0x18d: {  	[tilespmem:s5+$0x20] =	vst v2  }
0x18e: {  	v3 =	vld [tilespmem:s0+$0x30];
	_ =	sdelay $0x1  }
0x18f: {  	s28 =	simm.s32 $0x1  }
0x190: {  	v2 =	vmov s28;
	s28 =	simm.s32 $0x2  }
.LBB2_11:
0x191: {  	p1 =	sne.s32 s28, $0x4F  }
0x192: {  	v1 =	vmul.f32 v3, v1;
	_ =	sdelay $0x1  }
0x193: {  	[tilespmem:s5+$0x30] =	vst v1  }
0x194: {  	s0 =	sadd.s32 $0x80, s0;
	v1 =	vld.idx.msk [tilespmem:v2+s10+$0x0], $0xffff  }
0x195: {  	v2 =	vld [tilespmem:s0+$0xFFFFFFC0];
	_ =	sdelay $0x4  }
0x196: {  	v2 =	vmul.f32 v2, v1  }
0x197: {  	s5 =	sadd.s32 $0x80, s5  }
0x198: {  	[tilespmem:s5+$0xFFFFFFC0] =	vst v2  }
0x199: {  	v2 =	vld [tilespmem:s0+$0xFFFFFFD0];
	_ =	sdelay $0x4  }
0x19a: {  	v2 =	vmul.f32 v2, v1;
	_ =	sdelay $0x1  }
0x19b: {  	[tilespmem:s5+$0xFFFFFFD0] =	vst v2  }
0x19c: {  	v2 =	vld [tilespmem:s0+$0xFFFFFFE0];
	_ =	sdelay $0x4  }
0x19d: {  	v2 =	vmul.f32 v2, v1;
	_ =	sdelay $0x1  }
0x19e: {  	[tilespmem:s5+$0xFFFFFFE0] =	vst v2  }
0x19f: {  	v2 =	vld [tilespmem:s0+$0xFFFFFFF0];
	_ =	sdelay $0x4  }
0x1a0: {  	v2 =	vmul.f32 v2, v1;
	_ =	sdelay $0x1  }
0x1a1: {  	[tilespmem:s5+$0xFFFFFFF0] =	vst v2  }
0x1a2: {  	v2 =	vld [tilespmem:s0+$0x0];
	_ =	sdelay $0x4  }
0x1a3: {  	v2 =	vmul.f32 v2, v1;
	_ =	sdelay $0x1  }
0x1a4: {  	[tilespmem:s5+$0x0] =	vst v2  }
0x1a5: {  	v2 =	vld [tilespmem:s0+$0x10];
	_ =	sdelay $0x4  }
0x1a6: {  	v2 =	vmul.f32 v2, v1;
	_ =	sdelay $0x1  }
0x1a7: {  	[tilespmem:s5+$0x10] =	vst v2  }
0x1a8: {  	v2 =	vld [tilespmem:s0+$0x20];
	_ =	sdelay $0x4  }
0x1a9: {  	v2 =	vmul.f32 v2, v1;
	_ =	sdelay $0x1  }
.Ltmp5:
0x1aa: {  	[tilespmem:s5+$0x20] =	vst v2;
	(pc) =	sbr.rel @p1 .LBB2_11-.Ltmp5, $2  }
0x1ab: {  	v3 =	vld [tilespmem:s0+$0x30];
	_ =	sdelay $0x2  }
0x1ac: {  	v2 =	vmov s28;
	s28 =	sadd.s32 $0x1, s28  }
0x1ad: {  	_ = 	snop  }
0x1ae: {  	v1 =	vmul.f32 v3, v1;
	_ =	sdelay $0x1  }
0x1af: {  	[tilespmem:s5+$0x30] =	vst v1  }
0x1b0: {  	s0 =	sadd.s32 $0x80, s0;
	v1 =	vld.idx.msk [tilespmem:v2+s10+$0x0], $0xffff  }
0x1b1: {  	v2 =	vld [tilespmem:s0+$0xFFFFFFC0];
	_ =	sdelay $0x4  }
0x1b2: {  	v2 =	vmul.f32 v2, v1  }
0x1b3: {  	s5 =	sadd.s32 $0x80, s5  }
0x1b4: {  	[tilespmem:s5+$0xFFFFFFC0] =	vst v2  }
0x1b5: {  	v2 =	vld [tilespmem:s0+$0xFFFFFFD0];
	_ =	sdelay $0x4  }
0x1b6: {  	v2 =	vmul.f32 v2, v1;
	_ =	sdelay $0x1  }
0x1b7: {  	[tilespmem:s5+$0xFFFFFFD0] =	vst v2  }
0x1b8: {  	v2 =	vld [tilespmem:s0+$0xFFFFFFE0];
	_ =	sdelay $0x4  }
0x1b9: {  	v2 =	vmul.f32 v2, v1;
	_ =	sdelay $0x1  }
0x1ba: {  	[tilespmem:s5+$0xFFFFFFE0] =	vst v2  }
0x1bb: {  	v2 =	vld [tilespmem:s0+$0xFFFFFFF0];
	_ =	sdelay $0x4  }
0x1bc: {  	v2 =	vmul.f32 v2, v1;
	_ =	sdelay $0x1  }
0x1bd: {  	[tilespmem:s5+$0xFFFFFFF0] =	vst v2  }
0x1be: {  	v2 =	vld [tilespmem:s0+$0x0];
	_ =	sdelay $0x4  }
0x1bf: {  	v2 =	vmul.f32 v2, v1;
	_ =	sdelay $0x1  }
0x1c0: {  	[tilespmem:s5+$0x0] =	vst v2  }
0x1c1: {  	v2 =	vld [tilespmem:s0+$0x10];
	_ =	sdelay $0x4  }
0x1c2: {  	v2 =	vmul.f32 v2, v1;
	_ =	sdelay $0x1  }
0x1c3: {  	[tilespmem:s5+$0x10] =	vst v2  }
0x1c4: {  	v2 =	vld [tilespmem:s0+$0x20];
	_ =	sdelay $0x4  }
0x1c5: {  	v2 =	vmul.f32 v2, v1;
	_ =	sdelay $0x1  }
0x1c6: {  	[tilespmem:s5+$0x20] =	vst v2  }
0x1c7: {  	v2 =	vld [tilespmem:s0+$0x30];
	_ =	sdelay $0x4  }
0x1c8: {  	v1 =	vmul.f32 v2, v1;
	_ =	sdelay $0x1  }
0x1c9: {  	[tilespmem:s5+$0x30] =	vst v1;
	s5 =	simm.s32 $0x5  }
0x1ca: {  	[spmem:s4] =	stream.indirect.scatter.add.f32 [tilespmem:s7], [sflag:$0x5], $0x80, s21, s16, $0xb8;
	[tilespmem:$0x1DC80] =	vst v63  }
0x1cb: {  	_ =	swait.ge [sflag:s5], $0x2800  }
0x1cc: {  	[sflag:s5] =	ssyncset.done $0x0  }
0x1cd: {  	[sflag:s5] =	ssyncadd.s32 $0xFFFFD800;
	s5 =	simm.s32 $0x6  }
0x1ce: {  	_ =	swait.ge [sflag:s5], $0x2800  }
0x1cf: {  	[sflag:s5] =	ssyncset.done $0x0  }
0x1d0: {  	[sflag:s5] =	ssyncadd.s32 $0xFFFFD800  }
0x1d1: {  	s5 =	stileid.u32;
	[bflag:$0x0] =	sbarrier.arrive $0xFFFF  }
0x1d2: {  	s0 =	sshll.u32 s5, $0x6;
	s29 =	rddreg [dreg:$0x15]  }
0x1d3: {  	s0 =	sor.u32 $0x1C07, s0;
	s28 =	rddreg [dreg:$0x6];
	s5 =	sshrl.u32 s29, $0x3  }
0x1d4: {  	[hbm:s28], [sflag:s0] =	dma.local [spmem:s5], $0x500  }
0x1d5: {  	_ =	swait.ge [sflag:s8], $0x500  }
0x1d6: {  	[sflag:s8] =	ssyncset.done $0x0;
	s30 =	rddreg [dreg:$0x16]  }
0x1d7: {  	s28 =	rddreg [dreg:$0x7];
	[sflag:s8] =	ssyncadd.s32 $0xFFFFFB00;
	s5 =	sshrl.u32 s30, $0x3  }
0x1d8: {  	[hbm:s28], [sflag:s0] =	dma.local [spmem:s5], $0x500  }
0x1d9: {  	_ =	swait.ge [sflag:s8], $0x500  }
0x1da: {  	[sflag:s8] =	ssyncset.done $0x0;
	s31 =	rddreg [dreg:$0x17]  }
0x1db: {  	s28 =	rddreg [dreg:$0x8];
	[sflag:s8] =	ssyncadd.s32 $0xFFFFFB00;
	s5 =	sshrl.u32 s31, $0x3  }
0x1dc: {  	[hbm:s28], [sflag:s0] =	dma.local [spmem:s5], $0x500  }
0x1dd: {  	_ =	swait.ge [sflag:s8], $0x500  }
0x1de: {  	[sflag:s8] =	ssyncset.done $0x0;
	s5 =	rddreg [dreg:$0x18]  }
0x1df: {  	s28 =	rddreg [dreg:$0x9];
	[sflag:s8] =	ssyncadd.s32 $0xFFFFFB00;
	s5 =	sshrl.u32 s5, $0x3  }
0x1e0: {  	[hbm:s28], [sflag:s0] =	dma.local [spmem:s5], $0x500  }
0x1e1: {  	_ =	swait.ge [sflag:s8], $0x500  }
0x1e2: {  	[sflag:s8] =	ssyncset.done $0x0;
	s5 =	rddreg [dreg:$0x19]  }
0x1e3: {  	s28 =	rddreg [dreg:$0xa];
	[sflag:s8] =	ssyncadd.s32 $0xFFFFFB00;
	s5 =	sshrl.u32 s5, $0x3  }
0x1e4: {  	[hbm:s28], [sflag:s0] =	dma.local [spmem:s5], $0x500  }
0x1e5: {  	_ =	swait.ge [sflag:s8], $0x500  }
0x1e6: {  	[sflag:s8] =	ssyncset.done $0x0;
	s5 =	rddreg [dreg:$0x1a]  }
0x1e7: {  	s28 =	rddreg [dreg:$0xb];
	[sflag:s8] =	ssyncadd.s32 $0xFFFFFB00;
	s5 =	sshrl.u32 s5, $0x3  }
0x1e8: {  	[hbm:s28], [sflag:s0] =	dma.local [spmem:s5], $0x500  }
0x1e9: {  	_ =	swait.ge [sflag:s8], $0x500  }
0x1ea: {  	[sflag:s8] =	ssyncset.done $0x0;
	s5 =	rddreg [dreg:$0x1b]  }
0x1eb: {  	s28 =	rddreg [dreg:$0xc];
	[sflag:s8] =	ssyncadd.s32 $0xFFFFFB00;
	s5 =	sshrl.u32 s5, $0x3  }
0x1ec: {  	[hbm:s28], [sflag:s0] =	dma.local [spmem:s5], $0x500  }
0x1ed: {  	_ =	swait.ge [sflag:s8], $0x500  }
0x1ee: {  	[sflag:s8] =	ssyncset.done $0x0;
	s5 =	rddreg [dreg:$0x1c]  }
0x1ef: {  	s28 =	rddreg [dreg:$0xd];
	[sflag:s8] =	ssyncadd.s32 $0xFFFFFB00;
	s5 =	sshrl.u32 @!p0 s5, $0x3  }
0x1f0: {  	[hbm:s28], [sflag:s0] =	dma.local @!p0 [spmem:s5], $0x500  }
0x1f1: {  	s0 =	simm.s32 @!p0 $0x7  }
0x1f2: {  	_ =	swait.ge @!p0 [sflag:s0], $0x500  }
0x1f3: {  	s28 =	rddreg [dreg:$0x1d]  }
0x1f4: {  	s5 =	rddreg [dreg:$0x14];
	s28 =	sadd.s32 $0x1, s28  }
0x1f5: {  	p1 =	sne.s32 s28, s5  }
.Ltmp6:
0x1f6: {  	_ = 	snop;
	(pc) =	sbr.rel @p1 .LBB2_1-.Ltmp6, $3  }
0x1f7: {  	_ =	sdelay $0x1  }
0x1f8: {  	[sflag:s0] =	ssyncset.done @!p0 $0x0  }
0x1f9: {  	[sflag:s0] =	ssyncadd.s32 @!p0 $0xFFFFFB00  }
0x1fa: {  	_ =	sfence.sel $0x180000  }
0x1fb: {  	[bflag:$0x0] =	sbarrier.arrive $0xFFFF  }
0x1fc: {  	_ =	strace $0x9000004A  }
0x1fd: {  	s0 =	stileid.u32;
	[bflag:$0x2] =	sbarrier.arrive $0xFFFF  }
0x1fe: {  	p0 =	sne.s32 s0, $0x0;
	s0 =	rddreg [dreg:$0x5]  }
0x1ff: {  	s0 =	sadd.s32 @!p0 $0x100000, s0  }
0x200: {  	[sflag:s0] =	ssyncadd.tile.s32 @!p0 $0x1;
	_ =	shalt  }
.Lfunc_end2:
_tile_overlayer_lowered:
.L_overlay_start_2:
0x201: {  	(tag) =	ssettag $0x2  }
0x202: {  	s0 =	rddreg [dreg:$0x0];
	s2 =	stileid.u32  }
0x203: {  	s1 =	rddreg [dreg:$0x1];
	p0 =	sne.s32 s2, $0x0  }
0x204: {  	s3 =	rddreg [dreg:$0x2];
	[bflag:$0x3] =	sbarrier.arrive $0xFFFF;
	s2 =	simm.s32 @!p0 $0x1C07  }
0x205: {  	[timem:s3], [sflag:s2] =	dma.local @!p0 [hbm:s0], s1  }
0x206: {  	s0 =	simm.s32 @!p0 $0x7  }
0x207: {  	_ =	swait.ge @!p0 [sflag:s0], s1  }
0x208: {  	s1 =	ssub.s32 @!p0 $0x0, s1;
	[sflag:s0] =	ssyncset.done @!p0 $0x0  }
0x209: {  	[sflag:s0] =	ssyncadd.s32 @!p0 s1  }
0x20a: {  	[bflag:$0x3] =	sbarrier.arrive $0xFFFF  }
0x20b: {  	_ =	shalt  }

// kernel: kernel.7.cloned.1.call-start
scs
__scs_entry_jumppad:
0x0: {  	(pc) =	sbr.rel $0x88, $3  }
0x1: {  	(tag) =	ssettag $0x0;
	lr =	simm.s32 $0x1  }
0x2: {  	[smem:$0x3F9A] =	sst lr;
	_ =	strace $0xD0000000  }
0x3: {  	_ = 	snop  }
0x4: {  	_ = 	snop  }
0x5: {  	_ = 	snop  }
0x6: {  	_ = 	snop  }
0x7: {  	_ = 	snop  }
__scs_overlays_trampoline_lowered:
0x8: {  	[smem:$0x3FA9] =	sst s0  }
0x9: {  	[smem:$0x3FAA] =	sst s1  }
0xa: {  	[smem:$0x3FAB] =	sst s2  }
0xb: {  	[smem:$0x3FAC] =	sst s3  }
0xc: {  	[smem:$0x3FAD] =	sst s4  }
0xd: {  	[smem:$0x3FAE] =	sst s5  }
0xe: {  	[smem:$0x3FAF] =	sst s6  }
0xf: {  	[smem:$0x3FB0] =	sst s7  }
0x10: {  	[smem:$0x3FB1] =	sst s8  }
0x11: {  	[smem:$0x3FB2] =	sst s9;
	s0 =	simm.s32 @!p0 $0x0  }
0x12: {  	s1 =	sld [smem:$0x3F98];
	s0 =	simm.s32 @p0 $0x1  }
0x13: {  	[smem:$0x3FB3] =	sst s0;
	s0 =	simm.s32 @!p1 $0x0  }
0x14: {  	s2 =	sld [smem:$0x3F97];
	s0 =	simm.s32 @p1 $0x1  }
0x15: {  	[smem:$0x3FB4] =	sst s0;
	s0 =	simm.s32 @!p2 $0x0  }
0x16: {  	s3 =	sld [smem:$0x3FDB];
	s0 =	simm.s32 @p2 $0x1  }
0x17: {  	s4 =	simm.s32 $0x1BF5;
	[smem:$0x3FB6] =	sst s0  }
0x18: {  	s0 =	sld [smem:$0x3F99];
	_ =	swait.ge [sflag:s4], $0x0  }
0x19: {  	s7 =	sld [smem:$0x3F9A]  }
0x1a: {  	s8 =	sadd.s32 $0xFFFFE003, lr  }
0x1b: {  	s9 =	sadd.s32 $0xFFFFFEF7, lr;
	s5 =	simm.s32 $0xFFFFFFFF;
	p2 =	slt.u32 s8, $0xFFFFF086  }
0x1c: {  	p1 =	slt.u32 s9, $0xF7A;
	s5 =	simm.s32 @!p2 $0x0  }
0x1d: {  	s5 =	simm.s32 @p1 $0x1;
	p0 =	seq.s32 s7, s2  }
0x1e: {  	s7 =	smul.u32 @!p0 $0xF7A, s2;
	p2 =	seq.s32 @!p0 s5, $0x0  }
0x1f: {  	s9 =	smul.u32 $0xF7A, s1;
	s8 =	simm.s32 @!p0 $0x1BF5;
	p2 =	por !p2, p0  }
0x20: {  	[sflag:s8] =	ssyncset.s32 @!p0 $0xFFFFF086;
	s6 =	sadd.s32 @!p0 s3, s7;
	s7 =	simm.s32 @!p0 $0x108  }
0x21: {  	s3 =	sadd.s32 s3, s9;
	s6 =	sadd.s32 @!p0 $0x88, s6;
	s7 =	simm.s32 @p2 $0x1082  }
0x22: {  	[simem:s7], [sflag:s8] =	dma.local @!p0 [hbm:s6], $0xF7A  }
0x23: {  	s9 =	sor.u32 $0xD0000000, s2;
	s6 =	simm.s32 $0x108;
	_ =	swait.ge @!p0 [sflag:s8], $0x0  }
0x24: {  	s3 =	sadd.s32 $0x88, s3;
	s6 =	simm.s32 @!p1 $0x1082;
	[sflag:s4] =	ssyncset.s32 $0xFFFFF086  }
0x25: {  	[simem:s6], [sflag:s4] =	dma.local [hbm:s3], $0xF7A  }
0x26: {  	[smem:$0x3F9A] =	sst s1;
	(tag) =	ssettag s2;
	_ =	strace s9  }
0x27: {  	s1 =	sld [smem:$0x3FAA]  }
0x28: {  	s2 =	sld [smem:$0x3FAB]  }
0x29: {  	s4 =	sld [smem:$0x3FAD]  }
0x2a: {  	p0 =	seq.s32 s5, $0x0;
	s5 =	sld [smem:$0x3FAE]  }
0x2b: {  	s6 =	sld [smem:$0x3FAF]  }
0x2c: {  	s7 =	sld [smem:$0x3FB0]  }
0x2d: {  	s3 =	simm.s32 $0x108;
	s8 =	sld [smem:$0x3FB1]  }
0x2e: {  	s3 =	simm.s32 @!p0 $0x1082;
	s9 =	sld [smem:$0x3FB2]  }
0x2f: {  	lr =	sadd.s32 s0, s3;
	s0 =	sld [smem:$0x3FA9]  }
0x30: {  	s3 =	sld [smem:$0x3FAC]  }
0x31: {  	[smem:$0x3FB5] =	sst s10  }
0x32: {  	s10 =	sld [smem:$0x3FB3];
	_ =	sdelay $0x3  }
0x33: {  	p0 =	seq.s32 s10, $0x1;
	s10 =	sld [smem:$0x3FB5];
	_ =	sdelay $0x3  }
0x34: {  	[smem:$0x3FB5] =	sst s10  }
0x35: {  	s10 =	sld [smem:$0x3FB4];
	_ =	sdelay $0x3  }
0x36: {  	p1 =	seq.s32 s10, $0x1;
	s10 =	sld [smem:$0x3FB5];
	_ =	sdelay $0x3  }
0x37: {  	[smem:$0x3FB5] =	sst s10  }
0x38: {  	s10 =	sld [smem:$0x3FB6]  }
0x39: {  	_ = 	snop;
	(pc) =	sbr.ind lr, $3  }
0x3a: {  	_ = 	snop  }
0x3b: {  	_ = 	snop  }
0x3c: {  	p2 =	seq.s32 s10, $0x1;
	s10 =	sld [smem:$0x3FB5]  }
0x3d: {  	_ =	shalt  }
0x3e: {  	_ =	shalt  }
0x3f: {  	_ =	shalt  }
0x40: {  	_ =	shalt  }
0x41: {  	_ =	shalt  }
0x42: {  	_ =	shalt  }
0x43: {  	_ =	shalt  }
0x44: {  	_ =	shalt  }
0x45: {  	_ =	shalt  }
0x46: {  	_ =	shalt  }
0x47: {  	_ =	shalt  }
0x48: {  	_ =	shalt  }
0x49: {  	_ =	shalt  }
0x4a: {  	_ =	shalt  }
0x4b: {  	_ =	shalt  }
0x4c: {  	_ =	shalt  }
0x4d: {  	_ =	shalt  }
0x4e: {  	_ =	shalt  }
0x4f: {  	_ =	shalt  }
0x50: {  	_ =	shalt  }
0x51: {  	_ =	shalt  }
0x52: {  	_ =	shalt  }
0x53: {  	_ =	shalt  }
0x54: {  	_ =	shalt  }
0x55: {  	_ =	shalt  }
0x56: {  	_ =	shalt  }
0x57: {  	_ =	shalt  }
0x58: {  	_ =	shalt  }
0x59: {  	_ =	shalt  }
0x5a: {  	_ =	shalt  }
0x5b: {  	_ =	shalt  }
0x5c: {  	_ =	shalt  }
0x5d: {  	_ =	shalt  }
0x5e: {  	_ =	shalt  }
0x5f: {  	_ =	shalt  }
0x60: {  	_ =	shalt  }
0x61: {  	_ =	shalt  }
0x62: {  	_ =	shalt  }
0x63: {  	_ =	shalt  }
0x64: {  	_ =	shalt  }
0x65: {  	_ =	shalt  }
0x66: {  	_ =	shalt  }
0x67: {  	_ =	shalt  }
0x68: {  	_ =	shalt  }
0x69: {  	_ =	shalt  }
0x6a: {  	_ =	shalt  }
0x6b: {  	_ =	shalt  }
0x6c: {  	_ =	shalt  }
0x6d: {  	_ =	shalt  }
0x6e: {  	_ =	shalt  }
0x6f: {  	_ =	shalt  }
0x70: {  	_ =	shalt  }
0x71: {  	_ =	shalt  }
0x72: {  	_ =	shalt  }
0x73: {  	_ =	shalt  }
0x74: {  	_ =	shalt  }
0x75: {  	_ =	shalt  }
0x76: {  	_ =	shalt  }
0x77: {  	_ =	shalt  }
0x78: {  	_ =	shalt  }
0x79: {  	_ =	shalt  }
0x7a: {  	_ =	shalt  }
0x7b: {  	_ =	shalt  }
0x7c: {  	_ =	shalt  }
0x7d: {  	_ =	shalt  }
0x7e: {  	_ =	shalt  }
0x7f: {  	_ =	shalt  }
0x80: {  	_ =	shalt  }
0x81: {  	_ =	shalt  }
0x82: {  	_ =	shalt  }
0x83: {  	_ =	shalt  }
0x84: {  	_ =	shalt  }
0x85: {  	_ =	shalt  }
0x86: {  	_ =	shalt  }
0x87: {  	_ =	shalt  }
.Lfunc_end0:
.L_simem_size_0:
called_computation_lowered:
.L_overlay_start_0:
0x88: {  	s2 =	sld [smem:$0x3FD9]  }
0x89: {  	s3 =	sld [smem:$0x3FFE];
	_ =	sdelay $0x1  }
0x8a: {  	s1 =	srdreg.scid  }
0x8b: {  	s0 =	sand.u32 $0x1, s1  }
0x8c: {  	s17 =	sshll.u32 s0, $0xA;
	s2 =	sadd.s32 s3, s2  }
0x8d: {  	s2 =	sadd.s32 s2, s17  }
0x8e: {  	[smem:$0x3FC1] =	sst s2  }
0x8f: {  	_ = 	snop  }
0x90: {  	s2 =	sld [smem:$0x3FC8]  }
0x91: {  	s18 =	sld [smem:$0x3FC7];
	(tm) =	ssettm $0x1  }
0x92: {  	s4 =	sld [smem:$0x3FFB];
	_ =	sdelay $0x3  }
0x93: {  	_ =	strace s4  }
0x94: {  	s4 =	sld [smem:$0x3FFC];
	_ =	sdelay $0x3  }
0x95: {  	_ =	strace s4  }
0x96: {  	s4 =	sld [smem:$0x3FFD];
	_ =	sdelay $0x3  }
0x97: {  	_ =	strace s4  }
0x98: {  	_ =	strace $0x8FFFFFFF  }
0x99: {  	s19 =	sld [smem:$0x3FDB];
	_ =	sdelay $0x1  }
0x9a: {  	s5 =	simm.s32 $_scs_section_size  }
0x9b: {  	s6 =	simm.s32 $_size__tile_overlayer_lowered;
	s7 =	simm.s32 $_tile_overlayer_lowered  }
0x9c: {  	s22 =	simm.s32 $0x1BFF;
	s21 =	sshll.u32 s7, $0x1;
	s4 =	sadd.s32 s5, s19  }
0x9d: {  	s8 =	simm.s32 $0x0;
	s20 =	sshll.u32 s6, $0x1;
	s6 =	sadd.s32 s21, s4  }
0x9e: {  	[timem:s8], [sflag:s22] =	dma.local [hbm:s6], s20  }
0x9f: {  	_ =	swait.ge [sflag:s22], s20  }
0xa0: {  	s5 =	ssub.s32 $0x0, s20;
	[sflag:s22] =	ssyncset.done $0x0  }
0xa1: {  	[sflag:s22] =	ssyncadd.s32 s5;
	_ =	sdelay $0x1  }
0xa2: {  	s23 =	simm.s32 $0x1B8B  }
0xa3: {  	_ =	swait.ge [sflag:s23], $0x1  }
0xa4: {  	[sflag:s23] =	ssyncset.done $0x0  }
0xa5: {  	s25 =	simm.s32 $0x1B8E;
	s24 =	sld [smem:$0x3FFE];
	[sflag:s23] =	ssyncadd.s32 $0xFFFFFFFF  }
0xa6: {  	s26 =	simm.s32 $execute0_lowered;
	[smem:$0x3FD2] =	sst s25  }
0xa7: {  	s6 =	sshll.u32 s26, $0x1;
	_ =	strace $0x80000046;
	[dreg:$0x1] =	wrdreg $0xFFFFFFFF  }
0xa8: {  	s28 =	simm.s32 $_size_execute0_lowered;
	s4 =	sadd.s32 s4, s6;
	[dreg:$0x0] =	wrdreg $0x0  }
0xa9: {  	s6 =	sshll.u32 s28, $0x1;
	[dreg:$0x2] =	wrdreg s4  }
0xaa: {  	[dreg:$0x3] =	wrdreg s6  }
0xab: {  	[dreg:$0x4] =	wrdreg $0xC0  }
0xac: {  	_ =	task [dreg:s8], $0x5FFFF  }
0xad: {  	[dreg:$0x1] =	wrdreg $0xFFFFFFFF  }
0xae: {  	[dreg:$0x0] =	wrdreg $0x60  }
0xaf: {  	[dreg:$0x2] =	wrdreg s24  }
0xb0: {  	[dreg:$0x3] =	wrdreg s2  }
0xb1: {  	[dreg:$0x4] =	wrdreg s18  }
0xb2: {  	[dreg:$0x5] =	wrdreg $0x9  }
0xb3: {  	_ =	task.clear_ibuf [dreg:s8], $0x6FFFF;
	_ =	strace $0x90000046  }
0xb4: {  	s29 =	simm.s32 $0x9;
	_ =	strace $0x80000048  }
0xb5: {  	_ =	swait.ge [sflag:s29], $0x1  }
0xb6: {  	[sflag:s29] =	ssyncadd.s32 $0xFFFFFFFF  }
0xb7: {  	_ =	strace $0x90000048  }
0xb8: {  	_ =	sfence  }
0xb9: {  	s30 =	sld [smem:$0x0];
	_ =	sdelay $0x2  }
0xba: {  	s31 =	sshll.u32 s1, $0xD;
	s1 =	sshrl.u32 s1, $0x2  }
0xbb: {  	s3 =	sand.u32 $0x4000, s31;
	s1 =	sadd.s32 s1, s30  }
0xbc: {  	s0 =	sor.u32 s3, s0;
	s1 =	sshll.u32 s1, $0x11  }
0xbd: {  	s0 =	sor.u32 s1, s0  }
0xbe: {  	s0 =	sadd.s32 $0x8F2B, s0  }
0xbf: {  	[sflag:s0] =	ssyncadd.remote.s32 $0x1  }
0xc0: {  	_ =	sfence.sel $0xFFFF  }
0xc1: {  	[dreg:$0x0] =	wrdreg $0xFFFFFFFF;
	(pc) =	sbr.abs _section_cstart, $3  }
0xc2: {  	[dreg:$0x1] =	wrdreg $0xFFFFFFFF  }
0xc3: {  	_ =	task.clear_ibuf [dreg:s8], $0x2FFFF;
	_ =	strace $0x9FFFFFFF  }
0xc4: {  	(tm) =	ssettm $0x7FFFFFFF  }
0xc5: {  	_ =	shalt  }
tec
execute0_lowered:
.L_overlay_start_1:
0x0: {  	(tag) =	ssettag $0x1  }
0x1: {  	s0 =	rddreg [dreg:$0x0];
	s2 =	srdreg.scid  }
0x2: {  	s1 =	rddreg [dreg:$0x1];
	v0 =	vlaneseq.u32;
	s3 =	sand.u32 $0x1, s2;
	s2 =	simm.s32 $0x0  }
0x3: {  	v2 =	vshrl.u32 v0, $0x3;
	v4 =	vand.u32 $0x7, v0;
	[smem:$0x7FF] =	sst s2  }
0x4: {  	s5 =	rddreg [dreg:$0x2];
	v1 =	vmul.u32 $0x10, v0;
	v0 =	vor.u32 $0x8, v0;
	v2 =	vmul.u32 $0x8, v2;
	_ =	strace $0x80000047;
	[tilespmem:$0x1FF20] =	vst v4  }
0x5: {  	[tilespmem:$0x1FF40] =	vst v0  }
0x6: {  	s4 =	stileid.u32;
	s18 =	simm.s32 $0x2780;
	v0 =	vor.u32 $0x1, v1;
	[tilespmem:$0x1FF30] =	vst v2  }
0x7: {  	s11 =	simm.s32 $0x1;
	s24 =	simm.s32 $0x60;
	s10 =	simm.s32 $0xE700;
	[tilespmem:$0x1FF50] =	vst v0;
	v0 =	vor.u32 $0x2, v1  }
0x8: {  	s9 =	simm.s32 $0x13F00;
	s14 =	simm.s32 $0x1BE00;
	s4 =	sshll.u32 s4, $0x1;
	[tilespmem:$0x1FF60] =	vst v0;
	v0 =	vor.u32 $0x3, v1  }
0x9: {  	s15 =	simm.s32 $0x19680;
	s16 =	simm.s32 $0x2;
	s4 =	sor.u32 s3, s4;
	[tilespmem:$0x1FF70] =	vst v0;
	v0 =	vor.u32 $0x4, v1  }
0xa: {  	s17 =	simm.s32 $0x0;
	s7 =	ssub.s32 $0x2, s3;
	s6 =	smul.u32 $0x4E2, s4;
	[tilespmem:$0x1FF80] =	vst v0;
	v0 =	vor.u32 $0x5, v1  }
0xb: {  	s3 =	sadd.s32 $0x2600, s0;
	s8 =	sshrl.u32 s7, $0x1;
	s4 =	sadd.s32 $0x9EA00, s0;
	[tilespmem:$0x1FF90] =	vst v0;
	v0 =	vor.u32 $0x6, v1  }
0xc: {  	s7 =	ssub.s32 s7, s8;
	s8 =	simm.s32 $0x10700;
	s1 =	sadd.s32 s1, s6;
	[tilespmem:$0x1FFA0] =	vst v0;
	v0 =	vor.u32 $0x7, v1  }
0xd: {  	s0 =	sadd.s32 s6, s0;
	s29 =	sadd.s32 s5, s6;
	[dreg:$0x4] =	wrdreg s1;
	[tilespmem:$0x1FFB0] =	vst v0;
	v0 =	vor.u32 $0x8, v1  }
0xe: {  	s31 =	smax.u32 s7, $0x1;
	s5 =	simm.s32 $0xEF00;
	[dreg:$0x5] =	wrdreg s29;
	[tilespmem:$0x1FFC0] =	vst v0;
	v0 =	vor.u32 $0x9, v1  }
0xf: {  	s6 =	simm.s32 $0xF700;
	s30 =	sadd.s32 $0x5A600, s0;
	[dreg:$0x8] =	wrdreg s31;
	[tilespmem:$0x1FFD0] =	vst v0;
	v0 =	vor.u32 $0xA, v1  }
0x10: {  	s7 =	simm.s32 $0xFF00;
	s0 =	sadd.s32 $0x50800, s0;
	[dreg:$0x6] =	wrdreg s30;
	[tilespmem:$0x1FFE0] =	vst v0;
	v0 =	vor.u32 $0xB, v1  }
0x11: {  	v3 =	vimm.f32 $0.0e+00;
	vm0 =	vmmov $0xffff;
	s1 =	simm.s32 $0xD700;
	[dreg:$0x7] =	wrdreg s0;
	s0 =	simm.s32 $0xDF00;
	[tilespmem:$0x1FFF0] =	vst v0  }
.LBB2_1:
0x12: {  	[dreg:$0x9] =	wrdreg s17  }
0x13: {  	s12 =	rddreg [dreg:$0x4]  }
0x14: {  	[tilespmem:s2], [sflag:$0x1] =	stream.linear.gather [hbm4b:s12+s2], $0x2710, $0x38;
	[tilespmem:$0x1C200] =	vst v63  }
0x15: {  	s31 =	rddreg [dreg:$0x5];
	s13 =	simm.s32 $0x0;
	s12 =	simm.s32 $0x40  }
0x16: {  	[tilespmem:s18], [sflag:$0x1] =	stream.linear.gather [hbm4b:s31+s2], $0x2710, $0x38;
	[tilespmem:$0x1C200] =	vst v63  }
.LBB2_2:
0x17: {  	p0 =	sne.s32 s12, $0x9C00;
	[tilespmem:s13+$0x19680] =	vst v3;
	s13 =	smov.u32 s12;
	s12 =	sadd.s32 $0x40, s12  }
.Ltmp0:
0x18: {  	(pc) =	sbr.rel @p0 .LBB2_2-.Ltmp0, $2  }
0x19: {  	_ =	sdelay $0x2  }
0x1a: {  	s13 =	sshra.s32 s13, $0x2  }
0x1b: {  	[tilespmem:s13+$0x19680] =	vst v3  }
0x1c: {  	_ =	swait.ge [sflag:s11], $0x2710  }
0x1d: {  	[sflag:s11] =	ssyncset.done $0x0  }
0x1e: {  	[sflag:s11] =	ssyncadd.s32 $0xFFFFD8F0  }
0x1f: {  	_ =	swait.ge [sflag:s11], $0x2710  }
0x20: {  	[sflag:s11] =	ssyncset.done $0x0  }
0x21: {  	[sflag:s11] =	ssyncadd.s32 $0xFFFFD8F0  }
0x22: {  	v0 =	vld [tilespmem:$0x0];
	_ =	sdelay $0x2  }
0x23: {  	v3 =	vld [tilespmem:$0x1FF20]  }
0x24: {  	v4 =	vld [tilespmem:$0x1FF30]  }
0x25: {  	v5 =	vld [tilespmem:$0x1FF40];
	v2 =	vshll.u32 v0, $0x1  }
0x26: {  	v0 =	vand.u32 $0x7, v0;
	v2 =	vand.u32 $0xFFFFFFF0, v2  }
0x27: {  	v0 =	vor.u32 v0, v2  }
0x28: {  	v2 =	vperm.xlane v0, v3;
	_ =	sdelay $0x1  }
0x29: {  	v0 =	vperm.xlane v0, v5;
	v2 =	vadd.s32 v4, v2;
	_ =	sdelay $0x1  }
0x2a: {  	v0 =	vadd.s32 v4, v0;
	_ =	sdelay $0x1  }
0x2b: {  	s17 =	simm.s32 $0x0;
	s12 =	simm.s32 $0x4F00  }
0x2c: {  	[tilespmem:s12], [sflag:$0x1] =	stream.indirect_vreg.gather [hbm4b:s3+s17], $0x80, v2, vm0, $0xb8;
	[tilespmem:$0x1C200] =	vst v63  }
0x2d: {  	s13 =	simm.s32 $0x5700  }
0x2e: {  	[tilespmem:s13], [sflag:$0x1] =	stream.indirect_vreg.gather [hbm4b:s3+s17], $0x80, v0, vm0, $0xb8;
	[tilespmem:$0x1C200] =	vst v63  }
0x2f: {  	v0 =	vld [tilespmem:$0x10];
	_ =	sdelay $0x4  }
0x30: {  	v2 =	vshll.u32 v0, $0x1  }
0x31: {  	v0 =	vand.u32 $0x7, v0;
	v2 =	vand.u32 $0xFFFFFFF0, v2  }
0x32: {  	v0 =	vor.u32 v0, v2  }
0x33: {  	v2 =	vperm.xlane v0, v3;
	_ =	sdelay $0x1  }
0x34: {  	v0 =	vperm.xlane v0, v5;
	v2 =	vadd.s32 v4, v2;
	_ =	sdelay $0x1  }
0x35: {  	v0 =	vadd.s32 v4, v0;
	_ =	sdelay $0x1  }
0x36: {  	s19 =	simm.s32 $0x5F00  }
0x37: {  	[tilespmem:s19], [sflag:$0x1] =	stream.indirect_vreg.gather [hbm4b:s3+s17], $0x80, v2, vm0, $0xb8;
	[tilespmem:$0x1C200] =	vst v63  }
0x38: {  	s20 =	simm.s32 $0x6700  }
0x39: {  	[tilespmem:s20], [sflag:$0x1] =	stream.indirect_vreg.gather [hbm4b:s3+s17], $0x80, v0, vm0, $0xb8;
	[tilespmem:$0x1C200] =	vst v63  }
0x3a: {  	v0 =	vld [tilespmem:$0x20];
	_ =	sdelay $0x4  }
0x3b: {  	v2 =	vshll.u32 v0, $0x1  }
0x3c: {  	v0 =	vand.u32 $0x7, v0;
	v2 =	vand.u32 $0xFFFFFFF0, v2  }
0x3d: {  	v0 =	vor.u32 v0, v2  }
0x3e: {  	v2 =	vperm.xlane v0, v3;
	_ =	sdelay $0x1  }
0x3f: {  	v0 =	vperm.xlane v0, v5;
	v2 =	vadd.s32 v4, v2;
	_ =	sdelay $0x1  }
0x40: {  	v0 =	vadd.s32 v4, v0;
	_ =	sdelay $0x1  }
0x41: {  	s21 =	simm.s32 $0x6F00  }
0x42: {  	[tilespmem:s21], [sflag:$0x1] =	stream.indirect_vreg.gather [hbm4b:s3+s17], $0x80, v2, vm0, $0xb8;
	[tilespmem:$0x1C200] =	vst v63  }
0x43: {  	s22 =	simm.s32 $0x7700  }
0x44: {  	[tilespmem:s22], [sflag:$0x1] =	stream.indirect_vreg.gather [hbm4b:s3+s17], $0x80, v0, vm0, $0xb8;
	[tilespmem:$0x1C200] =	vst v63  }
0x45: {  	v0 =	vld [tilespmem:$0x30];
	_ =	sdelay $0x4  }
0x46: {  	v2 =	vshll.u32 v0, $0x1  }
0x47: {  	v0 =	vand.u32 $0x7, v0;
	v2 =	vand.u32 $0xFFFFFFF0, v2  }
0x48: {  	v0 =	vor.u32 v0, v2  }
0x49: {  	v2 =	vperm.xlane v0, v3;
	_ =	sdelay $0x1  }
0x4a: {  	v0 =	vperm.xlane v0, v5;
	v2 =	vadd.s32 v4, v2;
	_ =	sdelay $0x1  }
0x4b: {  	v0 =	vadd.s32 v4, v0;
	_ =	sdelay $0x1  }
0x4c: {  	s23 =	simm.s32 $0x7F00  }
0x4d: {  	[tilespmem:s23], [sflag:$0x1] =	stream.indirect_vreg.gather [hbm4b:s3+s17], $0x80, v2, vm0, $0xb8;
	[tilespmem:$0x1C200] =	vst v63  }
0x4e: {  	s25 =	simm.s32 $0x8700  }
0x4f: {  	[tilespmem:s25], [sflag:$0x1] =	stream.indirect_vreg.gather [hbm4b:s3+s17], $0x80, v0, vm0, $0xb8;
	[tilespmem:$0x1C200] =	vst v63  }
0x50: {  	v0 =	vld [tilespmem:$0x40];
	_ =	sdelay $0x4  }
0x51: {  	v2 =	vshll.u32 v0, $0x1  }
0x52: {  	v0 =	vand.u32 $0x7, v0;
	v2 =	vand.u32 $0xFFFFFFF0, v2  }
0x53: {  	v0 =	vor.u32 v0, v2  }
0x54: {  	v2 =	vperm.xlane v0, v3;
	_ =	sdelay $0x1  }
0x55: {  	v0 =	vperm.xlane v0, v5;
	v2 =	vadd.s32 v4, v2;
	_ =	sdelay $0x1  }
0x56: {  	v0 =	vadd.s32 v4, v0;
	_ =	sdelay $0x1  }
0x57: {  	s26 =	simm.s32 $0x8F00  }
0x58: {  	[tilespmem:s26], [sflag:$0x1] =	stream.indirect_vreg.gather [hbm4b:s3+s17], $0x80, v2, vm0, $0xb8;
	[tilespmem:$0x1C200] =	vst v63  }
0x59: {  	s28 =	simm.s32 $0x9700  }
0x5a: {  	[tilespmem:s28], [sflag:$0x1] =	stream.indirect_vreg.gather [hbm4b:s3+s17], $0x80, v0, vm0, $0xb8;
	[tilespmem:$0x1C200] =	vst v63  }
0x5b: {  	v0 =	vld [tilespmem:$0x50];
	_ =	sdelay $0x4  }
0x5c: {  	v2 =	vshll.u32 v0, $0x1  }
0x5d: {  	v0 =	vand.u32 $0x7, v0;
	v2 =	vand.u32 $0xFFFFFFF0, v2  }
0x5e: {  	v0 =	vor.u32 v0, v2  }
0x5f: {  	v2 =	vperm.xlane v0, v3;
	_ =	sdelay $0x1  }
0x60: {  	v0 =	vperm.xlane v0, v5;
	v2 =	vadd.s32 v4, v2;
	_ =	sdelay $0x1  }
0x61: {  	v0 =	vadd.s32 v4, v0;
	_ =	sdelay $0x1  }
0x62: {  	s29 =	simm.s32 $0x9F00  }
0x63: {  	[tilespmem:s29], [sflag:$0x1] =	stream.indirect_vreg.gather [hbm4b:s3+s17], $0x80, v2, vm0, $0xb8;
	[tilespmem:$0x1C200] =	vst v63  }
0x64: {  	s30 =	simm.s32 $0xA700  }
0x65: {  	[tilespmem:s30], [sflag:$0x1] =	stream.indirect_vreg.gather [hbm4b:s3+s17], $0x80, v0, vm0, $0xb8;
	[tilespmem:$0x1C200] =	vst v63  }
0x66: {  	s31 =	simm.s32 $0x10F00  }
0x67: {  	[tilespmem:s31], [sflag:$0x1] =	stream.indirect.gather [hbm4b:s4+s24], $0x80, s18, s24, $0xb8;
	[tilespmem:$0x1C200] =	vst v63  }
0x68: {  	s18 =	simm.s32 $0x0  }
.LBB2_4:
0x69: {  	s19 =	smul.u32 $0xC0, s18;
	_ =	sdelay $0x1  }
0x6a: {  	v0 =	vld [tilespmem:s19+$0x60];
	_ =	sdelay $0x2  }
0x6b: {  	v3 =	vld [tilespmem:$0x1FF20]  }
0x6c: {  	v4 =	vld [tilespmem:$0x1FF30]  }
0x6d: {  	v5 =	vld [tilespmem:$0x1FF40];
	v2 =	vshll.u32 v0, $0x1  }
0x6e: {  	v0 =	vand.u32 $0x7, v0;
	v2 =	vand.u32 $0xFFFFFFF0, v2  }
0x6f: {  	v0 =	vor.u32 v0, v2  }
0x70: {  	v2 =	vperm.xlane v0, v3;
	_ =	sdelay $0x1  }
0x71: {  	v0 =	vperm.xlane v0, v5;
	v2 =	vadd.s32 v4, v2;
	_ =	sdelay $0x1  }
0x72: {  	v0 =	vadd.s32 v4, v0;
	_ =	sdelay $0x1  }
0x73: {  	s12 =	simm.s32 $0xAF00  }
0x74: {  	[tilespmem:s12], [sflag:$0x2] =	stream.indirect_vreg.gather [hbm4b:s3+s17], $0x80, v2, vm0, $0xb8;
	[tilespmem:$0x1C200] =	vst v63  }
0x75: {  	s25 =	simm.s32 $0xB700  }
0x76: {  	[tilespmem:s25], [sflag:$0x2] =	stream.indirect_vreg.gather [hbm4b:s3+s17], $0x80, v0, vm0, $0xb8;
	[tilespmem:$0x1C200] =	vst v63  }
0x77: {  	v0 =	vld [tilespmem:s19+$0x70];
	_ =	sdelay $0x4  }
0x78: {  	v2 =	vshll.u32 v0, $0x1  }
0x79: {  	v0 =	vand.u32 $0x7, v0;
	v2 =	vand.u32 $0xFFFFFFF0, v2  }
0x7a: {  	v0 =	vor.u32 v0, v2  }
0x7b: {  	v2 =	vperm.xlane v0, v3;
	_ =	sdelay $0x1  }
0x7c: {  	v0 =	vperm.xlane v0, v5;
	v2 =	vadd.s32 v4, v2;
	_ =	sdelay $0x1  }
0x7d: {  	v0 =	vadd.s32 v4, v0;
	_ =	sdelay $0x1  }
0x7e: {  	s26 =	simm.s32 $0xBF00  }
0x7f: {  	[tilespmem:s26], [sflag:$0x2] =	stream.indirect_vreg.gather [hbm4b:s3+s17], $0x80, v2, vm0, $0xb8;
	[tilespmem:$0x1C200] =	vst v63  }
0x80: {  	s28 =	simm.s32 $0xC700  }
0x81: {  	[tilespmem:s28], [sflag:$0x2] =	stream.indirect_vreg.gather [hbm4b:s3+s17], $0x80, v0, vm0, $0xb8;
	[tilespmem:$0x1C200] =	vst v63  }
0x82: {  	v0 =	vld [tilespmem:s19+$0x80];
	_ =	sdelay $0x4  }
0x83: {  	v2 =	vshll.u32 v0, $0x1  }
0x84: {  	v0 =	vand.u32 $0x7, v0;
	v2 =	vand.u32 $0xFFFFFFF0, v2  }
0x85: {  	v0 =	vor.u32 v0, v2  }
0x86: {  	v2 =	vperm.xlane v0, v3;
	_ =	sdelay $0x1  }
0x87: {  	v0 =	vperm.xlane v0, v5;
	v2 =	vadd.s32 v4, v2;
	_ =	sdelay $0x1  }
0x88: {  	v0 =	vadd.s32 v4, v0;
	_ =	sdelay $0x1  }
0x89: {  	s30 =	simm.s32 $0xCF00  }
0x8a: {  	[tilespmem:s30], [sflag:$0x2] =	stream.indirect_vreg.gather [hbm4b:s3+s17], $0x80, v2, vm0, $0xb8;
	[tilespmem:$0x1C200] =	vst v63  }
0x8b: {  	_ = 	snop  }
0x8c: {  	[tilespmem:s1], [sflag:$0x2] =	stream.indirect_vreg.gather [hbm4b:s3+s17], $0x80, v0, vm0, $0xb8;
	[tilespmem:$0x1C200] =	vst v63  }
0x8d: {  	v0 =	vld [tilespmem:s19+$0x90];
	_ =	sdelay $0x4  }
0x8e: {  	v2 =	vshll.u32 v0, $0x1  }
0x8f: {  	v0 =	vand.u32 $0x7, v0;
	v2 =	vand.u32 $0xFFFFFFF0, v2  }
0x90: {  	v0 =	vor.u32 v0, v2  }
0x91: {  	v2 =	vperm.xlane v0, v3;
	_ =	sdelay $0x1  }
0x92: {  	v0 =	vperm.xlane v0, v5;
	v2 =	vadd.s32 v4, v2;
	_ =	sdelay $0x1  }
0x93: {  	v0 =	vadd.s32 v4, v0;
	_ =	sdelay $0x2  }
0x94: {  	[tilespmem:s0], [sflag:$0x2] =	stream.indirect_vreg.gather [hbm4b:s3+s17], $0x80, v2, vm0, $0xb8;
	[tilespmem:$0x1C200] =	vst v63  }
0x95: {  	_ = 	snop  }
0x96: {  	[tilespmem:s10], [sflag:$0x2] =	stream.indirect_vreg.gather [hbm4b:s3+s17], $0x80, v0, vm0, $0xb8;
	[tilespmem:$0x1C200] =	vst v63  }
0x97: {  	v0 =	vld [tilespmem:s19+$0xA0];
	_ =	sdelay $0x4  }
0x98: {  	v2 =	vshll.u32 v0, $0x1  }
0x99: {  	v0 =	vand.u32 $0x7, v0;
	v2 =	vand.u32 $0xFFFFFFF0, v2  }
0x9a: {  	v0 =	vor.u32 v0, v2  }
0x9b: {  	v2 =	vperm.xlane v0, v3;
	_ =	sdelay $0x1  }
0x9c: {  	v0 =	vperm.xlane v0, v5;
	v2 =	vadd.s32 v4, v2;
	_ =	sdelay $0x1  }
0x9d: {  	v0 =	vadd.s32 v4, v0;
	_ =	sdelay $0x2  }
0x9e: {  	[tilespmem:s5], [sflag:$0x2] =	stream.indirect_vreg.gather [hbm4b:s3+s17], $0x80, v2, vm0, $0xb8;
	[tilespmem:$0x1C200] =	vst v63  }
0x9f: {  	_ = 	snop  }
0xa0: {  	[tilespmem:s6], [sflag:$0x2] =	stream.indirect_vreg.gather [hbm4b:s3+s17], $0x80, v0, vm0, $0xb8;
	[tilespmem:$0x1C200] =	vst v63  }
0xa1: {  	v0 =	vld [tilespmem:s19+$0xB0];
	_ =	sdelay $0x4  }
0xa2: {  	v2 =	vshll.u32 v0, $0x1  }
0xa3: {  	v0 =	vand.u32 $0x7, v0;
	v2 =	vand.u32 $0xFFFFFFF0, v2  }
0xa4: {  	v0 =	vor.u32 v0, v2  }
0xa5: {  	v2 =	vperm.xlane v0, v3;
	_ =	sdelay $0x1  }
0xa6: {  	v0 =	vperm.xlane v0, v5;
	v2 =	vadd.s32 v4, v2;
	_ =	sdelay $0x1  }
0xa7: {  	v0 =	vadd.s32 v4, v0;
	_ =	sdelay $0x2  }
0xa8: {  	[tilespmem:s7], [sflag:$0x2] =	stream.indirect_vreg.gather [hbm4b:s3+s17], $0x80, v2, vm0, $0xb8;
	[tilespmem:$0x1C200] =	vst v63  }
0xa9: {  	_ = 	snop  }
0xaa: {  	[tilespmem:s8], [sflag:$0x2] =	stream.indirect_vreg.gather [hbm4b:s3+s17], $0x80, v0, vm0, $0xb8;
	[tilespmem:$0x1C200] =	vst v63  }
0xab: {  	s31 =	sadd.s32 $0x27E0, s19  }
0xac: {  	[tilespmem:s9], [sflag:$0x2] =	stream.indirect.gather [hbm4b:s4+s24], $0x80, s31, s24, $0xb8;
	[tilespmem:$0x1C200] =	vst v63  }
0xad: {  	_ =	swait.ge [sflag:s11], $0x6000  }
0xae: {  	[sflag:s11] =	ssyncset.done $0x0  }
0xaf: {  	[sflag:s11] =	ssyncadd.s32 $0xFFFFA000  }
0xb0: {  	_ =	swait.ge [sflag:s11], $0x3000  }
0xb1: {  	s21 =	simm.s32 $0x10F40;
	s29 =	simm.s32 $0x0;
	v0 =	vmov s19;
	[sflag:s11] =	ssyncset.done $0x0  }
0xb2: {  	s23 =	simm.s32 $0x0;
	s20 =	sadd.s32 $0x60, s19;
	[tilespmem:$0x1FF10] =	vst v0;
	[sflag:s11] =	ssyncadd.s32 $0xFFFFD000  }
.LBB2_5:
0xb3: {  	s13 =	simm.s32 $0x0;
	v7 =	vld [tilespmem:s21+$0xFFFFFFC0]  }
0xb4: {  	v2 =	vld [tilespmem:s21+$0xFFFFFFD0];
	s12 =	sand.u32 $0x7800, s29;
	s22 =	sand.u32 $0x380, s13  }
0xb5: {  	v0 =	vld [tilespmem:s21+$0x10];
	s22 =	sor.u32 s22, s12  }
0xb6: {  	v8 =	vld [tilespmem:s22+$0x4F20]  }
0xb7: {  	v6 =	vld [tilespmem:s22+$0x4F00]  }
0xb8: {  	v9 =	vld [tilespmem:s22+$0x4F10]  }
0xb9: {  	v13 =	vld [tilespmem:s21+$0xFFFFFFF0]  }
0xba: {  	v14 =	vld [tilespmem:s21+$0xFFFFFFE0]  }
0xbb: {  	v4 =	vld [tilespmem:s21+$0x0]  }
0xbc: {  	v3 =	vld [tilespmem:s21+$0x30];
	v10 =	vunpack.i.u.bf16.f32 v6  }
0xbd: {  	v15 =	vld [tilespmem:s22+$0x4F30];
	v11 =	vunpack.i.u.bf16.f32 v8;
	v12 =	vunpack.i.l.bf16.f32 v6;
	v16 =	vunpack.i.u.bf16.f32 v9  }
0xbe: {  	v9 =	vunpack.i.l.bf16.f32 v9;
	v6 =	vld [tilespmem:s21+$0x20];
	v10 =	vmul.f32 v10, v2;
	v12 =	vmul.f32 v12, v7  }
0xbf: {  	v8 =	vunpack.i.l.bf16.f32 v8;
	v16 =	vmul.f32 v16, v13;
	v9 =	vmul.f32 v9, v14  }
0xc0: {  	v11 =	vmul.f32 v11, v0;
	v8 =	vmul.f32 v8, v4  }
0xc1: {  	v10 =	vadd.f32 v12, v10;
	v9 =	vadd.f32 v9, v16  }
0xc2: {  	v8 =	vadd.f32 v8, v11;
	v11 =	vunpack.i.u.bf16.f32 v15;
	v12 =	vunpack.i.l.bf16.f32 v15  }
0xc3: {  	v11 =	vmul.f32 v11, v3;
	v9 =	vadd.f32 v9, v10;
	v10 =	vmul.f32 v12, v6;
	_ =	sdelay $0x1  }
0xc4: {  	v8 =	vadd.f32 v8, v9;
	v9 =	vadd.f32 v10, v11;
	_ =	sdelay $0x1  }
0xc5: {  	v8 =	vadd.f32 v9, v8  }
0xc6: {  	s25 =	simm.s32 $0x1BE00  }
0xc7: {  	[tilespmem:s25+$0x0] =	vst v8  }
0xc8: {  	v8 =	vld [tilespmem:s22+$0x4F40]  }
0xc9: {  	v9 =	vld [tilespmem:s22+$0x4F50]  }
0xca: {  	v10 =	vld [tilespmem:s22+$0x4F70];
	_ =	sdelay $0x1  }
0xcb: {  	v11 =	vld [tilespmem:s22+$0x4F60]  }
0xcc: {  	v12 =	vunpack.i.u.bf16.f32 v8  }
0xcd: {  	v15 =	vunpack.i.u.bf16.f32 v9;
	v9 =	vunpack.i.l.bf16.f32 v9;
	v8 =	vunpack.i.l.bf16.f32 v8  }
0xce: {  	v62 =	vunpack.i.l.bf16.f32 v10;
	v9 =	vmul.f32 v9, v14;
	v15 =	vmul.f32 v15, v13  }
0xcf: {  	v10 =	vunpack.i.u.bf16.f32 v10;
	v8 =	vmul.f32 v8, v7;
	v12 =	vmul.f32 v12, v2  }
0xd0: {  	v9 =	vadd.f32 v9, v15;
	v15 =	vunpack.i.u.bf16.f32 v11;
	v11 =	vunpack.i.l.bf16.f32 v11  }
0xd1: {  	v8 =	vadd.f32 v8, v12;
	v11 =	vmul.f32 v11, v4;
	v12 =	vmul.f32 v15, v0  }
0xd2: {  	v10 =	vmul.f32 v10, v3  }
0xd3: {  	v15 =	vmul.f32 v62, v6;
	v8 =	vadd.f32 v9, v8;
	v9 =	vadd.f32 v11, v12;
	_ =	sdelay $0x1  }
0xd4: {  	v10 =	vadd.f32 v15, v10;
	v8 =	vadd.f32 v9, v8;
	_ =	sdelay $0x1  }
0xd5: {  	v8 =	vadd.f32 v10, v8  }
0xd6: {  	s30 =	sand.u32 $0xF0, s13  }
0xd7: {  	[tilespmem:s30+$0x1BF00] =	vst v8  }
0xd8: {  	v8 =	vld [tilespmem:s22+$0x5300]  }
0xd9: {  	v9 =	vld [tilespmem:s22+$0x5310]  }
0xda: {  	v10 =	vld [tilespmem:s22+$0x5320];
	_ =	sdelay $0x2  }
0xdb: {  	v12 =	vunpack.i.u.bf16.f32 v8  }
0xdc: {  	v11 =	vld [tilespmem:s22+$0x5330];
	v15 =	vunpack.i.u.bf16.f32 v9;
	v9 =	vunpack.i.l.bf16.f32 v9;
	v8 =	vunpack.i.l.bf16.f32 v8  }
0xdd: {  	v63 =	vunpack.i.u.bf16.f32 v10;
	v9 =	vmul.f32 v9, v14;
	v15 =	vmul.f32 v15, v13  }
0xde: {  	v10 =	vunpack.i.l.bf16.f32 v10;
	v8 =	vmul.f32 v8, v7;
	v12 =	vmul.f32 v12, v2  }
0xdf: {  	v16 =	vmul.f32 v63, v0;
	v10 =	vmul.f32 v10, v4  }
0xe0: {  	v9 =	vadd.f32 v9, v15;
	v8 =	vadd.f32 v8, v12  }
0xe1: {  	v15 =	vunpack.i.u.bf16.f32 v11;
	v11 =	vunpack.i.l.bf16.f32 v11;
	v10 =	vadd.f32 v10, v16  }
0xe2: {  	v12 =	vmul.f32 v15, v3;
	v11 =	vmul.f32 v11, v6;
	v8 =	vadd.f32 v9, v8;
	_ =	sdelay $0x1  }
0xe3: {  	v9 =	vadd.f32 v11, v12;
	v8 =	vadd.f32 v10, v8;
	_ =	sdelay $0x1  }
0xe4: {  	v8 =	vadd.f32 v9, v8;
	_ =	sdelay $0x1  }
0xe5: {  	[tilespmem:s30+$0x1C000] =	vst v8  }
0xe6: {  	v8 =	vld [tilespmem:s22+$0x5340]  }
0xe7: {  	v9 =	vld [tilespmem:s22+$0x5350]  }
0xe8: {  	v11 =	vld [tilespmem:s22+$0x5360];
	_ =	sdelay $0x2  }
0xe9: {  	v12 =	vunpack.i.u.bf16.f32 v8;
	v8 =	vunpack.i.l.bf16.f32 v8  }
0xea: {  	s26 =	simm.s32 $0x80;
	v10 =	vld [tilespmem:s22+$0x5370];
	v7 =	vmul.f32 v8, v7;
	v8 =	vunpack.i.u.bf16.f32 v9;
	v9 =	vunpack.i.l.bf16.f32 v9  }
0xeb: {  	s28 =	sadd.s32 $0x80, s21;
	s12 =	sshll.u32 s23, $0x4;
	s22 =	smov.u32 s29;
	v9 =	vmul.f32 v9, v14;
	v13 =	vmul.f32 v8, v13;
	v8 =	vunpack.i.u.bf16.f32 v11  }
.LBB2_6:
0xec: {  	v2 =	vmul.f32 v12, v2;
	v11 =	vunpack.i.l.bf16.f32 v11;
	s13 =	sadd.s32 $0x10, s13;
	s25 =	sadd.s32 $0x10, s25;
	s22 =	sadd.s32 $0x100, s22  }
0xed: {  	p0 =	sne.s32 s26, $0x780;
	s31 =	smov.u32 s26;
	s26 =	sadd.s32 $0x80, s26;
	v9 =	vadd.f32 v9, v13;
	v4 =	vmul.f32 v11, v4  }
0xee: {  	v0 =	vmul.f32 v8, v0;
	v2 =	vadd.f32 v7, v2  }
0xef: {  	v8 =	vunpack.i.l.bf16.f32 v10;
	v7 =	vunpack.i.u.bf16.f32 v10  }
0xf0: {  	v0 =	vadd.f32 v4, v0;
	v4 =	vmul.f32 v8, v6;
	v2 =	vadd.f32 v9, v2  }
0xf1: {  	v3 =	vmul.f32 v7, v3  }
0xf2: {  	v0 =	vadd.f32 v0, v2  }
0xf3: {  	v2 =	vadd.f32 v4, v3;
	_ =	sdelay $0x1  }
0xf4: {  	v0 =	vadd.f32 v2, v0;
	_ =	sdelay $0x1  }
0xf5: {  	[tilespmem:s30+$0x1C100] =	vst v0  }
0xf6: {  	v7 =	vld [tilespmem:s28+$0xFFFFFFC0]  }
0xf7: {  	s31 =	sand.u32 $0x380, s31;
	s30 =	sand.u32 $0x7800, s22;
	v2 =	vld [tilespmem:s28+$0xFFFFFFD0]  }
0xf8: {  	s31 =	sor.u32 s31, s30;
	v0 =	vld [tilespmem:s28+$0x10]  }
0xf9: {  	v6 =	vld [tilespmem:s31+$0x4F20]  }
0xfa: {  	v3 =	vld [tilespmem:s31+$0x4F00]  }
0xfb: {  	v10 =	vld [tilespmem:s31+$0x4F10]  }
0xfc: {  	v4 =	vld [tilespmem:s28+$0x0]  }
0xfd: {  	v8 =	vld [tilespmem:s28+$0xFFFFFFF0]  }
0xfe: {  	v9 =	vld [tilespmem:s28+$0xFFFFFFE0];
	v11 =	vunpack.i.u.bf16.f32 v6  }
0xff: {  	v12 =	vunpack.i.u.bf16.f32 v3;
	v13 =	vunpack.i.l.bf16.f32 v3;
	v11 =	vmul.f32 v11, v0  }
0x100: {  	v6 =	vunpack.i.l.bf16.f32 v6;
	v3 =	vld [tilespmem:s28+$0x30];
	v12 =	vmul.f32 v12, v2;
	v14 =	vunpack.i.u.bf16.f32 v10  }
0x101: {  	v10 =	vunpack.i.l.bf16.f32 v10;
	v15 =	vmul.f32 v6, v4;
	v16 =	vld [tilespmem:s31+$0x4F30]  }
0x102: {  	v13 =	vmul.f32 v13, v7;
	v6 =	vld [tilespmem:s28+$0x20];
	v14 =	vmul.f32 v14, v8  }
0x103: {  	v10 =	vmul.f32 v10, v9;
	v11 =	vadd.f32 v15, v11  }
0x104: {  	v12 =	vadd.f32 v13, v12  }
0x105: {  	v10 =	vadd.f32 v10, v14  }
0x106: {  	v13 =	vunpack.i.u.bf16.f32 v16;
	v14 =	vunpack.i.l.bf16.f32 v16  }
0x107: {  	v10 =	vadd.f32 v10, v12;
	v12 =	vmul.f32 v14, v6;
	v13 =	vmul.f32 v13, v3;
	_ =	sdelay $0x1  }
0x108: {  	v10 =	vadd.f32 v11, v10;
	v11 =	vadd.f32 v12, v13;
	_ =	sdelay $0x1  }
0x109: {  	v10 =	vadd.f32 v11, v10;
	_ =	sdelay $0x1  }
0x10a: {  	[tilespmem:s25+$0x0] =	vst v10  }
0x10b: {  	v10 =	vld [tilespmem:s31+$0x4F40]  }
0x10c: {  	v11 =	vld [tilespmem:s31+$0x4F50]  }
0x10d: {  	v12 =	vld [tilespmem:s31+$0x4F70];
	_ =	sdelay $0x1  }
0x10e: {  	v13 =	vld [tilespmem:s31+$0x4F60]  }
0x10f: {  	v14 =	vunpack.i.u.bf16.f32 v10;
	v10 =	vunpack.i.l.bf16.f32 v10  }
0x110: {  	v10 =	vmul.f32 v10, v7;
	v15 =	vunpack.i.u.bf16.f32 v11;
	v11 =	vunpack.i.l.bf16.f32 v11  }
0x111: {  	v11 =	vmul.f32 v11, v9;
	v15 =	vmul.f32 v15, v8;
	v16 =	vunpack.i.u.bf16.f32 v12  }
0x112: {  	v14 =	vmul.f32 v14, v2;
	v12 =	vunpack.i.l.bf16.f32 v12  }
0x113: {  	v11 =	vadd.f32 v11, v15;
	v15 =	vunpack.i.u.bf16.f32 v13;
	v13 =	vunpack.i.l.bf16.f32 v13  }
0x114: {  	v10 =	vadd.f32 v10, v14;
	v13 =	vmul.f32 v13, v4;
	v14 =	vmul.f32 v15, v0  }
0x115: {  	v12 =	vmul.f32 v12, v6;
	v15 =	vmul.f32 v16, v3  }
0x116: {  	v10 =	vadd.f32 v11, v10;
	v11 =	vadd.f32 v13, v14  }
0x117: {  	v12 =	vadd.f32 v12, v15  }
0x118: {  	v10 =	vadd.f32 v11, v10;
	_ =	sdelay $0x1  }
0x119: {  	v10 =	vadd.f32 v12, v10  }
0x11a: {  	s30 =	sand.u32 $0xF0, s13  }
0x11b: {  	[tilespmem:s30+$0x1BF00] =	vst v10  }
0x11c: {  	v10 =	vld [tilespmem:s31+$0x5300]  }
0x11d: {  	v11 =	vld [tilespmem:s31+$0x5310]  }
0x11e: {  	v12 =	vld [tilespmem:s31+$0x5320]  }
0x11f: {  	v13 =	vld [tilespmem:s31+$0x5330];
	_ =	sdelay $0x1  }
0x120: {  	v14 =	vunpack.i.u.bf16.f32 v10;
	v10 =	vunpack.i.l.bf16.f32 v10  }
0x121: {  	v10 =	vmul.f32 v10, v7;
	v15 =	vunpack.i.u.bf16.f32 v11;
	v11 =	vunpack.i.l.bf16.f32 v11  }
0x122: {  	v11 =	vmul.f32 v11, v9;
	v15 =	vmul.f32 v15, v8;
	v16 =	vunpack.i.u.bf16.f32 v12  }
0x123: {  	v14 =	vmul.f32 v14, v2;
	v12 =	vunpack.i.l.bf16.f32 v12;
	v16 =	vmul.f32 v16, v0  }
0x124: {  	v12 =	vmul.f32 v12, v4;
	v11 =	vadd.f32 v11, v15;
	v15 =	vunpack.i.u.bf16.f32 v13  }
0x125: {  	v10 =	vadd.f32 v10, v14;
	v13 =	vunpack.i.l.bf16.f32 v13;
	v14 =	vmul.f32 v15, v3  }
0x126: {  	v12 =	vadd.f32 v12, v16;
	v13 =	vmul.f32 v13, v6  }
0x127: {  	v10 =	vadd.f32 v11, v10  }
0x128: {  	v11 =	vadd.f32 v13, v14  }
0x129: {  	v10 =	vadd.f32 v12, v10;
	_ =	sdelay $0x1  }
0x12a: {  	v10 =	vadd.f32 v11, v10;
	_ =	sdelay $0x1  }
0x12b: {  	[tilespmem:s30+$0x1C000] =	vst v10  }
0x12c: {  	v13 =	vld [tilespmem:s31+$0x5340]  }
0x12d: {  	v14 =	vld [tilespmem:s31+$0x5350]  }
0x12e: {  	v11 =	vld [tilespmem:s31+$0x5360]  }
.Ltmp1:
0x12f: {  	v10 =	vld [tilespmem:s31+$0x5370];
	(pc) =	sbr.rel @p0 .LBB2_6-.Ltmp1, $4  }
0x130: {  	_ = 	snop  }
0x131: {  	v12 =	vunpack.i.u.bf16.f32 v13;
	v13 =	vunpack.i.l.bf16.f32 v13  }
0x132: {  	v7 =	vmul.f32 v13, v7;
	v13 =	vunpack.i.u.bf16.f32 v14;
	v14 =	vunpack.i.l.bf16.f32 v14  }
0x133: {  	s28 =	sadd.s32 $0x80, s28;
	v9 =	vmul.f32 v14, v9;
	v13 =	vmul.f32 v13, v8;
	v8 =	vunpack.i.u.bf16.f32 v11  }
0x134: {  	v2 =	vmul.f32 v12, v2;
	v11 =	vunpack.i.l.bf16.f32 v11  }
0x135: {  	v0 =	vmul.f32 v8, v0;
	v4 =	vmul.f32 v11, v4  }
0x136: {  	v9 =	vadd.f32 v9, v13;
	v2 =	vadd.f32 v7, v2  }
0x137: {  	v52 =	vunpack.i.l.bf16.f32 v10;
	v7 =	vunpack.i.u.bf16.f32 v10;
	v0 =	vadd.f32 v4, v0  }
0x138: {  	v4 =	vmul.f32 v52, v6;
	v3 =	vmul.f32 v7, v3;
	v2 =	vadd.f32 v9, v2;
	_ =	sdelay $0x1  }
0x139: {  	v0 =	vadd.f32 v0, v2;
	v2 =	vadd.f32 v4, v3;
	v3 =	vld [tilespmem:$0x1FF60];
	_ =	sdelay $0x4  }
0x13a: {  	v0 =	vadd.f32 v2, v0;
	_ =	sdelay $0x1  }
0x13b: {  	[tilespmem:s30+$0x1C100] =	vst v0  }
0x13c: {  	v4 =	vld.idx.msk [tilespmem:v3+s14+$0x0], $0xffff  }
0x13d: {  	v3 =	vld [tilespmem:$0x1FF70];
	_ =	sdelay $0x7  }
0x13e: {  	v8 =	vld.idx.msk [tilespmem:v3+s14+$0x0], $0xffff  }
0x13f: {  	v3 =	vld [tilespmem:$0x1FF80];
	_ =	sdelay $0x7  }
0x140: {  	v9 =	vld.idx.msk [tilespmem:v3+s14+$0x0], $0xffff  }
0x141: {  	v3 =	vld [tilespmem:$0x1FF90];
	_ =	sdelay $0x7  }
0x142: {  	v10 =	vld.idx.msk [tilespmem:v3+s14+$0x0], $0xffff  }
0x143: {  	v3 =	vld [tilespmem:$0x1FFA0];
	_ =	sdelay $0x7  }
0x144: {  	v11 =	vld.idx.msk [tilespmem:v3+s14+$0x0], $0xffff  }
0x145: {  	v3 =	vld [tilespmem:$0x1FFB0];
	_ =	sdelay $0x7  }
0x146: {  	v12 =	vld.idx.msk [tilespmem:v3+s14+$0x0], $0xffff  }
0x147: {  	v3 =	vld [tilespmem:$0x1FFC0];
	_ =	sdelay $0x1  }
0x148: {  	v5 =	vor.u32 $0xC, v1;
	_ =	sdelay $0x2  }
0x149: {  	v7 =	vor.u32 $0xE, v1;
	v2 =	vld [tilespmem:$0x1FF50]  }
0x14a: {  	v18 =	vor.u32 $0x100, v1;
	v0 =	vld.idx.msk [tilespmem:v1+s14+$0x0], $0xffff  }
0x14b: {  	v28 =	vor.u32 $0x101, v1;
	[tilespmem:$0x1FEA0] =	vst v5;
	v5 =	vld.idx.msk [tilespmem:v5+s14+$0x0], $0xffff  }
0x14c: {  	v29 =	vor.u32 $0x102, v1;
	v13 =	vld.idx.msk [tilespmem:v3+s14+$0x0], $0xffff  }
0x14d: {  	v30 =	vor.u32 $0x103, v1;
	v3 =	vld [tilespmem:$0x1FFD0]  }
0x14e: {  	v31 =	vor.u32 $0x104, v1;
	[tilespmem:$0x1FEC0] =	vst v7;
	v7 =	vld.idx.msk [tilespmem:v7+s14+$0x0], $0xffff  }
0x14f: {  	v32 =	vor.u32 $0x105, v1;
	v39 =	vld.idx.msk [tilespmem:v18+s14+$0x0], $0xffff  }
0x150: {  	v40 =	vld.idx.msk [tilespmem:v28+s14+$0x0], $0xffff  }
0x151: {  	v47 =	vld.idx.msk [tilespmem:v29+s14+$0x0], $0xffff  }
0x152: {  	v33 =	vor.u32 $0x106, v1;
	v50 =	vld.idx.msk [tilespmem:v30+s14+$0x0], $0xffff  }
0x153: {  	v34 =	vor.u32 $0x107, v1;
	v52 =	vld.idx.msk [tilespmem:v31+s14+$0x0], $0xffff  }
0x154: {  	v35 =	vor.u32 $0x108, v1;
	v54 =	vld.idx.msk [tilespmem:v32+s14+$0x0], $0xffff  }
0x155: {  	v36 =	vor.u32 $0x109, v1;
	v14 =	vld.idx.msk [tilespmem:v3+s14+$0x0], $0xffff  }
0x156: {  	v55 =	vor.u32 $0x10B, v1;
	v3 =	vld [tilespmem:$0x1FFE0]  }
0x157: {  	v41 =	vor.u32 $0x10C, v1;
	v56 =	vld.idx.msk [tilespmem:v33+s14+$0x0], $0xffff  }
0x158: {  	v42 =	vor.u32 $0x10D, v1;
	v58 =	vld.idx.msk [tilespmem:v34+s14+$0x0], $0xffff  }
0x159: {  	v60 =	vld.idx.msk [tilespmem:v35+s14+$0x0], $0xffff  }
0x15a: {  	v62 =	vld.idx.msk [tilespmem:v36+s14+$0x0], $0xffff  }
0x15b: {  	v43 =	vor.u32 $0x10E, v1;
	[tilespmem:$0x1FEE0] =	vst v18;
	v18 =	vld.idx.msk [tilespmem:v55+s14+$0x0], $0xffff  }
0x15c: {  	v19 =	vld.idx.msk [tilespmem:v41+s14+$0x0], $0xffff  }
0x15d: {  	v44 =	vor.u32 $0x10F, v1;
	v20 =	vld.idx.msk [tilespmem:v42+s14+$0x0], $0xffff  }
0x15e: {  	v45 =	vor.u32 $0x200, v1;
	v15 =	vld.idx.msk [tilespmem:v3+s14+$0x0], $0xffff  }
0x15f: {  	v46 =	vor.u32 $0x201, v1;
	v3 =	vld [tilespmem:$0x1FFF0]  }
0x160: {  	v38 =	vor.u32 $0x301, v1;
	v21 =	vld.idx.msk [tilespmem:v43+s14+$0x0], $0xffff  }
0x161: {  	v48 =	vor.u32 $0x202, v1;
	v2 =	vld.idx.msk [tilespmem:v2+s14+$0x0], $0xffff  }
0x162: {  	v22 =	vld.idx.msk [tilespmem:v44+s14+$0x0], $0xffff  }
0x163: {  	v6 =	vor.u32 $0xD, v1;
	v49 =	vld.idx.msk [tilespmem:v45+s14+$0x0], $0xffff  }
0x164: {  	v17 =	vor.u32 $0xF, v1;
	v51 =	vld.idx.msk [tilespmem:v46+s14+$0x0], $0xffff  }
0x165: {  	v53 =	vor.u32 $0x10A, v1;
	[tilespmem:$0x1FF00] =	vst v55;
	v55 =	vld.idx.msk [tilespmem:v38+s14+$0x0], $0xffff  }
0x166: {  	v23 =	vor.u32 $0x300, v1;
	v0 =	vadd.f32 v2, v0;
	v2 =	vld.idx.msk [tilespmem:v48+s14+$0x0], $0xffff  }
0x167: {  	v37 =	vor.u32 $0x203, v1;
	v16 =	vld.idx.msk [tilespmem:v3+s14+$0x0], $0xffff  }
0x168: {  	v24 =	vor.u32 $0x302, v1;
	v3 =	vld.idx.msk [tilespmem:v6+s14+$0x0], $0xffff  }
0x169: {  	v27 =	vor.u32 $0x204, v1;
	[tilespmem:$0x1FEB0] =	vst v6;
	v6 =	vld.idx.msk [tilespmem:v17+s14+$0x0], $0xffff  }
0x16a: {  	v25 =	vor.u32 $0x303, v1;
	[tilespmem:$0x1FED0] =	vst v17;
	v0 =	vadd.f32 v4, v0;
	v17 =	vld.idx.msk [tilespmem:v53+s14+$0x0], $0xffff  }
0x16b: {  	[tilespmem:$0x1FEF0] =	vst v53;
	v4 =	vadd.f32 v40, v39;
	v39 =	vor.u32 $0x205, v1;
	v53 =	vld.idx.msk [tilespmem:v23+s14+$0x0], $0xffff  }
0x16c: {  	v26 =	vor.u32 $0x304, v1;
	v57 =	vld.idx.msk [tilespmem:v37+s14+$0x0], $0xffff;
	v0 =	vadd.f32 v8, v0  }
0x16d: {  	v51 =	vadd.f32 v51, v49;
	v40 =	vor.u32 $0x206, v1;
	v4 =	vadd.f32 v47, v4;
	v8 =	vld.idx.msk [tilespmem:v24+s14+$0x0], $0xffff  }
0x16e: {  	v59 =	vld.idx.msk [tilespmem:v27+s14+$0x0], $0xffff;
	v49 =	vor.u32 $0x305, v1;
	v0 =	vadd.f32 v9, v0  }
0x16f: {  	v2 =	vadd.f32 v2, v51;
	v51 =	vor.u32 $0x306, v1;
	v4 =	vadd.f32 v50, v4;
	v9 =	vld.idx.msk [tilespmem:v25+s14+$0x0], $0xffff  }
0x170: {  	v47 =	vor.u32 $0x207, v1;
	v61 =	vld.idx.msk [tilespmem:v39+s14+$0x0], $0xffff;
	v0 =	vadd.f32 v10, v0;
	v53 =	vadd.f32 v55, v53  }
0x171: {  	v50 =	vor.u32 $0x208, v1;
	v2 =	vadd.f32 v57, v2;
	v4 =	vadd.f32 v52, v4;
	v10 =	vld.idx.msk [tilespmem:v26+s14+$0x0], $0xffff  }
0x172: {  	v63 =	vld.idx.msk [tilespmem:v40+s14+$0x0], $0xffff;
	v0 =	vadd.f32 v11, v0;
	v8 =	vadd.f32 v8, v53;
	v53 =	vor.u32 $0x307, v1  }
0x173: {  	v2 =	vadd.f32 v59, v2;
	v4 =	vadd.f32 v54, v4;
	v11 =	vld.idx.msk [tilespmem:v49+s14+$0x0], $0xffff;
	v55 =	vor.u32 $0x308, v1  }
0x174: {  	v52 =	vor.u32 $0x209, v1;
	v0 =	vadd.f32 v12, v0;
	v12 =	vld.idx.msk [tilespmem:v51+s14+$0x0], $0xffff;
	v8 =	vadd.f32 v9, v8  }
0x175: {  	v54 =	vor.u32 $0x20A, v1;
	v4 =	vadd.f32 v56, v4;
	v2 =	vadd.f32 v61, v2;
	v9 =	vld.idx.msk [tilespmem:v47+s14+$0x0], $0xffff  }
0x176: {  	v57 =	vor.u32 $0x309, v1;
	v0 =	vadd.f32 v13, v0;
	v8 =	vadd.f32 v10, v8;
	v10 =	vld.idx.msk [tilespmem:v50+s14+$0x0], $0xffff  }
0x177: {  	v59 =	vor.u32 $0x30A, v1;
	v4 =	vadd.f32 v58, v4;
	v2 =	vadd.f32 v63, v2;
	v13 =	vld.idx.msk [tilespmem:v53+s14+$0x0], $0xffff  }
0x178: {  	v56 =	vor.u32 $0x20B, v1;
	v0 =	vadd.f32 v14, v0;
	v14 =	vld.idx.msk [tilespmem:v55+s14+$0x0], $0xffff;
	v8 =	vadd.f32 v11, v8  }
0x179: {  	v61 =	vor.u32 $0x30B, v1;
	v4 =	vadd.f32 v60, v4;
	v11 =	vld.idx.msk [tilespmem:v52+s14+$0x0], $0xffff  }
0x17a: {  	v58 =	vor.u32 $0x20C, v1;
	v2 =	vadd.f32 v9, v2;
	v9 =	vld.idx.msk [tilespmem:v54+s14+$0x0], $0xffff;
	v8 =	vadd.f32 v12, v8  }
0x17b: {  	v60 =	vor.u32 $0x20D, v1;
	v4 =	vadd.f32 v62, v4;
	v0 =	vadd.f32 v15, v0;
	v12 =	vld.idx.msk [tilespmem:v57+s14+$0x0], $0xffff  }
0x17c: {  	v63 =	vor.u32 $0x30C, v1;
	v15 =	vld.idx.msk [tilespmem:v59+s14+$0x0], $0xffff;
	v2 =	vadd.f32 v10, v2;
	v8 =	vadd.f32 v13, v8  }
0x17d: {  	v62 =	vor.u32 $0x20E, v1;
	v0 =	vadd.f32 v16, v0;
	v10 =	vld.idx.msk [tilespmem:v56+s14+$0x0], $0xffff;
	v13 =	vadd.f32 v17, v4  }
0x17e: {  	v16 =	vld.idx.msk [tilespmem:v61+s14+$0x0], $0xffff;
	v4 =	vor.u32 $0x30D, v1;
	v11 =	vadd.f32 v11, v2;
	v8 =	vadd.f32 v14, v8  }
0x17f: {  	v5 =	vadd.f32 v5, v0;
	v2 =	vor.u32 $0x20F, v1;
	v14 =	vld.idx.msk [tilespmem:v58+s14+$0x0], $0xffff;
	v13 =	vadd.f32 v18, v13  }
0x180: {  	v0 =	vor.u32 $0x30E, v1;
	v9 =	vadd.f32 v9, v11;
	v11 =	vld.idx.msk [tilespmem:v60+s14+$0x0], $0xffff;
	v8 =	vadd.f32 v12, v8  }
0x181: {  	v5 =	vadd.f32 v3, v5;
	v19 =	vadd.f32 v19, v13;
	v13 =	vld.idx.msk [tilespmem:v63+s14+$0x0], $0xffff  }
0x182: {  	v3 =	vor.u32 $0x30F, v1;
	v17 =	vld.idx.msk [tilespmem:v62+s14+$0x0], $0xffff;
	v9 =	vadd.f32 v10, v9;
	v8 =	vadd.f32 v15, v8  }
0x183: {  	v5 =	vadd.f32 v7, v5;
	v18 =	vld.idx.msk [tilespmem:v4+s14+$0x0], $0xffff;
	v7 =	vadd.f32 v20, v19  }
0x184: {  	v19 =	vld.idx.msk [tilespmem:v2+s14+$0x0], $0xffff;
	v9 =	vadd.f32 v14, v9;
	v8 =	vadd.f32 v16, v8  }
0x185: {  	v5 =	vadd.f32 v6, v5;
	v6 =	vadd.f32 v21, v7;
	v7 =	vld.idx.msk [tilespmem:v0+s14+$0x0], $0xffff  }
0x186: {  	v9 =	vadd.f32 v11, v9;
	v8 =	vadd.f32 v13, v8  }
0x187: {  	v5 =	vmul.f32 $1.442695020e+00, v5;
	v16 =	vld.idx.msk [tilespmem:v3+s14+$0x0], $0xffff;
	v6 =	vadd.f32 v22, v6  }
0x188: {  	v9 =	vadd.f32 v17, v9;
	v8 =	vadd.f32 v18, v8  }
0x189: {  	(erf) = vpow2.f32 v5  }
0x18a: {  	v6 =	vmul.f32 $1.442695020e+00, v6;
	v5 =	vadd.f32 v19, v9;
	v7 =	vadd.f32 v7, v8;
	_ =	sdelay $0x1  }
0x18b: {  	(erf) = vpow2.f32 v6;
	v5 =	vmul.f32 $1.442695020e+00, v5;
	v6 =	vadd.f32 v16, v7;
	_ =	sdelay $0x1  }
0x18c: {  	(erf) = vpow2.f32 v5;
	v5 =	vmul.f32 $1.442695020e+00, v6;
	_ =	sdelay $0x1  }
0x18d: {  	(erf) = vpow2.f32 v5;
	_ =	sdelay $0x2  }
0x18e: {  	v5 =	vpop (erf)  }
0x18f: {  	v5 =	vadd.f32 $0.0e+00, v5  }
0x190: {  	v6 =	vpop (erf)  }
0x191: {  	v5 =	vadd.f32 v6, v5  }
0x192: {  	v6 =	vpop (erf)  }
0x193: {  	v5 =	vadd.f32 v6, v5  }
0x194: {  	v6 =	vpop (erf)  }
0x195: {  	v5 =	vadd.f32 v6, v5;
	_ =	sdelay $0x1  }
0x196: {  	v5 =	vmul.f32 $2.500000000e-01, v5;
	_ =	sdelay $0x1  }
0x197: {  	v6 =	vmax.f32 v5, $1.000000000e-30  }
0x198: {  	v7 =	vshra.s32 v6, $0x1;
	v6 =	vmul.f32 $5.000000000e-01, v6  }
0x199: {  	v7 =	vsub.s32 $0x5F3759DF, v7  }
0x19a: {  	v17 =	vmul.f32 v7, v6;
	_ =	sdelay $0x1  }
0x19b: {  	v8 =	vmul.f32 v7, v17;
	_ =	sdelay $0x1  }
0x19c: {  	v8 =	vsub.f32 $1.500000000e+00, v8;
	_ =	sdelay $0x1  }
0x19d: {  	v7 =	vmul.f32 v7, v8;
	_ =	sdelay $0x1  }
0x19e: {  	v8 =	vmul.f32 v7, v6  }
0x19f: {  	v18 =	vld [tilespmem:$0x1FF10]  }
0x1a0: {  	v8 =	vmul.f32 v8, v7;
	_ =	sdelay $0x1  }
0x1a1: {  	v8 =	vsub.f32 $1.500000000e+00, v8;
	_ =	sdelay $0x1  }
0x1a2: {  	v7 =	vmul.f32 v8, v7;
	_ =	sdelay $0x1  }
0x1a3: {  	v6 =	vmul.f32 v7, v6  }
0x1a4: {  	v19 =	vld.idx.msk [tilespmem:v18+s12+$0x0 ss:$0x1], $0xffff  }
0x1a5: {  	v6 =	vmul.f32 v6, v7;
	_ =	sdelay $0x1  }
0x1a6: {  	s23 =	sadd.s32 $0x1, s23;
	v6 =	vsub.f32 $1.500000000e+00, v6  }
0x1a7: {  	p0 =	sne.s32 s23, $0x6  }
.Ltmp2:
0x1a8: {  	v6 =	vmul.f32 v6, v7;
	(pc) =	sbr.rel @p0 .LBB2_5-.Ltmp2, $4  }
0x1a9: {  	_ = 	snop  }
0x1aa: {  	v6 =	vmul.f32 v6, v5  }
0x1ab: {  	[tilespmem:v19+s15+$0x0] =	vst.idx.add.f32.msk $0xffff, v5  }
0x1ac: {  	s29 =	sadd.s32 $0x1000, s29;
	s21 =	sadd.s32 $0x800, s21;
	[tilespmem:v18+s12+$0x16F00 ss:$0x1] =	vst.idx.msk $0xffff, v6  }
0x1ad: {  	[tilespmem:$0x1FDA0] =	vst v55  }
0x1ae: {  	[tilespmem:$0x1FDB0] =	vst v54  }
0x1af: {  	[tilespmem:$0x1FDC0] =	vst v53  }
0x1b0: {  	[tilespmem:$0x1FDD0] =	vst v52  }
0x1b1: {  	[tilespmem:$0x1FDE0] =	vst v51  }
0x1b2: {  	[tilespmem:$0x1FDF0] =	vst v50  }
0x1b3: {  	[tilespmem:$0x1FE00] =	vst v23  }
0x1b4: {  	[tilespmem:$0x1FE10] =	vst v38  }
0x1b5: {  	[tilespmem:$0x1FE20] =	vst v40  }
0x1b6: {  	[tilespmem:$0x1FE30] =	vst v48  }
0x1b7: {  	[tilespmem:$0x1FE40] =	vst v46;
	p0 =	seq.s32 s18, $0x33  }
.Ltmp3:
0x1b8: {  	[tilespmem:$0x1FE50] =	vst v45;
	(pc) =	sbr.rel @p0 .LBB2_10-.Ltmp3, $4  }
0x1b9: {  	[tilespmem:$0x1FE60] =	vst v44  }
0x1ba: {  	[tilespmem:$0x1FE70] =	vst v43  }
0x1bb: {  	[tilespmem:$0x1FE80] =	vst v42  }
0x1bc: {  	[tilespmem:$0x1FE90] =	vst v41  }
0x1bd: {  	v5 =	vld [tilespmem:s19+$0xC0];
	_ =	sdelay $0x2  }
0x1be: {  	v7 =	vld [tilespmem:$0x1FF20]  }
0x1bf: {  	v8 =	vld [tilespmem:$0x1FF30]  }
0x1c0: {  	v9 =	vld [tilespmem:$0x1FF40];
	v6 =	vshll.u32 v5, $0x1  }
0x1c1: {  	v5 =	vand.u32 $0x7, v5;
	v6 =	vand.u32 $0xFFFFFFF0, v6  }
0x1c2: {  	v5 =	vor.u32 v5, v6  }
0x1c3: {  	v6 =	vperm.xlane v5, v7;
	_ =	sdelay $0x1  }
0x1c4: {  	v5 =	vperm.xlane v5, v9;
	v6 =	vadd.s32 v8, v6;
	_ =	sdelay $0x1  }
0x1c5: {  	v5 =	vadd.s32 v8, v5;
	_ =	sdelay $0x1  }
0x1c6: {  	s12 =	simm.s32 $0x4F00  }
0x1c7: {  	[tilespmem:s12], [sflag:$0x1] =	stream.indirect_vreg.gather [hbm4b:s3+s2], $0x80, v6, vm0, $0xb8;
	[tilespmem:$0x1C200] =	vst v63  }
0x1c8: {  	s30 =	simm.s32 $0x5700  }
0x1c9: {  	[tilespmem:s30], [sflag:$0x1] =	stream.indirect_vreg.gather [hbm4b:s3+s2], $0x80, v5, vm0, $0xb8;
	[tilespmem:$0x1C200] =	vst v63  }
0x1ca: {  	v5 =	vld [tilespmem:s19+$0xD0];
	_ =	sdelay $0x4  }
0x1cb: {  	v6 =	vshll.u32 v5, $0x1  }
0x1cc: {  	v5 =	vand.u32 $0x7, v5;
	v6 =	vand.u32 $0xFFFFFFF0, v6  }
0x1cd: {  	v5 =	vor.u32 v5, v6  }
0x1ce: {  	v6 =	vperm.xlane v5, v7;
	_ =	sdelay $0x1  }
0x1cf: {  	v5 =	vperm.xlane v5, v9;
	v6 =	vadd.s32 v8, v6;
	_ =	sdelay $0x1  }
0x1d0: {  	v5 =	vadd.s32 v8, v5;
	_ =	sdelay $0x1  }
0x1d1: {  	s31 =	simm.s32 $0x5F00  }
0x1d2: {  	[tilespmem:s31], [sflag:$0x1] =	stream.indirect_vreg.gather [hbm4b:s3+s2], $0x80, v6, vm0, $0xb8;
	[tilespmem:$0x1C200] =	vst v63  }
0x1d3: {  	s13 =	simm.s32 $0x6700  }
0x1d4: {  	[tilespmem:s13], [sflag:$0x1] =	stream.indirect_vreg.gather [hbm4b:s3+s2], $0x80, v5, vm0, $0xb8;
	[tilespmem:$0x1C200] =	vst v63  }
0x1d5: {  	v5 =	vld [tilespmem:s19+$0xE0];
	_ =	sdelay $0x4  }
0x1d6: {  	v6 =	vshll.u32 v5, $0x1  }
0x1d7: {  	v5 =	vand.u32 $0x7, v5;
	v6 =	vand.u32 $0xFFFFFFF0, v6  }
0x1d8: {  	v5 =	vor.u32 v5, v6  }
0x1d9: {  	v6 =	vperm.xlane v5, v7;
	_ =	sdelay $0x1  }
0x1da: {  	v5 =	vperm.xlane v5, v9;
	v6 =	vadd.s32 v8, v6;
	_ =	sdelay $0x1  }
0x1db: {  	v5 =	vadd.s32 v8, v5;
	_ =	sdelay $0x1  }
0x1dc: {  	s21 =	simm.s32 $0x6F00  }
0x1dd: {  	[tilespmem:s21], [sflag:$0x1] =	stream.indirect_vreg.gather [hbm4b:s3+s2], $0x80, v6, vm0, $0xb8;
	[tilespmem:$0x1C200] =	vst v63  }
0x1de: {  	s22 =	simm.s32 $0x7700  }
0x1df: {  	[tilespmem:s22], [sflag:$0x1] =	stream.indirect_vreg.gather [hbm4b:s3+s2], $0x80, v5, vm0, $0xb8;
	[tilespmem:$0x1C200] =	vst v63  }
0x1e0: {  	v5 =	vld [tilespmem:s19+$0xF0];
	_ =	sdelay $0x4  }
0x1e1: {  	v6 =	vshll.u32 v5, $0x1  }
0x1e2: {  	v5 =	vand.u32 $0x7, v5;
	v6 =	vand.u32 $0xFFFFFFF0, v6  }
0x1e3: {  	v5 =	vor.u32 v5, v6  }
0x1e4: {  	v6 =	vperm.xlane v5, v7;
	_ =	sdelay $0x1  }
0x1e5: {  	v5 =	vperm.xlane v5, v9;
	v6 =	vadd.s32 v8, v6;
	_ =	sdelay $0x1  }
0x1e6: {  	v5 =	vadd.s32 v8, v5;
	_ =	sdelay $0x1  }
0x1e7: {  	s23 =	simm.s32 $0x7F00  }
0x1e8: {  	[tilespmem:s23], [sflag:$0x1] =	stream.indirect_vreg.gather [hbm4b:s3+s2], $0x80, v6, vm0, $0xb8;
	[tilespmem:$0x1C200] =	vst v63  }
0x1e9: {  	s25 =	simm.s32 $0x8700  }
0x1ea: {  	[tilespmem:s25], [sflag:$0x1] =	stream.indirect_vreg.gather [hbm4b:s3+s2], $0x80, v5, vm0, $0xb8;
	[tilespmem:$0x1C200] =	vst v63  }
0x1eb: {  	v5 =	vld [tilespmem:s19+$0x100];
	_ =	sdelay $0x4  }
0x1ec: {  	v6 =	vshll.u32 v5, $0x1  }
0x1ed: {  	v5 =	vand.u32 $0x7, v5;
	v6 =	vand.u32 $0xFFFFFFF0, v6  }
0x1ee: {  	v5 =	vor.u32 v5, v6  }
0x1ef: {  	v6 =	vperm.xlane v5, v7;
	_ =	sdelay $0x1  }
0x1f0: {  	v5 =	vperm.xlane v5, v9;
	v6 =	vadd.s32 v8, v6;
	_ =	sdelay $0x1  }
0x1f1: {  	v5 =	vadd.s32 v8, v5;
	_ =	sdelay $0x1  }
0x1f2: {  	s26 =	simm.s32 $0x8F00  }
0x1f3: {  	[tilespmem:s26], [sflag:$0x1] =	stream.indirect_vreg.gather [hbm4b:s3+s2], $0x80, v6, vm0, $0xb8;
	[tilespmem:$0x1C200] =	vst v63  }
0x1f4: {  	s28 =	simm.s32 $0x9700  }
0x1f5: {  	[tilespmem:s28], [sflag:$0x1] =	stream.indirect_vreg.gather [hbm4b:s3+s2], $0x80, v5, vm0, $0xb8;
	[tilespmem:$0x1C200] =	vst v63  }
0x1f6: {  	v5 =	vld [tilespmem:s19+$0x110];
	_ =	sdelay $0x4  }
0x1f7: {  	v6 =	vshll.u32 v5, $0x1  }
0x1f8: {  	v5 =	vand.u32 $0x7, v5;
	v6 =	vand.u32 $0xFFFFFFF0, v6  }
0x1f9: {  	v5 =	vor.u32 v5, v6  }
0x1fa: {  	v6 =	vperm.xlane v5, v7;
	_ =	sdelay $0x1  }
0x1fb: {  	v5 =	vperm.xlane v5, v9;
	v6 =	vadd.s32 v8, v6;
	_ =	sdelay $0x1  }
0x1fc: {  	v5 =	vadd.s32 v8, v5;
	_ =	sdelay $0x1  }
0x1fd: {  	s29 =	simm.s32 $0x9F00  }
0x1fe: {  	[tilespmem:s29], [sflag:$0x1] =	stream.indirect_vreg.gather [hbm4b:s3+s2], $0x80, v6, vm0, $0xb8;
	[tilespmem:$0x1C200] =	vst v63  }
0x1ff: {  	s30 =	simm.s32 $0xA700  }
0x200: {  	[tilespmem:s30], [sflag:$0x1] =	stream.indirect_vreg.gather [hbm4b:s3+s2], $0x80, v5, vm0, $0xb8;
	[tilespmem:$0x1C200] =	vst v63  }
0x201: {  	s31 =	sadd.s32 $0x2840, s19;
	s13 =	simm.s32 $0x10F00  }
0x202: {  	[tilespmem:s13], [sflag:$0x1] =	stream.indirect.gather [hbm4b:s4+s24], $0x80, s31, s24, $0xb8;
	[tilespmem:$0x1C200] =	vst v63  }
.LBB2_10:
0x203: {  	_ =	swait.ge [sflag:s16], $0x6000  }
0x204: {  	[sflag:s16] =	ssyncset.done $0x0  }
0x205: {  	[sflag:s16] =	ssyncadd.s32 $0xFFFFA000  }
0x206: {  	_ =	swait.ge [sflag:s16], $0x3000  }
0x207: {  	s19 =	simm.s32 $0x0;
	s21 =	simm.s32 $0x13F40;
	v44 =	vmov s20;
	v55 =	vmov v24;
	[sflag:s16] =	ssyncset.done $0x0;
	[tilespmem:$0x1FD80] =	vst v47  }
0x208: {  	s20 =	simm.s32 $0x0;
	s22 =	simm.s32 $0x0;
	v41 =	vmovc v25;
	v42 =	vmovc v26;
	v43 =	vmov v37;
	v54 =	vmov v27;
	v40 =	vmov v49;
	[tilespmem:$0x1FD90] =	vst v39;
	[sflag:s16] =	ssyncadd.s32 $0xFFFFD000  }
.LBB2_11:
0x209: {  	v11 =	vld [tilespmem:s21+$0xFFFFFFC0]  }
0x20a: {  	v7 =	vld [tilespmem:s21+$0xFFFFFFD0];
	s12 =	sand.u32 $0x7800, s20;
	s13 =	sand.u32 $0x380, s19  }
0x20b: {  	v6 =	vld [tilespmem:s21+$0x10];
	s25 =	sor.u32 s13, s12  }
0x20c: {  	v5 =	vld [tilespmem:s25+$0xAF20]  }
0x20d: {  	v10 =	vld [tilespmem:s25+$0xAF00]  }
0x20e: {  	v12 =	vld [tilespmem:s25+$0xAF10]  }
0x20f: {  	v16 =	vld [tilespmem:s21+$0xFFFFFFF0]  }
0x210: {  	v13 =	vld [tilespmem:s21+$0xFFFFFFE0]  }
0x211: {  	v9 =	vld [tilespmem:s21+$0x0]  }
0x212: {  	v8 =	vld [tilespmem:s21+$0x30];
	v14 =	vunpack.i.u.bf16.f32 v10  }
0x213: {  	v18 =	vld [tilespmem:s25+$0xAF30];
	v15 =	vunpack.i.u.bf16.f32 v5;
	v17 =	vunpack.i.l.bf16.f32 v10;
	v19 =	vunpack.i.u.bf16.f32 v12  }
0x214: {  	v12 =	vunpack.i.l.bf16.f32 v12;
	v10 =	vld [tilespmem:s21+$0x20];
	v14 =	vmul.f32 v14, v7;
	v17 =	vmul.f32 v17, v11  }
0x215: {  	v5 =	vunpack.i.l.bf16.f32 v5;
	v19 =	vmul.f32 v19, v16;
	v12 =	vmul.f32 v12, v13  }
0x216: {  	v15 =	vmul.f32 v15, v6;
	v5 =	vmul.f32 v5, v9  }
0x217: {  	v14 =	vadd.f32 v17, v14;
	v12 =	vadd.f32 v12, v19  }
0x218: {  	v5 =	vadd.f32 v5, v15;
	v15 =	vunpack.i.u.bf16.f32 v18;
	v17 =	vunpack.i.l.bf16.f32 v18  }
0x219: {  	v15 =	vmul.f32 v15, v8;
	v12 =	vadd.f32 v12, v14;
	v14 =	vmul.f32 v17, v10;
	_ =	sdelay $0x1  }
0x21a: {  	v5 =	vadd.f32 v5, v12;
	v12 =	vadd.f32 v14, v15;
	_ =	sdelay $0x1  }
0x21b: {  	v5 =	vadd.f32 v12, v5  }
0x21c: {  	s13 =	simm.s32 $0x1BE00  }
0x21d: {  	[tilespmem:s13+$0x0] =	vst v5  }
0x21e: {  	v5 =	vld [tilespmem:s25+$0xAF40]  }
0x21f: {  	v12 =	vld [tilespmem:s25+$0xAF50]  }
0x220: {  	v14 =	vld [tilespmem:s25+$0xAF70];
	_ =	sdelay $0x1  }
0x221: {  	v15 =	vld [tilespmem:s25+$0xAF60]  }
0x222: {  	v17 =	vunpack.i.u.bf16.f32 v5  }
0x223: {  	v18 =	vunpack.i.u.bf16.f32 v12;
	v12 =	vunpack.i.l.bf16.f32 v12;
	v5 =	vunpack.i.l.bf16.f32 v5  }
0x224: {  	v19 =	vunpack.i.l.bf16.f32 v14;
	v12 =	vmul.f32 v12, v13;
	v18 =	vmul.f32 v18, v16  }
0x225: {  	v14 =	vunpack.i.u.bf16.f32 v14;
	v5 =	vmul.f32 v5, v11;
	v17 =	vmul.f32 v17, v7  }
0x226: {  	v12 =	vadd.f32 v12, v18;
	v18 =	vunpack.i.u.bf16.f32 v15;
	v15 =	vunpack.i.l.bf16.f32 v15  }
0x227: {  	v5 =	vadd.f32 v5, v17;
	v15 =	vmul.f32 v15, v9;
	v17 =	vmul.f32 v18, v6  }
0x228: {  	v14 =	vmul.f32 v14, v8  }
0x229: {  	v18 =	vmul.f32 v19, v10;
	v5 =	vadd.f32 v12, v5;
	v12 =	vadd.f32 v15, v17;
	_ =	sdelay $0x1  }
0x22a: {  	v14 =	vadd.f32 v18, v14;
	v5 =	vadd.f32 v12, v5;
	_ =	sdelay $0x1  }
0x22b: {  	v5 =	vadd.f32 v14, v5  }
0x22c: {  	s29 =	sand.u32 $0xF0, s19  }
0x22d: {  	[tilespmem:s29+$0x1BF00] =	vst v5  }
0x22e: {  	v5 =	vld [tilespmem:s25+$0xB300]  }
0x22f: {  	v12 =	vld [tilespmem:s25+$0xB310]  }
0x230: {  	v14 =	vld [tilespmem:s25+$0xB320];
	_ =	sdelay $0x2  }
0x231: {  	v17 =	vunpack.i.u.bf16.f32 v5  }
0x232: {  	v15 =	vld [tilespmem:s25+$0xB330];
	v18 =	vunpack.i.u.bf16.f32 v12;
	v12 =	vunpack.i.l.bf16.f32 v12;
	v5 =	vunpack.i.l.bf16.f32 v5  }
0x233: {  	v19 =	vunpack.i.u.bf16.f32 v14;
	v12 =	vmul.f32 v12, v13;
	v18 =	vmul.f32 v18, v16  }
0x234: {  	v14 =	vunpack.i.l.bf16.f32 v14;
	v5 =	vmul.f32 v5, v11;
	v17 =	vmul.f32 v17, v7  }
0x235: {  	v19 =	vmul.f32 v19, v6;
	v14 =	vmul.f32 v14, v9  }
0x236: {  	v12 =	vadd.f32 v12, v18;
	v5 =	vadd.f32 v5, v17  }
0x237: {  	v18 =	vunpack.i.u.bf16.f32 v15;
	v15 =	vunpack.i.l.bf16.f32 v15;
	v14 =	vadd.f32 v14, v19  }
0x238: {  	v17 =	vmul.f32 v18, v8;
	v15 =	vmul.f32 v15, v10;
	v5 =	vadd.f32 v12, v5;
	_ =	sdelay $0x1  }
0x239: {  	v12 =	vadd.f32 v15, v17;
	v5 =	vadd.f32 v14, v5;
	_ =	sdelay $0x1  }
0x23a: {  	v5 =	vadd.f32 v12, v5;
	_ =	sdelay $0x1  }
0x23b: {  	[tilespmem:s29+$0x1C000] =	vst v5  }
0x23c: {  	v12 =	vld [tilespmem:s25+$0xB340]  }
0x23d: {  	v14 =	vld [tilespmem:s25+$0xB350]  }
0x23e: {  	v15 =	vld [tilespmem:s25+$0xB360];
	_ =	sdelay $0x2  }
0x23f: {  	v5 =	vunpack.i.u.bf16.f32 v12;
	v12 =	vunpack.i.l.bf16.f32 v12  }
0x240: {  	s23 =	simm.s32 $0x80;
	s26 =	simm.s32 $0x0;
	v17 =	vunpack.i.l.bf16.f32 v14;
	v11 =	vmul.f32 v12, v11;
	v12 =	vunpack.i.u.bf16.f32 v14;
	v14 =	vld [tilespmem:s25+$0xB370]  }
0x241: {  	s28 =	smov.u32 s20;
	s12 =	sshll.u32 s22, $0x4;
	v13 =	vmul.f32 v17, v13;
	s25 =	sadd.s32 $0x80, s21;
	v16 =	vmul.f32 v12, v16;
	v12 =	vunpack.i.u.bf16.f32 v15  }
.LBB2_12:
0x242: {  	v5 =	vmul.f32 v5, v7;
	v7 =	vunpack.i.l.bf16.f32 v15;
	s26 =	sadd.s32 $0x10, s26;
	s13 =	sadd.s32 $0x10, s13;
	s28 =	sadd.s32 $0x100, s28  }
0x243: {  	p0 =	sne.s32 s23, $0x780;
	s30 =	smov.u32 s23;
	s23 =	sadd.s32 $0x80, s23;
	v13 =	vadd.f32 v13, v16;
	v7 =	vmul.f32 v7, v9  }
0x244: {  	v6 =	vmul.f32 v12, v6;
	v5 =	vadd.f32 v11, v5  }
0x245: {  	v9 =	vunpack.i.u.bf16.f32 v14;
	v11 =	vunpack.i.l.bf16.f32 v14  }
0x246: {  	v6 =	vadd.f32 v7, v6;
	v7 =	vmul.f32 v11, v10;
	v5 =	vadd.f32 v13, v5  }
0x247: {  	v8 =	vmul.f32 v9, v8  }
0x248: {  	v5 =	vadd.f32 v6, v5  }
0x249: {  	v6 =	vadd.f32 v7, v8;
	_ =	sdelay $0x1  }
0x24a: {  	v5 =	vadd.f32 v6, v5;
	_ =	sdelay $0x1  }
0x24b: {  	[tilespmem:s29+$0x1C100] =	vst v5  }
0x24c: {  	v11 =	vld [tilespmem:s25+$0xFFFFFFC0]  }
0x24d: {  	s30 =	sand.u32 $0x380, s30;
	s29 =	sand.u32 $0x7800, s28;
	v7 =	vld [tilespmem:s25+$0xFFFFFFD0]  }
0x24e: {  	s30 =	sor.u32 s30, s29;
	v6 =	vld [tilespmem:s25+$0x10]  }
0x24f: {  	v5 =	vld [tilespmem:s30+$0xAF20]  }
0x250: {  	v8 =	vld [tilespmem:s30+$0xAF00]  }
0x251: {  	v10 =	vld [tilespmem:s30+$0xAF10]  }
0x252: {  	v9 =	vld [tilespmem:s25+$0x0]  }
0x253: {  	v12 =	vld [tilespmem:s25+$0xFFFFFFF0]  }
0x254: {  	v13 =	vld [tilespmem:s25+$0xFFFFFFE0];
	v14 =	vunpack.i.u.bf16.f32 v5  }
0x255: {  	v15 =	vunpack.i.u.bf16.f32 v8;
	v16 =	vunpack.i.l.bf16.f32 v8;
	v14 =	vmul.f32 v14, v6  }
0x256: {  	v5 =	vunpack.i.l.bf16.f32 v5;
	v8 =	vld [tilespmem:s25+$0x30];
	v15 =	vmul.f32 v15, v7;
	v17 =	vunpack.i.u.bf16.f32 v10  }
0x257: {  	v18 =	vunpack.i.l.bf16.f32 v10;
	v5 =	vmul.f32 v5, v9;
	v19 =	vld [tilespmem:s30+$0xAF30]  }
0x258: {  	v16 =	vmul.f32 v16, v11;
	v10 =	vld [tilespmem:s25+$0x20];
	v17 =	vmul.f32 v17, v12  }
0x259: {  	v18 =	vmul.f32 v18, v13;
	v5 =	vadd.f32 v5, v14  }
0x25a: {  	v14 =	vadd.f32 v16, v15  }
0x25b: {  	v15 =	vadd.f32 v18, v17  }
0x25c: {  	v16 =	vunpack.i.u.bf16.f32 v19;
	v17 =	vunpack.i.l.bf16.f32 v19  }
0x25d: {  	v14 =	vadd.f32 v15, v14;
	v15 =	vmul.f32 v17, v10;
	v16 =	vmul.f32 v16, v8;
	_ =	sdelay $0x1  }
0x25e: {  	v5 =	vadd.f32 v5, v14;
	v14 =	vadd.f32 v15, v16;
	_ =	sdelay $0x1  }
0x25f: {  	v5 =	vadd.f32 v14, v5;
	_ =	sdelay $0x1  }
0x260: {  	[tilespmem:s13+$0x0] =	vst v5  }
0x261: {  	v5 =	vld [tilespmem:s30+$0xAF40]  }
0x262: {  	v14 =	vld [tilespmem:s30+$0xAF50]  }
0x263: {  	v15 =	vld [tilespmem:s30+$0xAF70];
	_ =	sdelay $0x1  }
0x264: {  	v16 =	vld [tilespmem:s30+$0xAF60]  }
0x265: {  	v17 =	vunpack.i.u.bf16.f32 v5;
	v5 =	vunpack.i.l.bf16.f32 v5  }
0x266: {  	v5 =	vmul.f32 v5, v11;
	v18 =	vunpack.i.u.bf16.f32 v14;
	v14 =	vunpack.i.l.bf16.f32 v14  }
0x267: {  	v14 =	vmul.f32 v14, v13;
	v18 =	vmul.f32 v18, v12;
	v19 =	vunpack.i.u.bf16.f32 v15  }
0x268: {  	v17 =	vmul.f32 v17, v7;
	v15 =	vunpack.i.l.bf16.f32 v15  }
0x269: {  	v14 =	vadd.f32 v14, v18;
	v18 =	vunpack.i.u.bf16.f32 v16;
	v16 =	vunpack.i.l.bf16.f32 v16  }
0x26a: {  	v5 =	vadd.f32 v5, v17;
	v16 =	vmul.f32 v16, v9;
	v17 =	vmul.f32 v18, v6  }
0x26b: {  	v15 =	vmul.f32 v15, v10;
	v18 =	vmul.f32 v19, v8  }
0x26c: {  	v5 =	vadd.f32 v14, v5;
	v14 =	vadd.f32 v16, v17  }
0x26d: {  	v15 =	vadd.f32 v15, v18  }
0x26e: {  	v5 =	vadd.f32 v14, v5;
	_ =	sdelay $0x1  }
0x26f: {  	v5 =	vadd.f32 v15, v5  }
0x270: {  	s29 =	sand.u32 $0xF0, s26  }
0x271: {  	[tilespmem:s29+$0x1BF00] =	vst v5  }
0x272: {  	v5 =	vld [tilespmem:s30+$0xB300]  }
0x273: {  	v14 =	vld [tilespmem:s30+$0xB310]  }
0x274: {  	v15 =	vld [tilespmem:s30+$0xB320]  }
0x275: {  	v16 =	vld [tilespmem:s30+$0xB330];
	_ =	sdelay $0x1  }
0x276: {  	v17 =	vunpack.i.u.bf16.f32 v5;
	v5 =	vunpack.i.l.bf16.f32 v5  }
0x277: {  	v5 =	vmul.f32 v5, v11;
	v18 =	vunpack.i.u.bf16.f32 v14;
	v14 =	vunpack.i.l.bf16.f32 v14  }
0x278: {  	v14 =	vmul.f32 v14, v13;
	v18 =	vmul.f32 v18, v12;
	v19 =	vunpack.i.u.bf16.f32 v15  }
0x279: {  	v17 =	vmul.f32 v17, v7;
	v15 =	vunpack.i.l.bf16.f32 v15;
	v19 =	vmul.f32 v19, v6  }
0x27a: {  	v15 =	vmul.f32 v15, v9;
	v14 =	vadd.f32 v14, v18;
	v18 =	vunpack.i.u.bf16.f32 v16  }
0x27b: {  	v5 =	vadd.f32 v5, v17;
	v16 =	vunpack.i.l.bf16.f32 v16;
	v17 =	vmul.f32 v18, v8  }
0x27c: {  	v15 =	vadd.f32 v15, v19;
	v16 =	vmul.f32 v16, v10  }
0x27d: {  	v5 =	vadd.f32 v14, v5  }
0x27e: {  	v14 =	vadd.f32 v16, v17  }
0x27f: {  	v5 =	vadd.f32 v15, v5;
	_ =	sdelay $0x1  }
0x280: {  	v5 =	vadd.f32 v14, v5;
	_ =	sdelay $0x1  }
0x281: {  	[tilespmem:s29+$0x1C000] =	vst v5  }
0x282: {  	v16 =	vld [tilespmem:s30+$0xB340]  }
0x283: {  	v17 =	vld [tilespmem:s30+$0xB350]  }
0x284: {  	v15 =	vld [tilespmem:s30+$0xB360]  }
.Ltmp4:
0x285: {  	v14 =	vld [tilespmem:s30+$0xB370];
	(pc) =	sbr.rel @p0 .LBB2_12-.Ltmp4, $4  }
0x286: {  	_ = 	snop  }
0x287: {  	v5 =	vunpack.i.u.bf16.f32 v16;
	v16 =	vunpack.i.l.bf16.f32 v16  }
0x288: {  	v11 =	vmul.f32 v16, v11;
	v16 =	vunpack.i.u.bf16.f32 v17;
	v17 =	vunpack.i.l.bf16.f32 v17  }
0x289: {  	s25 =	sadd.s32 $0x80, s25;
	v13 =	vmul.f32 v17, v13;
	v16 =	vmul.f32 v16, v12;
	v12 =	vunpack.i.u.bf16.f32 v15  }
0x28a: {  	v26 =	vld [tilespmem:$0x1FF70]  }
0x28b: {  	v37 =	vld [tilespmem:$0x1FF80]  }
0x28c: {  	v38 =	vld [tilespmem:$0x1FF90]  }
0x28d: {  	v39 =	vld [tilespmem:$0x1FFA0]  }
0x28e: {  	v45 =	vld [tilespmem:$0x1FFB0]  }
0x28f: {  	v46 =	vld [tilespmem:$0x1FFC0]  }
0x290: {  	v47 =	vld [tilespmem:$0x1FFD0]  }
0x291: {  	v48 =	vld [tilespmem:$0x1FFE0]  }
0x292: {  	v49 =	vld [tilespmem:$0x1FFF0]  }
0x293: {  	v5 =	vmul.f32 v5, v7;
	v17 =	vld [tilespmem:$0x1FEA0]  }
0x294: {  	v7 =	vunpack.i.l.bf16.f32 v15;
	v6 =	vmul.f32 v12, v6;
	v24 =	vunpack.i.u.bf16.f32 v14;
	v18 =	vld [tilespmem:$0x1FEB0]  }
0x295: {  	v19 =	vld [tilespmem:$0x1FEC0];
	v13 =	vadd.f32 v13, v16;
	v7 =	vmul.f32 v7, v9;
	v5 =	vadd.f32 v11, v5  }
0x296: {  	v25 =	vunpack.i.l.bf16.f32 v14;
	v20 =	vld [tilespmem:$0x1FED0];
	v8 =	vmul.f32 v24, v8  }
0x297: {  	v21 =	vld [tilespmem:$0x1FEE0];
	v6 =	vadd.f32 v7, v6;
	v7 =	vmul.f32 v25, v10;
	v5 =	vadd.f32 v13, v5  }
0x298: {  	v50 =	vld [tilespmem:$0x1FF00]  }
0x299: {  	v51 =	vld [tilespmem:$0x1FE90];
	v5 =	vadd.f32 v6, v5;
	v6 =	vadd.f32 v7, v8  }
0x29a: {  	v52 =	vld [tilespmem:$0x1FE70]  }
0x29b: {  	v53 =	vld [tilespmem:$0x1FE60];
	v5 =	vadd.f32 v6, v5  }
0x29c: {  	v7 =	vld [tilespmem:$0x1FF60]  }
0x29d: {  	v6 =	vld [tilespmem:$0x1FF50];
	[tilespmem:s29+$0x1C100] =	vst v5  }
0x29e: {  	v5 =	vld.idx.msk [tilespmem:v1+s14+$0x0], $0xffff  }
0x29f: {  	v8 =	vld.idx.msk [tilespmem:v26+s14+$0x0], $0xffff  }
0x2a0: {  	v9 =	vld.idx.msk [tilespmem:v37+s14+$0x0], $0xffff  }
0x2a1: {  	v10 =	vld.idx.msk [tilespmem:v38+s14+$0x0], $0xffff  }
0x2a2: {  	v11 =	vld.idx.msk [tilespmem:v39+s14+$0x0], $0xffff  }
0x2a3: {  	v12 =	vld.idx.msk [tilespmem:v45+s14+$0x0], $0xffff  }
0x2a4: {  	v13 =	vld.idx.msk [tilespmem:v46+s14+$0x0], $0xffff  }
0x2a5: {  	v14 =	vld.idx.msk [tilespmem:v47+s14+$0x0], $0xffff  }
0x2a6: {  	v15 =	vld.idx.msk [tilespmem:v48+s14+$0x0], $0xffff  }
0x2a7: {  	v16 =	vld.idx.msk [tilespmem:v49+s14+$0x0], $0xffff  }
0x2a8: {  	v17 =	vld.idx.msk [tilespmem:v17+s14+$0x0], $0xffff  }
0x2a9: {  	v18 =	vld.idx.msk [tilespmem:v18+s14+$0x0], $0xffff  }
0x2aa: {  	v19 =	vld.idx.msk [tilespmem:v19+s14+$0x0], $0xffff  }
0x2ab: {  	v20 =	vld.idx.msk [tilespmem:v20+s14+$0x0], $0xffff  }
0x2ac: {  	v21 =	vld.idx.msk [tilespmem:v21+s14+$0x0], $0xffff  }
0x2ad: {  	v22 =	vld.idx.msk [tilespmem:v28+s14+$0x0], $0xffff  }
0x2ae: {  	v23 =	vld.idx.msk [tilespmem:v29+s14+$0x0], $0xffff  }
0x2af: {  	v24 =	vld.idx.msk [tilespmem:v30+s14+$0x0], $0xffff  }
0x2b0: {  	v25 =	vld.idx.msk [tilespmem:v31+s14+$0x0], $0xffff  }
0x2b1: {  	v26 =	vld.idx.msk [tilespmem:v32+s14+$0x0], $0xffff  }
0x2b2: {  	v27 =	vld.idx.msk [tilespmem:v33+s14+$0x0], $0xffff  }
0x2b3: {  	v45 =	vmov v28;
	v28 =	vld.idx.msk [tilespmem:v34+s14+$0x0], $0xffff  }
0x2b4: {  	v46 =	vmov v29;
	v29 =	vld.idx.msk [tilespmem:v35+s14+$0x0], $0xffff  }
0x2b5: {  	v47 =	vmov v30;
	v30 =	vld.idx.msk [tilespmem:v36+s14+$0x0], $0xffff  }
0x2b6: {  	v48 =	vmov v31;
	v31 =	vld [tilespmem:$0x1FEF0]  }
0x2b7: {  	v49 =	vmov v32;
	v32 =	vld.idx.msk [tilespmem:v50+s14+$0x0], $0xffff  }
0x2b8: {  	v50 =	vmov v33;
	v33 =	vld.idx.msk [tilespmem:v51+s14+$0x0], $0xffff  }
0x2b9: {  	v39 =	vld [tilespmem:$0x1FE80]  }
0x2ba: {  	v52 =	vld.idx.msk [tilespmem:v52+s14+$0x0], $0xffff  }
0x2bb: {  	v53 =	vld.idx.msk [tilespmem:v53+s14+$0x0], $0xffff  }
0x2bc: {  	v37 =	vld [tilespmem:$0x1FE50]  }
0x2bd: {  	v6 =	vld.idx.msk [tilespmem:v6+s14+$0x0], $0xffff  }
0x2be: {  	v38 =	vld [tilespmem:$0x1FE40]  }
0x2bf: {  	v7 =	vld.idx.msk [tilespmem:v7+s14+$0x0], $0xffff  }
0x2c0: {  	v31 =	vld.idx.msk [tilespmem:v31+s14+$0x0], $0xffff  }
0x2c1: {  	v51 =	vld.idx.msk [tilespmem:v39+s14+$0x0], $0xffff  }
0x2c2: {  	v39 =	vld [tilespmem:$0x1FE00];
	v5 =	vadd.f32 v6, v5  }
0x2c3: {  	v6 =	vld [tilespmem:$0x1FE30]  }
0x2c4: {  	v5 =	vadd.f32 v7, v5;
	v7 =	vadd.f32 v22, v21;
	v21 =	vld [tilespmem:$0x1FE10]  }
0x2c5: {  	v37 =	vld.idx.msk [tilespmem:v37+s14+$0x0], $0xffff  }
0x2c6: {  	v38 =	vld.idx.msk [tilespmem:v38+s14+$0x0], $0xffff  }
0x2c7: {  	v22 =	vld.idx.msk [tilespmem:v43+s14+$0x0], $0xffff;
	v7 =	vadd.f32 v23, v7  }
0x2c8: {  	v5 =	vadd.f32 v8, v5;
	v8 =	vld.idx.msk [tilespmem:v55+s14+$0x0], $0xffff  }
0x2c9: {  	v7 =	vadd.f32 v24, v7;
	v24 =	vld [tilespmem:$0x1FD90]  }
0x2ca: {  	v39 =	vld.idx.msk [tilespmem:v39+s14+$0x0], $0xffff  }
0x2cb: {  	v6 =	vld.idx.msk [tilespmem:v6+s14+$0x0], $0xffff  }
0x2cc: {  	v21 =	vld.idx.msk [tilespmem:v21+s14+$0x0], $0xffff  }
0x2cd: {  	v23 =	vadd.f32 v38, v37;
	v37 =	vld.idx.msk [tilespmem:v54+s14+$0x0], $0xffff;
	v7 =	vadd.f32 v25, v7  }
0x2ce: {  	v38 =	vld [tilespmem:$0x1FDE0]  }
0x2cf: {  	v5 =	vadd.f32 v9, v5;
	v9 =	vld.idx.msk [tilespmem:v41+s14+$0x0], $0xffff;
	v7 =	vadd.f32 v26, v7  }
0x2d0: {  	v25 =	vld [tilespmem:$0x1FE20];
	v6 =	vadd.f32 v6, v23  }
0x2d1: {  	v7 =	vadd.f32 v27, v7;
	v21 =	vadd.f32 v21, v39;
	v39 =	vld.idx.msk [tilespmem:v24+s14+$0x0], $0xffff  }
0x2d2: {  	v26 =	vld.idx.msk [tilespmem:v40+s14+$0x0], $0xffff;
	v6 =	vadd.f32 v22, v6  }
0x2d3: {  	v7 =	vadd.f32 v28, v7;
	v28 =	vmov v45;
	v45 =	vld [tilespmem:$0x1FDC0]  }
0x2d4: {  	v6 =	vadd.f32 v37, v6;
	v37 =	vld [tilespmem:$0x1FD80]  }
0x2d5: {  	v5 =	vadd.f32 v10, v5;
	v24 =	vld.idx.msk [tilespmem:v42+s14+$0x0], $0xffff  }
0x2d6: {  	v8 =	vadd.f32 v8, v21;
	v6 =	vadd.f32 v39, v6;
	v39 =	vld [tilespmem:$0x1FDF0]  }
0x2d7: {  	v23 =	vld [tilespmem:$0x1FDA0]  }
0x2d8: {  	v5 =	vadd.f32 v11, v5;
	v22 =	vld [tilespmem:$0x1FDD0];
	v8 =	vadd.f32 v9, v8  }
0x2d9: {  	v21 =	vld.idx.msk [tilespmem:v25+s14+$0x0], $0xffff  }
0x2da: {  	v5 =	vadd.f32 v12, v5;
	v8 =	vadd.f32 v24, v8;
	v24 =	vld [tilespmem:$0x1FDB0]  }
0x2db: {  	v12 =	vld.idx.msk [tilespmem:v38+s14+$0x0], $0xffff  }
0x2dc: {  	v5 =	vadd.f32 v13, v5;
	v9 =	vld.idx.msk [tilespmem:v37+s14+$0x0], $0xffff  }
0x2dd: {  	v13 =	vld.idx.msk [tilespmem:v45+s14+$0x0], $0xffff  }
0x2de: {  	v5 =	vadd.f32 v14, v5;
	v10 =	vld.idx.msk [tilespmem:v39+s14+$0x0], $0xffff  }
0x2df: {  	v14 =	vld.idx.msk [tilespmem:v23+s14+$0x0], $0xffff;
	v6 =	vadd.f32 v21, v6;
	v8 =	vadd.f32 v26, v8  }
0x2e0: {  	v7 =	vadd.f32 v29, v7;
	v11 =	vld.idx.msk [tilespmem:v22+s14+$0x0], $0xffff  }
0x2e1: {  	v25 =	vld.idx.msk [tilespmem:v57+s14+$0x0], $0xffff;
	v8 =	vadd.f32 v12, v8;
	v6 =	vadd.f32 v9, v6  }
0x2e2: {  	v5 =	vadd.f32 v15, v5;
	v7 =	vadd.f32 v30, v7;
	v9 =	vld.idx.msk [tilespmem:v24+s14+$0x0], $0xffff  }
0x2e3: {  	v26 =	vld.idx.msk [tilespmem:v56+s14+$0x0], $0xffff;
	v8 =	vadd.f32 v13, v8;
	v6 =	vadd.f32 v10, v6  }
0x2e4: {  	v5 =	vadd.f32 v16, v5;
	v7 =	vadd.f32 v31, v7;
	v37 =	vld.idx.msk [tilespmem:v59+s14+$0x0], $0xffff  }
0x2e5: {  	v38 =	vld.idx.msk [tilespmem:v58+s14+$0x0], $0xffff;
	v8 =	vadd.f32 v14, v8;
	v6 =	vadd.f32 v11, v6  }
0x2e6: {  	v5 =	vadd.f32 v17, v5;
	v7 =	vadd.f32 v32, v7;
	v39 =	vld.idx.msk [tilespmem:v61+s14+$0x0], $0xffff  }
0x2e7: {  	v29 =	vmov v46;
	v46 =	vld.idx.msk [tilespmem:v63+s14+$0x0], $0xffff;
	v8 =	vadd.f32 v25, v8;
	v6 =	vadd.f32 v9, v6  }
0x2e8: {  	v45 =	vld.idx.msk [tilespmem:v60+s14+$0x0], $0xffff;
	v5 =	vadd.f32 v18, v5;
	v7 =	vadd.f32 v33, v7  }
0x2e9: {  	v30 =	vmov v47;
	v47 =	vld.idx.msk [tilespmem:v62+s14+$0x0], $0xffff;
	v8 =	vadd.f32 v37, v8;
	v6 =	vadd.f32 v26, v6  }
0x2ea: {  	v31 =	vmov v48;
	v48 =	vld.idx.msk [tilespmem:v4+s14+$0x0], $0xffff;
	v5 =	vadd.f32 v19, v5;
	v7 =	vadd.f32 v51, v7  }
0x2eb: {  	v32 =	vmov v49;
	v49 =	vld.idx.msk [tilespmem:v2+s14+$0x0], $0xffff;
	v8 =	vadd.f32 v39, v8;
	v6 =	vadd.f32 v38, v6  }
0x2ec: {  	v33 =	vmov v50;
	v50 =	vld.idx.msk [tilespmem:v0+s14+$0x0], $0xffff;
	v5 =	vadd.f32 v20, v5;
	v7 =	vadd.f32 v52, v7  }
0x2ed: {  	v8 =	vadd.f32 v46, v8;
	v6 =	vadd.f32 v45, v6  }
0x2ee: {  	v51 =	vld.idx.msk [tilespmem:v3+s14+$0x0], $0xffff;
	v5 =	vmul.f32 $1.442695020e+00, v5;
	v7 =	vadd.f32 v53, v7  }
0x2ef: {  	v8 =	vadd.f32 v48, v8;
	v6 =	vadd.f32 v47, v6  }
0x2f0: {  	(erf) = vpow2.f32 v5  }
0x2f1: {  	v7 =	vmul.f32 $1.442695020e+00, v7;
	v5 =	vadd.f32 v49, v6;
	v6 =	vadd.f32 v50, v8;
	_ =	sdelay $0x1  }
0x2f2: {  	(erf) = vpow2.f32 v7;
	v5 =	vmul.f32 $1.442695020e+00, v5;
	v6 =	vadd.f32 v51, v6;
	_ =	sdelay $0x1  }
0x2f3: {  	(erf) = vpow2.f32 v5;
	v5 =	vmul.f32 $1.442695020e+00, v6;
	_ =	sdelay $0x1  }
0x2f4: {  	(erf) = vpow2.f32 v5;
	_ =	sdelay $0x2  }
0x2f5: {  	v5 =	vpop (erf)  }
0x2f6: {  	v5 =	vadd.f32 $0.0e+00, v5  }
0x2f7: {  	v6 =	vpop (erf)  }
0x2f8: {  	v5 =	vadd.f32 v6, v5  }
0x2f9: {  	v6 =	vpop (erf)  }
0x2fa: {  	v5 =	vadd.f32 v6, v5  }
0x2fb: {  	v6 =	vpop (erf)  }
0x2fc: {  	v5 =	vadd.f32 v6, v5;
	_ =	sdelay $0x1  }
0x2fd: {  	v5 =	vmul.f32 $2.500000000e-01, v5;
	_ =	sdelay $0x1  }
0x2fe: {  	v6 =	vmax.f32 v5, $1.000000000e-30  }
0x2ff: {  	v7 =	vshra.s32 v6, $0x1;
	v6 =	vmul.f32 $5.000000000e-01, v6  }
0x300: {  	v7 =	vsub.s32 $0x5F3759DF, v7  }
0x301: {  	v52 =	vmul.f32 v7, v6;
	_ =	sdelay $0x1  }
0x302: {  	v8 =	vmul.f32 v7, v52;
	_ =	sdelay $0x1  }
0x303: {  	v8 =	vsub.f32 $1.500000000e+00, v8;
	_ =	sdelay $0x1  }
0x304: {  	v7 =	vmul.f32 v7, v8;
	_ =	sdelay $0x1  }
0x305: {  	v8 =	vmul.f32 v7, v6;
	_ =	sdelay $0x1  }
0x306: {  	v8 =	vmul.f32 v8, v7;
	_ =	sdelay $0x1  }
0x307: {  	v8 =	vsub.f32 $1.500000000e+00, v8;
	_ =	sdelay $0x1  }
0x308: {  	v7 =	vmul.f32 v8, v7;
	_ =	sdelay $0x1  }
0x309: {  	v6 =	vmul.f32 v7, v6  }
0x30a: {  	v53 =	vld.idx.msk [tilespmem:v44+s12+$0x0 ss:$0x1], $0xffff  }
0x30b: {  	v6 =	vmul.f32 v6, v7;
	_ =	sdelay $0x1  }
0x30c: {  	s22 =	sadd.s32 $0x1, s22;
	v6 =	vsub.f32 $1.500000000e+00, v6  }
0x30d: {  	p0 =	sne.s32 s22, $0x6  }
.Ltmp5:
0x30e: {  	v6 =	vmul.f32 v6, v7;
	(pc) =	sbr.rel @p0 .LBB2_11-.Ltmp5, $4  }
0x30f: {  	_ = 	snop  }
0x310: {  	v6 =	vmul.f32 v6, v5  }
0x311: {  	[tilespmem:v53+s15+$0x0] =	vst.idx.add.f32.msk $0xffff, v5  }
0x312: {  	s20 =	sadd.s32 $0x1000, s20;
	s21 =	sadd.s32 $0x800, s21;
	[tilespmem:v44+s12+$0x16F00 ss:$0x1] =	vst.idx.msk $0xffff, v6  }
0x313: {  	s18 =	sadd.s32 $0x1, s18  }
0x314: {  	p0 =	sne.s32 s18, $0x34  }
.Ltmp6:
0x315: {  	_ = 	snop;
	(pc) =	sbr.rel @p0 .LBB2_4-.Ltmp6, $1  }
0x316: {  	_ =	sdelay $0x3  }
0x317: {  	v5 =	vld [tilespmem:$0x2700];
	_ =	sdelay $0x4  }
0x318: {  	v6 =	vshll.u32 v5, $0x1  }
0x319: {  	v5 =	vand.u32 $0x7, v5;
	v6 =	vand.u32 $0xFFFFFFF0, v6  }
0x31a: {  	v5 =	vor.u32 v5, v6;
	v6 =	vld [tilespmem:$0x1FF20]  }
0x31b: {  	v7 =	vld [tilespmem:$0x1FF30]  }
0x31c: {  	v8 =	vld [tilespmem:$0x1FF40];
	_ =	sdelay $0x2  }
0x31d: {  	v6 =	vperm.xlane v5, v6;
	_ =	sdelay $0x1  }
0x31e: {  	v5 =	vperm.xlane v5, v8;
	v6 =	vadd.s32 v7, v6;
	_ =	sdelay $0x1  }
0x31f: {  	v5 =	vadd.s32 v7, v5;
	_ =	sdelay $0x1  }
0x320: {  	s12 =	simm.s32 $0x0;
	s13 =	simm.s32 $0x4F00  }
0x321: {  	[tilespmem:s13], [sflag:$0x1] =	stream.indirect_vreg.gather [hbm4b:s3+s12], $0x80, v6, vm0, $0xb8;
	[tilespmem:$0x1C200] =	vst v63  }
0x322: {  	s26 =	simm.s32 $0x5700  }
0x323: {  	[tilespmem:s26], [sflag:$0x1] =	stream.indirect_vreg.gather [hbm4b:s3+s12], $0x80, v5, vm0, $0xb8;
	[tilespmem:$0x1C200] =	vst v63  }
0x324: {  	s28 =	simm.s32 $0x10F00;
	s17 =	simm.s32 $0x10;
	s18 =	simm.s32 $0x4E80  }
0x325: {  	[tilespmem:s28], [sflag:$0x1] =	stream.indirect.gather [hbm4b:s4+s17], $0x80, s18, s17, $0xb8;
	[tilespmem:$0x1C200] =	vst v63  }
0x326: {  	_ =	swait.ge [sflag:s11], $0x1000  }
0x327: {  	[sflag:s11] =	ssyncset.done $0x0  }
0x328: {  	[sflag:s11] =	ssyncadd.s32 $0xFFFFF000  }
0x329: {  	_ =	swait.ge [sflag:s11], $0x800  }
0x32a: {  	[sflag:s11] =	ssyncset.done $0x0  }
0x32b: {  	s29 =	simm.s32 $0x10F40;
	[sflag:s11] =	ssyncadd.s32 $0xFFFFF800  }
0x32c: {  	v10 =	vld [tilespmem:s29+$0xFFFFFFC0]  }
0x32d: {  	s30 =	sand.u32 $0x800, s12;
	s31 =	sand.u32 $0x380, s12;
	v6 =	vld [tilespmem:s29+$0xFFFFFFD0]  }
0x32e: {  	s18 =	sor.u32 s31, s30;
	v5 =	vld [tilespmem:s29+$0x10]  }
0x32f: {  	v11 =	vld [tilespmem:s18+$0x4F20]  }
0x330: {  	v9 =	vld [tilespmem:s18+$0x4F00]  }
0x331: {  	v12 =	vld [tilespmem:s18+$0x4F10]  }
0x332: {  	v16 =	vld [tilespmem:s29+$0xFFFFFFF0]  }
0x333: {  	v17 =	vld [tilespmem:s29+$0xFFFFFFE0]  }
0x334: {  	v8 =	vld [tilespmem:s29+$0x0]  }
0x335: {  	v7 =	vld [tilespmem:s29+$0x30];
	v13 =	vunpack.i.u.bf16.f32 v9  }
0x336: {  	v18 =	vld [tilespmem:s18+$0x4F30];
	v14 =	vunpack.i.u.bf16.f32 v11;
	v15 =	vunpack.i.l.bf16.f32 v9;
	v19 =	vunpack.i.u.bf16.f32 v12  }
0x337: {  	v12 =	vunpack.i.l.bf16.f32 v12;
	v9 =	vld [tilespmem:s29+$0x20];
	v13 =	vmul.f32 v13, v6;
	v15 =	vmul.f32 v15, v10  }
0x338: {  	v11 =	vunpack.i.l.bf16.f32 v11;
	v19 =	vmul.f32 v19, v16;
	v12 =	vmul.f32 v12, v17  }
0x339: {  	v14 =	vmul.f32 v14, v5;
	v11 =	vmul.f32 v11, v8  }
0x33a: {  	v13 =	vadd.f32 v15, v13;
	v12 =	vadd.f32 v12, v19  }
0x33b: {  	v11 =	vadd.f32 v11, v14;
	v14 =	vunpack.i.u.bf16.f32 v18;
	v15 =	vunpack.i.l.bf16.f32 v18  }
0x33c: {  	v14 =	vmul.f32 v14, v7;
	v12 =	vadd.f32 v12, v13;
	v13 =	vmul.f32 v15, v9;
	_ =	sdelay $0x1  }
0x33d: {  	v11 =	vadd.f32 v11, v12;
	v12 =	vadd.f32 v13, v14;
	_ =	sdelay $0x1  }
0x33e: {  	v11 =	vadd.f32 v12, v11  }
0x33f: {  	s13 =	simm.s32 $0x1BE00  }
0x340: {  	[tilespmem:s13+$0x0] =	vst v11  }
0x341: {  	v11 =	vld [tilespmem:s18+$0x4F40]  }
0x342: {  	v12 =	vld [tilespmem:s18+$0x4F50]  }
0x343: {  	v13 =	vld [tilespmem:s18+$0x4F70];
	_ =	sdelay $0x1  }
0x344: {  	v14 =	vld [tilespmem:s18+$0x4F60]  }
0x345: {  	v15 =	vunpack.i.u.bf16.f32 v11  }
0x346: {  	v18 =	vunpack.i.u.bf16.f32 v12;
	v12 =	vunpack.i.l.bf16.f32 v12;
	v11 =	vunpack.i.l.bf16.f32 v11  }
0x347: {  	v19 =	vunpack.i.l.bf16.f32 v13;
	v12 =	vmul.f32 v12, v17;
	v18 =	vmul.f32 v18, v16  }
0x348: {  	v13 =	vunpack.i.u.bf16.f32 v13;
	v11 =	vmul.f32 v11, v10;
	v15 =	vmul.f32 v15, v6  }
0x349: {  	v12 =	vadd.f32 v12, v18;
	v18 =	vunpack.i.u.bf16.f32 v14;
	v14 =	vunpack.i.l.bf16.f32 v14  }
0x34a: {  	v11 =	vadd.f32 v11, v15;
	v14 =	vmul.f32 v14, v8;
	v15 =	vmul.f32 v18, v5  }
0x34b: {  	v13 =	vmul.f32 v13, v7  }
0x34c: {  	v18 =	vmul.f32 v19, v9;
	v11 =	vadd.f32 v12, v11;
	v12 =	vadd.f32 v14, v15;
	_ =	sdelay $0x1  }
0x34d: {  	v13 =	vadd.f32 v18, v13;
	v11 =	vadd.f32 v12, v11;
	_ =	sdelay $0x1  }
0x34e: {  	v11 =	vadd.f32 v13, v11  }
0x34f: {  	s20 =	sand.u32 $0xF0, s12  }
0x350: {  	[tilespmem:s20+$0x1BF00] =	vst v11  }
0x351: {  	v11 =	vld [tilespmem:s18+$0x5300]  }
0x352: {  	v12 =	vld [tilespmem:s18+$0x5310]  }
0x353: {  	v13 =	vld [tilespmem:s18+$0x5320];
	_ =	sdelay $0x2  }
0x354: {  	v15 =	vunpack.i.u.bf16.f32 v11  }
0x355: {  	v14 =	vld [tilespmem:s18+$0x5330];
	v18 =	vunpack.i.u.bf16.f32 v12;
	v12 =	vunpack.i.l.bf16.f32 v12;
	v11 =	vunpack.i.l.bf16.f32 v11  }
0x356: {  	v19 =	vunpack.i.u.bf16.f32 v13;
	v12 =	vmul.f32 v12, v17;
	v18 =	vmul.f32 v18, v16  }
0x357: {  	v13 =	vunpack.i.l.bf16.f32 v13;
	v11 =	vmul.f32 v11, v10;
	v15 =	vmul.f32 v15, v6  }
0x358: {  	v19 =	vmul.f32 v19, v5;
	v13 =	vmul.f32 v13, v8  }
0x359: {  	v12 =	vadd.f32 v12, v18;
	v11 =	vadd.f32 v11, v15  }
0x35a: {  	v18 =	vunpack.i.u.bf16.f32 v14;
	v14 =	vunpack.i.l.bf16.f32 v14;
	v13 =	vadd.f32 v13, v19  }
0x35b: {  	v15 =	vmul.f32 v18, v7;
	v14 =	vmul.f32 v14, v9;
	v11 =	vadd.f32 v12, v11;
	_ =	sdelay $0x1  }
0x35c: {  	v12 =	vadd.f32 v14, v15;
	v11 =	vadd.f32 v13, v11;
	_ =	sdelay $0x1  }
0x35d: {  	v11 =	vadd.f32 v12, v11;
	_ =	sdelay $0x1  }
0x35e: {  	[tilespmem:s20+$0x1C000] =	vst v11  }
0x35f: {  	v11 =	vld [tilespmem:s18+$0x5340]  }
0x360: {  	v12 =	vld [tilespmem:s18+$0x5350]  }
0x361: {  	v14 =	vld [tilespmem:s18+$0x5360];
	_ =	sdelay $0x2  }
0x362: {  	v15 =	vunpack.i.u.bf16.f32 v11;
	v11 =	vunpack.i.l.bf16.f32 v11  }
0x363: {  	v13 =	vld [tilespmem:s18+$0x5370];
	v10 =	vmul.f32 v11, v10;
	v11 =	vunpack.i.u.bf16.f32 v12;
	v12 =	vunpack.i.l.bf16.f32 v12  }
0x364: {  	s19 =	simm.s32 $0x0;
	s17 =	simm.s32 $0x80;
	s18 =	simm.s32 $0x10FC0;
	v12 =	vmul.f32 v12, v17;
	v16 =	vmul.f32 v11, v16;
	v11 =	vunpack.i.u.bf16.f32 v14  }
.LBB2_16:
0x365: {  	v6 =	vmul.f32 v15, v6;
	v14 =	vunpack.i.l.bf16.f32 v14;
	s12 =	sadd.s32 $0x10, s12;
	s13 =	sadd.s32 $0x10, s13;
	s19 =	sadd.s32 $0x100, s19  }
0x366: {  	p0 =	sne.s32 s17, $0x780;
	s21 =	smov.u32 s17;
	s17 =	sadd.s32 $0x80, s17;
	v12 =	vadd.f32 v12, v16;
	v8 =	vmul.f32 v14, v8  }
0x367: {  	v5 =	vmul.f32 v11, v5;
	v6 =	vadd.f32 v10, v6  }
0x368: {  	v11 =	vunpack.i.l.bf16.f32 v13;
	v10 =	vunpack.i.u.bf16.f32 v13  }
0x369: {  	v5 =	vadd.f32 v8, v5;
	v8 =	vmul.f32 v11, v9;
	v6 =	vadd.f32 v12, v6  }
0x36a: {  	v7 =	vmul.f32 v10, v7  }
0x36b: {  	v5 =	vadd.f32 v5, v6  }
0x36c: {  	v6 =	vadd.f32 v8, v7;
	_ =	sdelay $0x1  }
0x36d: {  	v5 =	vadd.f32 v6, v5;
	_ =	sdelay $0x1  }
0x36e: {  	[tilespmem:s20+$0x1C100] =	vst v5  }
0x36f: {  	v10 =	vld [tilespmem:s18+$0xFFFFFFC0]  }
0x370: {  	s21 =	sand.u32 $0x380, s21;
	s20 =	sand.u32 $0x800, s19;
	v6 =	vld [tilespmem:s18+$0xFFFFFFD0]  }
0x371: {  	s21 =	sor.u32 s21, s20;
	v5 =	vld [tilespmem:s18+$0x10]  }
0x372: {  	v9 =	vld [tilespmem:s21+$0x4F20]  }
0x373: {  	v7 =	vld [tilespmem:s21+$0x4F00]  }
0x374: {  	v13 =	vld [tilespmem:s21+$0x4F10]  }
0x375: {  	v8 =	vld [tilespmem:s18+$0x0]  }
0x376: {  	v11 =	vld [tilespmem:s18+$0xFFFFFFF0]  }
0x377: {  	v12 =	vld [tilespmem:s18+$0xFFFFFFE0];
	v14 =	vunpack.i.u.bf16.f32 v9  }
0x378: {  	v15 =	vunpack.i.u.bf16.f32 v7;
	v16 =	vunpack.i.l.bf16.f32 v7;
	v14 =	vmul.f32 v14, v5  }
0x379: {  	v9 =	vunpack.i.l.bf16.f32 v9;
	v7 =	vld [tilespmem:s18+$0x30];
	v15 =	vmul.f32 v15, v6;
	v17 =	vunpack.i.u.bf16.f32 v13  }
0x37a: {  	v13 =	vunpack.i.l.bf16.f32 v13;
	v18 =	vmul.f32 v9, v8;
	v19 =	vld [tilespmem:s21+$0x4F30]  }
0x37b: {  	v16 =	vmul.f32 v16, v10;
	v9 =	vld [tilespmem:s18+$0x20];
	v17 =	vmul.f32 v17, v11  }
0x37c: {  	v13 =	vmul.f32 v13, v12;
	v14 =	vadd.f32 v18, v14  }
0x37d: {  	v15 =	vadd.f32 v16, v15  }
0x37e: {  	v13 =	vadd.f32 v13, v17  }
0x37f: {  	v16 =	vunpack.i.u.bf16.f32 v19;
	v17 =	vunpack.i.l.bf16.f32 v19  }
0x380: {  	v13 =	vadd.f32 v13, v15;
	v15 =	vmul.f32 v17, v9;
	v16 =	vmul.f32 v16, v7;
	_ =	sdelay $0x1  }
0x381: {  	v13 =	vadd.f32 v14, v13;
	v14 =	vadd.f32 v15, v16;
	_ =	sdelay $0x1  }
0x382: {  	v13 =	vadd.f32 v14, v13;
	_ =	sdelay $0x1  }
0x383: {  	[tilespmem:s13+$0x0] =	vst v13  }
0x384: {  	v13 =	vld [tilespmem:s21+$0x4F40]  }
0x385: {  	v14 =	vld [tilespmem:s21+$0x4F50]  }
0x386: {  	v15 =	vld [tilespmem:s21+$0x4F70];
	_ =	sdelay $0x1  }
0x387: {  	v16 =	vld [tilespmem:s21+$0x4F60]  }
0x388: {  	v17 =	vunpack.i.u.bf16.f32 v13;
	v13 =	vunpack.i.l.bf16.f32 v13  }
0x389: {  	v13 =	vmul.f32 v13, v10;
	v18 =	vunpack.i.u.bf16.f32 v14;
	v14 =	vunpack.i.l.bf16.f32 v14  }
0x38a: {  	v14 =	vmul.f32 v14, v12;
	v18 =	vmul.f32 v18, v11;
	v19 =	vunpack.i.u.bf16.f32 v15  }
0x38b: {  	v17 =	vmul.f32 v17, v6;
	v15 =	vunpack.i.l.bf16.f32 v15  }
0x38c: {  	v14 =	vadd.f32 v14, v18;
	v18 =	vunpack.i.u.bf16.f32 v16;
	v16 =	vunpack.i.l.bf16.f32 v16  }
0x38d: {  	v13 =	vadd.f32 v13, v17;
	v16 =	vmul.f32 v16, v8;
	v17 =	vmul.f32 v18, v5  }
0x38e: {  	v15 =	vmul.f32 v15, v9;
	v18 =	vmul.f32 v19, v7  }
0x38f: {  	v13 =	vadd.f32 v14, v13;
	v14 =	vadd.f32 v16, v17  }
0x390: {  	v15 =	vadd.f32 v15, v18  }
0x391: {  	v13 =	vadd.f32 v14, v13;
	_ =	sdelay $0x1  }
0x392: {  	v13 =	vadd.f32 v15, v13  }
0x393: {  	s20 =	sand.u32 $0xF0, s12  }
0x394: {  	[tilespmem:s20+$0x1BF00] =	vst v13  }
0x395: {  	v13 =	vld [tilespmem:s21+$0x5300]  }
0x396: {  	v14 =	vld [tilespmem:s21+$0x5310]  }
0x397: {  	v15 =	vld [tilespmem:s21+$0x5320]  }
0x398: {  	v16 =	vld [tilespmem:s21+$0x5330];
	_ =	sdelay $0x1  }
0x399: {  	v17 =	vunpack.i.u.bf16.f32 v13;
	v13 =	vunpack.i.l.bf16.f32 v13  }
0x39a: {  	v13 =	vmul.f32 v13, v10;
	v18 =	vunpack.i.u.bf16.f32 v14;
	v14 =	vunpack.i.l.bf16.f32 v14  }
0x39b: {  	v14 =	vmul.f32 v14, v12;
	v18 =	vmul.f32 v18, v11;
	v19 =	vunpack.i.u.bf16.f32 v15  }
0x39c: {  	v17 =	vmul.f32 v17, v6;
	v15 =	vunpack.i.l.bf16.f32 v15;
	v19 =	vmul.f32 v19, v5  }
0x39d: {  	v15 =	vmul.f32 v15, v8;
	v14 =	vadd.f32 v14, v18;
	v18 =	vunpack.i.u.bf16.f32 v16  }
0x39e: {  	v13 =	vadd.f32 v13, v17;
	v16 =	vunpack.i.l.bf16.f32 v16;
	v17 =	vmul.f32 v18, v7  }
0x39f: {  	v15 =	vadd.f32 v15, v19;
	v16 =	vmul.f32 v16, v9  }
0x3a0: {  	v13 =	vadd.f32 v14, v13  }
0x3a1: {  	v14 =	vadd.f32 v16, v17  }
0x3a2: {  	v13 =	vadd.f32 v15, v13;
	_ =	sdelay $0x1  }
0x3a3: {  	v13 =	vadd.f32 v14, v13;
	_ =	sdelay $0x1  }
0x3a4: {  	[tilespmem:s20+$0x1C000] =	vst v13  }
0x3a5: {  	v16 =	vld [tilespmem:s21+$0x5340]  }
0x3a6: {  	v17 =	vld [tilespmem:s21+$0x5350]  }
0x3a7: {  	v14 =	vld [tilespmem:s21+$0x5360]  }
.Ltmp7:
0x3a8: {  	v13 =	vld [tilespmem:s21+$0x5370];
	(pc) =	sbr.rel @p0 .LBB2_16-.Ltmp7, $4  }
0x3a9: {  	_ = 	snop  }
0x3aa: {  	v15 =	vunpack.i.u.bf16.f32 v16;
	v16 =	vunpack.i.l.bf16.f32 v16  }
0x3ab: {  	v10 =	vmul.f32 v16, v10;
	v16 =	vunpack.i.u.bf16.f32 v17;
	v17 =	vunpack.i.l.bf16.f32 v17  }
0x3ac: {  	s18 =	sadd.s32 $0x80, s18;
	v12 =	vmul.f32 v17, v12;
	v16 =	vmul.f32 v16, v11;
	v11 =	vunpack.i.u.bf16.f32 v14  }
0x3ad: {  	v18 =	vld [tilespmem:$0x1FF50]  }
0x3ae: {  	v19 =	vld [tilespmem:$0x1FF60]  }
0x3af: {  	v20 =	vld [tilespmem:$0x1FF70]  }
0x3b0: {  	v21 =	vld [tilespmem:$0x1FF80]  }
0x3b1: {  	v22 =	vld [tilespmem:$0x1FF90]  }
0x3b2: {  	v23 =	vld [tilespmem:$0x1FFA0]  }
0x3b3: {  	v24 =	vld [tilespmem:$0x1FFB0]  }
0x3b4: {  	v25 =	vld [tilespmem:$0x1FFC0]  }
0x3b5: {  	v26 =	vld [tilespmem:$0x1FFD0]  }
0x3b6: {  	v6 =	vmul.f32 v15, v6;
	v27 =	vld [tilespmem:$0x1FFE0]  }
0x3b7: {  	v14 =	vunpack.i.l.bf16.f32 v14;
	v5 =	vmul.f32 v11, v5;
	v15 =	vunpack.i.l.bf16.f32 v13;
	v37 =	vld [tilespmem:$0x1FFF0]  }
0x3b8: {  	v38 =	vld [tilespmem:$0x1FEF0];
	v12 =	vadd.f32 v12, v16;
	v8 =	vmul.f32 v14, v8;
	v6 =	vadd.f32 v10, v6  }
0x3b9: {  	v39 =	vld [tilespmem:$0x1FF00];
	v14 =	vunpack.i.u.bf16.f32 v13;
	v16 =	vmul.f32 v15, v9  }
0x3ba: {  	v44 =	vld [tilespmem:$0x1FE90];
	v7 =	vmul.f32 v14, v7;
	v5 =	vadd.f32 v8, v5;
	v6 =	vadd.f32 v12, v6  }
0x3bb: {  	v45 =	vld [tilespmem:$0x1FE80]  }
0x3bc: {  	v46 =	vld [tilespmem:$0x1FE70];
	v17 =	vadd.f32 v16, v7;
	v5 =	vadd.f32 v5, v6  }
0x3bd: {  	v47 =	vld [tilespmem:$0x1FE60]  }
0x3be: {  	v48 =	vld [tilespmem:$0x1FE30];
	v5 =	vadd.f32 v17, v5  }
0x3bf: {  	v50 =	vld [tilespmem:$0x1FE10]  }
0x3c0: {  	v17 =	vld [tilespmem:$0x1FEA0];
	[tilespmem:s20+$0x1C100] =	vst v5  }
0x3c1: {  	v5 =	vld.idx.msk [tilespmem:v1+s14+$0x0], $0xffff  }
0x3c2: {  	v6 =	vld.idx.msk [tilespmem:v18+s14+$0x0], $0xffff  }
0x3c3: {  	v7 =	vld.idx.msk [tilespmem:v19+s14+$0x0], $0xffff  }
0x3c4: {  	v8 =	vld.idx.msk [tilespmem:v20+s14+$0x0], $0xffff  }
0x3c5: {  	v9 =	vld.idx.msk [tilespmem:v21+s14+$0x0], $0xffff  }
0x3c6: {  	v10 =	vld.idx.msk [tilespmem:v22+s14+$0x0], $0xffff  }
0x3c7: {  	v11 =	vld.idx.msk [tilespmem:v23+s14+$0x0], $0xffff  }
0x3c8: {  	v12 =	vld.idx.msk [tilespmem:v24+s14+$0x0], $0xffff  }
0x3c9: {  	v13 =	vld.idx.msk [tilespmem:v25+s14+$0x0], $0xffff  }
0x3ca: {  	v14 =	vld.idx.msk [tilespmem:v26+s14+$0x0], $0xffff  }
0x3cb: {  	v15 =	vld.idx.msk [tilespmem:v27+s14+$0x0], $0xffff  }
0x3cc: {  	v16 =	vld.idx.msk [tilespmem:v37+s14+$0x0], $0xffff  }
0x3cd: {  	v18 =	vld [tilespmem:$0x1FEB0]  }
0x3ce: {  	v19 =	vld [tilespmem:$0x1FEC0]  }
0x3cf: {  	v20 =	vld [tilespmem:$0x1FED0]  }
0x3d0: {  	v21 =	vld [tilespmem:$0x1FEE0]  }
0x3d1: {  	v22 =	vld.idx.msk [tilespmem:v28+s14+$0x0], $0xffff  }
0x3d2: {  	v23 =	vld.idx.msk [tilespmem:v29+s14+$0x0], $0xffff  }
0x3d3: {  	v24 =	vld.idx.msk [tilespmem:v30+s14+$0x0], $0xffff  }
0x3d4: {  	v25 =	vld.idx.msk [tilespmem:v31+s14+$0x0], $0xffff  }
0x3d5: {  	v26 =	vld.idx.msk [tilespmem:v32+s14+$0x0], $0xffff  }
0x3d6: {  	v27 =	vld.idx.msk [tilespmem:v33+s14+$0x0], $0xffff  }
0x3d7: {  	v28 =	vld.idx.msk [tilespmem:v34+s14+$0x0], $0xffff  }
0x3d8: {  	v29 =	vld.idx.msk [tilespmem:v35+s14+$0x0], $0xffff  }
0x3d9: {  	v30 =	vld.idx.msk [tilespmem:v36+s14+$0x0], $0xffff  }
0x3da: {  	v31 =	vld.idx.msk [tilespmem:v38+s14+$0x0], $0xffff  }
0x3db: {  	v32 =	vld.idx.msk [tilespmem:v39+s14+$0x0], $0xffff  }
0x3dc: {  	v33 =	vld.idx.msk [tilespmem:v44+s14+$0x0], $0xffff  }
0x3dd: {  	v34 =	vld.idx.msk [tilespmem:v45+s14+$0x0], $0xffff  }
0x3de: {  	v35 =	vld.idx.msk [tilespmem:v46+s14+$0x0], $0xffff  }
0x3df: {  	v36 =	vld.idx.msk [tilespmem:v47+s14+$0x0], $0xffff  }
0x3e0: {  	v37 =	vld [tilespmem:$0x1FE50]  }
0x3e1: {  	v38 =	vld [tilespmem:$0x1FE40]  }
0x3e2: {  	v39 =	vld [tilespmem:$0x1FE00]  }
0x3e3: {  	v51 =	vld.idx.msk [tilespmem:v43+s14+$0x0], $0xffff  }
0x3e4: {  	v52 =	vld.idx.msk [tilespmem:v55+s14+$0x0], $0xffff  }
0x3e5: {  	v55 =	vld.idx.msk [tilespmem:v54+s14+$0x0], $0xffff  }
0x3e6: {  	v43 =	vld.idx.msk [tilespmem:v41+s14+$0x0], $0xffff  }
0x3e7: {  	v44 =	vld [tilespmem:$0x1FD90]  }
0x3e8: {  	v45 =	vld.idx.msk [tilespmem:v42+s14+$0x0], $0xffff  }
0x3e9: {  	v46 =	vld [tilespmem:$0x1FE20]  }
0x3ea: {  	v47 =	vld.idx.msk [tilespmem:v40+s14+$0x0], $0xffff  }
0x3eb: {  	v54 =	vld [tilespmem:$0x1FDB0]  }
0x3ec: {  	v56 =	vld.idx.msk [tilespmem:v56+s14+$0x0], $0xffff  }
0x3ed: {  	v58 =	vld.idx.msk [tilespmem:v58+s14+$0x0], $0xffff  }
0x3ee: {  	v21 =	vld.idx.msk [tilespmem:v21+s14+$0x0], $0xffff  }
0x3ef: {  	v37 =	vld.idx.msk [tilespmem:v37+s14+$0x0], $0xffff  }
0x3f0: {  	v5 =	vadd.f32 v6, v5;
	v38 =	vld.idx.msk [tilespmem:v38+s14+$0x0], $0xffff  }
0x3f1: {  	v60 =	vld.idx.msk [tilespmem:v60+s14+$0x0], $0xffff  }
0x3f2: {  	v6 =	vld.idx.msk [tilespmem:v48+s14+$0x0], $0xffff;
	v5 =	vadd.f32 v7, v5  }
0x3f3: {  	v39 =	vld.idx.msk [tilespmem:v39+s14+$0x0], $0xffff  }
0x3f4: {  	v5 =	vadd.f32 v8, v5;
	v49 =	vadd.f32 v22, v21;
	v21 =	vld.idx.msk [tilespmem:v50+s14+$0x0], $0xffff  }
0x3f5: {  	v48 =	vld [tilespmem:$0x1FD80];
	v53 =	vadd.f32 v38, v37  }
0x3f6: {  	v5 =	vadd.f32 v9, v5;
	v50 =	vld [tilespmem:$0x1FDF0];
	v7 =	vadd.f32 v23, v49  }
0x3f7: {  	v6 =	vadd.f32 v6, v53;
	v49 =	vld [tilespmem:$0x1FDE0]  }
0x3f8: {  	v5 =	vadd.f32 v10, v5;
	v23 =	vld.idx.msk [tilespmem:v44+s14+$0x0], $0xffff;
	v7 =	vadd.f32 v24, v7  }
0x3f9: {  	v6 =	vadd.f32 v51, v6;
	v51 =	vld [tilespmem:$0x1FDC0];
	v21 =	vadd.f32 v21, v39  }
0x3fa: {  	v5 =	vadd.f32 v11, v5;
	v53 =	vld [tilespmem:$0x1FDA0]  }
0x3fb: {  	v7 =	vadd.f32 v25, v7;
	v8 =	vadd.f32 v52, v21;
	v52 =	vld [tilespmem:$0x1FDD0]  }
0x3fc: {  	v17 =	vld.idx.msk [tilespmem:v17+s14+$0x0], $0xffff  }
0x3fd: {  	v5 =	vadd.f32 v12, v5;
	v21 =	vld.idx.msk [tilespmem:v46+s14+$0x0], $0xffff;
	v7 =	vadd.f32 v26, v7  }
0x3fe: {  	v9 =	vld.idx.msk [tilespmem:v48+s14+$0x0], $0xffff;
	v6 =	vadd.f32 v55, v6;
	v8 =	vadd.f32 v43, v8  }
0x3ff: {  	v5 =	vadd.f32 v13, v5;
	v7 =	vadd.f32 v27, v7;
	v12 =	vld.idx.msk [tilespmem:v49+s14+$0x0], $0xffff  }
0x400: {  	v6 =	vadd.f32 v23, v6;
	v10 =	vld.idx.msk [tilespmem:v50+s14+$0x0], $0xffff;
	v8 =	vadd.f32 v45, v8  }
0x401: {  	v5 =	vadd.f32 v14, v5;
	v7 =	vadd.f32 v28, v7;
	v13 =	vld.idx.msk [tilespmem:v51+s14+$0x0], $0xffff  }
0x402: {  	v14 =	vld.idx.msk [tilespmem:v53+s14+$0x0], $0xffff;
	v6 =	vadd.f32 v21, v6;
	v8 =	vadd.f32 v47, v8  }
0x403: {  	v7 =	vadd.f32 v29, v7;
	v11 =	vld.idx.msk [tilespmem:v52+s14+$0x0], $0xffff  }
0x404: {  	v55 =	vld.idx.msk [tilespmem:v57+s14+$0x0], $0xffff;
	v6 =	vadd.f32 v9, v6;
	v8 =	vadd.f32 v12, v8  }
0x405: {  	v5 =	vadd.f32 v15, v5;
	v9 =	vld.idx.msk [tilespmem:v54+s14+$0x0], $0xffff;
	v7 =	vadd.f32 v30, v7  }
0x406: {  	v18 =	vld.idx.msk [tilespmem:v18+s14+$0x0], $0xffff;
	v6 =	vadd.f32 v10, v6;
	v8 =	vadd.f32 v13, v8  }
0x407: {  	v57 =	vld.idx.msk [tilespmem:v59+s14+$0x0], $0xffff;
	v5 =	vadd.f32 v16, v5;
	v7 =	vadd.f32 v31, v7  }
0x408: {  	v19 =	vld.idx.msk [tilespmem:v19+s14+$0x0], $0xffff;
	v8 =	vadd.f32 v14, v8;
	v6 =	vadd.f32 v11, v6  }
0x409: {  	v59 =	vld.idx.msk [tilespmem:v61+s14+$0x0], $0xffff;
	v5 =	vadd.f32 v17, v5;
	v7 =	vadd.f32 v32, v7  }
0x40a: {  	v20 =	vld.idx.msk [tilespmem:v20+s14+$0x0], $0xffff;
	v8 =	vadd.f32 v55, v8;
	v6 =	vadd.f32 v9, v6  }
0x40b: {  	v61 =	vld.idx.msk [tilespmem:v63+s14+$0x0], $0xffff;
	v5 =	vadd.f32 v18, v5;
	v7 =	vadd.f32 v33, v7  }
0x40c: {  	v4 =	vld.idx.msk [tilespmem:v4+s14+$0x0], $0xffff;
	v8 =	vadd.f32 v57, v8;
	v6 =	vadd.f32 v56, v6  }
0x40d: {  	v63 =	vld.idx.msk [tilespmem:v62+s14+$0x0], $0xffff;
	v5 =	vadd.f32 v19, v5;
	v7 =	vadd.f32 v34, v7  }
0x40e: {  	v2 =	vld.idx.msk [tilespmem:v2+s14+$0x0], $0xffff;
	v8 =	vadd.f32 v59, v8;
	v6 =	vadd.f32 v58, v6  }
0x40f: {  	v0 =	vld.idx.msk [tilespmem:v0+s14+$0x0], $0xffff;
	v5 =	vadd.f32 v20, v5;
	v7 =	vadd.f32 v35, v7  }
0x410: {  	v8 =	vadd.f32 v61, v8;
	v6 =	vadd.f32 v60, v6  }
0x411: {  	v3 =	vld.idx.msk [tilespmem:v3+s14+$0x0], $0xffff;
	v5 =	vmul.f32 $1.442695020e+00, v5;
	v7 =	vadd.f32 v36, v7  }
0x412: {  	v4 =	vadd.f32 v4, v8;
	v6 =	vadd.f32 v63, v6  }
0x413: {  	(erf) = vpow2.f32 v5  }
0x414: {  	v0 =	vadd.f32 v0, v4;
	v4 =	vmul.f32 $1.442695020e+00, v7;
	v2 =	vadd.f32 v2, v6;
	_ =	sdelay $0x1  }
0x415: {  	(erf) = vpow2.f32 v4;
	v0 =	vadd.f32 v3, v0;
	v2 =	vmul.f32 $1.442695020e+00, v2;
	_ =	sdelay $0x1  }
0x416: {  	v0 =	vmul.f32 $1.442695020e+00, v0;
	(erf) = vpow2.f32 v2;
	_ =	sdelay $0x1  }
0x417: {  	(erf) = vpow2.f32 v0;
	_ =	sdelay $0x2  }
0x418: {  	v0 =	vpop (erf)  }
0x419: {  	v0 =	vadd.f32 $0.0e+00, v0  }
0x41a: {  	v2 =	vpop (erf)  }
0x41b: {  	v0 =	vadd.f32 v2, v0  }
0x41c: {  	v2 =	vpop (erf)  }
0x41d: {  	v0 =	vadd.f32 v2, v0  }
0x41e: {  	v2 =	vpop (erf)  }
0x41f: {  	v0 =	vadd.f32 v2, v0;
	_ =	sdelay $0x1  }
0x420: {  	v0 =	vmul.f32 $2.500000000e-01, v0;
	_ =	sdelay $0x1  }
0x421: {  	v2 =	vmax.f32 v0, $1.000000000e-30  }
0x422: {  	v3 =	vshra.s32 v2, $0x1;
	v2 =	vmul.f32 $5.000000000e-01, v2  }
0x423: {  	v3 =	vsub.s32 $0x5F3759DF, v3  }
0x424: {  	v4 =	vmul.f32 v3, v2;
	_ =	sdelay $0x1  }
0x425: {  	v4 =	vmul.f32 v3, v4;
	_ =	sdelay $0x1  }
0x426: {  	v4 =	vsub.f32 $1.500000000e+00, v4;
	_ =	sdelay $0x1  }
0x427: {  	v3 =	vmul.f32 v3, v4;
	_ =	sdelay $0x1  }
0x428: {  	v4 =	vmul.f32 v3, v2;
	_ =	sdelay $0x1  }
0x429: {  	v4 =	vmul.f32 v4, v3;
	_ =	sdelay $0x1  }
0x42a: {  	v4 =	vsub.f32 $1.500000000e+00, v4;
	_ =	sdelay $0x1  }
0x42b: {  	v3 =	vmul.f32 v4, v3;
	_ =	sdelay $0x1  }
0x42c: {  	v2 =	vmul.f32 v3, v2  }
0x42d: {  	v4 =	vld [tilespmem:$0x2700]  }
0x42e: {  	v2 =	vmul.f32 v2, v3;
	_ =	sdelay $0x1  }
0x42f: {  	v2 =	vsub.f32 $1.500000000e+00, v2;
	_ =	sdelay $0x1  }
0x430: {  	v2 =	vmul.f32 v2, v3;
	_ =	sdelay $0x1  }
0x431: {  	v2 =	vmul.f32 v2, v0  }
0x432: {  	[tilespmem:v4+s15+$0x0] =	vst.idx.add.f32.msk $0xffff, v0  }
0x433: {  	s12 =	rddreg [dreg:$0x6];
	s13 =	simm.s32 $0x16F00;
	s29 =	simm.s32 $0x3;
	[tilespmem:$0x19600] =	vst v2  }
0x434: {  	[hbm4b:s12+s2] =	stream.linear.scatter [tilespmem:s13], [sflag:$0x3], $0x2710, $0x38;
	[tilespmem:$0x1C200] =	vst v63  }
0x435: {  	_ =	swait.ge [sflag:s29], $0x2710  }
0x436: {  	[sflag:s29] =	ssyncset.done $0x0  }
0x437: {  	s30 =	rddreg [dreg:$0x7];
	[sflag:s29] =	ssyncadd.s32 $0xFFFFD8F0  }
0x438: {  	[hbm4b:s30+s2] =	stream.linear.scatter [tilespmem:s15], [sflag:$0x3], $0x2710, $0x38;
	[tilespmem:$0x1C200] =	vst v63  }
0x439: {  	_ =	swait.ge [sflag:s29], $0x2710  }
0x43a: {  	s17 =	rddreg [dreg:$0x9]  }
0x43b: {  	s31 =	rddreg [dreg:$0x8];
	s17 =	sadd.s32 $0x1, s17  }
0x43c: {  	p0 =	sne.s32 s17, s31  }
.Ltmp8:
0x43d: {  	_ = 	snop;
	(pc) =	sbr.rel @p0 .LBB2_1-.Ltmp8, $3  }
0x43e: {  	_ =	sdelay $0x1  }
0x43f: {  	[sflag:s29] =	ssyncset.done $0x0  }
0x440: {  	s18 =	simm.s32 $0x2780;
	v3 =	vimm.f32 $0.0e+00;
	[sflag:s29] =	ssyncadd.s32 $0xFFFFD8F0  }
0x441: {  	_ =	sfence.sel $0x180000  }
0x442: {  	[bflag:$0x0] =	sbarrier.arrive $0xFFFF  }
0x443: {  	_ =	strace $0x90000047  }
0x444: {  	s0 =	stileid.u32;
	[bflag:$0x2] =	sbarrier.arrive $0xFFFF  }
0x445: {  	p0 =	sne.s32 s0, $0x0;
	s0 =	rddreg [dreg:$0x3]  }
0x446: {  	s0 =	sadd.s32 @!p0 $0x100000, s0  }
0x447: {  	[sflag:s0] =	ssyncadd.tile.s32 @!p0 $0x1;
	_ =	shalt  }
.Lfunc_end2:
_tile_overlayer_lowered:
.L_overlay_start_2:
0x448: {  	(tag) =	ssettag $0x2  }
0x449: {  	s0 =	rddreg [dreg:$0x0];
	s2 =	stileid.u32  }
0x44a: {  	s1 =	rddreg [dreg:$0x1];
	p0 =	sne.s32 s2, $0x0  }
0x44b: {  	s3 =	rddreg [dreg:$0x2];
	[bflag:$0x3] =	sbarrier.arrive $0xFFFF;
	s2 =	simm.s32 @!p0 $0x1C03  }
0x44c: {  	[timem:s3], [sflag:s2] =	dma.local @!p0 [hbm:s0], s1  }
0x44d: {  	s0 =	simm.s32 @!p0 $0x3  }
0x44e: {  	_ =	swait.ge @!p0 [sflag:s0], s1  }
0x44f: {  	s1 =	ssub.s32 @!p0 $0x0, s1;
	[sflag:s0] =	ssyncset.done @!p0 $0x0  }
0x450: {  	[sflag:s0] =	ssyncadd.s32 @!p0 s1  }
0x451: {  	[bflag:$0x3] =	sbarrier.arrive $0xFFFF  }
0x452: {  	_ =	shalt  }

</sc_bundles>
